<compile_context>
chip_gen: v7x
topology: tpu7x:2x2x1
jax: 0.10.2.dev20260603
libtpu: 0.0.44.dev20260713+nightly
codegen_flags: <defaults>
</compile_context>

<pallas_src>
import jax
import jax.numpy as jnp
from jax import lax
from jax.experimental import pallas as pl
from jax.experimental.pallas import tpu as pltpu
from jax.experimental.pallas import tpu_sc as plsc

K = 100000
D_OUT = 512
BK = 4096
NBLK = 25
K_PAD = NBLK * BK
NW = 16
C = K_PAD // NW
VB = C // 16
TOPK = 10
NEG = -1e30
IBIG = 2147483647


def _tc_mv_body(q_ref, s_ref, loc_ref, out_ref):
    d = lax.dot_general(
        q_ref[...], loc_ref[...], (((1,), (1,)), ((), ())),
        preferred_element_type=jnp.float32)
    out_ref[...] = jnp.exp(s_ref[0, 0]) * d


def _tc_matvec(q, scale, loc):
    return pl.pallas_call(
        _tc_mv_body,
        grid=(NBLK,),
        in_specs=[
            pl.BlockSpec((1, D_OUT), lambda i: (0, 0)),
            pl.BlockSpec((1, 1), lambda i: (0, 0)),
            pl.BlockSpec((BK, D_OUT), lambda i: (i, 0)),
        ],
        out_specs=pl.BlockSpec((1, BK), lambda i: (0, i)),
        out_shape=jax.ShapeDtypeStruct((1, K_PAD), jnp.float32),
        compiler_params=pltpu.CompilerParams(
            dimension_semantics=("arbitrary",)),
    )(q, scale, loc)


def _sc_body(logits_hbm, gps_hbm, out_gps_hbm, out_prob_hbm,
             buf, vals_buf, idx_buf, ms_buf,
             mvals, midx, mms, prob_buf, rows_v,
             sh_vals, sh_idx, sh_ms, sem):
    wid = lax.axis_index("s")
    base = wid * C
    iot = lax.iota(jnp.int32, 16)

    pltpu.sync_copy(logits_hbm.at[pl.ds(base, C)], buf)

    def p_mask(j, m_vec):
        v = buf[pl.ds(j * 16, 16)]
        gidx = base + j * 16 + iot
        v = jnp.where(gidx < K, v, NEG)
        buf[pl.ds(j * 16, 16)] = v
        return jnp.maximum(m_vec, v)

    m_vec = lax.fori_loop(0, VB, p_mask, jnp.full((16,), NEG, jnp.float32))
    m_w = jnp.max(m_vec)

    def p_sum(j, s_vec):
        v = buf[pl.ds(j * 16, 16)]
        return s_vec + jnp.exp(v - m_w)

    s_vec = lax.fori_loop(0, VB, p_sum, jnp.zeros((16,), jnp.float32))

    vals_vec = jnp.full((16,), NEG, jnp.float32)
    idx_vec = jnp.zeros((16,), jnp.int32)
    for i in range(TOPK):
        def p_top(j, carry):
            mx, mi = carry
            v = buf[pl.ds(j * 16, 16)]
            gidx = base + j * 16 + iot
            c = v > mx
            return jnp.where(c, v, mx), jnp.where(c, gidx, mi)

        mx, mi = lax.fori_loop(
            0, VB, p_top,
            (jnp.full((16,), NEG, jnp.float32), jnp.zeros((16,), jnp.int32)))
        gm = jnp.max(mx)
        gi = jnp.min(jnp.where(mx == gm, mi, IBIG))
        vals_vec = jnp.where(iot == i, gm, vals_vec)
        idx_vec = jnp.where(iot == i, gi, idx_vec)
        lo = gi - base
        j0 = lo & ~15
        vv = buf[pl.ds(j0, 16)]
        buf[pl.ds(j0, 16)] = jnp.where(iot == (lo & 15), NEG, vv)

    vals_buf[...] = vals_vec
    idx_buf[...] = idx_vec
    ms_buf[0, :] = jnp.broadcast_to(m_w, (16,))
    ms_buf[1, :] = s_vec

    pltpu.sync_copy(vals_buf, sh_vals.at[pl.ds(wid * 16, 16)])
    pltpu.sync_copy(idx_buf, sh_idx.at[pl.ds(wid * 16, 16)])
    pltpu.sync_copy(ms_buf, sh_ms.at[wid])
    plsc.subcore_barrier()

    @pl.when(wid == 0)
    def _merge():
        pltpu.sync_copy(sh_vals, mvals)
        pltpu.sync_copy(sh_idx, midx)
        pltpu.sync_copy(sh_ms, mms)

        m_all = jnp.full((16,), NEG, jnp.float32)
        for w in range(NW):
            m_all = jnp.maximum(m_all, mms[w, 0, :])
        s_all = jnp.zeros((16,), jnp.float32)
        for w in range(NW):
            s_all = s_all + mms[w, 1, :] * jnp.exp(mms[w, 0, :] - m_all)
        s_tot = jnp.sum(s_all)

        tvals = jnp.full((16,), NEG, jnp.float32)
        tidx = jnp.zeros((16,), jnp.int32)
        for i in range(TOPK):
            mx = jnp.full((16,), NEG, jnp.float32)
            gx = jnp.zeros((16,), jnp.int32)
            cp = jnp.zeros((16,), jnp.int32)
            for w in range(NW):
                v = mvals[pl.ds(w * 16, 16)]
                c = v > mx
                mx = jnp.where(c, v, mx)
                gx = jnp.where(c, midx[pl.ds(w * 16, 16)], gx)
                cp = jnp.where(c, w * 16 + iot, cp)
            gm = jnp.max(mx)
            gi = jnp.min(jnp.where(mx == gm, gx, IBIG))
            cpw = jnp.min(jnp.where((mx == gm) & (gx == gi), cp, IBIG))
            tvals = jnp.where(iot == i, gm, tvals)
            tidx = jnp.where(iot == i, gi, tidx)
            j0 = cpw & ~15
            vv = mvals[pl.ds(j0, 16)]
            mvals[pl.ds(j0, 16)] = jnp.where(iot == (cpw & 15), NEG, vv)

        prob_buf[...] = jnp.exp(tvals - m_all) / s_tot
        pltpu.sync_copy(prob_buf, out_prob_hbm)

        idx_buf[...] = tidx
        pltpu.async_copy(gps_hbm.at[idx_buf], rows_v, sem).wait()
        pltpu.sync_copy(rows_v, out_gps_hbm)


def _sc_topk(logits, gps_pad):
    mesh = plsc.VectorSubcoreMesh(
        core_axis_name="c", subcore_axis_name="s", num_cores=1)
    f32 = jnp.float32
    return pl.kernel(
        _sc_body,
        out_type=[
            jax.ShapeDtypeStruct((16, 16), f32),
            jax.ShapeDtypeStruct((16,), f32),
        ],
        mesh=mesh,
        scratch_types=[
            pltpu.VMEM((C,), f32),
            pltpu.VMEM((16,), f32),
            pltpu.VMEM((16,), jnp.int32),
            pltpu.VMEM((2, 16), f32),
            pltpu.VMEM((NW * 16,), f32),
            pltpu.VMEM((NW * 16,), jnp.int32),
            pltpu.VMEM((NW, 2, 16), f32),
            pltpu.VMEM((16,), f32),
            pltpu.VMEM((16, 16), f32),
            pltpu.VMEM_SHARED((NW * 16,), f32),
            pltpu.VMEM_SHARED((NW * 16,), jnp.int32),
            pltpu.VMEM_SHARED((NW, 2, 16), f32),
            pltpu.SemaphoreType.DMA,
        ],
        compiler_params=pltpu.CompilerParams(
            needs_layout_passes=False, use_tc_tiling_on_sc=False),
    )(logits, gps_pad)


def kernel(img_feats, top_k, W1, b1, W2, b2, location_feats, gps_gallery,
           logit_scale):
    h = jax.nn.relu(img_feats @ W1 + b1)
    f = h @ W2 + b2
    f = f / jnp.maximum(jnp.linalg.norm(f, axis=1, keepdims=True), 1e-12)
    q = f[0:1]

    logits = _tc_matvec(q, logit_scale.reshape(1, 1), location_feats)
    gps_pad = jnp.pad(gps_gallery, ((0, 0), (0, 14)))
    out_gps, out_prob = _sc_topk(logits.reshape(K_PAD), gps_pad)
    return out_gps[:TOPK, :2], out_prob[:TOPK]

# --- scband reference (transcript-rebuilt; emitter-appended) ---
"""Pipeline reference for scband-geo-clip-73323681677980 (READ-ONLY COPY).

The authoritative reference and input builder live on the scoring server;
editing this copy changes nothing except your own understanding.
"""

import jax, jax.numpy as jnp
import numpy as np


def setup_inputs(seed: int = 0) -> dict:
    key = jax.random.key(seed)
    ks = jax.random.split(key, 6)
    Q, d_in, d_hid, d_out, K = 16, 768, 768, 512, 100000
    img_feats = jax.random.normal(ks[0], (Q, d_in), dtype=jnp.float32)
    # Tsfm MLP params (image-feature -> joint embedding)
    W1 = jax.random.normal(ks[1], (d_in, d_hid), dtype=jnp.float32) * 0.02
    b1 = jnp.zeros((d_hid,), dtype=jnp.float32)
    W2 = jax.random.normal(ks[2], (d_hid, d_out), dtype=jnp.float32) * 0.02
    b2 = jnp.zeros((d_out,), dtype=jnp.float32)
    # Precomputed, L2-normalized location gallery features (location_encoder(gps_gallery))
    loc = jax.random.normal(ks[3], (K, d_out), dtype=jnp.float32)
    location_feats = loc / jnp.maximum(jnp.linalg.norm(loc, axis=1, keepdims=True), 1e-12)
    # 100K GPS gallery coordinates (lat, lon)
    gps_gallery = jax.random.uniform(ks[4], (K, 2), dtype=jnp.float32, minval=-90.0, maxval=90.0)
    logit_scale = jnp.asarray(np.log(1.0 / 0.07), dtype=jnp.float32)
    return {
        "img_feats": img_feats,
        "top_k": 10,
        "W1": W1,
        "b1": b1,
        "W2": W2,
        "b2": b2,
        "location_feats": location_feats,
        "gps_gallery": gps_gallery,
        "logit_scale": logit_scale,
    }


def reference(img_feats, top_k, W1, b1, W2, b2, location_feats, gps_gallery, logit_scale):
    # Tsfm MLP
    h = jax.nn.relu(img_feats @ W1 + b1)
    img_features = h @ W2 + b2
    # F.normalize(dim=1)
    img_feat_norm = img_features / jnp.maximum(
        jnp.linalg.norm(img_features, axis=1, keepdims=True), 1e-12
    )
    # logits_per_image = exp(logit_scale) * (img @ loc.T)
    logits_per_image = jnp.exp(logit_scale) * (img_feat_norm @ location_feats.T)
    probs_per_image = jax.nn.softmax(logits_per_image, axis=-1)
    top_vals, top_idx = jax.lax.top_k(probs_per_image, 10)
    top_idx = top_idx + (top_k - top_k)
    top_pred_gps = gps_gallery[top_idx[0]]
    top_pred_prob = top_vals[0]
    return (top_pred_gps, top_pred_prob)

if __name__ == "__main__":
    import jax
    _d = setup_inputs()
    print(jax.jit(kernel)(*tuple(_d.values())))

</pallas_src>

<mosaic_0001>
#map = affine_map<(d0, d1) -> (0)>
#map1 = affine_map<(d0, d1) -> (0, 0)>
module attributes {stable_mosaic.version = 14 : i64} {
  func.func @_sc_body(%arg0: i32, %arg1: i32, %arg2: memref<102400xf32, #tpu.memory_space<hbm>>, %arg3: memref<100000x16xf32, #tpu.memory_space<hbm>>, %arg4: memref<16x16xf32, #tpu.memory_space<hbm>>, %arg5: memref<16xf32, #tpu.memory_space<hbm>>, %arg6: memref<6400xf32, #tpu.memory_space<vmem>>, %arg7: memref<16xf32, #tpu.memory_space<vmem>>, %arg8: memref<16xi32, #tpu.memory_space<vmem>>, %arg9: memref<2x16xf32, #tpu.memory_space<vmem>>, %arg10: memref<256xf32, #tpu.memory_space<vmem>>, %arg11: memref<256xi32, #tpu.memory_space<vmem>>, %arg12: memref<16x2x16xf32, #tpu.memory_space<vmem>>, %arg13: memref<16xf32, #tpu.memory_space<vmem>>, %arg14: memref<16x16xf32, #tpu.memory_space<vmem>>, %arg15: memref<256xf32, #tpu.memory_space<vmem_shared>>, %arg16: memref<256xi32, #tpu.memory_space<vmem_shared>>, %arg17: memref<16x2x16xf32, #tpu.memory_space<vmem_shared>>, %arg18: memref<!tpu.dma_semaphore, #tpu.memory_space<semaphore_mem>>) attributes {dimension_semantics = [#tpu.dimension_semantics<core_parallel>, #tpu.dimension_semantics<subcore_parallel>], iteration_bounds = array<i64: 1, 16>, scalar_prefetch = 0 : i64, scratch_operands = 13 : i64, tpu.core_type = #tpu.core_type<sc_vector_subcore>, window_params = [{transform_indices = #map}, {transform_indices = #map1}, {transform_indices = #map1}, {transform_indices = #map}]} {
    %mul3A = arith.constant 6400 : i32
    %mul3A_0 = arith.muli %arg1, %mul3A : i32
    %iota3A = tpu.iota {dimensions = array<i32: 0>} : vector<16xi32>
    "tpu.region"() ({
      %run_scoped3A = tpu.sem_alloc : memref<!tpu.dma_semaphore, #tpu.memory_space<semaphore_mem>>
      %dma_start3A = tpu.memref_slice %arg2[%mul3A_0] : memref<102400xf32, #tpu.memory_space<hbm>> -> memref<6400xf32, #tpu.memory_space<hbm>>
      %dma_start3A_544 = tpu.memref_slice %arg2[%mul3A_0] : memref<102400xf32, #tpu.memory_space<hbm>> -> memref<6400xf32, #tpu.memory_space<hbm>>
      tpu.enqueue_dma source(%dma_start3A_544 : memref<6400xf32, #tpu.memory_space<hbm>>) target(%arg6 : memref<6400xf32, #tpu.memory_space<vmem>>) target_semaphore(%run_scoped3A : memref<!tpu.dma_semaphore, #tpu.memory_space<semaphore_mem>>)
      %dma_wait3A = tpu.memref_slice %arg2[%mul3A_0] : memref<102400xf32, #tpu.memory_space<hbm>> -> memref<6400xf32, #tpu.memory_space<hbm>>
      %dma_wait3A_545 = tpu.memref_slice %arg2[%mul3A_0] : memref<102400xf32, #tpu.memory_space<hbm>> -> memref<6400xf32, #tpu.memory_space<hbm>>
      tpu.wait_dma2 semaphore(%run_scoped3A : memref<!tpu.dma_semaphore, #tpu.memory_space<semaphore_mem>>) src(%dma_wait3A_545 : memref<6400xf32, #tpu.memory_space<hbm>>) dst(%arg6 : memref<6400xf32, #tpu.memory_space<vmem>>)
      tpu.yield
    }) : () -> ()
    %broadcast_in_dim3A = arith.constant -1.000000e+30 : f32
    %broadcast_in_dim3A_1 = vector.broadcast %broadcast_in_dim3A : f32 to vector<16xf32>
    %scan3A = arith.constant 0 : i32
    %scan3A_2 = arith.constant 400 : i32
    %scan3A_3 = arith.addi %scan3A, %scan3A_2 : i32
    %scan3A_4 = arith.constant 1 : i32
    %scan3A_5 = scf.for %scan3A_544 = %scan3A to %scan3A_3 step %scan3A_4 iter_args(%scan3A_545 = %broadcast_in_dim3A_1) -> (vector<16xf32>)  : i32 {
      %mul3A_546 = arith.constant 16 : i32
      %mul3A_547 = arith.muli %scan3A_544, %mul3A_546 : i32
      %get3A_548 = arith.index_cast %mul3A_547 : i32 to index
      %get3A_549 = tpu.vector_load %arg6[%get3A_548] {strides = array<i32>} : memref<6400xf32, #tpu.memory_space<vmem>>, vector<16xf32>,
      %mul3A_550 = arith.constant 16 : i32
      %mul3A_551 = arith.muli %scan3A_544, %mul3A_550 : i32
      %add3A = arith.addi %mul3A_0, %mul3A_551 : i32
      %add3A_552 = vector.broadcast %add3A : i32 to vector<16xi32>
      %add3A_553 = arith.addi %add3A_552, %iota3A : vector<16xi32>
      %lt3A = arith.constant 100000 : i32
      %lt3A_554 = vector.broadcast %lt3A : i32 to vector<16xi32>
      %lt3A_555 = arith.cmpi slt, %add3A_553, %lt3A_554 : vector<16xi32>
      %jit3A_556 = arith.constant -1.000000e+30 : f32
      %broadcast_in_dim3A_557 = vector.broadcast %jit3A_556 : f32 to vector<16xf32>
      %select_n3A_558 = arith.select %lt3A_555, %get3A_549, %broadcast_in_dim3A_557 : vector<16xi1>, vector<16xf32>
      %mul3A_559 = arith.constant 16 : i32
      %mul3A_560 = arith.muli %scan3A_544, %mul3A_559 : i32
      %swap3A_561 = arith.index_cast %mul3A_560 : i32 to index
      %swap3A_562 = tpu.vector_load %arg6[%swap3A_561] {strides = array<i32>} : memref<6400xf32, #tpu.memory_space<vmem>>, vector<16xf32>,
      tpu.vector_store %arg6[%swap3A_561], %select_n3A_558 {strides = array<i32>} : memref<6400xf32, #tpu.memory_space<vmem>>, vector<16xf32>,
      %max3A = arith.maximumf %scan3A_545, %select_n3A_558 : vector<16xf32>
      scf.yield %max3A : vector<16xf32>
    }
    %scan3A_6 = arith.constant 400 : i32
    %reduce_max3A = arith.constant true
    %reduce_max3A_7 = vector.broadcast %reduce_max3A : i1 to vector<16xi1>
    %reduce_max3A_8 = tpu.scan <max>, %scan3A_5 masked %reduce_max3A_7 : vector<16xf32>, vector<16xi1> -> vector<16xf32>
    %reduce_max3A_9 = vector.extract %reduce_max3A_8[15] : f32 from vector<16xf32>
    %broadcast_in_dim3A_10 = arith.constant 0.000000e+00 : f32
    %broadcast_in_dim3A_11 = vector.broadcast %broadcast_in_dim3A_10 : f32 to vector<16xf32>
    %scan3A_12 = arith.constant 0 : i32
    %scan3A_13 = arith.constant 400 : i32
    %scan3A_14 = arith.addi %scan3A_12, %scan3A_13 : i32
    %scan3A_15 = arith.constant 1 : i32
    %scan3A_16 = scf.for %scan3A_544 = %scan3A_12 to %scan3A_14 step %scan3A_15 iter_args(%scan3A_545 = %broadcast_in_dim3A_11) -> (vector<16xf32>)  : i32 {
      %mul3A_546 = arith.constant 16 : i32
      %mul3A_547 = arith.muli %scan3A_544, %mul3A_546 : i32
      %get3A_548 = arith.index_cast %mul3A_547 : i32 to index
      %get3A_549 = tpu.vector_load %arg6[%get3A_548] {strides = array<i32>} : memref<6400xf32, #tpu.memory_space<vmem>>, vector<16xf32>,
      %sub3A_550 = vector.broadcast %reduce_max3A_9 : f32 to vector<16xf32>
      %sub3A_551 = arith.subf %get3A_549, %sub3A_550 : vector<16xf32>
      %exp3A = math.exp %sub3A_551 : vector<16xf32>
      %add3A = arith.addf %scan3A_545, %exp3A : vector<16xf32>
      scf.yield %add3A : vector<16xf32>
    }
    %scan3A_17 = arith.constant 400 : i32
    %broadcast_in_dim3A_18 = arith.constant -1.000000e+30 : f32
    %broadcast_in_dim3A_19 = vector.broadcast %broadcast_in_dim3A_18 : f32 to vector<16xf32>
    %broadcast_in_dim3A_20 = arith.constant 0 : i32
    %broadcast_in_dim3A_21 = vector.broadcast %broadcast_in_dim3A_20 : i32 to vector<16xi32>
    %broadcast_in_dim3A_22 = arith.constant -1.000000e+30 : f32
    %broadcast_in_dim3A_23 = vector.broadcast %broadcast_in_dim3A_22 : f32 to vector<16xf32>
    %broadcast_in_dim3A_24 = arith.constant 0 : i32
    %broadcast_in_dim3A_25 = vector.broadcast %broadcast_in_dim3A_24 : i32 to vector<16xi32>
    %scan3A_26 = arith.constant 0 : i32
    %scan3A_27 = arith.constant 400 : i32
    %scan3A_28 = arith.addi %scan3A_26, %scan3A_27 : i32
    %scan3A_29 = arith.constant 1 : i32
    %scan3A_30:2 = scf.for %scan3A_544 = %scan3A_26 to %scan3A_28 step %scan3A_29 iter_args(%scan3A_545 = %broadcast_in_dim3A_23, %scan3A_546 = %broadcast_in_dim3A_25) -> (vector<16xf32>, vector<16xi32>)  : i32 {
      %mul3A_547 = arith.constant 16 : i32
      %mul3A_548 = arith.muli %scan3A_544, %mul3A_547 : i32
      %get3A_549 = arith.index_cast %mul3A_548 : i32 to index
      %get3A_550 = tpu.vector_load %arg6[%get3A_549] {strides = array<i32>} : memref<6400xf32, #tpu.memory_space<vmem>>, vector<16xf32>,
      %mul3A_551 = arith.constant 16 : i32
      %mul3A_552 = arith.muli %scan3A_544, %mul3A_551 : i32
      %add3A = arith.addi %mul3A_0, %mul3A_552 : i32
      %add3A_553 = vector.broadcast %add3A : i32 to vector<16xi32>
      %add3A_554 = arith.addi %add3A_553, %iota3A : vector<16xi32>
      %gt3A = arith.cmpf ogt, %get3A_550, %scan3A_545 : vector<16xf32>
      %select_n3A_555 = arith.select %gt3A, %get3A_550, %scan3A_545 : vector<16xi1>, vector<16xf32>
      %select_n3A_556 = arith.select %gt3A, %add3A_554, %scan3A_546 : vector<16xi1>, vector<16xi32>
      scf.yield %select_n3A_555, %select_n3A_556 : vector<16xf32>, vector<16xi32>
    }
    %scan3A_31 = arith.constant 400 : i32
    %reduce_max3A_32 = arith.constant true
    %reduce_max3A_33 = vector.broadcast %reduce_max3A_32 : i1 to vector<16xi1>
    %reduce_max3A_34 = tpu.scan <max>, %scan3A_30#0 masked %reduce_max3A_33 : vector<16xf32>, vector<16xi1> -> vector<16xf32>
    %reduce_max3A_35 = vector.extract %reduce_max3A_34[15] : f32 from vector<16xf32>
    %eq3A = vector.broadcast %reduce_max3A_35 : f32 to vector<16xf32>
    %eq3A_36 = arith.cmpf oeq, %scan3A_30#0, %eq3A : vector<16xf32>
    %jit3A = arith.constant 2147483647 : i32
    %broadcast_in_dim3A_37 = vector.broadcast %jit3A : i32 to vector<16xi32>
    %select_n3A = arith.select %eq3A_36, %scan3A_30#1, %broadcast_in_dim3A_37 : vector<16xi1>, vector<16xi32>
    %reduce_min3A = arith.constant true
    %reduce_min3A_38 = vector.broadcast %reduce_min3A : i1 to vector<16xi1>
    %reduce_min3A_39 = arith.constant -2147483648 : i32
    %reduce_min3A_40 = vector.broadcast %reduce_min3A_39 : i32 to vector<16xi32>
    %reduce_min3A_41 = arith.xori %select_n3A, %reduce_min3A_40 : vector<16xi32>
    %reduce_min3A_42 = tpu.scan <min>, %reduce_min3A_41 masked %reduce_min3A_38 : vector<16xi32>, vector<16xi1> -> vector<16xi32>
    %reduce_min3A_43 = arith.xori %reduce_min3A_42, %reduce_min3A_40 : vector<16xi32>
    %reduce_min3A_44 = vector.extract %reduce_min3A_43[15] : i32 from vector<16xi32>
    %eq3A_45 = arith.constant 0 : i32
    %eq3A_46 = vector.broadcast %eq3A_45 : i32 to vector<16xi32>
    %eq3A_47 = arith.cmpi eq, %iota3A, %eq3A_46 : vector<16xi32>
    %broadcast_in_dim3A_48 = vector.broadcast %reduce_max3A_35 : f32 to vector<16xf32>
    %select_n3A_49 = arith.select %eq3A_47, %broadcast_in_dim3A_48, %broadcast_in_dim3A_19 : vector<16xi1>, vector<16xf32>
    %eq3A_50 = arith.constant 0 : i32
    %eq3A_51 = vector.broadcast %eq3A_50 : i32 to vector<16xi32>
    %eq3A_52 = arith.cmpi eq, %iota3A, %eq3A_51 : vector<16xi32>
    %broadcast_in_dim3A_53 = vector.broadcast %reduce_min3A_44 : i32 to vector<16xi32>
    %select_n3A_54 = arith.select %eq3A_52, %broadcast_in_dim3A_53, %broadcast_in_dim3A_21 : vector<16xi1>, vector<16xi32>
    %sub3A = arith.subi %reduce_min3A_44, %mul3A_0 : i32
    %and3A = arith.constant -16 : i32
    %and3A_55 = arith.andi %sub3A, %and3A : i32
    %get3A = arith.index_cast %and3A_55 : i32 to index
    %get3A_56 = tpu.vector_load %arg6[%get3A] {strides = array<i32>} : memref<6400xf32, #tpu.memory_space<vmem>>, vector<16xf32>,
    %and3A_57 = arith.constant 15 : i32
    %and3A_58 = arith.andi %sub3A, %and3A_57 : i32
    %eq3A_59 = vector.broadcast %and3A_58 : i32 to vector<16xi32>
    %eq3A_60 = arith.cmpi eq, %iota3A, %eq3A_59 : vector<16xi32>
    %jit3A_61 = arith.constant -1.000000e+30 : f32
    %broadcast_in_dim3A_62 = vector.broadcast %jit3A_61 : f32 to vector<16xf32>
    %select_n3A_63 = arith.select %eq3A_60, %broadcast_in_dim3A_62, %get3A_56 : vector<16xi1>, vector<16xf32>
    %swap3A = arith.index_cast %and3A_55 : i32 to index
    %swap3A_64 = tpu.vector_load %arg6[%swap3A] {strides = array<i32>} : memref<6400xf32, #tpu.memory_space<vmem>>, vector<16xf32>,
    tpu.vector_store %arg6[%swap3A], %select_n3A_63 {strides = array<i32>} : memref<6400xf32, #tpu.memory_space<vmem>>, vector<16xf32>,
    %broadcast_in_dim3A_65 = arith.constant -1.000000e+30 : f32
    %broadcast_in_dim3A_66 = vector.broadcast %broadcast_in_dim3A_65 : f32 to vector<16xf32>
    %broadcast_in_dim3A_67 = arith.constant 0 : i32
    %broadcast_in_dim3A_68 = vector.broadcast %broadcast_in_dim3A_67 : i32 to vector<16xi32>
    %scan3A_69 = arith.constant 0 : i32
    %scan3A_70 = arith.constant 400 : i32
    %scan3A_71 = arith.addi %scan3A_69, %scan3A_70 : i32
    %scan3A_72 = arith.constant 1 : i32
    %scan3A_73:2 = scf.for %scan3A_544 = %scan3A_69 to %scan3A_71 step %scan3A_72 iter_args(%scan3A_545 = %broadcast_in_dim3A_66, %scan3A_546 = %broadcast_in_dim3A_68) -> (vector<16xf32>, vector<16xi32>)  : i32 {
      %mul3A_547 = arith.constant 16 : i32
      %mul3A_548 = arith.muli %scan3A_544, %mul3A_547 : i32
      %get3A_549 = arith.index_cast %mul3A_548 : i32 to index
      %get3A_550 = tpu.vector_load %arg6[%get3A_549] {strides = array<i32>} : memref<6400xf32, #tpu.memory_space<vmem>>, vector<16xf32>,
      %mul3A_551 = arith.constant 16 : i32
      %mul3A_552 = arith.muli %scan3A_544, %mul3A_551 : i32
      %add3A = arith.addi %mul3A_0, %mul3A_552 : i32
      %add3A_553 = vector.broadcast %add3A : i32 to vector<16xi32>
      %add3A_554 = arith.addi %add3A_553, %iota3A : vector<16xi32>
      %gt3A = arith.cmpf ogt, %get3A_550, %scan3A_545 : vector<16xf32>
      %select_n3A_555 = arith.select %gt3A, %get3A_550, %scan3A_545 : vector<16xi1>, vector<16xf32>
      %select_n3A_556 = arith.select %gt3A, %add3A_554, %scan3A_546 : vector<16xi1>, vector<16xi32>
      scf.yield %select_n3A_555, %select_n3A_556 : vector<16xf32>, vector<16xi32>
    }
    %scan3A_74 = arith.constant 400 : i32
    %reduce_max3A_75 = arith.constant true
    %reduce_max3A_76 = vector.broadcast %reduce_max3A_75 : i1 to vector<16xi1>
    %reduce_max3A_77 = tpu.scan <max>, %scan3A_73#0 masked %reduce_max3A_76 : vector<16xf32>, vector<16xi1> -> vector<16xf32>
    %reduce_max3A_78 = vector.extract %reduce_max3A_77[15] : f32 from vector<16xf32>
    %eq3A_79 = vector.broadcast %reduce_max3A_78 : f32 to vector<16xf32>
    %eq3A_80 = arith.cmpf oeq, %scan3A_73#0, %eq3A_79 : vector<16xf32>
    %jit3A_81 = arith.constant 2147483647 : i32
    %broadcast_in_dim3A_82 = vector.broadcast %jit3A_81 : i32 to vector<16xi32>
    %select_n3A_83 = arith.select %eq3A_80, %scan3A_73#1, %broadcast_in_dim3A_82 : vector<16xi1>, vector<16xi32>
    %reduce_min3A_84 = arith.constant true
    %reduce_min3A_85 = vector.broadcast %reduce_min3A_84 : i1 to vector<16xi1>
    %reduce_min3A_86 = arith.constant -2147483648 : i32
    %reduce_min3A_87 = vector.broadcast %reduce_min3A_86 : i32 to vector<16xi32>
    %reduce_min3A_88 = arith.xori %select_n3A_83, %reduce_min3A_87 : vector<16xi32>
    %reduce_min3A_89 = tpu.scan <min>, %reduce_min3A_88 masked %reduce_min3A_85 : vector<16xi32>, vector<16xi1> -> vector<16xi32>
    %reduce_min3A_90 = arith.xori %reduce_min3A_89, %reduce_min3A_87 : vector<16xi32>
    %reduce_min3A_91 = vector.extract %reduce_min3A_90[15] : i32 from vector<16xi32>
    %eq3A_92 = arith.constant 1 : i32
    %eq3A_93 = vector.broadcast %eq3A_92 : i32 to vector<16xi32>
    %eq3A_94 = arith.cmpi eq, %iota3A, %eq3A_93 : vector<16xi32>
    %broadcast_in_dim3A_95 = vector.broadcast %reduce_max3A_78 : f32 to vector<16xf32>
    %select_n3A_96 = arith.select %eq3A_94, %broadcast_in_dim3A_95, %select_n3A_49 : vector<16xi1>, vector<16xf32>
    %eq3A_97 = arith.constant 1 : i32
    %eq3A_98 = vector.broadcast %eq3A_97 : i32 to vector<16xi32>
    %eq3A_99 = arith.cmpi eq, %iota3A, %eq3A_98 : vector<16xi32>
    %broadcast_in_dim3A_100 = vector.broadcast %reduce_min3A_91 : i32 to vector<16xi32>
    %select_n3A_101 = arith.select %eq3A_99, %broadcast_in_dim3A_100, %select_n3A_54 : vector<16xi1>, vector<16xi32>
    %sub3A_102 = arith.subi %reduce_min3A_91, %mul3A_0 : i32
    %and3A_103 = arith.constant -16 : i32
    %and3A_104 = arith.andi %sub3A_102, %and3A_103 : i32
    %get3A_105 = arith.index_cast %and3A_104 : i32 to index
    %get3A_106 = tpu.vector_load %arg6[%get3A_105] {strides = array<i32>} : memref<6400xf32, #tpu.memory_space<vmem>>, vector<16xf32>,
    %and3A_107 = arith.constant 15 : i32
    %and3A_108 = arith.andi %sub3A_102, %and3A_107 : i32
    %eq3A_109 = vector.broadcast %and3A_108 : i32 to vector<16xi32>
    %eq3A_110 = arith.cmpi eq, %iota3A, %eq3A_109 : vector<16xi32>
    %jit3A_111 = arith.constant -1.000000e+30 : f32
    %broadcast_in_dim3A_112 = vector.broadcast %jit3A_111 : f32 to vector<16xf32>
    %select_n3A_113 = arith.select %eq3A_110, %broadcast_in_dim3A_112, %get3A_106 : vector<16xi1>, vector<16xf32>
    %swap3A_114 = arith.index_cast %and3A_104 : i32 to index
    %swap3A_115 = tpu.vector_load %arg6[%swap3A_114] {strides = array<i32>} : memref<6400xf32, #tpu.memory_space<vmem>>, vector<16xf32>,
    tpu.vector_store %arg6[%swap3A_114], %select_n3A_113 {strides = array<i32>} : memref<6400xf32, #tpu.memory_space<vmem>>, vector<16xf32>,
    %broadcast_in_dim3A_116 = arith.constant -1.000000e+30 : f32
    %broadcast_in_dim3A_117 = vector.broadcast %broadcast_in_dim3A_116 : f32 to vector<16xf32>
    %broadcast_in_dim3A_118 = arith.constant 0 : i32
    %broadcast_in_dim3A_119 = vector.broadcast %broadcast_in_dim3A_118 : i32 to vector<16xi32>
    %scan3A_120 = arith.constant 0 : i32
    %scan3A_121 = arith.constant 400 : i32
    %scan3A_122 = arith.addi %scan3A_120, %scan3A_121 : i32
    %scan3A_123 = arith.constant 1 : i32
    %scan3A_124:2 = scf.for %scan3A_544 = %scan3A_120 to %scan3A_122 step %scan3A_123 iter_args(%scan3A_545 = %broadcast_in_dim3A_117, %scan3A_546 = %broadcast_in_dim3A_119) -> (vector<16xf32>, vector<16xi32>)  : i32 {
      %mul3A_547 = arith.constant 16 : i32
      %mul3A_548 = arith.muli %scan3A_544, %mul3A_547 : i32
      %get3A_549 = arith.index_cast %mul3A_548 : i32 to index
      %get3A_550 = tpu.vector_load %arg6[%get3A_549] {strides = array<i32>} : memref<6400xf32, #tpu.memory_space<vmem>>, vector<16xf32>,
      %mul3A_551 = arith.constant 16 : i32
      %mul3A_552 = arith.muli %scan3A_544, %mul3A_551 : i32
      %add3A = arith.addi %mul3A_0, %mul3A_552 : i32
      %add3A_553 = vector.broadcast %add3A : i32 to vector<16xi32>
      %add3A_554 = arith.addi %add3A_553, %iota3A : vector<16xi32>
      %gt3A = arith.cmpf ogt, %get3A_550, %scan3A_545 : vector<16xf32>
      %select_n3A_555 = arith.select %gt3A, %get3A_550, %scan3A_545 : vector<16xi1>, vector<16xf32>
      %select_n3A_556 = arith.select %gt3A, %add3A_554, %scan3A_546 : vector<16xi1>, vector<16xi32>
      scf.yield %select_n3A_555, %select_n3A_556 : vector<16xf32>, vector<16xi32>
    }
    %scan3A_125 = arith.constant 400 : i32
    %reduce_max3A_126 = arith.constant true
    %reduce_max3A_127 = vector.broadcast %reduce_max3A_126 : i1 to vector<16xi1>
    %reduce_max3A_128 = tpu.scan <max>, %scan3A_124#0 masked %reduce_max3A_127 : vector<16xf32>, vector<16xi1> -> vector<16xf32>
    %reduce_max3A_129 = vector.extract %reduce_max3A_128[15] : f32 from vector<16xf32>
    %eq3A_130 = vector.broadcast %reduce_max3A_129 : f32 to vector<16xf32>
    %eq3A_131 = arith.cmpf oeq, %scan3A_124#0, %eq3A_130 : vector<16xf32>
    %jit3A_132 = arith.constant 2147483647 : i32
    %broadcast_in_dim3A_133 = vector.broadcast %jit3A_132 : i32 to vector<16xi32>
    %select_n3A_134 = arith.select %eq3A_131, %scan3A_124#1, %broadcast_in_dim3A_133 : vector<16xi1>, vector<16xi32>
    %reduce_min3A_135 = arith.constant true
    %reduce_min3A_136 = vector.broadcast %reduce_min3A_135 : i1 to vector<16xi1>
    %reduce_min3A_137 = arith.constant -2147483648 : i32
    %reduce_min3A_138 = vector.broadcast %reduce_min3A_137 : i32 to vector<16xi32>
    %reduce_min3A_139 = arith.xori %select_n3A_134, %reduce_min3A_138 : vector<16xi32>
    %reduce_min3A_140 = tpu.scan <min>, %reduce_min3A_139 masked %reduce_min3A_136 : vector<16xi32>, vector<16xi1> -> vector<16xi32>
    %reduce_min3A_141 = arith.xori %reduce_min3A_140, %reduce_min3A_138 : vector<16xi32>
    %reduce_min3A_142 = vector.extract %reduce_min3A_141[15] : i32 from vector<16xi32>
    %eq3A_143 = arith.constant 2 : i32
    %eq3A_144 = vector.broadcast %eq3A_143 : i32 to vector<16xi32>
    %eq3A_145 = arith.cmpi eq, %iota3A, %eq3A_144 : vector<16xi32>
    %broadcast_in_dim3A_146 = vector.broadcast %reduce_max3A_129 : f32 to vector<16xf32>
    %select_n3A_147 = arith.select %eq3A_145, %broadcast_in_dim3A_146, %select_n3A_96 : vector<16xi1>, vector<16xf32>
    %eq3A_148 = arith.constant 2 : i32
    %eq3A_149 = vector.broadcast %eq3A_148 : i32 to vector<16xi32>
    %eq3A_150 = arith.cmpi eq, %iota3A, %eq3A_149 : vector<16xi32>
    %broadcast_in_dim3A_151 = vector.broadcast %reduce_min3A_142 : i32 to vector<16xi32>
    %select_n3A_152 = arith.select %eq3A_150, %broadcast_in_dim3A_151, %select_n3A_101 : vector<16xi1>, vector<16xi32>
    %sub3A_153 = arith.subi %reduce_min3A_142, %mul3A_0 : i32
    %and3A_154 = arith.constant -16 : i32
    %and3A_155 = arith.andi %sub3A_153, %and3A_154 : i32
    %get3A_156 = arith.index_cast %and3A_155 : i32 to index
    %get3A_157 = tpu.vector_load %arg6[%get3A_156] {strides = array<i32>} : memref<6400xf32, #tpu.memory_space<vmem>>, vector<16xf32>,
    %and3A_158 = arith.constant 15 : i32
    %and3A_159 = arith.andi %sub3A_153, %and3A_158 : i32
    %eq3A_160 = vector.broadcast %and3A_159 : i32 to vector<16xi32>
    %eq3A_161 = arith.cmpi eq, %iota3A, %eq3A_160 : vector<16xi32>
    %jit3A_162 = arith.constant -1.000000e+30 : f32
    %broadcast_in_dim3A_163 = vector.broadcast %jit3A_162 : f32 to vector<16xf32>
    %select_n3A_164 = arith.select %eq3A_161, %broadcast_in_dim3A_163, %get3A_157 : vector<16xi1>, vector<16xf32>
    %swap3A_165 = arith.index_cast %and3A_155 : i32 to index
    %swap3A_166 = tpu.vector_load %arg6[%swap3A_165] {strides = array<i32>} : memref<6400xf32, #tpu.memory_space<vmem>>, vector<16xf32>,
    tpu.vector_store %arg6[%swap3A_165], %select_n3A_164 {strides = array<i32>} : memref<6400xf32, #tpu.memory_space<vmem>>, vector<16xf32>,
    %broadcast_in_dim3A_167 = arith.constant -1.000000e+30 : f32
    %broadcast_in_dim3A_168 = vector.broadcast %broadcast_in_dim3A_167 : f32 to vector<16xf32>
    %broadcast_in_dim3A_169 = arith.constant 0 : i32
    %broadcast_in_dim3A_170 = vector.broadcast %broadcast_in_dim3A_169 : i32 to vector<16xi32>
    %scan3A_171 = arith.constant 0 : i32
    %scan3A_172 = arith.constant 400 : i32
    %scan3A_173 = arith.addi %scan3A_171, %scan3A_172 : i32
    %scan3A_174 = arith.constant 1 : i32
    %scan3A_175:2 = scf.for %scan3A_544 = %scan3A_171 to %scan3A_173 step %scan3A_174 iter_args(%scan3A_545 = %broadcast_in_dim3A_168, %scan3A_546 = %broadcast_in_dim3A_170) -> (vector<16xf32>, vector<16xi32>)  : i32 {
      %mul3A_547 = arith.constant 16 : i32
      %mul3A_548 = arith.muli %scan3A_544, %mul3A_547 : i32
      %get3A_549 = arith.index_cast %mul3A_548 : i32 to index
      %get3A_550 = tpu.vector_load %arg6[%get3A_549] {strides = array<i32>} : memref<6400xf32, #tpu.memory_space<vmem>>, vector<16xf32>,
      %mul3A_551 = arith.constant 16 : i32
      %mul3A_552 = arith.muli %scan3A_544, %mul3A_551 : i32
      %add3A = arith.addi %mul3A_0, %mul3A_552 : i32
      %add3A_553 = vector.broadcast %add3A : i32 to vector<16xi32>
      %add3A_554 = arith.addi %add3A_553, %iota3A : vector<16xi32>
      %gt3A = arith.cmpf ogt, %get3A_550, %scan3A_545 : vector<16xf32>
      %select_n3A_555 = arith.select %gt3A, %get3A_550, %scan3A_545 : vector<16xi1>, vector<16xf32>
      %select_n3A_556 = arith.select %gt3A, %add3A_554, %scan3A_546 : vector<16xi1>, vector<16xi32>
      scf.yield %select_n3A_555, %select_n3A_556 : vector<16xf32>, vector<16xi32>
    }
    %scan3A_176 = arith.constant 400 : i32
    %reduce_max3A_177 = arith.constant true
    %reduce_max3A_178 = vector.broadcast %reduce_max3A_177 : i1 to vector<16xi1>
    %reduce_max3A_179 = tpu.scan <max>, %scan3A_175#0 masked %reduce_max3A_178 : vector<16xf32>, vector<16xi1> -> vector<16xf32>
    %reduce_max3A_180 = vector.extract %reduce_max3A_179[15] : f32 from vector<16xf32>
    %eq3A_181 = vector.broadcast %reduce_max3A_180 : f32 to vector<16xf32>
    %eq3A_182 = arith.cmpf oeq, %scan3A_175#0, %eq3A_181 : vector<16xf32>
    %jit3A_183 = arith.constant 2147483647 : i32
    %broadcast_in_dim3A_184 = vector.broadcast %jit3A_183 : i32 to vector<16xi32>
    %select_n3A_185 = arith.select %eq3A_182, %scan3A_175#1, %broadcast_in_dim3A_184 : vector<16xi1>, vector<16xi32>
    %reduce_min3A_186 = arith.constant true
    %reduce_min3A_187 = vector.broadcast %reduce_min3A_186 : i1 to vector<16xi1>
    %reduce_min3A_188 = arith.constant -2147483648 : i32
    %reduce_min3A_189 = vector.broadcast %reduce_min3A_188 : i32 to vector<16xi32>
    %reduce_min3A_190 = arith.xori %select_n3A_185, %reduce_min3A_189 : vector<16xi32>
    %reduce_min3A_191 = tpu.scan <min>, %reduce_min3A_190 masked %reduce_min3A_187 : vector<16xi32>, vector<16xi1> -> vector<16xi32>
    %reduce_min3A_192 = arith.xori %reduce_min3A_191, %reduce_min3A_189 : vector<16xi32>
    %reduce_min3A_193 = vector.extract %reduce_min3A_192[15] : i32 from vector<16xi32>
    %eq3A_194 = arith.constant 3 : i32
    %eq3A_195 = vector.broadcast %eq3A_194 : i32 to vector<16xi32>
    %eq3A_196 = arith.cmpi eq, %iota3A, %eq3A_195 : vector<16xi32>
    %broadcast_in_dim3A_197 = vector.broadcast %reduce_max3A_180 : f32 to vector<16xf32>
    %select_n3A_198 = arith.select %eq3A_196, %broadcast_in_dim3A_197, %select_n3A_147 : vector<16xi1>, vector<16xf32>
    %eq3A_199 = arith.constant 3 : i32
    %eq3A_200 = vector.broadcast %eq3A_199 : i32 to vector<16xi32>
    %eq3A_201 = arith.cmpi eq, %iota3A, %eq3A_200 : vector<16xi32>
    %broadcast_in_dim3A_202 = vector.broadcast %reduce_min3A_193 : i32 to vector<16xi32>
    %select_n3A_203 = arith.select %eq3A_201, %broadcast_in_dim3A_202, %select_n3A_152 : vector<16xi1>, vector<16xi32>
    %sub3A_204 = arith.subi %reduce_min3A_193, %mul3A_0 : i32
    %and3A_205 = arith.constant -16 : i32
    %and3A_206 = arith.andi %sub3A_204, %and3A_205 : i32
    %get3A_207 = arith.index_cast %and3A_206 : i32 to index
    %get3A_208 = tpu.vector_load %arg6[%get3A_207] {strides = array<i32>} : memref<6400xf32, #tpu.memory_space<vmem>>, vector<16xf32>,
    %and3A_209 = arith.constant 15 : i32
    %and3A_210 = arith.andi %sub3A_204, %and3A_209 : i32
    %eq3A_211 = vector.broadcast %and3A_210 : i32 to vector<16xi32>
    %eq3A_212 = arith.cmpi eq, %iota3A, %eq3A_211 : vector<16xi32>
    %jit3A_213 = arith.constant -1.000000e+30 : f32
    %broadcast_in_dim3A_214 = vector.broadcast %jit3A_213 : f32 to vector<16xf32>
    %select_n3A_215 = arith.select %eq3A_212, %broadcast_in_dim3A_214, %get3A_208 : vector<16xi1>, vector<16xf32>
    %swap3A_216 = arith.index_cast %and3A_206 : i32 to index
    %swap3A_217 = tpu.vector_load %arg6[%swap3A_216] {strides = array<i32>} : memref<6400xf32, #tpu.memory_space<vmem>>, vector<16xf32>,
    tpu.vector_store %arg6[%swap3A_216], %select_n3A_215 {strides = array<i32>} : memref<6400xf32, #tpu.memory_space<vmem>>, vector<16xf32>,
    %broadcast_in_dim3A_218 = arith.constant -1.000000e+30 : f32
    %broadcast_in_dim3A_219 = vector.broadcast %broadcast_in_dim3A_218 : f32 to vector<16xf32>
    %broadcast_in_dim3A_220 = arith.constant 0 : i32
    %broadcast_in_dim3A_221 = vector.broadcast %broadcast_in_dim3A_220 : i32 to vector<16xi32>
    %scan3A_222 = arith.constant 0 : i32
    %scan3A_223 = arith.constant 400 : i32
    %scan3A_224 = arith.addi %scan3A_222, %scan3A_223 : i32
    %scan3A_225 = arith.constant 1 : i32
    %scan3A_226:2 = scf.for %scan3A_544 = %scan3A_222 to %scan3A_224 step %scan3A_225 iter_args(%scan3A_545 = %broadcast_in_dim3A_219, %scan3A_546 = %broadcast_in_dim3A_221) -> (vector<16xf32>, vector<16xi32>)  : i32 {
      %mul3A_547 = arith.constant 16 : i32
      %mul3A_548 = arith.muli %scan3A_544, %mul3A_547 : i32
      %get3A_549 = arith.index_cast %mul3A_548 : i32 to index
      %get3A_550 = tpu.vector_load %arg6[%get3A_549] {strides = array<i32>} : memref<6400xf32, #tpu.memory_space<vmem>>, vector<16xf32>,
      %mul3A_551 = arith.constant 16 : i32
      %mul3A_552 = arith.muli %scan3A_544, %mul3A_551 : i32
      %add3A = arith.addi %mul3A_0, %mul3A_552 : i32
      %add3A_553 = vector.broadcast %add3A : i32 to vector<16xi32>
      %add3A_554 = arith.addi %add3A_553, %iota3A : vector<16xi32>
      %gt3A = arith.cmpf ogt, %get3A_550, %scan3A_545 : vector<16xf32>
      %select_n3A_555 = arith.select %gt3A, %get3A_550, %scan3A_545 : vector<16xi1>, vector<16xf32>
      %select_n3A_556 = arith.select %gt3A, %add3A_554, %scan3A_546 : vector<16xi1>, vector<16xi32>
      scf.yield %select_n3A_555, %select_n3A_556 : vector<16xf32>, vector<16xi32>
    }
    %scan3A_227 = arith.constant 400 : i32
    %reduce_max3A_228 = arith.constant true
    %reduce_max3A_229 = vector.broadcast %reduce_max3A_228 : i1 to vector<16xi1>
    %reduce_max3A_230 = tpu.scan <max>, %scan3A_226#0 masked %reduce_max3A_229 : vector<16xf32>, vector<16xi1> -> vector<16xf32>
    %reduce_max3A_231 = vector.extract %reduce_max3A_230[15] : f32 from vector<16xf32>
    %eq3A_232 = vector.broadcast %reduce_max3A_231 : f32 to vector<16xf32>
    %eq3A_233 = arith.cmpf oeq, %scan3A_226#0, %eq3A_232 : vector<16xf32>
    %jit3A_234 = arith.constant 2147483647 : i32
    %broadcast_in_dim3A_235 = vector.broadcast %jit3A_234 : i32 to vector<16xi32>
    %select_n3A_236 = arith.select %eq3A_233, %scan3A_226#1, %broadcast_in_dim3A_235 : vector<16xi1>, vector<16xi32>
    %reduce_min3A_237 = arith.constant true
    %reduce_min3A_238 = vector.broadcast %reduce_min3A_237 : i1 to vector<16xi1>
    %reduce_min3A_239 = arith.constant -2147483648 : i32
    %reduce_min3A_240 = vector.broadcast %reduce_min3A_239 : i32 to vector<16xi32>
    %reduce_min3A_241 = arith.xori %select_n3A_236, %reduce_min3A_240 : vector<16xi32>
    %reduce_min3A_242 = tpu.scan <min>, %reduce_min3A_241 masked %reduce_min3A_238 : vector<16xi32>, vector<16xi1> -> vector<16xi32>
    %reduce_min3A_243 = arith.xori %reduce_min3A_242, %reduce_min3A_240 : vector<16xi32>
    %reduce_min3A_244 = vector.extract %reduce_min3A_243[15] : i32 from vector<16xi32>
    %eq3A_245 = arith.constant 4 : i32
    %eq3A_246 = vector.broadcast %eq3A_245 : i32 to vector<16xi32>
    %eq3A_247 = arith.cmpi eq, %iota3A, %eq3A_246 : vector<16xi32>
    %broadcast_in_dim3A_248 = vector.broadcast %reduce_max3A_231 : f32 to vector<16xf32>
    %select_n3A_249 = arith.select %eq3A_247, %broadcast_in_dim3A_248, %select_n3A_198 : vector<16xi1>, vector<16xf32>
    %eq3A_250 = arith.constant 4 : i32
    %eq3A_251 = vector.broadcast %eq3A_250 : i32 to vector<16xi32>
    %eq3A_252 = arith.cmpi eq, %iota3A, %eq3A_251 : vector<16xi32>
    %broadcast_in_dim3A_253 = vector.broadcast %reduce_min3A_244 : i32 to vector<16xi32>
    %select_n3A_254 = arith.select %eq3A_252, %broadcast_in_dim3A_253, %select_n3A_203 : vector<16xi1>, vector<16xi32>
    %sub3A_255 = arith.subi %reduce_min3A_244, %mul3A_0 : i32
    %and3A_256 = arith.constant -16 : i32
    %and3A_257 = arith.andi %sub3A_255, %and3A_256 : i32
    %get3A_258 = arith.index_cast %and3A_257 : i32 to index
    %get3A_259 = tpu.vector_load %arg6[%get3A_258] {strides = array<i32>} : memref<6400xf32, #tpu.memory_space<vmem>>, vector<16xf32>,
    %and3A_260 = arith.constant 15 : i32
    %and3A_261 = arith.andi %sub3A_255, %and3A_260 : i32
    %eq3A_262 = vector.broadcast %and3A_261 : i32 to vector<16xi32>
    %eq3A_263 = arith.cmpi eq, %iota3A, %eq3A_262 : vector<16xi32>
    %jit3A_264 = arith.constant -1.000000e+30 : f32
    %broadcast_in_dim3A_265 = vector.broadcast %jit3A_264 : f32 to vector<16xf32>
    %select_n3A_266 = arith.select %eq3A_263, %broadcast_in_dim3A_265, %get3A_259 : vector<16xi1>, vector<16xf32>
    %swap3A_267 = arith.index_cast %and3A_257 : i32 to index
    %swap3A_268 = tpu.vector_load %arg6[%swap3A_267] {strides = array<i32>} : memref<6400xf32, #tpu.memory_space<vmem>>, vector<16xf32>,
    tpu.vector_store %arg6[%swap3A_267], %select_n3A_266 {strides = array<i32>} : memref<6400xf32, #tpu.memory_space<vmem>>, vector<16xf32>,
    %broadcast_in_dim3A_269 = arith.constant -1.000000e+30 : f32
    %broadcast_in_dim3A_270 = vector.broadcast %broadcast_in_dim3A_269 : f32 to vector<16xf32>
    %broadcast_in_dim3A_271 = arith.constant 0 : i32
    %broadcast_in_dim3A_272 = vector.broadcast %broadcast_in_dim3A_271 : i32 to vector<16xi32>
    %scan3A_273 = arith.constant 0 : i32
    %scan3A_274 = arith.constant 400 : i32
    %scan3A_275 = arith.addi %scan3A_273, %scan3A_274 : i32
    %scan3A_276 = arith.constant 1 : i32
    %scan3A_277:2 = scf.for %scan3A_544 = %scan3A_273 to %scan3A_275 step %scan3A_276 iter_args(%scan3A_545 = %broadcast_in_dim3A_270, %scan3A_546 = %broadcast_in_dim3A_272) -> (vector<16xf32>, vector<16xi32>)  : i32 {
      %mul3A_547 = arith.constant 16 : i32
      %mul3A_548 = arith.muli %scan3A_544, %mul3A_547 : i32
      %get3A_549 = arith.index_cast %mul3A_548 : i32 to index
      %get3A_550 = tpu.vector_load %arg6[%get3A_549] {strides = array<i32>} : memref<6400xf32, #tpu.memory_space<vmem>>, vector<16xf32>,
      %mul3A_551 = arith.constant 16 : i32
      %mul3A_552 = arith.muli %scan3A_544, %mul3A_551 : i32
      %add3A = arith.addi %mul3A_0, %mul3A_552 : i32
      %add3A_553 = vector.broadcast %add3A : i32 to vector<16xi32>
      %add3A_554 = arith.addi %add3A_553, %iota3A : vector<16xi32>
      %gt3A = arith.cmpf ogt, %get3A_550, %scan3A_545 : vector<16xf32>
      %select_n3A_555 = arith.select %gt3A, %get3A_550, %scan3A_545 : vector<16xi1>, vector<16xf32>
      %select_n3A_556 = arith.select %gt3A, %add3A_554, %scan3A_546 : vector<16xi1>, vector<16xi32>
      scf.yield %select_n3A_555, %select_n3A_556 : vector<16xf32>, vector<16xi32>
    }
    %scan3A_278 = arith.constant 400 : i32
    %reduce_max3A_279 = arith.constant true
    %reduce_max3A_280 = vector.broadcast %reduce_max3A_279 : i1 to vector<16xi1>
    %reduce_max3A_281 = tpu.scan <max>, %scan3A_277#0 masked %reduce_max3A_280 : vector<16xf32>, vector<16xi1> -> vector<16xf32>
    %reduce_max3A_282 = vector.extract %reduce_max3A_281[15] : f32 from vector<16xf32>
    %eq3A_283 = vector.broadcast %reduce_max3A_282 : f32 to vector<16xf32>
    %eq3A_284 = arith.cmpf oeq, %scan3A_277#0, %eq3A_283 : vector<16xf32>
    %jit3A_285 = arith.constant 2147483647 : i32
    %broadcast_in_dim3A_286 = vector.broadcast %jit3A_285 : i32 to vector<16xi32>
    %select_n3A_287 = arith.select %eq3A_284, %scan3A_277#1, %broadcast_in_dim3A_286 : vector<16xi1>, vector<16xi32>
    %reduce_min3A_288 = arith.constant true
    %reduce_min3A_289 = vector.broadcast %reduce_min3A_288 : i1 to vector<16xi1>
    %reduce_min3A_290 = arith.constant -2147483648 : i32
    %reduce_min3A_291 = vector.broadcast %reduce_min3A_290 : i32 to vector<16xi32>
    %reduce_min3A_292 = arith.xori %select_n3A_287, %reduce_min3A_291 : vector<16xi32>
    %reduce_min3A_293 = tpu.scan <min>, %reduce_min3A_292 masked %reduce_min3A_289 : vector<16xi32>, vector<16xi1> -> vector<16xi32>
    %reduce_min3A_294 = arith.xori %reduce_min3A_293, %reduce_min3A_291 : vector<16xi32>
    %reduce_min3A_295 = vector.extract %reduce_min3A_294[15] : i32 from vector<16xi32>
    %eq3A_296 = arith.constant 5 : i32
    %eq3A_297 = vector.broadcast %eq3A_296 : i32 to vector<16xi32>
    %eq3A_298 = arith.cmpi eq, %iota3A, %eq3A_297 : vector<16xi32>
    %broadcast_in_dim3A_299 = vector.broadcast %reduce_max3A_282 : f32 to vector<16xf32>
    %select_n3A_300 = arith.select %eq3A_298, %broadcast_in_dim3A_299, %select_n3A_249 : vector<16xi1>, vector<16xf32>
    %eq3A_301 = arith.constant 5 : i32
    %eq3A_302 = vector.broadcast %eq3A_301 : i32 to vector<16xi32>
    %eq3A_303 = arith.cmpi eq, %iota3A, %eq3A_302 : vector<16xi32>
    %broadcast_in_dim3A_304 = vector.broadcast %reduce_min3A_295 : i32 to vector<16xi32>
    %select_n3A_305 = arith.select %eq3A_303, %broadcast_in_dim3A_304, %select_n3A_254 : vector<16xi1>, vector<16xi32>
    %sub3A_306 = arith.subi %reduce_min3A_295, %mul3A_0 : i32
    %and3A_307 = arith.constant -16 : i32
    %and3A_308 = arith.andi %sub3A_306, %and3A_307 : i32
    %get3A_309 = arith.index_cast %and3A_308 : i32 to index
    %get3A_310 = tpu.vector_load %arg6[%get3A_309] {strides = array<i32>} : memref<6400xf32, #tpu.memory_space<vmem>>, vector<16xf32>,
    %and3A_311 = arith.constant 15 : i32
    %and3A_312 = arith.andi %sub3A_306, %and3A_311 : i32
    %eq3A_313 = vector.broadcast %and3A_312 : i32 to vector<16xi32>
    %eq3A_314 = arith.cmpi eq, %iota3A, %eq3A_313 : vector<16xi32>
    %jit3A_315 = arith.constant -1.000000e+30 : f32
    %broadcast_in_dim3A_316 = vector.broadcast %jit3A_315 : f32 to vector<16xf32>
    %select_n3A_317 = arith.select %eq3A_314, %broadcast_in_dim3A_316, %get3A_310 : vector<16xi1>, vector<16xf32>
    %swap3A_318 = arith.index_cast %and3A_308 : i32 to index
    %swap3A_319 = tpu.vector_load %arg6[%swap3A_318] {strides = array<i32>} : memref<6400xf32, #tpu.memory_space<vmem>>, vector<16xf32>,
    tpu.vector_store %arg6[%swap3A_318], %select_n3A_317 {strides = array<i32>} : memref<6400xf32, #tpu.memory_space<vmem>>, vector<16xf32>,
    %broadcast_in_dim3A_320 = arith.constant -1.000000e+30 : f32
    %broadcast_in_dim3A_321 = vector.broadcast %broadcast_in_dim3A_320 : f32 to vector<16xf32>
    %broadcast_in_dim3A_322 = arith.constant 0 : i32
    %broadcast_in_dim3A_323 = vector.broadcast %broadcast_in_dim3A_322 : i32 to vector<16xi32>
    %scan3A_324 = arith.constant 0 : i32
    %scan3A_325 = arith.constant 400 : i32
    %scan3A_326 = arith.addi %scan3A_324, %scan3A_325 : i32
    %scan3A_327 = arith.constant 1 : i32
    %scan3A_328:2 = scf.for %scan3A_544 = %scan3A_324 to %scan3A_326 step %scan3A_327 iter_args(%scan3A_545 = %broadcast_in_dim3A_321, %scan3A_546 = %broadcast_in_dim3A_323) -> (vector<16xf32>, vector<16xi32>)  : i32 {
      %mul3A_547 = arith.constant 16 : i32
      %mul3A_548 = arith.muli %scan3A_544, %mul3A_547 : i32
      %get3A_549 = arith.index_cast %mul3A_548 : i32 to index
      %get3A_550 = tpu.vector_load %arg6[%get3A_549] {strides = array<i32>} : memref<6400xf32, #tpu.memory_space<vmem>>, vector<16xf32>,
      %mul3A_551 = arith.constant 16 : i32
      %mul3A_552 = arith.muli %scan3A_544, %mul3A_551 : i32
      %add3A = arith.addi %mul3A_0, %mul3A_552 : i32
      %add3A_553 = vector.broadcast %add3A : i32 to vector<16xi32>
      %add3A_554 = arith.addi %add3A_553, %iota3A : vector<16xi32>
      %gt3A = arith.cmpf ogt, %get3A_550, %scan3A_545 : vector<16xf32>
      %select_n3A_555 = arith.select %gt3A, %get3A_550, %scan3A_545 : vector<16xi1>, vector<16xf32>
      %select_n3A_556 = arith.select %gt3A, %add3A_554, %scan3A_546 : vector<16xi1>, vector<16xi32>
      scf.yield %select_n3A_555, %select_n3A_556 : vector<16xf32>, vector<16xi32>
    }
    %scan3A_329 = arith.constant 400 : i32
    %reduce_max3A_330 = arith.constant true
    %reduce_max3A_331 = vector.broadcast %reduce_max3A_330 : i1 to vector<16xi1>
    %reduce_max3A_332 = tpu.scan <max>, %scan3A_328#0 masked %reduce_max3A_331 : vector<16xf32>, vector<16xi1> -> vector<16xf32>
    %reduce_max3A_333 = vector.extract %reduce_max3A_332[15] : f32 from vector<16xf32>
    %eq3A_334 = vector.broadcast %reduce_max3A_333 : f32 to vector<16xf32>
    %eq3A_335 = arith.cmpf oeq, %scan3A_328#0, %eq3A_334 : vector<16xf32>
    %jit3A_336 = arith.constant 2147483647 : i32
    %broadcast_in_dim3A_337 = vector.broadcast %jit3A_336 : i32 to vector<16xi32>
    %select_n3A_338 = arith.select %eq3A_335, %scan3A_328#1, %broadcast_in_dim3A_337 : vector<16xi1>, vector<16xi32>
    %reduce_min3A_339 = arith.constant true
    %reduce_min3A_340 = vector.broadcast %reduce_min3A_339 : i1 to vector<16xi1>
    %reduce_min3A_341 = arith.constant -2147483648 : i32
    %reduce_min3A_342 = vector.broadcast %reduce_min3A_341 : i32 to vector<16xi32>
    %reduce_min3A_343 = arith.xori %select_n3A_338, %reduce_min3A_342 : vector<16xi32>
    %reduce_min3A_344 = tpu.scan <min>, %reduce_min3A_343 masked %reduce_min3A_340 : vector<16xi32>, vector<16xi1> -> vector<16xi32>
    %reduce_min3A_345 = arith.xori %reduce_min3A_344, %reduce_min3A_342 : vector<16xi32>
    %reduce_min3A_346 = vector.extract %reduce_min3A_345[15] : i32 from vector<16xi32>
    %eq3A_347 = arith.constant 6 : i32
    %eq3A_348 = vector.broadcast %eq3A_347 : i32 to vector<16xi32>
    %eq3A_349 = arith.cmpi eq, %iota3A, %eq3A_348 : vector<16xi32>
    %broadcast_in_dim3A_350 = vector.broadcast %reduce_max3A_333 : f32 to vector<16xf32>
    %select_n3A_351 = arith.select %eq3A_349, %broadcast_in_dim3A_350, %select_n3A_300 : vector<16xi1>, vector<16xf32>
    %eq3A_352 = arith.constant 6 : i32
    %eq3A_353 = vector.broadcast %eq3A_352 : i32 to vector<16xi32>
    %eq3A_354 = arith.cmpi eq, %iota3A, %eq3A_353 : vector<16xi32>
    %broadcast_in_dim3A_355 = vector.broadcast %reduce_min3A_346 : i32 to vector<16xi32>
    %select_n3A_356 = arith.select %eq3A_354, %broadcast_in_dim3A_355, %select_n3A_305 : vector<16xi1>, vector<16xi32>
    %sub3A_357 = arith.subi %reduce_min3A_346, %mul3A_0 : i32
    %and3A_358 = arith.constant -16 : i32
    %and3A_359 = arith.andi %sub3A_357, %and3A_358 : i32
    %get3A_360 = arith.index_cast %and3A_359 : i32 to index
    %get3A_361 = tpu.vector_load %arg6[%get3A_360] {strides = array<i32>} : memref<6400xf32, #tpu.memory_space<vmem>>, vector<16xf32>,
    %and3A_362 = arith.constant 15 : i32
    %and3A_363 = arith.andi %sub3A_357, %and3A_362 : i32
    %eq3A_364 = vector.broadcast %and3A_363 : i32 to vector<16xi32>
    %eq3A_365 = arith.cmpi eq, %iota3A, %eq3A_364 : vector<16xi32>
    %jit3A_366 = arith.constant -1.000000e+30 : f32
    %broadcast_in_dim3A_367 = vector.broadcast %jit3A_366 : f32 to vector<16xf32>
    %select_n3A_368 = arith.select %eq3A_365, %broadcast_in_dim3A_367, %get3A_361 : vector<16xi1>, vector<16xf32>
    %swap3A_369 = arith.index_cast %and3A_359 : i32 to index
    %swap3A_370 = tpu.vector_load %arg6[%swap3A_369] {strides = array<i32>} : memref<6400xf32, #tpu.memory_space<vmem>>, vector<16xf32>,
    tpu.vector_store %arg6[%swap3A_369], %select_n3A_368 {strides = array<i32>} : memref<6400xf32, #tpu.memory_space<vmem>>, vector<16xf32>,
    %broadcast_in_dim3A_371 = arith.constant -1.000000e+30 : f32
    %broadcast_in_dim3A_372 = vector.broadcast %broadcast_in_dim3A_371 : f32 to vector<16xf32>
    %broadcast_in_dim3A_373 = arith.constant 0 : i32
    %broadcast_in_dim3A_374 = vector.broadcast %broadcast_in_dim3A_373 : i32 to vector<16xi32>
    %scan3A_375 = arith.constant 0 : i32
    %scan3A_376 = arith.constant 400 : i32
    %scan3A_377 = arith.addi %scan3A_375, %scan3A_376 : i32
    %scan3A_378 = arith.constant 1 : i32
    %scan3A_379:2 = scf.for %scan3A_544 = %scan3A_375 to %scan3A_377 step %scan3A_378 iter_args(%scan3A_545 = %broadcast_in_dim3A_372, %scan3A_546 = %broadcast_in_dim3A_374) -> (vector<16xf32>, vector<16xi32>)  : i32 {
      %mul3A_547 = arith.constant 16 : i32
      %mul3A_548 = arith.muli %scan3A_544, %mul3A_547 : i32
      %get3A_549 = arith.index_cast %mul3A_548 : i32 to index
      %get3A_550 = tpu.vector_load %arg6[%get3A_549] {strides = array<i32>} : memref<6400xf32, #tpu.memory_space<vmem>>, vector<16xf32>,
      %mul3A_551 = arith.constant 16 : i32
      %mul3A_552 = arith.muli %scan3A_544, %mul3A_551 : i32
      %add3A = arith.addi %mul3A_0, %mul3A_552 : i32
      %add3A_553 = vector.broadcast %add3A : i32 to vector<16xi32>
      %add3A_554 = arith.addi %add3A_553, %iota3A : vector<16xi32>
      %gt3A = arith.cmpf ogt, %get3A_550, %scan3A_545 : vector<16xf32>
      %select_n3A_555 = arith.select %gt3A, %get3A_550, %scan3A_545 : vector<16xi1>, vector<16xf32>
      %select_n3A_556 = arith.select %gt3A, %add3A_554, %scan3A_546 : vector<16xi1>, vector<16xi32>
      scf.yield %select_n3A_555, %select_n3A_556 : vector<16xf32>, vector<16xi32>
    }
    %scan3A_380 = arith.constant 400 : i32
    %reduce_max3A_381 = arith.constant true
    %reduce_max3A_382 = vector.broadcast %reduce_max3A_381 : i1 to vector<16xi1>
    %reduce_max3A_383 = tpu.scan <max>, %scan3A_379#0 masked %reduce_max3A_382 : vector<16xf32>, vector<16xi1> -> vector<16xf32>
    %reduce_max3A_384 = vector.extract %reduce_max3A_383[15] : f32 from vector<16xf32>
    %eq3A_385 = vector.broadcast %reduce_max3A_384 : f32 to vector<16xf32>
    %eq3A_386 = arith.cmpf oeq, %scan3A_379#0, %eq3A_385 : vector<16xf32>
    %jit3A_387 = arith.constant 2147483647 : i32
    %broadcast_in_dim3A_388 = vector.broadcast %jit3A_387 : i32 to vector<16xi32>
    %select_n3A_389 = arith.select %eq3A_386, %scan3A_379#1, %broadcast_in_dim3A_388 : vector<16xi1>, vector<16xi32>
    %reduce_min3A_390 = arith.constant true
    %reduce_min3A_391 = vector.broadcast %reduce_min3A_390 : i1 to vector<16xi1>
    %reduce_min3A_392 = arith.constant -2147483648 : i32
    %reduce_min3A_393 = vector.broadcast %reduce_min3A_392 : i32 to vector<16xi32>
    %reduce_min3A_394 = arith.xori %select_n3A_389, %reduce_min3A_393 : vector<16xi32>
    %reduce_min3A_395 = tpu.scan <min>, %reduce_min3A_394 masked %reduce_min3A_391 : vector<16xi32>, vector<16xi1> -> vector<16xi32>
    %reduce_min3A_396 = arith.xori %reduce_min3A_395, %reduce_min3A_393 : vector<16xi32>
    %reduce_min3A_397 = vector.extract %reduce_min3A_396[15] : i32 from vector<16xi32>
    %eq3A_398 = arith.constant 7 : i32
    %eq3A_399 = vector.broadcast %eq3A_398 : i32 to vector<16xi32>
    %eq3A_400 = arith.cmpi eq, %iota3A, %eq3A_399 : vector<16xi32>
    %broadcast_in_dim3A_401 = vector.broadcast %reduce_max3A_384 : f32 to vector<16xf32>
    %select_n3A_402 = arith.select %eq3A_400, %broadcast_in_dim3A_401, %select_n3A_351 : vector<16xi1>, vector<16xf32>
    %eq3A_403 = arith.constant 7 : i32
    %eq3A_404 = vector.broadcast %eq3A_403 : i32 to vector<16xi32>
    %eq3A_405 = arith.cmpi eq, %iota3A, %eq3A_404 : vector<16xi32>
    %broadcast_in_dim3A_406 = vector.broadcast %reduce_min3A_397 : i32 to vector<16xi32>
    %select_n3A_407 = arith.select %eq3A_405, %broadcast_in_dim3A_406, %select_n3A_356 : vector<16xi1>, vector<16xi32>
    %sub3A_408 = arith.subi %reduce_min3A_397, %mul3A_0 : i32
    %and3A_409 = arith.constant -16 : i32
    %and3A_410 = arith.andi %sub3A_408, %and3A_409 : i32
    %get3A_411 = arith.index_cast %and3A_410 : i32 to index
    %get3A_412 = tpu.vector_load %arg6[%get3A_411] {strides = array<i32>} : memref<6400xf32, #tpu.memory_space<vmem>>, vector<16xf32>,
    %and3A_413 = arith.constant 15 : i32
    %and3A_414 = arith.andi %sub3A_408, %and3A_413 : i32
    %eq3A_415 = vector.broadcast %and3A_414 : i32 to vector<16xi32>
    %eq3A_416 = arith.cmpi eq, %iota3A, %eq3A_415 : vector<16xi32>
    %jit3A_417 = arith.constant -1.000000e+30 : f32
    %broadcast_in_dim3A_418 = vector.broadcast %jit3A_417 : f32 to vector<16xf32>
    %select_n3A_419 = arith.select %eq3A_416, %broadcast_in_dim3A_418, %get3A_412 : vector<16xi1>, vector<16xf32>
    %swap3A_420 = arith.index_cast %and3A_410 : i32 to index
    %swap3A_421 = tpu.vector_load %arg6[%swap3A_420] {strides = array<i32>} : memref<6400xf32, #tpu.memory_space<vmem>>, vector<16xf32>,
    tpu.vector_store %arg6[%swap3A_420], %select_n3A_419 {strides = array<i32>} : memref<6400xf32, #tpu.memory_space<vmem>>, vector<16xf32>,
    %broadcast_in_dim3A_422 = arith.constant -1.000000e+30 : f32
    %broadcast_in_dim3A_423 = vector.broadcast %broadcast_in_dim3A_422 : f32 to vector<16xf32>
    %broadcast_in_dim3A_424 = arith.constant 0 : i32
    %broadcast_in_dim3A_425 = vector.broadcast %broadcast_in_dim3A_424 : i32 to vector<16xi32>
    %scan3A_426 = arith.constant 0 : i32
    %scan3A_427 = arith.constant 400 : i32
    %scan3A_428 = arith.addi %scan3A_426, %scan3A_427 : i32
    %scan3A_429 = arith.constant 1 : i32
    %scan3A_430:2 = scf.for %scan3A_544 = %scan3A_426 to %scan3A_428 step %scan3A_429 iter_args(%scan3A_545 = %broadcast_in_dim3A_423, %scan3A_546 = %broadcast_in_dim3A_425) -> (vector<16xf32>, vector<16xi32>)  : i32 {
      %mul3A_547 = arith.constant 16 : i32
      %mul3A_548 = arith.muli %scan3A_544, %mul3A_547 : i32
      %get3A_549 = arith.index_cast %mul3A_548 : i32 to index
      %get3A_550 = tpu.vector_load %arg6[%get3A_549] {strides = array<i32>} : memref<6400xf32, #tpu.memory_space<vmem>>, vector<16xf32>,
      %mul3A_551 = arith.constant 16 : i32
      %mul3A_552 = arith.muli %scan3A_544, %mul3A_551 : i32
      %add3A = arith.addi %mul3A_0, %mul3A_552 : i32
      %add3A_553 = vector.broadcast %add3A : i32 to vector<16xi32>
      %add3A_554 = arith.addi %add3A_553, %iota3A : vector<16xi32>
      %gt3A = arith.cmpf ogt, %get3A_550, %scan3A_545 : vector<16xf32>
      %select_n3A_555 = arith.select %gt3A, %get3A_550, %scan3A_545 : vector<16xi1>, vector<16xf32>
      %select_n3A_556 = arith.select %gt3A, %add3A_554, %scan3A_546 : vector<16xi1>, vector<16xi32>
      scf.yield %select_n3A_555, %select_n3A_556 : vector<16xf32>, vector<16xi32>
    }
    %scan3A_431 = arith.constant 400 : i32
    %reduce_max3A_432 = arith.constant true
    %reduce_max3A_433 = vector.broadcast %reduce_max3A_432 : i1 to vector<16xi1>
    %reduce_max3A_434 = tpu.scan <max>, %scan3A_430#0 masked %reduce_max3A_433 : vector<16xf32>, vector<16xi1> -> vector<16xf32>
    %reduce_max3A_435 = vector.extract %reduce_max3A_434[15] : f32 from vector<16xf32>
    %eq3A_436 = vector.broadcast %reduce_max3A_435 : f32 to vector<16xf32>
    %eq3A_437 = arith.cmpf oeq, %scan3A_430#0, %eq3A_436 : vector<16xf32>
    %jit3A_438 = arith.constant 2147483647 : i32
    %broadcast_in_dim3A_439 = vector.broadcast %jit3A_438 : i32 to vector<16xi32>
    %select_n3A_440 = arith.select %eq3A_437, %scan3A_430#1, %broadcast_in_dim3A_439 : vector<16xi1>, vector<16xi32>
    %reduce_min3A_441 = arith.constant true
    %reduce_min3A_442 = vector.broadcast %reduce_min3A_441 : i1 to vector<16xi1>
    %reduce_min3A_443 = arith.constant -2147483648 : i32
    %reduce_min3A_444 = vector.broadcast %reduce_min3A_443 : i32 to vector<16xi32>
    %reduce_min3A_445 = arith.xori %select_n3A_440, %reduce_min3A_444 : vector<16xi32>
    %reduce_min3A_446 = tpu.scan <min>, %reduce_min3A_445 masked %reduce_min3A_442 : vector<16xi32>, vector<16xi1> -> vector<16xi32>
    %reduce_min3A_447 = arith.xori %reduce_min3A_446, %reduce_min3A_444 : vector<16xi32>
    %reduce_min3A_448 = vector.extract %reduce_min3A_447[15] : i32 from vector<16xi32>
    %eq3A_449 = arith.constant 8 : i32
    %eq3A_450 = vector.broadcast %eq3A_449 : i32 to vector<16xi32>
    %eq3A_451 = arith.cmpi eq, %iota3A, %eq3A_450 : vector<16xi32>
    %broadcast_in_dim3A_452 = vector.broadcast %reduce_max3A_435 : f32 to vector<16xf32>
    %select_n3A_453 = arith.select %eq3A_451, %broadcast_in_dim3A_452, %select_n3A_402 : vector<16xi1>, vector<16xf32>
    %eq3A_454 = arith.constant 8 : i32
    %eq3A_455 = vector.broadcast %eq3A_454 : i32 to vector<16xi32>
    %eq3A_456 = arith.cmpi eq, %iota3A, %eq3A_455 : vector<16xi32>
    %broadcast_in_dim3A_457 = vector.broadcast %reduce_min3A_448 : i32 to vector<16xi32>
    %select_n3A_458 = arith.select %eq3A_456, %broadcast_in_dim3A_457, %select_n3A_407 : vector<16xi1>, vector<16xi32>
    %sub3A_459 = arith.subi %reduce_min3A_448, %mul3A_0 : i32
    %and3A_460 = arith.constant -16 : i32
    %and3A_461 = arith.andi %sub3A_459, %and3A_460 : i32
    %get3A_462 = arith.index_cast %and3A_461 : i32 to index
    %get3A_463 = tpu.vector_load %arg6[%get3A_462] {strides = array<i32>} : memref<6400xf32, #tpu.memory_space<vmem>>, vector<16xf32>,
    %and3A_464 = arith.constant 15 : i32
    %and3A_465 = arith.andi %sub3A_459, %and3A_464 : i32
    %eq3A_466 = vector.broadcast %and3A_465 : i32 to vector<16xi32>
    %eq3A_467 = arith.cmpi eq, %iota3A, %eq3A_466 : vector<16xi32>
    %jit3A_468 = arith.constant -1.000000e+30 : f32
    %broadcast_in_dim3A_469 = vector.broadcast %jit3A_468 : f32 to vector<16xf32>
    %select_n3A_470 = arith.select %eq3A_467, %broadcast_in_dim3A_469, %get3A_463 : vector<16xi1>, vector<16xf32>
    %swap3A_471 = arith.index_cast %and3A_461 : i32 to index
    %swap3A_472 = tpu.vector_load %arg6[%swap3A_471] {strides = array<i32>} : memref<6400xf32, #tpu.memory_space<vmem>>, vector<16xf32>,
    tpu.vector_store %arg6[%swap3A_471], %select_n3A_470 {strides = array<i32>} : memref<6400xf32, #tpu.memory_space<vmem>>, vector<16xf32>,
    %broadcast_in_dim3A_473 = arith.constant -1.000000e+30 : f32
    %broadcast_in_dim3A_474 = vector.broadcast %broadcast_in_dim3A_473 : f32 to vector<16xf32>
    %broadcast_in_dim3A_475 = arith.constant 0 : i32
    %broadcast_in_dim3A_476 = vector.broadcast %broadcast_in_dim3A_475 : i32 to vector<16xi32>
    %scan3A_477 = arith.constant 0 : i32
    %scan3A_478 = arith.constant 400 : i32
    %scan3A_479 = arith.addi %scan3A_477, %scan3A_478 : i32
    %scan3A_480 = arith.constant 1 : i32
    %scan3A_481:2 = scf.for %scan3A_544 = %scan3A_477 to %scan3A_479 step %scan3A_480 iter_args(%scan3A_545 = %broadcast_in_dim3A_474, %scan3A_546 = %broadcast_in_dim3A_476) -> (vector<16xf32>, vector<16xi32>)  : i32 {
      %mul3A_547 = arith.constant 16 : i32
      %mul3A_548 = arith.muli %scan3A_544, %mul3A_547 : i32
      %get3A_549 = arith.index_cast %mul3A_548 : i32 to index
      %get3A_550 = tpu.vector_load %arg6[%get3A_549] {strides = array<i32>} : memref<6400xf32, #tpu.memory_space<vmem>>, vector<16xf32>,
      %mul3A_551 = arith.constant 16 : i32
      %mul3A_552 = arith.muli %scan3A_544, %mul3A_551 : i32
      %add3A = arith.addi %mul3A_0, %mul3A_552 : i32
      %add3A_553 = vector.broadcast %add3A : i32 to vector<16xi32>
      %add3A_554 = arith.addi %add3A_553, %iota3A : vector<16xi32>
      %gt3A = arith.cmpf ogt, %get3A_550, %scan3A_545 : vector<16xf32>
      %select_n3A_555 = arith.select %gt3A, %get3A_550, %scan3A_545 : vector<16xi1>, vector<16xf32>
      %select_n3A_556 = arith.select %gt3A, %add3A_554, %scan3A_546 : vector<16xi1>, vector<16xi32>
      scf.yield %select_n3A_555, %select_n3A_556 : vector<16xf32>, vector<16xi32>
    }
    %scan3A_482 = arith.constant 400 : i32
    %reduce_max3A_483 = arith.constant true
    %reduce_max3A_484 = vector.broadcast %reduce_max3A_483 : i1 to vector<16xi1>
    %reduce_max3A_485 = tpu.scan <max>, %scan3A_481#0 masked %reduce_max3A_484 : vector<16xf32>, vector<16xi1> -> vector<16xf32>
    %reduce_max3A_486 = vector.extract %reduce_max3A_485[15] : f32 from vector<16xf32>
    %eq3A_487 = vector.broadcast %reduce_max3A_486 : f32 to vector<16xf32>
    %eq3A_488 = arith.cmpf oeq, %scan3A_481#0, %eq3A_487 : vector<16xf32>
    %jit3A_489 = arith.constant 2147483647 : i32
    %broadcast_in_dim3A_490 = vector.broadcast %jit3A_489 : i32 to vector<16xi32>
    %select_n3A_491 = arith.select %eq3A_488, %scan3A_481#1, %broadcast_in_dim3A_490 : vector<16xi1>, vector<16xi32>
    %reduce_min3A_492 = arith.constant true
    %reduce_min3A_493 = vector.broadcast %reduce_min3A_492 : i1 to vector<16xi1>
    %reduce_min3A_494 = arith.constant -2147483648 : i32
    %reduce_min3A_495 = vector.broadcast %reduce_min3A_494 : i32 to vector<16xi32>
    %reduce_min3A_496 = arith.xori %select_n3A_491, %reduce_min3A_495 : vector<16xi32>
    %reduce_min3A_497 = tpu.scan <min>, %reduce_min3A_496 masked %reduce_min3A_493 : vector<16xi32>, vector<16xi1> -> vector<16xi32>
    %reduce_min3A_498 = arith.xori %reduce_min3A_497, %reduce_min3A_495 : vector<16xi32>
    %reduce_min3A_499 = vector.extract %reduce_min3A_498[15] : i32 from vector<16xi32>
    %eq3A_500 = arith.constant 9 : i32
    %eq3A_501 = vector.broadcast %eq3A_500 : i32 to vector<16xi32>
    %eq3A_502 = arith.cmpi eq, %iota3A, %eq3A_501 : vector<16xi32>
    %broadcast_in_dim3A_503 = vector.broadcast %reduce_max3A_486 : f32 to vector<16xf32>
    %select_n3A_504 = arith.select %eq3A_502, %broadcast_in_dim3A_503, %select_n3A_453 : vector<16xi1>, vector<16xf32>
    %eq3A_505 = arith.constant 9 : i32
    %eq3A_506 = vector.broadcast %eq3A_505 : i32 to vector<16xi32>
    %eq3A_507 = arith.cmpi eq, %iota3A, %eq3A_506 : vector<16xi32>
    %broadcast_in_dim3A_508 = vector.broadcast %reduce_min3A_499 : i32 to vector<16xi32>
    %select_n3A_509 = arith.select %eq3A_507, %broadcast_in_dim3A_508, %select_n3A_458 : vector<16xi1>, vector<16xi32>
    %sub3A_510 = arith.subi %reduce_min3A_499, %mul3A_0 : i32
    %and3A_511 = arith.constant -16 : i32
    %and3A_512 = arith.andi %sub3A_510, %and3A_511 : i32
    %get3A_513 = arith.index_cast %and3A_512 : i32 to index
    %get3A_514 = tpu.vector_load %arg6[%get3A_513] {strides = array<i32>} : memref<6400xf32, #tpu.memory_space<vmem>>, vector<16xf32>,
    %and3A_515 = arith.constant 15 : i32
    %and3A_516 = arith.andi %sub3A_510, %and3A_515 : i32
    %eq3A_517 = vector.broadcast %and3A_516 : i32 to vector<16xi32>
    %eq3A_518 = arith.cmpi eq, %iota3A, %eq3A_517 : vector<16xi32>
    %jit3A_519 = arith.constant -1.000000e+30 : f32
    %broadcast_in_dim3A_520 = vector.broadcast %jit3A_519 : f32 to vector<16xf32>
    %select_n3A_521 = arith.select %eq3A_518, %broadcast_in_dim3A_520, %get3A_514 : vector<16xi1>, vector<16xf32>
    %swap3A_522 = arith.index_cast %and3A_512 : i32 to index
    %swap3A_523 = tpu.vector_load %arg6[%swap3A_522] {strides = array<i32>} : memref<6400xf32, #tpu.memory_space<vmem>>, vector<16xf32>,
    tpu.vector_store %arg6[%swap3A_522], %select_n3A_521 {strides = array<i32>} : memref<6400xf32, #tpu.memory_space<vmem>>, vector<16xf32>,
    %swap3A_524 = arith.constant 0 : index
    %swap3A_525 = tpu.vector_load %arg7[%swap3A_524] {strides = array<i32>} : memref<16xf32, #tpu.memory_space<vmem>>, vector<16xf32>,
    tpu.vector_store %arg7[%swap3A_524], %select_n3A_504 {strides = array<i32>} : memref<16xf32, #tpu.memory_space<vmem>>, vector<16xf32>,
    %swap3A_526 = arith.constant 0 : index
    %swap3A_527 = tpu.vector_load %arg8[%swap3A_526] {strides = array<i32>} : memref<16xi32, #tpu.memory_space<vmem>>, vector<16xi32>,
    tpu.vector_store %arg8[%swap3A_526], %select_n3A_509 {strides = array<i32>} : memref<16xi32, #tpu.memory_space<vmem>>, vector<16xi32>,
    %broadcast_in_dim3A_528 = vector.broadcast %reduce_max3A_9 : f32 to vector<16xf32>
    %swap3A_529 = arith.constant 0 : i32
    %swap3A_530 = arith.index_cast %swap3A_529 : i32 to index
    %swap3A_531 = arith.constant 0 : index
    %swap3A_532 = tpu.vector_load %arg9[%swap3A_530, %swap3A_531] {strides = array<i32>} : memref<2x16xf32, #tpu.memory_space<vmem>>, vector<16xf32>,
    tpu.vector_store %arg9[%swap3A_530, %swap3A_531], %broadcast_in_dim3A_528 {strides = array<i32>} : memref<2x16xf32, #tpu.memory_space<vmem>>, vector<16xf32>,
    %swap3A_533 = arith.constant 1 : i32
    %swap3A_534 = arith.index_cast %swap3A_533 : i32 to index
    %swap3A_535 = arith.constant 0 : index
    %swap3A_536 = tpu.vector_load %arg9[%swap3A_534, %swap3A_535] {strides = array<i32>} : memref<2x16xf32, #tpu.memory_space<vmem>>, vector<16xf32>,
    tpu.vector_store %arg9[%swap3A_534, %swap3A_535], %scan3A_16 {strides = array<i32>} : memref<2x16xf32, #tpu.memory_space<vmem>>, vector<16xf32>,
    %mul3A_537 = arith.constant 16 : i32
    %mul3A_538 = arith.muli %arg1, %mul3A_537 : i32
    "tpu.region"() ({
      %run_scoped3A = tpu.sem_alloc : memref<!tpu.dma_semaphore, #tpu.memory_space<semaphore_mem>>
      %dma_start3A = tpu.memref_slice %arg15[%mul3A_538] : memref<256xf32, #tpu.memory_space<vmem_shared>> -> memref<16xf32, #tpu.memory_space<vmem_shared>>
      %dma_start3A_544 = tpu.memref_slice %arg15[%mul3A_538] : memref<256xf32, #tpu.memory_space<vmem_shared>> -> memref<16xf32, #tpu.memory_space<vmem_shared>>
      tpu.enqueue_dma source(%arg7 : memref<16xf32, #tpu.memory_space<vmem>>) target(%dma_start3A_544 : memref<16xf32, #tpu.memory_space<vmem_shared>>) target_semaphore(%run_scoped3A : memref<!tpu.dma_semaphore, #tpu.memory_space<semaphore_mem>>)
      %dma_wait3A = tpu.memref_slice %arg15[%mul3A_538] : memref<256xf32, #tpu.memory_space<vmem_shared>> -> memref<16xf32, #tpu.memory_space<vmem_shared>>
      %dma_wait3A_545 = tpu.memref_slice %arg15[%mul3A_538] : memref<256xf32, #tpu.memory_space<vmem_shared>> -> memref<16xf32, #tpu.memory_space<vmem_shared>>
      tpu.wait_dma2 semaphore(%run_scoped3A : memref<!tpu.dma_semaphore, #tpu.memory_space<semaphore_mem>>) src(%arg7 : memref<16xf32, #tpu.memory_space<vmem>>) dst(%dma_wait3A_545 : memref<16xf32, #tpu.memory_space<vmem_shared>>)
      tpu.yield
    }) : () -> ()
    %mul3A_539 = arith.constant 16 : i32
    %mul3A_540 = arith.muli %arg1, %mul3A_539 : i32
    "tpu.region"() ({
      %run_scoped3A = tpu.sem_alloc : memref<!tpu.dma_semaphore, #tpu.memory_space<semaphore_mem>>
      %dma_start3A = tpu.memref_slice %arg16[%mul3A_540] : memref<256xi32, #tpu.memory_space<vmem_shared>> -> memref<16xi32, #tpu.memory_space<vmem_shared>>
      %dma_start3A_544 = tpu.memref_slice %arg16[%mul3A_540] : memref<256xi32, #tpu.memory_space<vmem_shared>> -> memref<16xi32, #tpu.memory_space<vmem_shared>>
      tpu.enqueue_dma source(%arg8 : memref<16xi32, #tpu.memory_space<vmem>>) target(%dma_start3A_544 : memref<16xi32, #tpu.memory_space<vmem_shared>>) target_semaphore(%run_scoped3A : memref<!tpu.dma_semaphore, #tpu.memory_space<semaphore_mem>>)
      %dma_wait3A = tpu.memref_slice %arg16[%mul3A_540] : memref<256xi32, #tpu.memory_space<vmem_shared>> -> memref<16xi32, #tpu.memory_space<vmem_shared>>
      %dma_wait3A_545 = tpu.memref_slice %arg16[%mul3A_540] : memref<256xi32, #tpu.memory_space<vmem_shared>> -> memref<16xi32, #tpu.memory_space<vmem_shared>>
      tpu.wait_dma2 semaphore(%run_scoped3A : memref<!tpu.dma_semaphore, #tpu.memory_space<semaphore_mem>>) src(%arg8 : memref<16xi32, #tpu.memory_space<vmem>>) dst(%dma_wait3A_545 : memref<16xi32, #tpu.memory_space<vmem_shared>>)
      tpu.yield
    }) : () -> ()
    "tpu.region"() ({
      %run_scoped3A = tpu.sem_alloc : memref<!tpu.dma_semaphore, #tpu.memory_space<semaphore_mem>>
      %dma_start3A = arith.constant 0 : i32
      %dma_start3A_544 = arith.constant 0 : i32
      %dma_start3A_545 = tpu.memref_slice %arg17[%arg1, %dma_start3A, %dma_start3A_544] : memref<16x2x16xf32, #tpu.memory_space<vmem_shared>> -> memref<1x2x16xf32, #tpu.memory_space<vmem_shared>>
      %dma_start3A_546 = tpu.memref_squeeze %dma_start3A_545 : memref<1x2x16xf32, #tpu.memory_space<vmem_shared>> -> memref<2x16xf32, #tpu.memory_space<vmem_shared>>
      %dma_start3A_547 = arith.constant 0 : i32
      %dma_start3A_548 = arith.constant 0 : i32
      %dma_start3A_549 = tpu.memref_slice %arg17[%arg1, %dma_start3A_547, %dma_start3A_548] : memref<16x2x16xf32, #tpu.memory_space<vmem_shared>> -> memref<1x2x16xf32, #tpu.memory_space<vmem_shared>>
      %dma_start3A_550 = tpu.memref_squeeze %dma_start3A_549 : memref<1x2x16xf32, #tpu.memory_space<vmem_shared>> -> memref<2x16xf32, #tpu.memory_space<vmem_shared>>
      tpu.enqueue_dma source(%arg9 : memref<2x16xf32, #tpu.memory_space<vmem>>) target(%dma_start3A_550 : memref<2x16xf32, #tpu.memory_space<vmem_shared>>) target_semaphore(%run_scoped3A : memref<!tpu.dma_semaphore, #tpu.memory_space<semaphore_mem>>)
      %dma_wait3A = arith.constant 0 : i32
      %dma_wait3A_551 = arith.constant 0 : i32
      %dma_wait3A_552 = tpu.memref_slice %arg17[%arg1, %dma_wait3A, %dma_wait3A_551] : memref<16x2x16xf32, #tpu.memory_space<vmem_shared>> -> memref<1x2x16xf32, #tpu.memory_space<vmem_shared>>
      %dma_wait3A_553 = tpu.memref_squeeze %dma_wait3A_552 : memref<1x2x16xf32, #tpu.memory_space<vmem_shared>> -> memref<2x16xf32, #tpu.memory_space<vmem_shared>>
      %dma_wait3A_554 = arith.constant 0 : i32
      %dma_wait3A_555 = arith.constant 0 : i32
      %dma_wait3A_556 = tpu.memref_slice %arg17[%arg1, %dma_wait3A_554, %dma_wait3A_555] : memref<16x2x16xf32, #tpu.memory_space<vmem_shared>> -> memref<1x2x16xf32, #tpu.memory_space<vmem_shared>>
      %dma_wait3A_557 = tpu.memref_squeeze %dma_wait3A_556 : memref<1x2x16xf32, #tpu.memory_space<vmem_shared>> -> memref<2x16xf32, #tpu.memory_space<vmem_shared>>
      tpu.wait_dma2 semaphore(%run_scoped3A : memref<!tpu.dma_semaphore, #tpu.memory_space<semaphore_mem>>) src(%arg9 : memref<2x16xf32, #tpu.memory_space<vmem>>) dst(%dma_wait3A_557 : memref<2x16xf32, #tpu.memory_space<vmem_shared>>)
      tpu.yield
    }) : () -> ()
    %barrier3A = arith.constant 0 : index
    tpu.barrier barrier_id(%barrier3A)
    %eq3A_541 = arith.constant 0 : i32
    %eq3A_542 = arith.cmpi eq, %arg1, %eq3A_541 : i32
    %convert_element_type3A = arith.extui %eq3A_542 : i1 to i32
    %cond3A = arith.constant 0 : i32
    %cond3A_543 = arith.cmpi ne, %convert_element_type3A, %cond3A : i32
    scf.if %cond3A_543 {
      "tpu.region"() ({
        %run_scoped3A = tpu.sem_alloc : memref<!tpu.dma_semaphore, #tpu.memory_space<semaphore_mem>>
        tpu.enqueue_dma source(%arg15 : memref<256xf32, #tpu.memory_space<vmem_shared>>) target(%arg10 : memref<256xf32, #tpu.memory_space<vmem>>) target_semaphore(%run_scoped3A : memref<!tpu.dma_semaphore, #tpu.memory_space<semaphore_mem>>)
        tpu.wait_dma2 semaphore(%run_scoped3A : memref<!tpu.dma_semaphore, #tpu.memory_space<semaphore_mem>>) src(%arg15 : memref<256xf32, #tpu.memory_space<vmem_shared>>) dst(%arg10 : memref<256xf32, #tpu.memory_space<vmem>>)
        tpu.yield
      }) : () -> ()
      "tpu.region"() ({
        %run_scoped3A = tpu.sem_alloc : memref<!tpu.dma_semaphore, #tpu.memory_space<semaphore_mem>>
        tpu.enqueue_dma source(%arg16 : memref<256xi32, #tpu.memory_space<vmem_shared>>) target(%arg11 : memref<256xi32, #tpu.memory_space<vmem>>) target_semaphore(%run_scoped3A : memref<!tpu.dma_semaphore, #tpu.memory_space<semaphore_mem>>)
        tpu.wait_dma2 semaphore(%run_scoped3A : memref<!tpu.dma_semaphore, #tpu.memory_space<semaphore_mem>>) src(%arg16 : memref<256xi32, #tpu.memory_space<vmem_shared>>) dst(%arg11 : memref<256xi32, #tpu.memory_space<vmem>>)
        tpu.yield
      }) : () -> ()
      "tpu.region"() ({
        %run_scoped3A = tpu.sem_alloc : memref<!tpu.dma_semaphore, #tpu.memory_space<semaphore_mem>>
        tpu.enqueue_dma source(%arg17 : memref<16x2x16xf32, #tpu.memory_space<vmem_shared>>) target(%arg12 : memref<16x2x16xf32, #tpu.memory_space<vmem>>) target_semaphore(%run_scoped3A : memref<!tpu.dma_semaphore, #tpu.memory_space<semaphore_mem>>)
        tpu.wait_dma2 semaphore(%run_scoped3A : memref<!tpu.dma_semaphore, #tpu.memory_space<semaphore_mem>>) src(%arg17 : memref<16x2x16xf32, #tpu.memory_space<vmem_shared>>) dst(%arg12 : memref<16x2x16xf32, #tpu.memory_space<vmem>>)
        tpu.yield
      }) : () -> ()
      %broadcast_in_dim3A_544 = arith.constant -1.000000e+30 : f32
      %broadcast_in_dim3A_545 = vector.broadcast %broadcast_in_dim3A_544 : f32 to vector<16xf32>
      %get3A_546 = arith.constant 0 : i32
      %get3A_547 = arith.constant 0 : i32
      %get3A_548 = arith.index_cast %get3A_546 : i32 to index
      %get3A_549 = arith.index_cast %get3A_547 : i32 to index
      %get3A_550 = arith.constant 0 : index
      %get3A_551 = tpu.vector_load %arg12[%get3A_548, %get3A_549, %get3A_550] {strides = array<i32>} : memref<16x2x16xf32, #tpu.memory_space<vmem>>, vector<16xf32>,
      %max3A = arith.maximumf %broadcast_in_dim3A_545, %get3A_551 : vector<16xf32>
      %get3A_552 = arith.constant 1 : i32
      %get3A_553 = arith.constant 0 : i32
      %get3A_554 = arith.index_cast %get3A_552 : i32 to index
      %get3A_555 = arith.index_cast %get3A_553 : i32 to index
      %get3A_556 = arith.constant 0 : index
      %get3A_557 = tpu.vector_load %arg12[%get3A_554, %get3A_555, %get3A_556] {strides = array<i32>} : memref<16x2x16xf32, #tpu.memory_space<vmem>>, vector<16xf32>,
      %max3A_558 = arith.maximumf %max3A, %get3A_557 : vector<16xf32>
      %get3A_559 = arith.constant 2 : i32
      %get3A_560 = arith.constant 0 : i32
      %get3A_561 = arith.index_cast %get3A_559 : i32 to index
      %get3A_562 = arith.index_cast %get3A_560 : i32 to index
      %get3A_563 = arith.constant 0 : index
      %get3A_564 = tpu.vector_load %arg12[%get3A_561, %get3A_562, %get3A_563] {strides = array<i32>} : memref<16x2x16xf32, #tpu.memory_space<vmem>>, vector<16xf32>,
      %max3A_565 = arith.maximumf %max3A_558, %get3A_564 : vector<16xf32>
      %get3A_566 = arith.constant 3 : i32
      %get3A_567 = arith.constant 0 : i32
      %get3A_568 = arith.index_cast %get3A_566 : i32 to index
      %get3A_569 = arith.index_cast %get3A_567 : i32 to index
      %get3A_570 = arith.constant 0 : index
      %get3A_571 = tpu.vector_load %arg12[%get3A_568, %get3A_569, %get3A_570] {strides = array<i32>} : memref<16x2x16xf32, #tpu.memory_space<vmem>>, vector<16xf32>,
      %max3A_572 = arith.maximumf %max3A_565, %get3A_571 : vector<16xf32>
      %get3A_573 = arith.constant 4 : i32
      %get3A_574 = arith.constant 0 : i32
      %get3A_575 = arith.index_cast %get3A_573 : i32 to index
      %get3A_576 = arith.index_cast %get3A_574 : i32 to index
      %get3A_577 = arith.constant 0 : index
      %get3A_578 = tpu.vector_load %arg12[%get3A_575, %get3A_576, %get3A_577] {strides = array<i32>} : memref<16x2x16xf32, #tpu.memory_space<vmem>>, vector<16xf32>,
      %max3A_579 = arith.maximumf %max3A_572, %get3A_578 : vector<16xf32>
      %get3A_580 = arith.constant 5 : i32
      %get3A_581 = arith.constant 0 : i32
      %get3A_582 = arith.index_cast %get3A_580 : i32 to index
      %get3A_583 = arith.index_cast %get3A_581 : i32 to index
      %get3A_584 = arith.constant 0 : index
      %get3A_585 = tpu.vector_load %arg12[%get3A_582, %get3A_583, %get3A_584] {strides = array<i32>} : memref<16x2x16xf32, #tpu.memory_space<vmem>>, vector<16xf32>,
      %max3A_586 = arith.maximumf %max3A_579, %get3A_585 : vector<16xf32>
      %get3A_587 = arith.constant 6 : i32
      %get3A_588 = arith.constant 0 : i32
      %get3A_589 = arith.index_cast %get3A_587 : i32 to index
      %get3A_590 = arith.index_cast %get3A_588 : i32 to index
      %get3A_591 = arith.constant 0 : index
      %get3A_592 = tpu.vector_load %arg12[%get3A_589, %get3A_590, %get3A_591] {strides = array<i32>} : memref<16x2x16xf32, #tpu.memory_space<vmem>>, vector<16xf32>,
      %max3A_593 = arith.maximumf %max3A_586, %get3A_592 : vector<16xf32>
      %get3A_594 = arith.constant 7 : i32
      %get3A_595 = arith.constant 0 : i32
      %get3A_596 = arith.index_cast %get3A_594 : i32 to index
      %get3A_597 = arith.index_cast %get3A_595 : i32 to index
      %get3A_598 = arith.constant 0 : index
      %get3A_599 = tpu.vector_load %arg12[%get3A_596, %get3A_597, %get3A_598] {strides = array<i32>} : memref<16x2x16xf32, #tpu.memory_space<vmem>>, vector<16xf32>,
      %max3A_600 = arith.maximumf %max3A_593, %get3A_599 : vector<16xf32>
      %get3A_601 = arith.constant 8 : i32
      %get3A_602 = arith.constant 0 : i32
      %get3A_603 = arith.index_cast %get3A_601 : i32 to index
      %get3A_604 = arith.index_cast %get3A_602 : i32 to index
      %get3A_605 = arith.constant 0 : index
      %get3A_606 = tpu.vector_load %arg12[%get3A_603, %get3A_604, %get3A_605] {strides = array<i32>} : memref<16x2x16xf32, #tpu.memory_space<vmem>>, vector<16xf32>,
      %max3A_607 = arith.maximumf %max3A_600, %get3A_606 : vector<16xf32>
      %get3A_608 = arith.constant 9 : i32
      %get3A_609 = arith.constant 0 : i32
      %get3A_610 = arith.index_cast %get3A_608 : i32 to index
      %get3A_611 = arith.index_cast %get3A_609 : i32 to index
      %get3A_612 = arith.constant 0 : index
      %get3A_613 = tpu.vector_load %arg12[%get3A_610, %get3A_611, %get3A_612] {strides = array<i32>} : memref<16x2x16xf32, #tpu.memory_space<vmem>>, vector<16xf32>,
      %max3A_614 = arith.maximumf %max3A_607, %get3A_613 : vector<16xf32>
      %get3A_615 = arith.constant 10 : i32
      %get3A_616 = arith.constant 0 : i32
      %get3A_617 = arith.index_cast %get3A_615 : i32 to index
      %get3A_618 = arith.index_cast %get3A_616 : i32 to index
      %get3A_619 = arith.constant 0 : index
      %get3A_620 = tpu.vector_load %arg12[%get3A_617, %get3A_618, %get3A_619] {strides = array<i32>} : memref<16x2x16xf32, #tpu.memory_space<vmem>>, vector<16xf32>,
      %max3A_621 = arith.maximumf %max3A_614, %get3A_620 : vector<16xf32>
      %get3A_622 = arith.constant 11 : i32
      %get3A_623 = arith.constant 0 : i32
      %get3A_624 = arith.index_cast %get3A_622 : i32 to index
      %get3A_625 = arith.index_cast %get3A_623 : i32 to index
      %get3A_626 = arith.constant 0 : index
      %get3A_627 = tpu.vector_load %arg12[%get3A_624, %get3A_625, %get3A_626] {strides = array<i32>} : memref<16x2x16xf32, #tpu.memory_space<vmem>>, vector<16xf32>,
      %max3A_628 = arith.maximumf %max3A_621, %get3A_627 : vector<16xf32>
      %get3A_629 = arith.constant 12 : i32
      %get3A_630 = arith.constant 0 : i32
      %get3A_631 = arith.index_cast %get3A_629 : i32 to index
      %get3A_632 = arith.index_cast %get3A_630 : i32 to index
      %get3A_633 = arith.constant 0 : index
      %get3A_634 = tpu.vector_load %arg12[%get3A_631, %get3A_632, %get3A_633] {strides = array<i32>} : memref<16x2x16xf32, #tpu.memory_space<vmem>>, vector<16xf32>,
      %max3A_635 = arith.maximumf %max3A_628, %get3A_634 : vector<16xf32>
      %get3A_636 = arith.constant 13 : i32
      %get3A_637 = arith.constant 0 : i32
      %get3A_638 = arith.index_cast %get3A_636 : i32 to index
      %get3A_639 = arith.index_cast %get3A_637 : i32 to index
      %get3A_640 = arith.constant 0 : index
      %get3A_641 = tpu.vector_load %arg12[%get3A_638, %get3A_639, %get3A_640] {strides = array<i32>} : memref<16x2x16xf32, #tpu.memory_space<vmem>>, vector<16xf32>,
      %max3A_642 = arith.maximumf %max3A_635, %get3A_641 : vector<16xf32>
      %get3A_643 = arith.constant 14 : i32
      %get3A_644 = arith.constant 0 : i32
      %get3A_645 = arith.index_cast %get3A_643 : i32 to index
      %get3A_646 = arith.index_cast %get3A_644 : i32 to index
      %get3A_647 = arith.constant 0 : index
      %get3A_648 = tpu.vector_load %arg12[%get3A_645, %get3A_646, %get3A_647] {strides = array<i32>} : memref<16x2x16xf32, #tpu.memory_space<vmem>>, vector<16xf32>,
      %max3A_649 = arith.maximumf %max3A_642, %get3A_648 : vector<16xf32>
      %get3A_650 = arith.constant 15 : i32
      %get3A_651 = arith.constant 0 : i32
      %get3A_652 = arith.index_cast %get3A_650 : i32 to index
      %get3A_653 = arith.index_cast %get3A_651 : i32 to index
      %get3A_654 = arith.constant 0 : index
      %get3A_655 = tpu.vector_load %arg12[%get3A_652, %get3A_653, %get3A_654] {strides = array<i32>} : memref<16x2x16xf32, #tpu.memory_space<vmem>>, vector<16xf32>,
      %max3A_656 = arith.maximumf %max3A_649, %get3A_655 : vector<16xf32>
      %broadcast_in_dim3A_657 = arith.constant 0.000000e+00 : f32
      %broadcast_in_dim3A_658 = vector.broadcast %broadcast_in_dim3A_657 : f32 to vector<16xf32>
      %get3A_659 = arith.constant 0 : i32
      %get3A_660 = arith.constant 1 : i32
      %get3A_661 = arith.index_cast %get3A_659 : i32 to index
      %get3A_662 = arith.index_cast %get3A_660 : i32 to index
      %get3A_663 = arith.constant 0 : index
      %get3A_664 = tpu.vector_load %arg12[%get3A_661, %get3A_662, %get3A_663] {strides = array<i32>} : memref<16x2x16xf32, #tpu.memory_space<vmem>>, vector<16xf32>,
      %get3A_665 = arith.constant 0 : i32
      %get3A_666 = arith.constant 0 : i32
      %get3A_667 = arith.index_cast %get3A_665 : i32 to index
      %get3A_668 = arith.index_cast %get3A_666 : i32 to index
      %get3A_669 = arith.constant 0 : index
      %get3A_670 = tpu.vector_load %arg12[%get3A_667, %get3A_668, %get3A_669] {strides = array<i32>} : memref<16x2x16xf32, #tpu.memory_space<vmem>>, vector<16xf32>,
      %sub3A_671 = arith.subf %get3A_670, %max3A_656 : vector<16xf32>
      %exp3A = math.exp %sub3A_671 : vector<16xf32>
      %mul3A_672 = arith.mulf %get3A_664, %exp3A : vector<16xf32>
      %add3A = arith.addf %broadcast_in_dim3A_658, %mul3A_672 : vector<16xf32>
      %get3A_673 = arith.constant 1 : i32
      %get3A_674 = arith.constant 1 : i32
      %get3A_675 = arith.index_cast %get3A_673 : i32 to index
      %get3A_676 = arith.index_cast %get3A_674 : i32 to index
      %get3A_677 = arith.constant 0 : index
      %get3A_678 = tpu.vector_load %arg12[%get3A_675, %get3A_676, %get3A_677] {strides = array<i32>} : memref<16x2x16xf32, #tpu.memory_space<vmem>>, vector<16xf32>,
      %get3A_679 = arith.constant 1 : i32
      %get3A_680 = arith.constant 0 : i32
      %get3A_681 = arith.index_cast %get3A_679 : i32 to index
      %get3A_682 = arith.index_cast %get3A_680 : i32 to index
      %get3A_683 = arith.constant 0 : index
      %get3A_684 = tpu.vector_load %arg12[%get3A_681, %get3A_682, %get3A_683] {strides = array<i32>} : memref<16x2x16xf32, #tpu.memory_space<vmem>>, vector<16xf32>,
      %sub3A_685 = arith.subf %get3A_684, %max3A_656 : vector<16xf32>
      %exp3A_686 = math.exp %sub3A_685 : vector<16xf32>
      %mul3A_687 = arith.mulf %get3A_678, %exp3A_686 : vector<16xf32>
      %add3A_688 = arith.addf %add3A, %mul3A_687 : vector<16xf32>
      %get3A_689 = arith.constant 2 : i32
      %get3A_690 = arith.constant 1 : i32
      %get3A_691 = arith.index_cast %get3A_689 : i32 to index
      %get3A_692 = arith.index_cast %get3A_690 : i32 to index
      %get3A_693 = arith.constant 0 : index
      %get3A_694 = tpu.vector_load %arg12[%get3A_691, %get3A_692, %get3A_693] {strides = array<i32>} : memref<16x2x16xf32, #tpu.memory_space<vmem>>, vector<16xf32>,
      %get3A_695 = arith.constant 2 : i32
      %get3A_696 = arith.constant 0 : i32
      %get3A_697 = arith.index_cast %get3A_695 : i32 to index
      %get3A_698 = arith.index_cast %get3A_696 : i32 to index
      %get3A_699 = arith.constant 0 : index
      %get3A_700 = tpu.vector_load %arg12[%get3A_697, %get3A_698, %get3A_699] {strides = array<i32>} : memref<16x2x16xf32, #tpu.memory_space<vmem>>, vector<16xf32>,
      %sub3A_701 = arith.subf %get3A_700, %max3A_656 : vector<16xf32>
      %exp3A_702 = math.exp %sub3A_701 : vector<16xf32>
      %mul3A_703 = arith.mulf %get3A_694, %exp3A_702 : vector<16xf32>
      %add3A_704 = arith.addf %add3A_688, %mul3A_703 : vector<16xf32>
      %get3A_705 = arith.constant 3 : i32
      %get3A_706 = arith.constant 1 : i32
      %get3A_707 = arith.index_cast %get3A_705 : i32 to index
      %get3A_708 = arith.index_cast %get3A_706 : i32 to index
      %get3A_709 = arith.constant 0 : index
      %get3A_710 = tpu.vector_load %arg12[%get3A_707, %get3A_708, %get3A_709] {strides = array<i32>} : memref<16x2x16xf32, #tpu.memory_space<vmem>>, vector<16xf32>,
      %get3A_711 = arith.constant 3 : i32
      %get3A_712 = arith.constant 0 : i32
      %get3A_713 = arith.index_cast %get3A_711 : i32 to index
      %get3A_714 = arith.index_cast %get3A_712 : i32 to index
      %get3A_715 = arith.constant 0 : index
      %get3A_716 = tpu.vector_load %arg12[%get3A_713, %get3A_714, %get3A_715] {strides = array<i32>} : memref<16x2x16xf32, #tpu.memory_space<vmem>>, vector<16xf32>,
      %sub3A_717 = arith.subf %get3A_716, %max3A_656 : vector<16xf32>
      %exp3A_718 = math.exp %sub3A_717 : vector<16xf32>
      %mul3A_719 = arith.mulf %get3A_710, %exp3A_718 : vector<16xf32>
      %add3A_720 = arith.addf %add3A_704, %mul3A_719 : vector<16xf32>
      %get3A_721 = arith.constant 4 : i32
      %get3A_722 = arith.constant 1 : i32
      %get3A_723 = arith.index_cast %get3A_721 : i32 to index
      %get3A_724 = arith.index_cast %get3A_722 : i32 to index
      %get3A_725 = arith.constant 0 : index
      %get3A_726 = tpu.vector_load %arg12[%get3A_723, %get3A_724, %get3A_725] {strides = array<i32>} : memref<16x2x16xf32, #tpu.memory_space<vmem>>, vector<16xf32>,
      %get3A_727 = arith.constant 4 : i32
      %get3A_728 = arith.constant 0 : i32
      %get3A_729 = arith.index_cast %get3A_727 : i32 to index
      %get3A_730 = arith.index_cast %get3A_728 : i32 to index
      %get3A_731 = arith.constant 0 : index
      %get3A_732 = tpu.vector_load %arg12[%get3A_729, %get3A_730, %get3A_731] {strides = array<i32>} : memref<16x2x16xf32, #tpu.memory_space<vmem>>, vector<16xf32>,
      %sub3A_733 = arith.subf %get3A_732, %max3A_656 : vector<16xf32>
      %exp3A_734 = math.exp %sub3A_733 : vector<16xf32>
      %mul3A_735 = arith.mulf %get3A_726, %exp3A_734 : vector<16xf32>
      %add3A_736 = arith.addf %add3A_720, %mul3A_735 : vector<16xf32>
      %get3A_737 = arith.constant 5 : i32
      %get3A_738 = arith.constant 1 : i32
      %get3A_739 = arith.index_cast %get3A_737 : i32 to index
      %get3A_740 = arith.index_cast %get3A_738 : i32 to index
      %get3A_741 = arith.constant 0 : index
      %get3A_742 = tpu.vector_load %arg12[%get3A_739, %get3A_740, %get3A_741] {strides = array<i32>} : memref<16x2x16xf32, #tpu.memory_space<vmem>>, vector<16xf32>,
      %get3A_743 = arith.constant 5 : i32
      %get3A_744 = arith.constant 0 : i32
      %get3A_745 = arith.index_cast %get3A_743 : i32 to index
      %get3A_746 = arith.index_cast %get3A_744 : i32 to index
      %get3A_747 = arith.constant 0 : index
      %get3A_748 = tpu.vector_load %arg12[%get3A_745, %get3A_746, %get3A_747] {strides = array<i32>} : memref<16x2x16xf32, #tpu.memory_space<vmem>>, vector<16xf32>,
      %sub3A_749 = arith.subf %get3A_748, %max3A_656 : vector<16xf32>
      %exp3A_750 = math.exp %sub3A_749 : vector<16xf32>
      %mul3A_751 = arith.mulf %get3A_742, %exp3A_750 : vector<16xf32>
      %add3A_752 = arith.addf %add3A_736, %mul3A_751 : vector<16xf32>
      %get3A_753 = arith.constant 6 : i32
      %get3A_754 = arith.constant 1 : i32
      %get3A_755 = arith.index_cast %get3A_753 : i32 to index
      %get3A_756 = arith.index_cast %get3A_754 : i32 to index
      %get3A_757 = arith.constant 0 : index
      %get3A_758 = tpu.vector_load %arg12[%get3A_755, %get3A_756, %get3A_757] {strides = array<i32>} : memref<16x2x16xf32, #tpu.memory_space<vmem>>, vector<16xf32>,
      %get3A_759 = arith.constant 6 : i32
      %get3A_760 = arith.constant 0 : i32
      %get3A_761 = arith.index_cast %get3A_759 : i32 to index
      %get3A_762 = arith.index_cast %get3A_760 : i32 to index
      %get3A_763 = arith.constant 0 : index
      %get3A_764 = tpu.vector_load %arg12[%get3A_761, %get3A_762, %get3A_763] {strides = array<i32>} : memref<16x2x16xf32, #tpu.memory_space<vmem>>, vector<16xf32>,
      %sub3A_765 = arith.subf %get3A_764, %max3A_656 : vector<16xf32>
      %exp3A_766 = math.exp %sub3A_765 : vector<16xf32>
      %mul3A_767 = arith.mulf %get3A_758, %exp3A_766 : vector<16xf32>
      %add3A_768 = arith.addf %add3A_752, %mul3A_767 : vector<16xf32>
      %get3A_769 = arith.constant 7 : i32
      %get3A_770 = arith.constant 1 : i32
      %get3A_771 = arith.index_cast %get3A_769 : i32 to index
      %get3A_772 = arith.index_cast %get3A_770 : i32 to index
      %get3A_773 = arith.constant 0 : index
      %get3A_774 = tpu.vector_load %arg12[%get3A_771, %get3A_772, %get3A_773] {strides = array<i32>} : memref<16x2x16xf32, #tpu.memory_space<vmem>>, vector<16xf32>,
      %get3A_775 = arith.constant 7 : i32
      %get3A_776 = arith.constant 0 : i32
      %get3A_777 = arith.index_cast %get3A_775 : i32 to index
      %get3A_778 = arith.index_cast %get3A_776 : i32 to index
      %get3A_779 = arith.constant 0 : index
      %get3A_780 = tpu.vector_load %arg12[%get3A_777, %get3A_778, %get3A_779] {strides = array<i32>} : memref<16x2x16xf32, #tpu.memory_space<vmem>>, vector<16xf32>,
      %sub3A_781 = arith.subf %get3A_780, %max3A_656 : vector<16xf32>
      %exp3A_782 = math.exp %sub3A_781 : vector<16xf32>
      %mul3A_783 = arith.mulf %get3A_774, %exp3A_782 : vector<16xf32>
      %add3A_784 = arith.addf %add3A_768, %mul3A_783 : vector<16xf32>
      %get3A_785 = arith.constant 8 : i32
      %get3A_786 = arith.constant 1 : i32
      %get3A_787 = arith.index_cast %get3A_785 : i32 to index
      %get3A_788 = arith.index_cast %get3A_786 : i32 to index
      %get3A_789 = arith.constant 0 : index
      %get3A_790 = tpu.vector_load %arg12[%get3A_787, %get3A_788, %get3A_789] {strides = array<i32>} : memref<16x2x16xf32, #tpu.memory_space<vmem>>, vector<16xf32>,
      %get3A_791 = arith.constant 8 : i32
      %get3A_792 = arith.constant 0 : i32
      %get3A_793 = arith.index_cast %get3A_791 : i32 to index
      %get3A_794 = arith.index_cast %get3A_792 : i32 to index
      %get3A_795 = arith.constant 0 : index
      %get3A_796 = tpu.vector_load %arg12[%get3A_793, %get3A_794, %get3A_795] {strides = array<i32>} : memref<16x2x16xf32, #tpu.memory_space<vmem>>, vector<16xf32>,
      %sub3A_797 = arith.subf %get3A_796, %max3A_656 : vector<16xf32>
      %exp3A_798 = math.exp %sub3A_797 : vector<16xf32>
      %mul3A_799 = arith.mulf %get3A_790, %exp3A_798 : vector<16xf32>
      %add3A_800 = arith.addf %add3A_784, %mul3A_799 : vector<16xf32>
      %get3A_801 = arith.constant 9 : i32
      %get3A_802 = arith.constant 1 : i32
      %get3A_803 = arith.index_cast %get3A_801 : i32 to index
      %get3A_804 = arith.index_cast %get3A_802 : i32 to index
      %get3A_805 = arith.constant 0 : index
      %get3A_806 = tpu.vector_load %arg12[%get3A_803, %get3A_804, %get3A_805] {strides = array<i32>} : memref<16x2x16xf32, #tpu.memory_space<vmem>>, vector<16xf32>,
      %get3A_807 = arith.constant 9 : i32
      %get3A_808 = arith.constant 0 : i32
      %get3A_809 = arith.index_cast %get3A_807 : i32 to index
      %get3A_810 = arith.index_cast %get3A_808 : i32 to index
      %get3A_811 = arith.constant 0 : index
      %get3A_812 = tpu.vector_load %arg12[%get3A_809, %get3A_810, %get3A_811] {strides = array<i32>} : memref<16x2x16xf32, #tpu.memory_space<vmem>>, vector<16xf32>,
      %sub3A_813 = arith.subf %get3A_812, %max3A_656 : vector<16xf32>
      %exp3A_814 = math.exp %sub3A_813 : vector<16xf32>
      %mul3A_815 = arith.mulf %get3A_806, %exp3A_814 : vector<16xf32>
      %add3A_816 = arith.addf %add3A_800, %mul3A_815 : vector<16xf32>
      %get3A_817 = arith.constant 10 : i32
      %get3A_818 = arith.constant 1 : i32
      %get3A_819 = arith.index_cast %get3A_817 : i32 to index
      %get3A_820 = arith.index_cast %get3A_818 : i32 to index
      %get3A_821 = arith.constant 0 : index
      %get3A_822 = tpu.vector_load %arg12[%get3A_819, %get3A_820, %get3A_821] {strides = array<i32>} : memref<16x2x16xf32, #tpu.memory_space<vmem>>, vector<16xf32>,
      %get3A_823 = arith.constant 10 : i32
      %get3A_824 = arith.constant 0 : i32
      %get3A_825 = arith.index_cast %get3A_823 : i32 to index
      %get3A_826 = arith.index_cast %get3A_824 : i32 to index
      %get3A_827 = arith.constant 0 : index
      %get3A_828 = tpu.vector_load %arg12[%get3A_825, %get3A_826, %get3A_827] {strides = array<i32>} : memref<16x2x16xf32, #tpu.memory_space<vmem>>, vector<16xf32>,
      %sub3A_829 = arith.subf %get3A_828, %max3A_656 : vector<16xf32>
      %exp3A_830 = math.exp %sub3A_829 : vector<16xf32>
      %mul3A_831 = arith.mulf %get3A_822, %exp3A_830 : vector<16xf32>
      %add3A_832 = arith.addf %add3A_816, %mul3A_831 : vector<16xf32>
      %get3A_833 = arith.constant 11 : i32
      %get3A_834 = arith.constant 1 : i32
      %get3A_835 = arith.index_cast %get3A_833 : i32 to index
      %get3A_836 = arith.index_cast %get3A_834 : i32 to index
      %get3A_837 = arith.constant 0 : index
      %get3A_838 = tpu.vector_load %arg12[%get3A_835, %get3A_836, %get3A_837] {strides = array<i32>} : memref<16x2x16xf32, #tpu.memory_space<vmem>>, vector<16xf32>,
      %get3A_839 = arith.constant 11 : i32
      %get3A_840 = arith.constant 0 : i32
      %get3A_841 = arith.index_cast %get3A_839 : i32 to index
      %get3A_842 = arith.index_cast %get3A_840 : i32 to index
      %get3A_843 = arith.constant 0 : index
      %get3A_844 = tpu.vector_load %arg12[%get3A_841, %get3A_842, %get3A_843] {strides = array<i32>} : memref<16x2x16xf32, #tpu.memory_space<vmem>>, vector<16xf32>,
      %sub3A_845 = arith.subf %get3A_844, %max3A_656 : vector<16xf32>
      %exp3A_846 = math.exp %sub3A_845 : vector<16xf32>
      %mul3A_847 = arith.mulf %get3A_838, %exp3A_846 : vector<16xf32>
      %add3A_848 = arith.addf %add3A_832, %mul3A_847 : vector<16xf32>
      %get3A_849 = arith.constant 12 : i32
      %get3A_850 = arith.constant 1 : i32
      %get3A_851 = arith.index_cast %get3A_849 : i32 to index
      %get3A_852 = arith.index_cast %get3A_850 : i32 to index
      %get3A_853 = arith.constant 0 : index
      %get3A_854 = tpu.vector_load %arg12[%get3A_851, %get3A_852, %get3A_853] {strides = array<i32>} : memref<16x2x16xf32, #tpu.memory_space<vmem>>, vector<16xf32>,
      %get3A_855 = arith.constant 12 : i32
      %get3A_856 = arith.constant 0 : i32
      %get3A_857 = arith.index_cast %get3A_855 : i32 to index
      %get3A_858 = arith.index_cast %get3A_856 : i32 to index
      %get3A_859 = arith.constant 0 : index
      %get3A_860 = tpu.vector_load %arg12[%get3A_857, %get3A_858, %get3A_859] {strides = array<i32>} : memref<16x2x16xf32, #tpu.memory_space<vmem>>, vector<16xf32>,
      %sub3A_861 = arith.subf %get3A_860, %max3A_656 : vector<16xf32>
      %exp3A_862 = math.exp %sub3A_861 : vector<16xf32>
      %mul3A_863 = arith.mulf %get3A_854, %exp3A_862 : vector<16xf32>
      %add3A_864 = arith.addf %add3A_848, %mul3A_863 : vector<16xf32>
      %get3A_865 = arith.constant 13 : i32
      %get3A_866 = arith.constant 1 : i32
      %get3A_867 = arith.index_cast %get3A_865 : i32 to index
      %get3A_868 = arith.index_cast %get3A_866 : i32 to index
      %get3A_869 = arith.constant 0 : index
      %get3A_870 = tpu.vector_load %arg12[%get3A_867, %get3A_868, %get3A_869] {strides = array<i32>} : memref<16x2x16xf32, #tpu.memory_space<vmem>>, vector<16xf32>,
      %get3A_871 = arith.constant 13 : i32
      %get3A_872 = arith.constant 0 : i32
      %get3A_873 = arith.index_cast %get3A_871 : i32 to index
      %get3A_874 = arith.index_cast %get3A_872 : i32 to index
      %get3A_875 = arith.constant 0 : index
      %get3A_876 = tpu.vector_load %arg12[%get3A_873, %get3A_874, %get3A_875] {strides = array<i32>} : memref<16x2x16xf32, #tpu.memory_space<vmem>>, vector<16xf32>,
      %sub3A_877 = arith.subf %get3A_876, %max3A_656 : vector<16xf32>
      %exp3A_878 = math.exp %sub3A_877 : vector<16xf32>
      %mul3A_879 = arith.mulf %get3A_870, %exp3A_878 : vector<16xf32>
      %add3A_880 = arith.addf %add3A_864, %mul3A_879 : vector<16xf32>
      %get3A_881 = arith.constant 14 : i32
      %get3A_882 = arith.constant 1 : i32
      %get3A_883 = arith.index_cast %get3A_881 : i32 to index
      %get3A_884 = arith.index_cast %get3A_882 : i32 to index
      %get3A_885 = arith.constant 0 : index
      %get3A_886 = tpu.vector_load %arg12[%get3A_883, %get3A_884, %get3A_885] {strides = array<i32>} : memref<16x2x16xf32, #tpu.memory_space<vmem>>, vector<16xf32>,
      %get3A_887 = arith.constant 14 : i32
      %get3A_888 = arith.constant 0 : i32
      %get3A_889 = arith.index_cast %get3A_887 : i32 to index
      %get3A_890 = arith.index_cast %get3A_888 : i32 to index
      %get3A_891 = arith.constant 0 : index
      %get3A_892 = tpu.vector_load %arg12[%get3A_889, %get3A_890, %get3A_891] {strides = array<i32>} : memref<16x2x16xf32, #tpu.memory_space<vmem>>, vector<16xf32>,
      %sub3A_893 = arith.subf %get3A_892, %max3A_656 : vector<16xf32>
      %exp3A_894 = math.exp %sub3A_893 : vector<16xf32>
      %mul3A_895 = arith.mulf %get3A_886, %exp3A_894 : vector<16xf32>
      %add3A_896 = arith.addf %add3A_880, %mul3A_895 : vector<16xf32>
      %get3A_897 = arith.constant 15 : i32
      %get3A_898 = arith.constant 1 : i32
      %get3A_899 = arith.index_cast %get3A_897 : i32 to index
      %get3A_900 = arith.index_cast %get3A_898 : i32 to index
      %get3A_901 = arith.constant 0 : index
      %get3A_902 = tpu.vector_load %arg12[%get3A_899, %get3A_900, %get3A_901] {strides = array<i32>} : memref<16x2x16xf32, #tpu.memory_space<vmem>>, vector<16xf32>,
      %get3A_903 = arith.constant 15 : i32
      %get3A_904 = arith.constant 0 : i32
      %get3A_905 = arith.index_cast %get3A_903 : i32 to index
      %get3A_906 = arith.index_cast %get3A_904 : i32 to index
      %get3A_907 = arith.constant 0 : index
      %get3A_908 = tpu.vector_load %arg12[%get3A_905, %get3A_906, %get3A_907] {strides = array<i32>} : memref<16x2x16xf32, #tpu.memory_space<vmem>>, vector<16xf32>,
      %sub3A_909 = arith.subf %get3A_908, %max3A_656 : vector<16xf32>
      %exp3A_910 = math.exp %sub3A_909 : vector<16xf32>
      %mul3A_911 = arith.mulf %get3A_902, %exp3A_910 : vector<16xf32>
      %add3A_912 = arith.addf %add3A_896, %mul3A_911 : vector<16xf32>
      %reduce_sum3A = arith.constant true
      %reduce_sum3A_913 = vector.broadcast %reduce_sum3A : i1 to vector<16xi1>
      %reduce_sum3A_914 = tpu.scan <sum>, %add3A_912 masked %reduce_sum3A_913 : vector<16xf32>, vector<16xi1> -> vector<16xf32>
      %reduce_sum3A_915 = vector.extract %reduce_sum3A_914[15] : f32 from vector<16xf32>
      %broadcast_in_dim3A_916 = arith.constant -1.000000e+30 : f32
      %broadcast_in_dim3A_917 = vector.broadcast %broadcast_in_dim3A_916 : f32 to vector<16xf32>
      %broadcast_in_dim3A_918 = arith.constant 0 : i32
      %broadcast_in_dim3A_919 = vector.broadcast %broadcast_in_dim3A_918 : i32 to vector<16xi32>
      %broadcast_in_dim3A_920 = arith.constant -1.000000e+30 : f32
      %broadcast_in_dim3A_921 = vector.broadcast %broadcast_in_dim3A_920 : f32 to vector<16xf32>
      %broadcast_in_dim3A_922 = arith.constant 0 : i32
      %broadcast_in_dim3A_923 = vector.broadcast %broadcast_in_dim3A_922 : i32 to vector<16xi32>
      %broadcast_in_dim3A_924 = arith.constant 0 : i32
      %broadcast_in_dim3A_925 = vector.broadcast %broadcast_in_dim3A_924 : i32 to vector<16xi32>
      %get3A_926 = arith.constant 0 : index
      %get3A_927 = tpu.vector_load %arg10[%get3A_926] {strides = array<i32>} : memref<256xf32, #tpu.memory_space<vmem>>, vector<16xf32>,
      %gt3A = arith.cmpf ogt, %get3A_927, %broadcast_in_dim3A_921 : vector<16xf32>
      %select_n3A_928 = arith.select %gt3A, %get3A_927, %broadcast_in_dim3A_921 : vector<16xi1>, vector<16xf32>
      %get3A_929 = arith.constant 0 : index
      %get3A_930 = tpu.vector_load %arg11[%get3A_929] {strides = array<i32>} : memref<256xi32, #tpu.memory_space<vmem>>, vector<16xi32>,
      %select_n3A_931 = arith.select %gt3A, %get3A_930, %broadcast_in_dim3A_923 : vector<16xi1>, vector<16xi32>
      %add3A_932 = arith.constant 0 : i32
      %add3A_933 = vector.broadcast %add3A_932 : i32 to vector<16xi32>
      %add3A_934 = arith.addi %add3A_933, %iota3A : vector<16xi32>
      %select_n3A_935 = arith.select %gt3A, %add3A_934, %broadcast_in_dim3A_925 : vector<16xi1>, vector<16xi32>
      %get3A_936 = arith.constant 16 : index
      %get3A_937 = tpu.vector_load %arg10[%get3A_936] {strides = array<i32>} : memref<256xf32, #tpu.memory_space<vmem>>, vector<16xf32>,
      %gt3A_938 = arith.cmpf ogt, %get3A_937, %select_n3A_928 : vector<16xf32>
      %select_n3A_939 = arith.select %gt3A_938, %get3A_937, %select_n3A_928 : vector<16xi1>, vector<16xf32>
      %get3A_940 = arith.constant 16 : index
      %get3A_941 = tpu.vector_load %arg11[%get3A_940] {strides = array<i32>} : memref<256xi32, #tpu.memory_space<vmem>>, vector<16xi32>,
      %select_n3A_942 = arith.select %gt3A_938, %get3A_941, %select_n3A_931 : vector<16xi1>, vector<16xi32>
      %add3A_943 = arith.constant 16 : i32
      %add3A_944 = vector.broadcast %add3A_943 : i32 to vector<16xi32>
      %add3A_945 = arith.addi %add3A_944, %iota3A : vector<16xi32>
      %select_n3A_946 = arith.select %gt3A_938, %add3A_945, %select_n3A_935 : vector<16xi1>, vector<16xi32>
      %get3A_947 = arith.constant 32 : index
      %get3A_948 = tpu.vector_load %arg10[%get3A_947] {strides = array<i32>} : memref<256xf32, #tpu.memory_space<vmem>>, vector<16xf32>,
      %gt3A_949 = arith.cmpf ogt, %get3A_948, %select_n3A_939 : vector<16xf32>
      %select_n3A_950 = arith.select %gt3A_949, %get3A_948, %select_n3A_939 : vector<16xi1>, vector<16xf32>
      %get3A_951 = arith.constant 32 : index
      %get3A_952 = tpu.vector_load %arg11[%get3A_951] {strides = array<i32>} : memref<256xi32, #tpu.memory_space<vmem>>, vector<16xi32>,
      %select_n3A_953 = arith.select %gt3A_949, %get3A_952, %select_n3A_942 : vector<16xi1>, vector<16xi32>
      %add3A_954 = arith.constant 32 : i32
      %add3A_955 = vector.broadcast %add3A_954 : i32 to vector<16xi32>
      %add3A_956 = arith.addi %add3A_955, %iota3A : vector<16xi32>
      %select_n3A_957 = arith.select %gt3A_949, %add3A_956, %select_n3A_946 : vector<16xi1>, vector<16xi32>
      %get3A_958 = arith.constant 48 : index
      %get3A_959 = tpu.vector_load %arg10[%get3A_958] {strides = array<i32>} : memref<256xf32, #tpu.memory_space<vmem>>, vector<16xf32>,
      %gt3A_960 = arith.cmpf ogt, %get3A_959, %select_n3A_950 : vector<16xf32>
      %select_n3A_961 = arith.select %gt3A_960, %get3A_959, %select_n3A_950 : vector<16xi1>, vector<16xf32>
      %get3A_962 = arith.constant 48 : index
      %get3A_963 = tpu.vector_load %arg11[%get3A_962] {strides = array<i32>} : memref<256xi32, #tpu.memory_space<vmem>>, vector<16xi32>,
      %select_n3A_964 = arith.select %gt3A_960, %get3A_963, %select_n3A_953 : vector<16xi1>, vector<16xi32>
      %add3A_965 = arith.constant 48 : i32
      %add3A_966 = vector.broadcast %add3A_965 : i32 to vector<16xi32>
      %add3A_967 = arith.addi %add3A_966, %iota3A : vector<16xi32>
      %select_n3A_968 = arith.select %gt3A_960, %add3A_967, %select_n3A_957 : vector<16xi1>, vector<16xi32>
      %get3A_969 = arith.constant 64 : index
      %get3A_970 = tpu.vector_load %arg10[%get3A_969] {strides = array<i32>} : memref<256xf32, #tpu.memory_space<vmem>>, vector<16xf32>,
      %gt3A_971 = arith.cmpf ogt, %get3A_970, %select_n3A_961 : vector<16xf32>
      %select_n3A_972 = arith.select %gt3A_971, %get3A_970, %select_n3A_961 : vector<16xi1>, vector<16xf32>
      %get3A_973 = arith.constant 64 : index
      %get3A_974 = tpu.vector_load %arg11[%get3A_973] {strides = array<i32>} : memref<256xi32, #tpu.memory_space<vmem>>, vector<16xi32>,
      %select_n3A_975 = arith.select %gt3A_971, %get3A_974, %select_n3A_964 : vector<16xi1>, vector<16xi32>
      %add3A_976 = arith.constant 64 : i32
      %add3A_977 = vector.broadcast %add3A_976 : i32 to vector<16xi32>
      %add3A_978 = arith.addi %add3A_977, %iota3A : vector<16xi32>
      %select_n3A_979 = arith.select %gt3A_971, %add3A_978, %select_n3A_968 : vector<16xi1>, vector<16xi32>
      %get3A_980 = arith.constant 80 : index
      %get3A_981 = tpu.vector_load %arg10[%get3A_980] {strides = array<i32>} : memref<256xf32, #tpu.memory_space<vmem>>, vector<16xf32>,
      %gt3A_982 = arith.cmpf ogt, %get3A_981, %select_n3A_972 : vector<16xf32>
      %select_n3A_983 = arith.select %gt3A_982, %get3A_981, %select_n3A_972 : vector<16xi1>, vector<16xf32>
      %get3A_984 = arith.constant 80 : index
      %get3A_985 = tpu.vector_load %arg11[%get3A_984] {strides = array<i32>} : memref<256xi32, #tpu.memory_space<vmem>>, vector<16xi32>,
      %select_n3A_986 = arith.select %gt3A_982, %get3A_985, %select_n3A_975 : vector<16xi1>, vector<16xi32>
      %add3A_987 = arith.constant 80 : i32
      %add3A_988 = vector.broadcast %add3A_987 : i32 to vector<16xi32>
      %add3A_989 = arith.addi %add3A_988, %iota3A : vector<16xi32>
      %select_n3A_990 = arith.select %gt3A_982, %add3A_989, %select_n3A_979 : vector<16xi1>, vector<16xi32>
      %get3A_991 = arith.constant 96 : index
      %get3A_992 = tpu.vector_load %arg10[%get3A_991] {strides = array<i32>} : memref<256xf32, #tpu.memory_space<vmem>>, vector<16xf32>,
      %gt3A_993 = arith.cmpf ogt, %get3A_992, %select_n3A_983 : vector<16xf32>
      %select_n3A_994 = arith.select %gt3A_993, %get3A_992, %select_n3A_983 : vector<16xi1>, vector<16xf32>
      %get3A_995 = arith.constant 96 : index
      %get3A_996 = tpu.vector_load %arg11[%get3A_995] {strides = array<i32>} : memref<256xi32, #tpu.memory_space<vmem>>, vector<16xi32>,
      %select_n3A_997 = arith.select %gt3A_993, %get3A_996, %select_n3A_986 : vector<16xi1>, vector<16xi32>
      %add3A_998 = arith.constant 96 : i32
      %add3A_999 = vector.broadcast %add3A_998 : i32 to vector<16xi32>
      %add3A_1000 = arith.addi %add3A_999, %iota3A : vector<16xi32>
      %select_n3A_1001 = arith.select %gt3A_993, %add3A_1000, %select_n3A_990 : vector<16xi1>, vector<16xi32>
      %get3A_1002 = arith.constant 112 : index
      %get3A_1003 = tpu.vector_load %arg10[%get3A_1002] {strides = array<i32>} : memref<256xf32, #tpu.memory_space<vmem>>, vector<16xf32>,
      %gt3A_1004 = arith.cmpf ogt, %get3A_1003, %select_n3A_994 : vector<16xf32>
      %select_n3A_1005 = arith.select %gt3A_1004, %get3A_1003, %select_n3A_994 : vector<16xi1>, vector<16xf32>
      %get3A_1006 = arith.constant 112 : index
      %get3A_1007 = tpu.vector_load %arg11[%get3A_1006] {strides = array<i32>} : memref<256xi32, #tpu.memory_space<vmem>>, vector<16xi32>,
      %select_n3A_1008 = arith.select %gt3A_1004, %get3A_1007, %select_n3A_997 : vector<16xi1>, vector<16xi32>
      %add3A_1009 = arith.constant 112 : i32
      %add3A_1010 = vector.broadcast %add3A_1009 : i32 to vector<16xi32>
      %add3A_1011 = arith.addi %add3A_1010, %iota3A : vector<16xi32>
      %select_n3A_1012 = arith.select %gt3A_1004, %add3A_1011, %select_n3A_1001 : vector<16xi1>, vector<16xi32>
      %get3A_1013 = arith.constant 128 : index
      %get3A_1014 = tpu.vector_load %arg10[%get3A_1013] {strides = array<i32>} : memref<256xf32, #tpu.memory_space<vmem>>, vector<16xf32>,
      %gt3A_1015 = arith.cmpf ogt, %get3A_1014, %select_n3A_1005 : vector<16xf32>
      %select_n3A_1016 = arith.select %gt3A_1015, %get3A_1014, %select_n3A_1005 : vector<16xi1>, vector<16xf32>
      %get3A_1017 = arith.constant 128 : index
      %get3A_1018 = tpu.vector_load %arg11[%get3A_1017] {strides = array<i32>} : memref<256xi32, #tpu.memory_space<vmem>>, vector<16xi32>,
      %select_n3A_1019 = arith.select %gt3A_1015, %get3A_1018, %select_n3A_1008 : vector<16xi1>, vector<16xi32>
      %add3A_1020 = arith.constant 128 : i32
      %add3A_1021 = vector.broadcast %add3A_1020 : i32 to vector<16xi32>
      %add3A_1022 = arith.addi %add3A_1021, %iota3A : vector<16xi32>
      %select_n3A_1023 = arith.select %gt3A_1015, %add3A_1022, %select_n3A_1012 : vector<16xi1>, vector<16xi32>
      %get3A_1024 = arith.constant 144 : index
      %get3A_1025 = tpu.vector_load %arg10[%get3A_1024] {strides = array<i32>} : memref<256xf32, #tpu.memory_space<vmem>>, vector<16xf32>,
      %gt3A_1026 = arith.cmpf ogt, %get3A_1025, %select_n3A_1016 : vector<16xf32>
      %select_n3A_1027 = arith.select %gt3A_1026, %get3A_1025, %select_n3A_1016 : vector<16xi1>, vector<16xf32>
      %get3A_1028 = arith.constant 144 : index
      %get3A_1029 = tpu.vector_load %arg11[%get3A_1028] {strides = array<i32>} : memref<256xi32, #tpu.memory_space<vmem>>, vector<16xi32>,
      %select_n3A_1030 = arith.select %gt3A_1026, %get3A_1029, %select_n3A_1019 : vector<16xi1>, vector<16xi32>
      %add3A_1031 = arith.constant 144 : i32
      %add3A_1032 = vector.broadcast %add3A_1031 : i32 to vector<16xi32>
      %add3A_1033 = arith.addi %add3A_1032, %iota3A : vector<16xi32>
      %select_n3A_1034 = arith.select %gt3A_1026, %add3A_1033, %select_n3A_1023 : vector<16xi1>, vector<16xi32>
      %get3A_1035 = arith.constant 160 : index
      %get3A_1036 = tpu.vector_load %arg10[%get3A_1035] {strides = array<i32>} : memref<256xf32, #tpu.memory_space<vmem>>, vector<16xf32>,
      %gt3A_1037 = arith.cmpf ogt, %get3A_1036, %select_n3A_1027 : vector<16xf32>
      %select_n3A_1038 = arith.select %gt3A_1037, %get3A_1036, %select_n3A_1027 : vector<16xi1>, vector<16xf32>
      %get3A_1039 = arith.constant 160 : index
      %get3A_1040 = tpu.vector_load %arg11[%get3A_1039] {strides = array<i32>} : memref<256xi32, #tpu.memory_space<vmem>>, vector<16xi32>,
      %select_n3A_1041 = arith.select %gt3A_1037, %get3A_1040, %select_n3A_1030 : vector<16xi1>, vector<16xi32>
      %add3A_1042 = arith.constant 160 : i32
      %add3A_1043 = vector.broadcast %add3A_1042 : i32 to vector<16xi32>
      %add3A_1044 = arith.addi %add3A_1043, %iota3A : vector<16xi32>
      %select_n3A_1045 = arith.select %gt3A_1037, %add3A_1044, %select_n3A_1034 : vector<16xi1>, vector<16xi32>
      %get3A_1046 = arith.constant 176 : index
      %get3A_1047 = tpu.vector_load %arg10[%get3A_1046] {strides = array<i32>} : memref<256xf32, #tpu.memory_space<vmem>>, vector<16xf32>,
      %gt3A_1048 = arith.cmpf ogt, %get3A_1047, %select_n3A_1038 : vector<16xf32>
      %select_n3A_1049 = arith.select %gt3A_1048, %get3A_1047, %select_n3A_1038 : vector<16xi1>, vector<16xf32>
      %get3A_1050 = arith.constant 176 : index
      %get3A_1051 = tpu.vector_load %arg11[%get3A_1050] {strides = array<i32>} : memref<256xi32, #tpu.memory_space<vmem>>, vector<16xi32>,
      %select_n3A_1052 = arith.select %gt3A_1048, %get3A_1051, %select_n3A_1041 : vector<16xi1>, vector<16xi32>
      %add3A_1053 = arith.constant 176 : i32
      %add3A_1054 = vector.broadcast %add3A_1053 : i32 to vector<16xi32>
      %add3A_1055 = arith.addi %add3A_1054, %iota3A : vector<16xi32>
      %select_n3A_1056 = arith.select %gt3A_1048, %add3A_1055, %select_n3A_1045 : vector<16xi1>, vector<16xi32>
      %get3A_1057 = arith.constant 192 : index
      %get3A_1058 = tpu.vector_load %arg10[%get3A_1057] {strides = array<i32>} : memref<256xf32, #tpu.memory_space<vmem>>, vector<16xf32>,
      %gt3A_1059 = arith.cmpf ogt, %get3A_1058, %select_n3A_1049 : vector<16xf32>
      %select_n3A_1060 = arith.select %gt3A_1059, %get3A_1058, %select_n3A_1049 : vector<16xi1>, vector<16xf32>
      %get3A_1061 = arith.constant 192 : index
      %get3A_1062 = tpu.vector_load %arg11[%get3A_1061] {strides = array<i32>} : memref<256xi32, #tpu.memory_space<vmem>>, vector<16xi32>,
      %select_n3A_1063 = arith.select %gt3A_1059, %get3A_1062, %select_n3A_1052 : vector<16xi1>, vector<16xi32>
      %add3A_1064 = arith.constant 192 : i32
      %add3A_1065 = vector.broadcast %add3A_1064 : i32 to vector<16xi32>
      %add3A_1066 = arith.addi %add3A_1065, %iota3A : vector<16xi32>
      %select_n3A_1067 = arith.select %gt3A_1059, %add3A_1066, %select_n3A_1056 : vector<16xi1>, vector<16xi32>
      %get3A_1068 = arith.constant 208 : index
      %get3A_1069 = tpu.vector_load %arg10[%get3A_1068] {strides = array<i32>} : memref<256xf32, #tpu.memory_space<vmem>>, vector<16xf32>,
      %gt3A_1070 = arith.cmpf ogt, %get3A_1069, %select_n3A_1060 : vector<16xf32>
      %select_n3A_1071 = arith.select %gt3A_1070, %get3A_1069, %select_n3A_1060 : vector<16xi1>, vector<16xf32>
      %get3A_1072 = arith.constant 208 : index
      %get3A_1073 = tpu.vector_load %arg11[%get3A_1072] {strides = array<i32>} : memref<256xi32, #tpu.memory_space<vmem>>, vector<16xi32>,
      %select_n3A_1074 = arith.select %gt3A_1070, %get3A_1073, %select_n3A_1063 : vector<16xi1>, vector<16xi32>
      %add3A_1075 = arith.constant 208 : i32
      %add3A_1076 = vector.broadcast %add3A_1075 : i32 to vector<16xi32>
      %add3A_1077 = arith.addi %add3A_1076, %iota3A : vector<16xi32>
      %select_n3A_1078 = arith.select %gt3A_1070, %add3A_1077, %select_n3A_1067 : vector<16xi1>, vector<16xi32>
      %get3A_1079 = arith.constant 224 : index
      %get3A_1080 = tpu.vector_load %arg10[%get3A_1079] {strides = array<i32>} : memref<256xf32, #tpu.memory_space<vmem>>, vector<16xf32>,
      %gt3A_1081 = arith.cmpf ogt, %get3A_1080, %select_n3A_1071 : vector<16xf32>
      %select_n3A_1082 = arith.select %gt3A_1081, %get3A_1080, %select_n3A_1071 : vector<16xi1>, vector<16xf32>
      %get3A_1083 = arith.constant 224 : index
      %get3A_1084 = tpu.vector_load %arg11[%get3A_1083] {strides = array<i32>} : memref<256xi32, #tpu.memory_space<vmem>>, vector<16xi32>,
      %select_n3A_1085 = arith.select %gt3A_1081, %get3A_1084, %select_n3A_1074 : vector<16xi1>, vector<16xi32>
      %add3A_1086 = arith.constant 224 : i32
      %add3A_1087 = vector.broadcast %add3A_1086 : i32 to vector<16xi32>
      %add3A_1088 = arith.addi %add3A_1087, %iota3A : vector<16xi32>
      %select_n3A_1089 = arith.select %gt3A_1081, %add3A_1088, %select_n3A_1078 : vector<16xi1>, vector<16xi32>
      %get3A_1090 = arith.constant 240 : index
      %get3A_1091 = tpu.vector_load %arg10[%get3A_1090] {strides = array<i32>} : memref<256xf32, #tpu.memory_space<vmem>>, vector<16xf32>,
      %gt3A_1092 = arith.cmpf ogt, %get3A_1091, %select_n3A_1082 : vector<16xf32>
      %select_n3A_1093 = arith.select %gt3A_1092, %get3A_1091, %select_n3A_1082 : vector<16xi1>, vector<16xf32>
      %get3A_1094 = arith.constant 240 : index
      %get3A_1095 = tpu.vector_load %arg11[%get3A_1094] {strides = array<i32>} : memref<256xi32, #tpu.memory_space<vmem>>, vector<16xi32>,
      %select_n3A_1096 = arith.select %gt3A_1092, %get3A_1095, %select_n3A_1085 : vector<16xi1>, vector<16xi32>
      %add3A_1097 = arith.constant 240 : i32
      %add3A_1098 = vector.broadcast %add3A_1097 : i32 to vector<16xi32>
      %add3A_1099 = arith.addi %add3A_1098, %iota3A : vector<16xi32>
      %select_n3A_1100 = arith.select %gt3A_1092, %add3A_1099, %select_n3A_1089 : vector<16xi1>, vector<16xi32>
      %reduce_max3A_1101 = arith.constant true
      %reduce_max3A_1102 = vector.broadcast %reduce_max3A_1101 : i1 to vector<16xi1>
      %reduce_max3A_1103 = tpu.scan <max>, %select_n3A_1093 masked %reduce_max3A_1102 : vector<16xf32>, vector<16xi1> -> vector<16xf32>
      %reduce_max3A_1104 = vector.extract %reduce_max3A_1103[15] : f32 from vector<16xf32>
      %eq3A_1105 = vector.broadcast %reduce_max3A_1104 : f32 to vector<16xf32>
      %eq3A_1106 = arith.cmpf oeq, %select_n3A_1093, %eq3A_1105 : vector<16xf32>
      %jit3A_1107 = arith.constant 2147483647 : i32
      %broadcast_in_dim3A_1108 = vector.broadcast %jit3A_1107 : i32 to vector<16xi32>
      %select_n3A_1109 = arith.select %eq3A_1106, %select_n3A_1096, %broadcast_in_dim3A_1108 : vector<16xi1>, vector<16xi32>
      %reduce_min3A_1110 = arith.constant true
      %reduce_min3A_1111 = vector.broadcast %reduce_min3A_1110 : i1 to vector<16xi1>
      %reduce_min3A_1112 = arith.constant -2147483648 : i32
      %reduce_min3A_1113 = vector.broadcast %reduce_min3A_1112 : i32 to vector<16xi32>
      %reduce_min3A_1114 = arith.xori %select_n3A_1109, %reduce_min3A_1113 : vector<16xi32>
      %reduce_min3A_1115 = tpu.scan <min>, %reduce_min3A_1114 masked %reduce_min3A_1111 : vector<16xi32>, vector<16xi1> -> vector<16xi32>
      %reduce_min3A_1116 = arith.xori %reduce_min3A_1115, %reduce_min3A_1113 : vector<16xi32>
      %reduce_min3A_1117 = vector.extract %reduce_min3A_1116[15] : i32 from vector<16xi32>
      %eq3A_1118 = vector.broadcast %reduce_max3A_1104 : f32 to vector<16xf32>
      %eq3A_1119 = arith.cmpf oeq, %select_n3A_1093, %eq3A_1118 : vector<16xf32>
      %eq3A_1120 = vector.broadcast %reduce_min3A_1117 : i32 to vector<16xi32>
      %eq3A_1121 = arith.cmpi eq, %select_n3A_1096, %eq3A_1120 : vector<16xi32>
      %and3A_1122 = arith.andi %eq3A_1119, %eq3A_1121 : vector<16xi1>
      %jit3A_1123 = arith.constant 2147483647 : i32
      %broadcast_in_dim3A_1124 = vector.broadcast %jit3A_1123 : i32 to vector<16xi32>
      %select_n3A_1125 = arith.select %and3A_1122, %select_n3A_1100, %broadcast_in_dim3A_1124 : vector<16xi1>, vector<16xi32>
      %reduce_min3A_1126 = arith.constant true
      %reduce_min3A_1127 = vector.broadcast %reduce_min3A_1126 : i1 to vector<16xi1>
      %reduce_min3A_1128 = arith.constant -2147483648 : i32
      %reduce_min3A_1129 = vector.broadcast %reduce_min3A_1128 : i32 to vector<16xi32>
      %reduce_min3A_1130 = arith.xori %select_n3A_1125, %reduce_min3A_1129 : vector<16xi32>
      %reduce_min3A_1131 = tpu.scan <min>, %reduce_min3A_1130 masked %reduce_min3A_1127 : vector<16xi32>, vector<16xi1> -> vector<16xi32>
      %reduce_min3A_1132 = arith.xori %reduce_min3A_1131, %reduce_min3A_1129 : vector<16xi32>
      %reduce_min3A_1133 = vector.extract %reduce_min3A_1132[15] : i32 from vector<16xi32>
      %eq3A_1134 = arith.constant 0 : i32
      %eq3A_1135 = vector.broadcast %eq3A_1134 : i32 to vector<16xi32>
      %eq3A_1136 = arith.cmpi eq, %iota3A, %eq3A_1135 : vector<16xi32>
      %broadcast_in_dim3A_1137 = vector.broadcast %reduce_max3A_1104 : f32 to vector<16xf32>
      %select_n3A_1138 = arith.select %eq3A_1136, %broadcast_in_dim3A_1137, %broadcast_in_dim3A_917 : vector<16xi1>, vector<16xf32>
      %eq3A_1139 = arith.constant 0 : i32
      %eq3A_1140 = vector.broadcast %eq3A_1139 : i32 to vector<16xi32>
      %eq3A_1141 = arith.cmpi eq, %iota3A, %eq3A_1140 : vector<16xi32>
      %broadcast_in_dim3A_1142 = vector.broadcast %reduce_min3A_1117 : i32 to vector<16xi32>
      %select_n3A_1143 = arith.select %eq3A_1141, %broadcast_in_dim3A_1142, %broadcast_in_dim3A_919 : vector<16xi1>, vector<16xi32>
      %and3A_1144 = arith.constant -16 : i32
      %and3A_1145 = arith.andi %reduce_min3A_1133, %and3A_1144 : i32
      %get3A_1146 = arith.index_cast %and3A_1145 : i32 to index
      %get3A_1147 = tpu.vector_load %arg10[%get3A_1146] {strides = array<i32>} : memref<256xf32, #tpu.memory_space<vmem>>, vector<16xf32>,
      %and3A_1148 = arith.constant 15 : i32
      %and3A_1149 = arith.andi %reduce_min3A_1133, %and3A_1148 : i32
      %eq3A_1150 = vector.broadcast %and3A_1149 : i32 to vector<16xi32>
      %eq3A_1151 = arith.cmpi eq, %iota3A, %eq3A_1150 : vector<16xi32>
      %jit3A_1152 = arith.constant -1.000000e+30 : f32
      %broadcast_in_dim3A_1153 = vector.broadcast %jit3A_1152 : f32 to vector<16xf32>
      %select_n3A_1154 = arith.select %eq3A_1151, %broadcast_in_dim3A_1153, %get3A_1147 : vector<16xi1>, vector<16xf32>
      %swap3A_1155 = arith.index_cast %and3A_1145 : i32 to index
      %swap3A_1156 = tpu.vector_load %arg10[%swap3A_1155] {strides = array<i32>} : memref<256xf32, #tpu.memory_space<vmem>>, vector<16xf32>,
      tpu.vector_store %arg10[%swap3A_1155], %select_n3A_1154 {strides = array<i32>} : memref<256xf32, #tpu.memory_space<vmem>>, vector<16xf32>,
      %broadcast_in_dim3A_1157 = arith.constant -1.000000e+30 : f32
      %broadcast_in_dim3A_1158 = vector.broadcast %broadcast_in_dim3A_1157 : f32 to vector<16xf32>
      %broadcast_in_dim3A_1159 = arith.constant 0 : i32
      %broadcast_in_dim3A_1160 = vector.broadcast %broadcast_in_dim3A_1159 : i32 to vector<16xi32>
      %broadcast_in_dim3A_1161 = arith.constant 0 : i32
      %broadcast_in_dim3A_1162 = vector.broadcast %broadcast_in_dim3A_1161 : i32 to vector<16xi32>
      %get3A_1163 = arith.constant 0 : index
      %get3A_1164 = tpu.vector_load %arg10[%get3A_1163] {strides = array<i32>} : memref<256xf32, #tpu.memory_space<vmem>>, vector<16xf32>,
      %gt3A_1165 = arith.cmpf ogt, %get3A_1164, %broadcast_in_dim3A_1158 : vector<16xf32>
      %select_n3A_1166 = arith.select %gt3A_1165, %get3A_1164, %broadcast_in_dim3A_1158 : vector<16xi1>, vector<16xf32>
      %get3A_1167 = arith.constant 0 : index
      %get3A_1168 = tpu.vector_load %arg11[%get3A_1167] {strides = array<i32>} : memref<256xi32, #tpu.memory_space<vmem>>, vector<16xi32>,
      %select_n3A_1169 = arith.select %gt3A_1165, %get3A_1168, %broadcast_in_dim3A_1160 : vector<16xi1>, vector<16xi32>
      %add3A_1170 = arith.constant 0 : i32
      %add3A_1171 = vector.broadcast %add3A_1170 : i32 to vector<16xi32>
      %add3A_1172 = arith.addi %add3A_1171, %iota3A : vector<16xi32>
      %select_n3A_1173 = arith.select %gt3A_1165, %add3A_1172, %broadcast_in_dim3A_1162 : vector<16xi1>, vector<16xi32>
      %get3A_1174 = arith.constant 16 : index
      %get3A_1175 = tpu.vector_load %arg10[%get3A_1174] {strides = array<i32>} : memref<256xf32, #tpu.memory_space<vmem>>, vector<16xf32>,
      %gt3A_1176 = arith.cmpf ogt, %get3A_1175, %select_n3A_1166 : vector<16xf32>
      %select_n3A_1177 = arith.select %gt3A_1176, %get3A_1175, %select_n3A_1166 : vector<16xi1>, vector<16xf32>
      %get3A_1178 = arith.constant 16 : index
      %get3A_1179 = tpu.vector_load %arg11[%get3A_1178] {strides = array<i32>} : memref<256xi32, #tpu.memory_space<vmem>>, vector<16xi32>,
      %select_n3A_1180 = arith.select %gt3A_1176, %get3A_1179, %select_n3A_1169 : vector<16xi1>, vector<16xi32>
      %add3A_1181 = arith.constant 16 : i32
      %add3A_1182 = vector.broadcast %add3A_1181 : i32 to vector<16xi32>
      %add3A_1183 = arith.addi %add3A_1182, %iota3A : vector<16xi32>
      %select_n3A_1184 = arith.select %gt3A_1176, %add3A_1183, %select_n3A_1173 : vector<16xi1>, vector<16xi32>
      %get3A_1185 = arith.constant 32 : index
      %get3A_1186 = tpu.vector_load %arg10[%get3A_1185] {strides = array<i32>} : memref<256xf32, #tpu.memory_space<vmem>>, vector<16xf32>,
      %gt3A_1187 = arith.cmpf ogt, %get3A_1186, %select_n3A_1177 : vector<16xf32>
      %select_n3A_1188 = arith.select %gt3A_1187, %get3A_1186, %select_n3A_1177 : vector<16xi1>, vector<16xf32>
      %get3A_1189 = arith.constant 32 : index
      %get3A_1190 = tpu.vector_load %arg11[%get3A_1189] {strides = array<i32>} : memref<256xi32, #tpu.memory_space<vmem>>, vector<16xi32>,
      %select_n3A_1191 = arith.select %gt3A_1187, %get3A_1190, %select_n3A_1180 : vector<16xi1>, vector<16xi32>
      %add3A_1192 = arith.constant 32 : i32
      %add3A_1193 = vector.broadcast %add3A_1192 : i32 to vector<16xi32>
      %add3A_1194 = arith.addi %add3A_1193, %iota3A : vector<16xi32>
      %select_n3A_1195 = arith.select %gt3A_1187, %add3A_1194, %select_n3A_1184 : vector<16xi1>, vector<16xi32>
      %get3A_1196 = arith.constant 48 : index
      %get3A_1197 = tpu.vector_load %arg10[%get3A_1196] {strides = array<i32>} : memref<256xf32, #tpu.memory_space<vmem>>, vector<16xf32>,
      %gt3A_1198 = arith.cmpf ogt, %get3A_1197, %select_n3A_1188 : vector<16xf32>
      %select_n3A_1199 = arith.select %gt3A_1198, %get3A_1197, %select_n3A_1188 : vector<16xi1>, vector<16xf32>
      %get3A_1200 = arith.constant 48 : index
      %get3A_1201 = tpu.vector_load %arg11[%get3A_1200] {strides = array<i32>} : memref<256xi32, #tpu.memory_space<vmem>>, vector<16xi32>,
      %select_n3A_1202 = arith.select %gt3A_1198, %get3A_1201, %select_n3A_1191 : vector<16xi1>, vector<16xi32>
      %add3A_1203 = arith.constant 48 : i32
      %add3A_1204 = vector.broadcast %add3A_1203 : i32 to vector<16xi32>
      %add3A_1205 = arith.addi %add3A_1204, %iota3A : vector<16xi32>
      %select_n3A_1206 = arith.select %gt3A_1198, %add3A_1205, %select_n3A_1195 : vector<16xi1>, vector<16xi32>
      %get3A_1207 = arith.constant 64 : index
      %get3A_1208 = tpu.vector_load %arg10[%get3A_1207] {strides = array<i32>} : memref<256xf32, #tpu.memory_space<vmem>>, vector<16xf32>,
      %gt3A_1209 = arith.cmpf ogt, %get3A_1208, %select_n3A_1199 : vector<16xf32>
      %select_n3A_1210 = arith.select %gt3A_1209, %get3A_1208, %select_n3A_1199 : vector<16xi1>, vector<16xf32>
      %get3A_1211 = arith.constant 64 : index
      %get3A_1212 = tpu.vector_load %arg11[%get3A_1211] {strides = array<i32>} : memref<256xi32, #tpu.memory_space<vmem>>, vector<16xi32>,
      %select_n3A_1213 = arith.select %gt3A_1209, %get3A_1212, %select_n3A_1202 : vector<16xi1>, vector<16xi32>
      %add3A_1214 = arith.constant 64 : i32
      %add3A_1215 = vector.broadcast %add3A_1214 : i32 to vector<16xi32>
      %add3A_1216 = arith.addi %add3A_1215, %iota3A : vector<16xi32>
      %select_n3A_1217 = arith.select %gt3A_1209, %add3A_1216, %select_n3A_1206 : vector<16xi1>, vector<16xi32>
      %get3A_1218 = arith.constant 80 : index
      %get3A_1219 = tpu.vector_load %arg10[%get3A_1218] {strides = array<i32>} : memref<256xf32, #tpu.memory_space<vmem>>, vector<16xf32>,
      %gt3A_1220 = arith.cmpf ogt, %get3A_1219, %select_n3A_1210 : vector<16xf32>
      %select_n3A_1221 = arith.select %gt3A_1220, %get3A_1219, %select_n3A_1210 : vector<16xi1>, vector<16xf32>
      %get3A_1222 = arith.constant 80 : index
      %get3A_1223 = tpu.vector_load %arg11[%get3A_1222] {strides = array<i32>} : memref<256xi32, #tpu.memory_space<vmem>>, vector<16xi32>,
      %select_n3A_1224 = arith.select %gt3A_1220, %get3A_1223, %select_n3A_1213 : vector<16xi1>, vector<16xi32>
      %add3A_1225 = arith.constant 80 : i32
      %add3A_1226 = vector.broadcast %add3A_1225 : i32 to vector<16xi32>
      %add3A_1227 = arith.addi %add3A_1226, %iota3A : vector<16xi32>
      %select_n3A_1228 = arith.select %gt3A_1220, %add3A_1227, %select_n3A_1217 : vector<16xi1>, vector<16xi32>
      %get3A_1229 = arith.constant 96 : index
      %get3A_1230 = tpu.vector_load %arg10[%get3A_1229] {strides = array<i32>} : memref<256xf32, #tpu.memory_space<vmem>>, vector<16xf32>,
      %gt3A_1231 = arith.cmpf ogt, %get3A_1230, %select_n3A_1221 : vector<16xf32>
      %select_n3A_1232 = arith.select %gt3A_1231, %get3A_1230, %select_n3A_1221 : vector<16xi1>, vector<16xf32>
      %get3A_1233 = arith.constant 96 : index
      %get3A_1234 = tpu.vector_load %arg11[%get3A_1233] {strides = array<i32>} : memref<256xi32, #tpu.memory_space<vmem>>, vector<16xi32>,
      %select_n3A_1235 = arith.select %gt3A_1231, %get3A_1234, %select_n3A_1224 : vector<16xi1>, vector<16xi32>
      %add3A_1236 = arith.constant 96 : i32
      %add3A_1237 = vector.broadcast %add3A_1236 : i32 to vector<16xi32>
      %add3A_1238 = arith.addi %add3A_1237, %iota3A : vector<16xi32>
      %select_n3A_1239 = arith.select %gt3A_1231, %add3A_1238, %select_n3A_1228 : vector<16xi1>, vector<16xi32>
      %get3A_1240 = arith.constant 112 : index
      %get3A_1241 = tpu.vector_load %arg10[%get3A_1240] {strides = array<i32>} : memref<256xf32, #tpu.memory_space<vmem>>, vector<16xf32>,
      %gt3A_1242 = arith.cmpf ogt, %get3A_1241, %select_n3A_1232 : vector<16xf32>
      %select_n3A_1243 = arith.select %gt3A_1242, %get3A_1241, %select_n3A_1232 : vector<16xi1>, vector<16xf32>
      %get3A_1244 = arith.constant 112 : index
      %get3A_1245 = tpu.vector_load %arg11[%get3A_1244] {strides = array<i32>} : memref<256xi32, #tpu.memory_space<vmem>>, vector<16xi32>,
      %select_n3A_1246 = arith.select %gt3A_1242, %get3A_1245, %select_n3A_1235 : vector<16xi1>, vector<16xi32>
      %add3A_1247 = arith.constant 112 : i32
      %add3A_1248 = vector.broadcast %add3A_1247 : i32 to vector<16xi32>
      %add3A_1249 = arith.addi %add3A_1248, %iota3A : vector<16xi32>
      %select_n3A_1250 = arith.select %gt3A_1242, %add3A_1249, %select_n3A_1239 : vector<16xi1>, vector<16xi32>
      %get3A_1251 = arith.constant 128 : index
      %get3A_1252 = tpu.vector_load %arg10[%get3A_1251] {strides = array<i32>} : memref<256xf32, #tpu.memory_space<vmem>>, vector<16xf32>,
      %gt3A_1253 = arith.cmpf ogt, %get3A_1252, %select_n3A_1243 : vector<16xf32>
      %select_n3A_1254 = arith.select %gt3A_1253, %get3A_1252, %select_n3A_1243 : vector<16xi1>, vector<16xf32>
      %get3A_1255 = arith.constant 128 : index
      %get3A_1256 = tpu.vector_load %arg11[%get3A_1255] {strides = array<i32>} : memref<256xi32, #tpu.memory_space<vmem>>, vector<16xi32>,
      %select_n3A_1257 = arith.select %gt3A_1253, %get3A_1256, %select_n3A_1246 : vector<16xi1>, vector<16xi32>
      %add3A_1258 = arith.constant 128 : i32
      %add3A_1259 = vector.broadcast %add3A_1258 : i32 to vector<16xi32>
      %add3A_1260 = arith.addi %add3A_1259, %iota3A : vector<16xi32>
      %select_n3A_1261 = arith.select %gt3A_1253, %add3A_1260, %select_n3A_1250 : vector<16xi1>, vector<16xi32>
      %get3A_1262 = arith.constant 144 : index
      %get3A_1263 = tpu.vector_load %arg10[%get3A_1262] {strides = array<i32>} : memref<256xf32, #tpu.memory_space<vmem>>, vector<16xf32>,
      %gt3A_1264 = arith.cmpf ogt, %get3A_1263, %select_n3A_1254 : vector<16xf32>
      %select_n3A_1265 = arith.select %gt3A_1264, %get3A_1263, %select_n3A_1254 : vector<16xi1>, vector<16xf32>
      %get3A_1266 = arith.constant 144 : index
      %get3A_1267 = tpu.vector_load %arg11[%get3A_1266] {strides = array<i32>} : memref<256xi32, #tpu.memory_space<vmem>>, vector<16xi32>,
      %select_n3A_1268 = arith.select %gt3A_1264, %get3A_1267, %select_n3A_1257 : vector<16xi1>, vector<16xi32>
      %add3A_1269 = arith.constant 144 : i32
      %add3A_1270 = vector.broadcast %add3A_1269 : i32 to vector<16xi32>
      %add3A_1271 = arith.addi %add3A_1270, %iota3A : vector<16xi32>
      %select_n3A_1272 = arith.select %gt3A_1264, %add3A_1271, %select_n3A_1261 : vector<16xi1>, vector<16xi32>
      %get3A_1273 = arith.constant 160 : index
      %get3A_1274 = tpu.vector_load %arg10[%get3A_1273] {strides = array<i32>} : memref<256xf32, #tpu.memory_space<vmem>>, vector<16xf32>,
      %gt3A_1275 = arith.cmpf ogt, %get3A_1274, %select_n3A_1265 : vector<16xf32>
      %select_n3A_1276 = arith.select %gt3A_1275, %get3A_1274, %select_n3A_1265 : vector<16xi1>, vector<16xf32>
      %get3A_1277 = arith.constant 160 : index
      %get3A_1278 = tpu.vector_load %arg11[%get3A_1277] {strides = array<i32>} : memref<256xi32, #tpu.memory_space<vmem>>, vector<16xi32>,
      %select_n3A_1279 = arith.select %gt3A_1275, %get3A_1278, %select_n3A_1268 : vector<16xi1>, vector<16xi32>
      %add3A_1280 = arith.constant 160 : i32
      %add3A_1281 = vector.broadcast %add3A_1280 : i32 to vector<16xi32>
      %add3A_1282 = arith.addi %add3A_1281, %iota3A : vector<16xi32>
      %select_n3A_1283 = arith.select %gt3A_1275, %add3A_1282, %select_n3A_1272 : vector<16xi1>, vector<16xi32>
      %get3A_1284 = arith.constant 176 : index
      %get3A_1285 = tpu.vector_load %arg10[%get3A_1284] {strides = array<i32>} : memref<256xf32, #tpu.memory_space<vmem>>, vector<16xf32>,
      %gt3A_1286 = arith.cmpf ogt, %get3A_1285, %select_n3A_1276 : vector<16xf32>
      %select_n3A_1287 = arith.select %gt3A_1286, %get3A_1285, %select_n3A_1276 : vector<16xi1>, vector<16xf32>
      %get3A_1288 = arith.constant 176 : index
      %get3A_1289 = tpu.vector_load %arg11[%get3A_1288] {strides = array<i32>} : memref<256xi32, #tpu.memory_space<vmem>>, vector<16xi32>,
      %select_n3A_1290 = arith.select %gt3A_1286, %get3A_1289, %select_n3A_1279 : vector<16xi1>, vector<16xi32>
      %add3A_1291 = arith.constant 176 : i32
      %add3A_1292 = vector.broadcast %add3A_1291 : i32 to vector<16xi32>
      %add3A_1293 = arith.addi %add3A_1292, %iota3A : vector<16xi32>
      %select_n3A_1294 = arith.select %gt3A_1286, %add3A_1293, %select_n3A_1283 : vector<16xi1>, vector<16xi32>
      %get3A_1295 = arith.constant 192 : index
      %get3A_1296 = tpu.vector_load %arg10[%get3A_1295] {strides = array<i32>} : memref<256xf32, #tpu.memory_space<vmem>>, vector<16xf32>,
      %gt3A_1297 = arith.cmpf ogt, %get3A_1296, %select_n3A_1287 : vector<16xf32>
      %select_n3A_1298 = arith.select %gt3A_1297, %get3A_1296, %select_n3A_1287 : vector<16xi1>, vector<16xf32>
      %get3A_1299 = arith.constant 192 : index
      %get3A_1300 = tpu.vector_load %arg11[%get3A_1299] {strides = array<i32>} : memref<256xi32, #tpu.memory_space<vmem>>, vector<16xi32>,
      %select_n3A_1301 = arith.select %gt3A_1297, %get3A_1300, %select_n3A_1290 : vector<16xi1>, vector<16xi32>
      %add3A_1302 = arith.constant 192 : i32
      %add3A_1303 = vector.broadcast %add3A_1302 : i32 to vector<16xi32>
      %add3A_1304 = arith.addi %add3A_1303, %iota3A : vector<16xi32>
      %select_n3A_1305 = arith.select %gt3A_1297, %add3A_1304, %select_n3A_1294 : vector<16xi1>, vector<16xi32>
      %get3A_1306 = arith.constant 208 : index
      %get3A_1307 = tpu.vector_load %arg10[%get3A_1306] {strides = array<i32>} : memref<256xf32, #tpu.memory_space<vmem>>, vector<16xf32>,
      %gt3A_1308 = arith.cmpf ogt, %get3A_1307, %select_n3A_1298 : vector<16xf32>
      %select_n3A_1309 = arith.select %gt3A_1308, %get3A_1307, %select_n3A_1298 : vector<16xi1>, vector<16xf32>
      %get3A_1310 = arith.constant 208 : index
      %get3A_1311 = tpu.vector_load %arg11[%get3A_1310] {strides = array<i32>} : memref<256xi32, #tpu.memory_space<vmem>>, vector<16xi32>,
      %select_n3A_1312 = arith.select %gt3A_1308, %get3A_1311, %select_n3A_1301 : vector<16xi1>, vector<16xi32>
      %add3A_1313 = arith.constant 208 : i32
      %add3A_1314 = vector.broadcast %add3A_1313 : i32 to vector<16xi32>
      %add3A_1315 = arith.addi %add3A_1314, %iota3A : vector<16xi32>
      %select_n3A_1316 = arith.select %gt3A_1308, %add3A_1315, %select_n3A_1305 : vector<16xi1>, vector<16xi32>
      %get3A_1317 = arith.constant 224 : index
      %get3A_1318 = tpu.vector_load %arg10[%get3A_1317] {strides = array<i32>} : memref<256xf32, #tpu.memory_space<vmem>>, vector<16xf32>,
      %gt3A_1319 = arith.cmpf ogt, %get3A_1318, %select_n3A_1309 : vector<16xf32>
      %select_n3A_1320 = arith.select %gt3A_1319, %get3A_1318, %select_n3A_1309 : vector<16xi1>, vector<16xf32>
      %get3A_1321 = arith.constant 224 : index
      %get3A_1322 = tpu.vector_load %arg11[%get3A_1321] {strides = array<i32>} : memref<256xi32, #tpu.memory_space<vmem>>, vector<16xi32>,
      %select_n3A_1323 = arith.select %gt3A_1319, %get3A_1322, %select_n3A_1312 : vector<16xi1>, vector<16xi32>
      %add3A_1324 = arith.constant 224 : i32
      %add3A_1325 = vector.broadcast %add3A_1324 : i32 to vector<16xi32>
      %add3A_1326 = arith.addi %add3A_1325, %iota3A : vector<16xi32>
      %select_n3A_1327 = arith.select %gt3A_1319, %add3A_1326, %select_n3A_1316 : vector<16xi1>, vector<16xi32>
      %get3A_1328 = arith.constant 240 : index
      %get3A_1329 = tpu.vector_load %arg10[%get3A_1328] {strides = array<i32>} : memref<256xf32, #tpu.memory_space<vmem>>, vector<16xf32>,
      %gt3A_1330 = arith.cmpf ogt, %get3A_1329, %select_n3A_1320 : vector<16xf32>
      %select_n3A_1331 = arith.select %gt3A_1330, %get3A_1329, %select_n3A_1320 : vector<16xi1>, vector<16xf32>
      %get3A_1332 = arith.constant 240 : index
      %get3A_1333 = tpu.vector_load %arg11[%get3A_1332] {strides = array<i32>} : memref<256xi32, #tpu.memory_space<vmem>>, vector<16xi32>,
      %select_n3A_1334 = arith.select %gt3A_1330, %get3A_1333, %select_n3A_1323 : vector<16xi1>, vector<16xi32>
      %add3A_1335 = arith.constant 240 : i32
      %add3A_1336 = vector.broadcast %add3A_1335 : i32 to vector<16xi32>
      %add3A_1337 = arith.addi %add3A_1336, %iota3A : vector<16xi32>
      %select_n3A_1338 = arith.select %gt3A_1330, %add3A_1337, %select_n3A_1327 : vector<16xi1>, vector<16xi32>
      %reduce_max3A_1339 = arith.constant true
      %reduce_max3A_1340 = vector.broadcast %reduce_max3A_1339 : i1 to vector<16xi1>
      %reduce_max3A_1341 = tpu.scan <max>, %select_n3A_1331 masked %reduce_max3A_1340 : vector<16xf32>, vector<16xi1> -> vector<16xf32>
      %reduce_max3A_1342 = vector.extract %reduce_max3A_1341[15] : f32 from vector<16xf32>
      %eq3A_1343 = vector.broadcast %reduce_max3A_1342 : f32 to vector<16xf32>
      %eq3A_1344 = arith.cmpf oeq, %select_n3A_1331, %eq3A_1343 : vector<16xf32>
      %jit3A_1345 = arith.constant 2147483647 : i32
      %broadcast_in_dim3A_1346 = vector.broadcast %jit3A_1345 : i32 to vector<16xi32>
      %select_n3A_1347 = arith.select %eq3A_1344, %select_n3A_1334, %broadcast_in_dim3A_1346 : vector<16xi1>, vector<16xi32>
      %reduce_min3A_1348 = arith.constant true
      %reduce_min3A_1349 = vector.broadcast %reduce_min3A_1348 : i1 to vector<16xi1>
      %reduce_min3A_1350 = arith.constant -2147483648 : i32
      %reduce_min3A_1351 = vector.broadcast %reduce_min3A_1350 : i32 to vector<16xi32>
      %reduce_min3A_1352 = arith.xori %select_n3A_1347, %reduce_min3A_1351 : vector<16xi32>
      %reduce_min3A_1353 = tpu.scan <min>, %reduce_min3A_1352 masked %reduce_min3A_1349 : vector<16xi32>, vector<16xi1> -> vector<16xi32>
      %reduce_min3A_1354 = arith.xori %reduce_min3A_1353, %reduce_min3A_1351 : vector<16xi32>
      %reduce_min3A_1355 = vector.extract %reduce_min3A_1354[15] : i32 from vector<16xi32>
      %eq3A_1356 = vector.broadcast %reduce_max3A_1342 : f32 to vector<16xf32>
      %eq3A_1357 = arith.cmpf oeq, %select_n3A_1331, %eq3A_1356 : vector<16xf32>
      %eq3A_1358 = vector.broadcast %reduce_min3A_1355 : i32 to vector<16xi32>
      %eq3A_1359 = arith.cmpi eq, %select_n3A_1334, %eq3A_1358 : vector<16xi32>
      %and3A_1360 = arith.andi %eq3A_1357, %eq3A_1359 : vector<16xi1>
      %jit3A_1361 = arith.constant 2147483647 : i32
      %broadcast_in_dim3A_1362 = vector.broadcast %jit3A_1361 : i32 to vector<16xi32>
      %select_n3A_1363 = arith.select %and3A_1360, %select_n3A_1338, %broadcast_in_dim3A_1362 : vector<16xi1>, vector<16xi32>
      %reduce_min3A_1364 = arith.constant true
      %reduce_min3A_1365 = vector.broadcast %reduce_min3A_1364 : i1 to vector<16xi1>
      %reduce_min3A_1366 = arith.constant -2147483648 : i32
      %reduce_min3A_1367 = vector.broadcast %reduce_min3A_1366 : i32 to vector<16xi32>
      %reduce_min3A_1368 = arith.xori %select_n3A_1363, %reduce_min3A_1367 : vector<16xi32>
      %reduce_min3A_1369 = tpu.scan <min>, %reduce_min3A_1368 masked %reduce_min3A_1365 : vector<16xi32>, vector<16xi1> -> vector<16xi32>
      %reduce_min3A_1370 = arith.xori %reduce_min3A_1369, %reduce_min3A_1367 : vector<16xi32>
      %reduce_min3A_1371 = vector.extract %reduce_min3A_1370[15] : i32 from vector<16xi32>
      %eq3A_1372 = arith.constant 1 : i32
      %eq3A_1373 = vector.broadcast %eq3A_1372 : i32 to vector<16xi32>
      %eq3A_1374 = arith.cmpi eq, %iota3A, %eq3A_1373 : vector<16xi32>
      %broadcast_in_dim3A_1375 = vector.broadcast %reduce_max3A_1342 : f32 to vector<16xf32>
      %select_n3A_1376 = arith.select %eq3A_1374, %broadcast_in_dim3A_1375, %select_n3A_1138 : vector<16xi1>, vector<16xf32>
      %eq3A_1377 = arith.constant 1 : i32
      %eq3A_1378 = vector.broadcast %eq3A_1377 : i32 to vector<16xi32>
      %eq3A_1379 = arith.cmpi eq, %iota3A, %eq3A_1378 : vector<16xi32>
      %broadcast_in_dim3A_1380 = vector.broadcast %reduce_min3A_1355 : i32 to vector<16xi32>
      %select_n3A_1381 = arith.select %eq3A_1379, %broadcast_in_dim3A_1380, %select_n3A_1143 : vector<16xi1>, vector<16xi32>
      %and3A_1382 = arith.constant -16 : i32
      %and3A_1383 = arith.andi %reduce_min3A_1371, %and3A_1382 : i32
      %get3A_1384 = arith.index_cast %and3A_1383 : i32 to index
      %get3A_1385 = tpu.vector_load %arg10[%get3A_1384] {strides = array<i32>} : memref<256xf32, #tpu.memory_space<vmem>>, vector<16xf32>,
      %and3A_1386 = arith.constant 15 : i32
      %and3A_1387 = arith.andi %reduce_min3A_1371, %and3A_1386 : i32
      %eq3A_1388 = vector.broadcast %and3A_1387 : i32 to vector<16xi32>
      %eq3A_1389 = arith.cmpi eq, %iota3A, %eq3A_1388 : vector<16xi32>
      %jit3A_1390 = arith.constant -1.000000e+30 : f32
      %broadcast_in_dim3A_1391 = vector.broadcast %jit3A_1390 : f32 to vector<16xf32>
      %select_n3A_1392 = arith.select %eq3A_1389, %broadcast_in_dim3A_1391, %get3A_1385 : vector<16xi1>, vector<16xf32>
      %swap3A_1393 = arith.index_cast %and3A_1383 : i32 to index
      %swap3A_1394 = tpu.vector_load %arg10[%swap3A_1393] {strides = array<i32>} : memref<256xf32, #tpu.memory_space<vmem>>, vector<16xf32>,
      tpu.vector_store %arg10[%swap3A_1393], %select_n3A_1392 {strides = array<i32>} : memref<256xf32, #tpu.memory_space<vmem>>, vector<16xf32>,
      %broadcast_in_dim3A_1395 = arith.constant -1.000000e+30 : f32
      %broadcast_in_dim3A_1396 = vector.broadcast %broadcast_in_dim3A_1395 : f32 to vector<16xf32>
      %broadcast_in_dim3A_1397 = arith.constant 0 : i32
      %broadcast_in_dim3A_1398 = vector.broadcast %broadcast_in_dim3A_1397 : i32 to vector<16xi32>
      %broadcast_in_dim3A_1399 = arith.constant 0 : i32
      %broadcast_in_dim3A_1400 = vector.broadcast %broadcast_in_dim3A_1399 : i32 to vector<16xi32>
      %get3A_1401 = arith.constant 0 : index
      %get3A_1402 = tpu.vector_load %arg10[%get3A_1401] {strides = array<i32>} : memref<256xf32, #tpu.memory_space<vmem>>, vector<16xf32>,
      %gt3A_1403 = arith.cmpf ogt, %get3A_1402, %broadcast_in_dim3A_1396 : vector<16xf32>
      %select_n3A_1404 = arith.select %gt3A_1403, %get3A_1402, %broadcast_in_dim3A_1396 : vector<16xi1>, vector<16xf32>
      %get3A_1405 = arith.constant 0 : index
      %get3A_1406 = tpu.vector_load %arg11[%get3A_1405] {strides = array<i32>} : memref<256xi32, #tpu.memory_space<vmem>>, vector<16xi32>,
      %select_n3A_1407 = arith.select %gt3A_1403, %get3A_1406, %broadcast_in_dim3A_1398 : vector<16xi1>, vector<16xi32>
      %add3A_1408 = arith.constant 0 : i32
      %add3A_1409 = vector.broadcast %add3A_1408 : i32 to vector<16xi32>
      %add3A_1410 = arith.addi %add3A_1409, %iota3A : vector<16xi32>
      %select_n3A_1411 = arith.select %gt3A_1403, %add3A_1410, %broadcast_in_dim3A_1400 : vector<16xi1>, vector<16xi32>
      %get3A_1412 = arith.constant 16 : index
      %get3A_1413 = tpu.vector_load %arg10[%get3A_1412] {strides = array<i32>} : memref<256xf32, #tpu.memory_space<vmem>>, vector<16xf32>,
      %gt3A_1414 = arith.cmpf ogt, %get3A_1413, %select_n3A_1404 : vector<16xf32>
      %select_n3A_1415 = arith.select %gt3A_1414, %get3A_1413, %select_n3A_1404 : vector<16xi1>, vector<16xf32>
      %get3A_1416 = arith.constant 16 : index
      %get3A_1417 = tpu.vector_load %arg11[%get3A_1416] {strides = array<i32>} : memref<256xi32, #tpu.memory_space<vmem>>, vector<16xi32>,
      %select_n3A_1418 = arith.select %gt3A_1414, %get3A_1417, %select_n3A_1407 : vector<16xi1>, vector<16xi32>
      %add3A_1419 = arith.constant 16 : i32
      %add3A_1420 = vector.broadcast %add3A_1419 : i32 to vector<16xi32>
      %add3A_1421 = arith.addi %add3A_1420, %iota3A : vector<16xi32>
      %select_n3A_1422 = arith.select %gt3A_1414, %add3A_1421, %select_n3A_1411 : vector<16xi1>, vector<16xi32>
      %get3A_1423 = arith.constant 32 : index
      %get3A_1424 = tpu.vector_load %arg10[%get3A_1423] {strides = array<i32>} : memref<256xf32, #tpu.memory_space<vmem>>, vector<16xf32>,
      %gt3A_1425 = arith.cmpf ogt, %get3A_1424, %select_n3A_1415 : vector<16xf32>
      %select_n3A_1426 = arith.select %gt3A_1425, %get3A_1424, %select_n3A_1415 : vector<16xi1>, vector<16xf32>
      %get3A_1427 = arith.constant 32 : index
      %get3A_1428 = tpu.vector_load %arg11[%get3A_1427] {strides = array<i32>} : memref<256xi32, #tpu.memory_space<vmem>>, vector<16xi32>,
      %select_n3A_1429 = arith.select %gt3A_1425, %get3A_1428, %select_n3A_1418 : vector<16xi1>, vector<16xi32>
      %add3A_1430 = arith.constant 32 : i32
      %add3A_1431 = vector.broadcast %add3A_1430 : i32 to vector<16xi32>
      %add3A_1432 = arith.addi %add3A_1431, %iota3A : vector<16xi32>
      %select_n3A_1433 = arith.select %gt3A_1425, %add3A_1432, %select_n3A_1422 : vector<16xi1>, vector<16xi32>
      %get3A_1434 = arith.constant 48 : index
      %get3A_1435 = tpu.vector_load %arg10[%get3A_1434] {strides = array<i32>} : memref<256xf32, #tpu.memory_space<vmem>>, vector<16xf32>,
      %gt3A_1436 = arith.cmpf ogt, %get3A_1435, %select_n3A_1426 : vector<16xf32>
      %select_n3A_1437 = arith.select %gt3A_1436, %get3A_1435, %select_n3A_1426 : vector<16xi1>, vector<16xf32>
      %get3A_1438 = arith.constant 48 : index
      %get3A_1439 = tpu.vector_load %arg11[%get3A_1438] {strides = array<i32>} : memref<256xi32, #tpu.memory_space<vmem>>, vector<16xi32>,
      %select_n3A_1440 = arith.select %gt3A_1436, %get3A_1439, %select_n3A_1429 : vector<16xi1>, vector<16xi32>
      %add3A_1441 = arith.constant 48 : i32
      %add3A_1442 = vector.broadcast %add3A_1441 : i32 to vector<16xi32>
      %add3A_1443 = arith.addi %add3A_1442, %iota3A : vector<16xi32>
      %select_n3A_1444 = arith.select %gt3A_1436, %add3A_1443, %select_n3A_1433 : vector<16xi1>, vector<16xi32>
      %get3A_1445 = arith.constant 64 : index
      %get3A_1446 = tpu.vector_load %arg10[%get3A_1445] {strides = array<i32>} : memref<256xf32, #tpu.memory_space<vmem>>, vector<16xf32>,
      %gt3A_1447 = arith.cmpf ogt, %get3A_1446, %select_n3A_1437 : vector<16xf32>
      %select_n3A_1448 = arith.select %gt3A_1447, %get3A_1446, %select_n3A_1437 : vector<16xi1>, vector<16xf32>
      %get3A_1449 = arith.constant 64 : index
      %get3A_1450 = tpu.vector_load %arg11[%get3A_1449] {strides = array<i32>} : memref<256xi32, #tpu.memory_space<vmem>>, vector<16xi32>,
      %select_n3A_1451 = arith.select %gt3A_1447, %get3A_1450, %select_n3A_1440 : vector<16xi1>, vector<16xi32>
      %add3A_1452 = arith.constant 64 : i32
      %add3A_1453 = vector.broadcast %add3A_1452 : i32 to vector<16xi32>
      %add3A_1454 = arith.addi %add3A_1453, %iota3A : vector<16xi32>
      %select_n3A_1455 = arith.select %gt3A_1447, %add3A_1454, %select_n3A_1444 : vector<16xi1>, vector<16xi32>
      %get3A_1456 = arith.constant 80 : index
      %get3A_1457 = tpu.vector_load %arg10[%get3A_1456] {strides = array<i32>} : memref<256xf32, #tpu.memory_space<vmem>>, vector<16xf32>,
      %gt3A_1458 = arith.cmpf ogt, %get3A_1457, %select_n3A_1448 : vector<16xf32>
      %select_n3A_1459 = arith.select %gt3A_1458, %get3A_1457, %select_n3A_1448 : vector<16xi1>, vector<16xf32>
      %get3A_1460 = arith.constant 80 : index
      %get3A_1461 = tpu.vector_load %arg11[%get3A_1460] {strides = array<i32>} : memref<256xi32, #tpu.memory_space<vmem>>, vector<16xi32>,
      %select_n3A_1462 = arith.select %gt3A_1458, %get3A_1461, %select_n3A_1451 : vector<16xi1>, vector<16xi32>
      %add3A_1463 = arith.constant 80 : i32
      %add3A_1464 = vector.broadcast %add3A_1463 : i32 to vector<16xi32>
      %add3A_1465 = arith.addi %add3A_1464, %iota3A : vector<16xi32>
      %select_n3A_1466 = arith.select %gt3A_1458, %add3A_1465, %select_n3A_1455 : vector<16xi1>, vector<16xi32>
      %get3A_1467 = arith.constant 96 : index
      %get3A_1468 = tpu.vector_load %arg10[%get3A_1467] {strides = array<i32>} : memref<256xf32, #tpu.memory_space<vmem>>, vector<16xf32>,
      %gt3A_1469 = arith.cmpf ogt, %get3A_1468, %select_n3A_1459 : vector<16xf32>
      %select_n3A_1470 = arith.select %gt3A_1469, %get3A_1468, %select_n3A_1459 : vector<16xi1>, vector<16xf32>
      %get3A_1471 = arith.constant 96 : index
      %get3A_1472 = tpu.vector_load %arg11[%get3A_1471] {strides = array<i32>} : memref<256xi32, #tpu.memory_space<vmem>>, vector<16xi32>,
      %select_n3A_1473 = arith.select %gt3A_1469, %get3A_1472, %select_n3A_1462 : vector<16xi1>, vector<16xi32>
      %add3A_1474 = arith.constant 96 : i32
      %add3A_1475 = vector.broadcast %add3A_1474 : i32 to vector<16xi32>
      %add3A_1476 = arith.addi %add3A_1475, %iota3A : vector<16xi32>
      %select_n3A_1477 = arith.select %gt3A_1469, %add3A_1476, %select_n3A_1466 : vector<16xi1>, vector<16xi32>
      %get3A_1478 = arith.constant 112 : index
      %get3A_1479 = tpu.vector_load %arg10[%get3A_1478] {strides = array<i32>} : memref<256xf32, #tpu.memory_space<vmem>>, vector<16xf32>,
      %gt3A_1480 = arith.cmpf ogt, %get3A_1479, %select_n3A_1470 : vector<16xf32>
      %select_n3A_1481 = arith.select %gt3A_1480, %get3A_1479, %select_n3A_1470 : vector<16xi1>, vector<16xf32>
      %get3A_1482 = arith.constant 112 : index
      %get3A_1483 = tpu.vector_load %arg11[%get3A_1482] {strides = array<i32>} : memref<256xi32, #tpu.memory_space<vmem>>, vector<16xi32>,
      %select_n3A_1484 = arith.select %gt3A_1480, %get3A_1483, %select_n3A_1473 : vector<16xi1>, vector<16xi32>
      %add3A_1485 = arith.constant 112 : i32
      %add3A_1486 = vector.broadcast %add3A_1485 : i32 to vector<16xi32>
      %add3A_1487 = arith.addi %add3A_1486, %iota3A : vector<16xi32>
      %select_n3A_1488 = arith.select %gt3A_1480, %add3A_1487, %select_n3A_1477 : vector<16xi1>, vector<16xi32>
      %get3A_1489 = arith.constant 128 : index
      %get3A_1490 = tpu.vector_load %arg10[%get3A_1489] {strides = array<i32>} : memref<256xf32, #tpu.memory_space<vmem>>, vector<16xf32>,
      %gt3A_1491 = arith.cmpf ogt, %get3A_1490, %select_n3A_1481 : vector<16xf32>
      %select_n3A_1492 = arith.select %gt3A_1491, %get3A_1490, %select_n3A_1481 : vector<16xi1>, vector<16xf32>
      %get3A_1493 = arith.constant 128 : index
      %get3A_1494 = tpu.vector_load %arg11[%get3A_1493] {strides = array<i32>} : memref<256xi32, #tpu.memory_space<vmem>>, vector<16xi32>,
      %select_n3A_1495 = arith.select %gt3A_1491, %get3A_1494, %select_n3A_1484 : vector<16xi1>, vector<16xi32>
      %add3A_1496 = arith.constant 128 : i32
      %add3A_1497 = vector.broadcast %add3A_1496 : i32 to vector<16xi32>
      %add3A_1498 = arith.addi %add3A_1497, %iota3A : vector<16xi32>
      %select_n3A_1499 = arith.select %gt3A_1491, %add3A_1498, %select_n3A_1488 : vector<16xi1>, vector<16xi32>
      %get3A_1500 = arith.constant 144 : index
      %get3A_1501 = tpu.vector_load %arg10[%get3A_1500] {strides = array<i32>} : memref<256xf32, #tpu.memory_space<vmem>>, vector<16xf32>,
      %gt3A_1502 = arith.cmpf ogt, %get3A_1501, %select_n3A_1492 : vector<16xf32>
      %select_n3A_1503 = arith.select %gt3A_1502, %get3A_1501, %select_n3A_1492 : vector<16xi1>, vector<16xf32>
      %get3A_1504 = arith.constant 144 : index
      %get3A_1505 = tpu.vector_load %arg11[%get3A_1504] {strides = array<i32>} : memref<256xi32, #tpu.memory_space<vmem>>, vector<16xi32>,
      %select_n3A_1506 = arith.select %gt3A_1502, %get3A_1505, %select_n3A_1495 : vector<16xi1>, vector<16xi32>
      %add3A_1507 = arith.constant 144 : i32
      %add3A_1508 = vector.broadcast %add3A_1507 : i32 to vector<16xi32>
      %add3A_1509 = arith.addi %add3A_1508, %iota3A : vector<16xi32>
      %select_n3A_1510 = arith.select %gt3A_1502, %add3A_1509, %select_n3A_1499 : vector<16xi1>, vector<16xi32>
      %get3A_1511 = arith.constant 160 : index
      %get3A_1512 = tpu.vector_load %arg10[%get3A_1511] {strides = array<i32>} : memref<256xf32, #tpu.memory_space<vmem>>, vector<16xf32>,
      %gt3A_1513 = arith.cmpf ogt, %get3A_1512, %select_n3A_1503 : vector<16xf32>
      %select_n3A_1514 = arith.select %gt3A_1513, %get3A_1512, %select_n3A_1503 : vector<16xi1>, vector<16xf32>
      %get3A_1515 = arith.constant 160 : index
      %get3A_1516 = tpu.vector_load %arg11[%get3A_1515] {strides = array<i32>} : memref<256xi32, #tpu.memory_space<vmem>>, vector<16xi32>,
      %select_n3A_1517 = arith.select %gt3A_1513, %get3A_1516, %select_n3A_1506 : vector<16xi1>, vector<16xi32>
      %add3A_1518 = arith.constant 160 : i32
      %add3A_1519 = vector.broadcast %add3A_1518 : i32 to vector<16xi32>
      %add3A_1520 = arith.addi %add3A_1519, %iota3A : vector<16xi32>
      %select_n3A_1521 = arith.select %gt3A_1513, %add3A_1520, %select_n3A_1510 : vector<16xi1>, vector<16xi32>
      %get3A_1522 = arith.constant 176 : index
      %get3A_1523 = tpu.vector_load %arg10[%get3A_1522] {strides = array<i32>} : memref<256xf32, #tpu.memory_space<vmem>>, vector<16xf32>,
      %gt3A_1524 = arith.cmpf ogt, %get3A_1523, %select_n3A_1514 : vector<16xf32>
      %select_n3A_1525 = arith.select %gt3A_1524, %get3A_1523, %select_n3A_1514 : vector<16xi1>, vector<16xf32>
      %get3A_1526 = arith.constant 176 : index
      %get3A_1527 = tpu.vector_load %arg11[%get3A_1526] {strides = array<i32>} : memref<256xi32, #tpu.memory_space<vmem>>, vector<16xi32>,
      %select_n3A_1528 = arith.select %gt3A_1524, %get3A_1527, %select_n3A_1517 : vector<16xi1>, vector<16xi32>
      %add3A_1529 = arith.constant 176 : i32
      %add3A_1530 = vector.broadcast %add3A_1529 : i32 to vector<16xi32>
      %add3A_1531 = arith.addi %add3A_1530, %iota3A : vector<16xi32>
      %select_n3A_1532 = arith.select %gt3A_1524, %add3A_1531, %select_n3A_1521 : vector<16xi1>, vector<16xi32>
      %get3A_1533 = arith.constant 192 : index
      %get3A_1534 = tpu.vector_load %arg10[%get3A_1533] {strides = array<i32>} : memref<256xf32, #tpu.memory_space<vmem>>, vector<16xf32>,
      %gt3A_1535 = arith.cmpf ogt, %get3A_1534, %select_n3A_1525 : vector<16xf32>
      %select_n3A_1536 = arith.select %gt3A_1535, %get3A_1534, %select_n3A_1525 : vector<16xi1>, vector<16xf32>
      %get3A_1537 = arith.constant 192 : index
      %get3A_1538 = tpu.vector_load %arg11[%get3A_1537] {strides = array<i32>} : memref<256xi32, #tpu.memory_space<vmem>>, vector<16xi32>,
      %select_n3A_1539 = arith.select %gt3A_1535, %get3A_1538, %select_n3A_1528 : vector<16xi1>, vector<16xi32>
      %add3A_1540 = arith.constant 192 : i32
      %add3A_1541 = vector.broadcast %add3A_1540 : i32 to vector<16xi32>
      %add3A_1542 = arith.addi %add3A_1541, %iota3A : vector<16xi32>
      %select_n3A_1543 = arith.select %gt3A_1535, %add3A_1542, %select_n3A_1532 : vector<16xi1>, vector<16xi32>
      %get3A_1544 = arith.constant 208 : index
      %get3A_1545 = tpu.vector_load %arg10[%get3A_1544] {strides = array<i32>} : memref<256xf32, #tpu.memory_space<vmem>>, vector<16xf32>,
      %gt3A_1546 = arith.cmpf ogt, %get3A_1545, %select_n3A_1536 : vector<16xf32>
      %select_n3A_1547 = arith.select %gt3A_1546, %get3A_1545, %select_n3A_1536 : vector<16xi1>, vector<16xf32>
      %get3A_1548 = arith.constant 208 : index
      %get3A_1549 = tpu.vector_load %arg11[%get3A_1548] {strides = array<i32>} : memref<256xi32, #tpu.memory_space<vmem>>, vector<16xi32>,
      %select_n3A_1550 = arith.select %gt3A_1546, %get3A_1549, %select_n3A_1539 : vector<16xi1>, vector<16xi32>
      %add3A_1551 = arith.constant 208 : i32
      %add3A_1552 = vector.broadcast %add3A_1551 : i32 to vector<16xi32>
      %add3A_1553 = arith.addi %add3A_1552, %iota3A : vector<16xi32>
      %select_n3A_1554 = arith.select %gt3A_1546, %add3A_1553, %select_n3A_1543 : vector<16xi1>, vector<16xi32>
      %get3A_1555 = arith.constant 224 : index
      %get3A_1556 = tpu.vector_load %arg10[%get3A_1555] {strides = array<i32>} : memref<256xf32, #tpu.memory_space<vmem>>, vector<16xf32>,
      %gt3A_1557 = arith.cmpf ogt, %get3A_1556, %select_n3A_1547 : vector<16xf32>
      %select_n3A_1558 = arith.select %gt3A_1557, %get3A_1556, %select_n3A_1547 : vector<16xi1>, vector<16xf32>
      %get3A_1559 = arith.constant 224 : index
      %get3A_1560 = tpu.vector_load %arg11[%get3A_1559] {strides = array<i32>} : memref<256xi32, #tpu.memory_space<vmem>>, vector<16xi32>,
      %select_n3A_1561 = arith.select %gt3A_1557, %get3A_1560, %select_n3A_1550 : vector<16xi1>, vector<16xi32>
      %add3A_1562 = arith.constant 224 : i32
      %add3A_1563 = vector.broadcast %add3A_1562 : i32 to vector<16xi32>
      %add3A_1564 = arith.addi %add3A_1563, %iota3A : vector<16xi32>
      %select_n3A_1565 = arith.select %gt3A_1557, %add3A_1564, %select_n3A_1554 : vector<16xi1>, vector<16xi32>
      %get3A_1566 = arith.constant 240 : index
      %get3A_1567 = tpu.vector_load %arg10[%get3A_1566] {strides = array<i32>} : memref<256xf32, #tpu.memory_space<vmem>>, vector<16xf32>,
      %gt3A_1568 = arith.cmpf ogt, %get3A_1567, %select_n3A_1558 : vector<16xf32>
      %select_n3A_1569 = arith.select %gt3A_1568, %get3A_1567, %select_n3A_1558 : vector<16xi1>, vector<16xf32>
      %get3A_1570 = arith.constant 240 : index
      %get3A_1571 = tpu.vector_load %arg11[%get3A_1570] {strides = array<i32>} : memref<256xi32, #tpu.memory_space<vmem>>, vector<16xi32>,
      %select_n3A_1572 = arith.select %gt3A_1568, %get3A_1571, %select_n3A_1561 : vector<16xi1>, vector<16xi32>
      %add3A_1573 = arith.constant 240 : i32
      %add3A_1574 = vector.broadcast %add3A_1573 : i32 to vector<16xi32>
      %add3A_1575 = arith.addi %add3A_1574, %iota3A : vector<16xi32>
      %select_n3A_1576 = arith.select %gt3A_1568, %add3A_1575, %select_n3A_1565 : vector<16xi1>, vector<16xi32>
      %reduce_max3A_1577 = arith.constant true
      %reduce_max3A_1578 = vector.broadcast %reduce_max3A_1577 : i1 to vector<16xi1>
      %reduce_max3A_1579 = tpu.scan <max>, %select_n3A_1569 masked %reduce_max3A_1578 : vector<16xf32>, vector<16xi1> -> vector<16xf32>
      %reduce_max3A_1580 = vector.extract %reduce_max3A_1579[15] : f32 from vector<16xf32>
      %eq3A_1581 = vector.broadcast %reduce_max3A_1580 : f32 to vector<16xf32>
      %eq3A_1582 = arith.cmpf oeq, %select_n3A_1569, %eq3A_1581 : vector<16xf32>
      %jit3A_1583 = arith.constant 2147483647 : i32
      %broadcast_in_dim3A_1584 = vector.broadcast %jit3A_1583 : i32 to vector<16xi32>
      %select_n3A_1585 = arith.select %eq3A_1582, %select_n3A_1572, %broadcast_in_dim3A_1584 : vector<16xi1>, vector<16xi32>
      %reduce_min3A_1586 = arith.constant true
      %reduce_min3A_1587 = vector.broadcast %reduce_min3A_1586 : i1 to vector<16xi1>
      %reduce_min3A_1588 = arith.constant -2147483648 : i32
      %reduce_min3A_1589 = vector.broadcast %reduce_min3A_1588 : i32 to vector<16xi32>
      %reduce_min3A_1590 = arith.xori %select_n3A_1585, %reduce_min3A_1589 : vector<16xi32>
      %reduce_min3A_1591 = tpu.scan <min>, %reduce_min3A_1590 masked %reduce_min3A_1587 : vector<16xi32>, vector<16xi1> -> vector<16xi32>
      %reduce_min3A_1592 = arith.xori %reduce_min3A_1591, %reduce_min3A_1589 : vector<16xi32>
      %reduce_min3A_1593 = vector.extract %reduce_min3A_1592[15] : i32 from vector<16xi32>
      %eq3A_1594 = vector.broadcast %reduce_max3A_1580 : f32 to vector<16xf32>
      %eq3A_1595 = arith.cmpf oeq, %select_n3A_1569, %eq3A_1594 : vector<16xf32>
      %eq3A_1596 = vector.broadcast %reduce_min3A_1593 : i32 to vector<16xi32>
      %eq3A_1597 = arith.cmpi eq, %select_n3A_1572, %eq3A_1596 : vector<16xi32>
      %and3A_1598 = arith.andi %eq3A_1595, %eq3A_1597 : vector<16xi1>
      %jit3A_1599 = arith.constant 2147483647 : i32
      %broadcast_in_dim3A_1600 = vector.broadcast %jit3A_1599 : i32 to vector<16xi32>
      %select_n3A_1601 = arith.select %and3A_1598, %select_n3A_1576, %broadcast_in_dim3A_1600 : vector<16xi1>, vector<16xi32>
      %reduce_min3A_1602 = arith.constant true
      %reduce_min3A_1603 = vector.broadcast %reduce_min3A_1602 : i1 to vector<16xi1>
      %reduce_min3A_1604 = arith.constant -2147483648 : i32
      %reduce_min3A_1605 = vector.broadcast %reduce_min3A_1604 : i32 to vector<16xi32>
      %reduce_min3A_1606 = arith.xori %select_n3A_1601, %reduce_min3A_1605 : vector<16xi32>
      %reduce_min3A_1607 = tpu.scan <min>, %reduce_min3A_1606 masked %reduce_min3A_1603 : vector<16xi32>, vector<16xi1> -> vector<16xi32>
      %reduce_min3A_1608 = arith.xori %reduce_min3A_1607, %reduce_min3A_1605 : vector<16xi32>
      %reduce_min3A_1609 = vector.extract %reduce_min3A_1608[15] : i32 from vector<16xi32>
      %eq3A_1610 = arith.constant 2 : i32
      %eq3A_1611 = vector.broadcast %eq3A_1610 : i32 to vector<16xi32>
      %eq3A_1612 = arith.cmpi eq, %iota3A, %eq3A_1611 : vector<16xi32>
      %broadcast_in_dim3A_1613 = vector.broadcast %reduce_max3A_1580 : f32 to vector<16xf32>
      %select_n3A_1614 = arith.select %eq3A_1612, %broadcast_in_dim3A_1613, %select_n3A_1376 : vector<16xi1>, vector<16xf32>
      %eq3A_1615 = arith.constant 2 : i32
      %eq3A_1616 = vector.broadcast %eq3A_1615 : i32 to vector<16xi32>
      %eq3A_1617 = arith.cmpi eq, %iota3A, %eq3A_1616 : vector<16xi32>
      %broadcast_in_dim3A_1618 = vector.broadcast %reduce_min3A_1593 : i32 to vector<16xi32>
      %select_n3A_1619 = arith.select %eq3A_1617, %broadcast_in_dim3A_1618, %select_n3A_1381 : vector<16xi1>, vector<16xi32>
      %and3A_1620 = arith.constant -16 : i32
      %and3A_1621 = arith.andi %reduce_min3A_1609, %and3A_1620 : i32
      %get3A_1622 = arith.index_cast %and3A_1621 : i32 to index
      %get3A_1623 = tpu.vector_load %arg10[%get3A_1622] {strides = array<i32>} : memref<256xf32, #tpu.memory_space<vmem>>, vector<16xf32>,
      %and3A_1624 = arith.constant 15 : i32
      %and3A_1625 = arith.andi %reduce_min3A_1609, %and3A_1624 : i32
      %eq3A_1626 = vector.broadcast %and3A_1625 : i32 to vector<16xi32>
      %eq3A_1627 = arith.cmpi eq, %iota3A, %eq3A_1626 : vector<16xi32>
      %jit3A_1628 = arith.constant -1.000000e+30 : f32
      %broadcast_in_dim3A_1629 = vector.broadcast %jit3A_1628 : f32 to vector<16xf32>
      %select_n3A_1630 = arith.select %eq3A_1627, %broadcast_in_dim3A_1629, %get3A_1623 : vector<16xi1>, vector<16xf32>
      %swap3A_1631 = arith.index_cast %and3A_1621 : i32 to index
      %swap3A_1632 = tpu.vector_load %arg10[%swap3A_1631] {strides = array<i32>} : memref<256xf32, #tpu.memory_space<vmem>>, vector<16xf32>,
      tpu.vector_store %arg10[%swap3A_1631], %select_n3A_1630 {strides = array<i32>} : memref<256xf32, #tpu.memory_space<vmem>>, vector<16xf32>,
      %broadcast_in_dim3A_1633 = arith.constant -1.000000e+30 : f32
      %broadcast_in_dim3A_1634 = vector.broadcast %broadcast_in_dim3A_1633 : f32 to vector<16xf32>
      %broadcast_in_dim3A_1635 = arith.constant 0 : i32
      %broadcast_in_dim3A_1636 = vector.broadcast %broadcast_in_dim3A_1635 : i32 to vector<16xi32>
      %broadcast_in_dim3A_1637 = arith.constant 0 : i32
      %broadcast_in_dim3A_1638 = vector.broadcast %broadcast_in_dim3A_1637 : i32 to vector<16xi32>
      %get3A_1639 = arith.constant 0 : index
      %get3A_1640 = tpu.vector_load %arg10[%get3A_1639] {strides = array<i32>} : memref<256xf32, #tpu.memory_space<vmem>>, vector<16xf32>,
      %gt3A_1641 = arith.cmpf ogt, %get3A_1640, %broadcast_in_dim3A_1634 : vector<16xf32>
      %select_n3A_1642 = arith.select %gt3A_1641, %get3A_1640, %broadcast_in_dim3A_1634 : vector<16xi1>, vector<16xf32>
      %get3A_1643 = arith.constant 0 : index
      %get3A_1644 = tpu.vector_load %arg11[%get3A_1643] {strides = array<i32>} : memref<256xi32, #tpu.memory_space<vmem>>, vector<16xi32>,
      %select_n3A_1645 = arith.select %gt3A_1641, %get3A_1644, %broadcast_in_dim3A_1636 : vector<16xi1>, vector<16xi32>
      %add3A_1646 = arith.constant 0 : i32
      %add3A_1647 = vector.broadcast %add3A_1646 : i32 to vector<16xi32>
      %add3A_1648 = arith.addi %add3A_1647, %iota3A : vector<16xi32>
      %select_n3A_1649 = arith.select %gt3A_1641, %add3A_1648, %broadcast_in_dim3A_1638 : vector<16xi1>, vector<16xi32>
      %get3A_1650 = arith.constant 16 : index
      %get3A_1651 = tpu.vector_load %arg10[%get3A_1650] {strides = array<i32>} : memref<256xf32, #tpu.memory_space<vmem>>, vector<16xf32>,
      %gt3A_1652 = arith.cmpf ogt, %get3A_1651, %select_n3A_1642 : vector<16xf32>
      %select_n3A_1653 = arith.select %gt3A_1652, %get3A_1651, %select_n3A_1642 : vector<16xi1>, vector<16xf32>
      %get3A_1654 = arith.constant 16 : index
      %get3A_1655 = tpu.vector_load %arg11[%get3A_1654] {strides = array<i32>} : memref<256xi32, #tpu.memory_space<vmem>>, vector<16xi32>,
      %select_n3A_1656 = arith.select %gt3A_1652, %get3A_1655, %select_n3A_1645 : vector<16xi1>, vector<16xi32>
      %add3A_1657 = arith.constant 16 : i32
      %add3A_1658 = vector.broadcast %add3A_1657 : i32 to vector<16xi32>
      %add3A_1659 = arith.addi %add3A_1658, %iota3A : vector<16xi32>
      %select_n3A_1660 = arith.select %gt3A_1652, %add3A_1659, %select_n3A_1649 : vector<16xi1>, vector<16xi32>
      %get3A_1661 = arith.constant 32 : index
      %get3A_1662 = tpu.vector_load %arg10[%get3A_1661] {strides = array<i32>} : memref<256xf32, #tpu.memory_space<vmem>>, vector<16xf32>,
      %gt3A_1663 = arith.cmpf ogt, %get3A_1662, %select_n3A_1653 : vector<16xf32>
      %select_n3A_1664 = arith.select %gt3A_1663, %get3A_1662, %select_n3A_1653 : vector<16xi1>, vector<16xf32>
      %get3A_1665 = arith.constant 32 : index
      %get3A_1666 = tpu.vector_load %arg11[%get3A_1665] {strides = array<i32>} : memref<256xi32, #tpu.memory_space<vmem>>, vector<16xi32>,
      %select_n3A_1667 = arith.select %gt3A_1663, %get3A_1666, %select_n3A_1656 : vector<16xi1>, vector<16xi32>
      %add3A_1668 = arith.constant 32 : i32
      %add3A_1669 = vector.broadcast %add3A_1668 : i32 to vector<16xi32>
      %add3A_1670 = arith.addi %add3A_1669, %iota3A : vector<16xi32>
      %select_n3A_1671 = arith.select %gt3A_1663, %add3A_1670, %select_n3A_1660 : vector<16xi1>, vector<16xi32>
      %get3A_1672 = arith.constant 48 : index
      %get3A_1673 = tpu.vector_load %arg10[%get3A_1672] {strides = array<i32>} : memref<256xf32, #tpu.memory_space<vmem>>, vector<16xf32>,
      %gt3A_1674 = arith.cmpf ogt, %get3A_1673, %select_n3A_1664 : vector<16xf32>
      %select_n3A_1675 = arith.select %gt3A_1674, %get3A_1673, %select_n3A_1664 : vector<16xi1>, vector<16xf32>
      %get3A_1676 = arith.constant 48 : index
      %get3A_1677 = tpu.vector_load %arg11[%get3A_1676] {strides = array<i32>} : memref<256xi32, #tpu.memory_space<vmem>>, vector<16xi32>,
      %select_n3A_1678 = arith.select %gt3A_1674, %get3A_1677, %select_n3A_1667 : vector<16xi1>, vector<16xi32>
      %add3A_1679 = arith.constant 48 : i32
      %add3A_1680 = vector.broadcast %add3A_1679 : i32 to vector<16xi32>
      %add3A_1681 = arith.addi %add3A_1680, %iota3A : vector<16xi32>
      %select_n3A_1682 = arith.select %gt3A_1674, %add3A_1681, %select_n3A_1671 : vector<16xi1>, vector<16xi32>
      %get3A_1683 = arith.constant 64 : index
      %get3A_1684 = tpu.vector_load %arg10[%get3A_1683] {strides = array<i32>} : memref<256xf32, #tpu.memory_space<vmem>>, vector<16xf32>,
      %gt3A_1685 = arith.cmpf ogt, %get3A_1684, %select_n3A_1675 : vector<16xf32>
      %select_n3A_1686 = arith.select %gt3A_1685, %get3A_1684, %select_n3A_1675 : vector<16xi1>, vector<16xf32>
      %get3A_1687 = arith.constant 64 : index
      %get3A_1688 = tpu.vector_load %arg11[%get3A_1687] {strides = array<i32>} : memref<256xi32, #tpu.memory_space<vmem>>, vector<16xi32>,
      %select_n3A_1689 = arith.select %gt3A_1685, %get3A_1688, %select_n3A_1678 : vector<16xi1>, vector<16xi32>
      %add3A_1690 = arith.constant 64 : i32
      %add3A_1691 = vector.broadcast %add3A_1690 : i32 to vector<16xi32>
      %add3A_1692 = arith.addi %add3A_1691, %iota3A : vector<16xi32>
      %select_n3A_1693 = arith.select %gt3A_1685, %add3A_1692, %select_n3A_1682 : vector<16xi1>, vector<16xi32>
      %get3A_1694 = arith.constant 80 : index
      %get3A_1695 = tpu.vector_load %arg10[%get3A_1694] {strides = array<i32>} : memref<256xf32, #tpu.memory_space<vmem>>, vector<16xf32>,
      %gt3A_1696 = arith.cmpf ogt, %get3A_1695, %select_n3A_1686 : vector<16xf32>
      %select_n3A_1697 = arith.select %gt3A_1696, %get3A_1695, %select_n3A_1686 : vector<16xi1>, vector<16xf32>
      %get3A_1698 = arith.constant 80 : index
      %get3A_1699 = tpu.vector_load %arg11[%get3A_1698] {strides = array<i32>} : memref<256xi32, #tpu.memory_space<vmem>>, vector<16xi32>,
      %select_n3A_1700 = arith.select %gt3A_1696, %get3A_1699, %select_n3A_1689 : vector<16xi1>, vector<16xi32>
      %add3A_1701 = arith.constant 80 : i32
      %add3A_1702 = vector.broadcast %add3A_1701 : i32 to vector<16xi32>
      %add3A_1703 = arith.addi %add3A_1702, %iota3A : vector<16xi32>
      %select_n3A_1704 = arith.select %gt3A_1696, %add3A_1703, %select_n3A_1693 : vector<16xi1>, vector<16xi32>
      %get3A_1705 = arith.constant 96 : index
      %get3A_1706 = tpu.vector_load %arg10[%get3A_1705] {strides = array<i32>} : memref<256xf32, #tpu.memory_space<vmem>>, vector<16xf32>,
      %gt3A_1707 = arith.cmpf ogt, %get3A_1706, %select_n3A_1697 : vector<16xf32>
      %select_n3A_1708 = arith.select %gt3A_1707, %get3A_1706, %select_n3A_1697 : vector<16xi1>, vector<16xf32>
      %get3A_1709 = arith.constant 96 : index
      %get3A_1710 = tpu.vector_load %arg11[%get3A_1709] {strides = array<i32>} : memref<256xi32, #tpu.memory_space<vmem>>, vector<16xi32>,
      %select_n3A_1711 = arith.select %gt3A_1707, %get3A_1710, %select_n3A_1700 : vector<16xi1>, vector<16xi32>
      %add3A_1712 = arith.constant 96 : i32
      %add3A_1713 = vector.broadcast %add3A_1712 : i32 to vector<16xi32>
      %add3A_1714 = arith.addi %add3A_1713, %iota3A : vector<16xi32>
      %select_n3A_1715 = arith.select %gt3A_1707, %add3A_1714, %select_n3A_1704 : vector<16xi1>, vector<16xi32>
      %get3A_1716 = arith.constant 112 : index
      %get3A_1717 = tpu.vector_load %arg10[%get3A_1716] {strides = array<i32>} : memref<256xf32, #tpu.memory_space<vmem>>, vector<16xf32>,
      %gt3A_1718 = arith.cmpf ogt, %get3A_1717, %select_n3A_1708 : vector<16xf32>
      %select_n3A_1719 = arith.select %gt3A_1718, %get3A_1717, %select_n3A_1708 : vector<16xi1>, vector<16xf32>
      %get3A_1720 = arith.constant 112 : index
      %get3A_1721 = tpu.vector_load %arg11[%get3A_1720] {strides = array<i32>} : memref<256xi32, #tpu.memory_space<vmem>>, vector<16xi32>,
      %select_n3A_1722 = arith.select %gt3A_1718, %get3A_1721, %select_n3A_1711 : vector<16xi1>, vector<16xi32>
      %add3A_1723 = arith.constant 112 : i32
      %add3A_1724 = vector.broadcast %add3A_1723 : i32 to vector<16xi32>
      %add3A_1725 = arith.addi %add3A_1724, %iota3A : vector<16xi32>
      %select_n3A_1726 = arith.select %gt3A_1718, %add3A_1725, %select_n3A_1715 : vector<16xi1>, vector<16xi32>
      %get3A_1727 = arith.constant 128 : index
      %get3A_1728 = tpu.vector_load %arg10[%get3A_1727] {strides = array<i32>} : memref<256xf32, #tpu.memory_space<vmem>>, vector<16xf32>,
      %gt3A_1729 = arith.cmpf ogt, %get3A_1728, %select_n3A_1719 : vector<16xf32>
      %select_n3A_1730 = arith.select %gt3A_1729, %get3A_1728, %select_n3A_1719 : vector<16xi1>, vector<16xf32>
      %get3A_1731 = arith.constant 128 : index
      %get3A_1732 = tpu.vector_load %arg11[%get3A_1731] {strides = array<i32>} : memref<256xi32, #tpu.memory_space<vmem>>, vector<16xi32>,
      %select_n3A_1733 = arith.select %gt3A_1729, %get3A_1732, %select_n3A_1722 : vector<16xi1>, vector<16xi32>
      %add3A_1734 = arith.constant 128 : i32
      %add3A_1735 = vector.broadcast %add3A_1734 : i32 to vector<16xi32>
      %add3A_1736 = arith.addi %add3A_1735, %iota3A : vector<16xi32>
      %select_n3A_1737 = arith.select %gt3A_1729, %add3A_1736, %select_n3A_1726 : vector<16xi1>, vector<16xi32>
      %get3A_1738 = arith.constant 144 : index
      %get3A_1739 = tpu.vector_load %arg10[%get3A_1738] {strides = array<i32>} : memref<256xf32, #tpu.memory_space<vmem>>, vector<16xf32>,
      %gt3A_1740 = arith.cmpf ogt, %get3A_1739, %select_n3A_1730 : vector<16xf32>
      %select_n3A_1741 = arith.select %gt3A_1740, %get3A_1739, %select_n3A_1730 : vector<16xi1>, vector<16xf32>
      %get3A_1742 = arith.constant 144 : index
      %get3A_1743 = tpu.vector_load %arg11[%get3A_1742] {strides = array<i32>} : memref<256xi32, #tpu.memory_space<vmem>>, vector<16xi32>,
      %select_n3A_1744 = arith.select %gt3A_1740, %get3A_1743, %select_n3A_1733 : vector<16xi1>, vector<16xi32>
      %add3A_1745 = arith.constant 144 : i32
      %add3A_1746 = vector.broadcast %add3A_1745 : i32 to vector<16xi32>
      %add3A_1747 = arith.addi %add3A_1746, %iota3A : vector<16xi32>
      %select_n3A_1748 = arith.select %gt3A_1740, %add3A_1747, %select_n3A_1737 : vector<16xi1>, vector<16xi32>
      %get3A_1749 = arith.constant 160 : index
      %get3A_1750 = tpu.vector_load %arg10[%get3A_1749] {strides = array<i32>} : memref<256xf32, #tpu.memory_space<vmem>>, vector<16xf32>,
      %gt3A_1751 = arith.cmpf ogt, %get3A_1750, %select_n3A_1741 : vector<16xf32>
      %select_n3A_1752 = arith.select %gt3A_1751, %get3A_1750, %select_n3A_1741 : vector<16xi1>, vector<16xf32>
      %get3A_1753 = arith.constant 160 : index
      %get3A_1754 = tpu.vector_load %arg11[%get3A_1753] {strides = array<i32>} : memref<256xi32, #tpu.memory_space<vmem>>, vector<16xi32>,
      %select_n3A_1755 = arith.select %gt3A_1751, %get3A_1754, %select_n3A_1744 : vector<16xi1>, vector<16xi32>
      %add3A_1756 = arith.constant 160 : i32
      %add3A_1757 = vector.broadcast %add3A_1756 : i32 to vector<16xi32>
      %add3A_1758 = arith.addi %add3A_1757, %iota3A : vector<16xi32>
      %select_n3A_1759 = arith.select %gt3A_1751, %add3A_1758, %select_n3A_1748 : vector<16xi1>, vector<16xi32>
      %get3A_1760 = arith.constant 176 : index
      %get3A_1761 = tpu.vector_load %arg10[%get3A_1760] {strides = array<i32>} : memref<256xf32, #tpu.memory_space<vmem>>, vector<16xf32>,
      %gt3A_1762 = arith.cmpf ogt, %get3A_1761, %select_n3A_1752 : vector<16xf32>
      %select_n3A_1763 = arith.select %gt3A_1762, %get3A_1761, %select_n3A_1752 : vector<16xi1>, vector<16xf32>
      %get3A_1764 = arith.constant 176 : index
      %get3A_1765 = tpu.vector_load %arg11[%get3A_1764] {strides = array<i32>} : memref<256xi32, #tpu.memory_space<vmem>>, vector<16xi32>,
      %select_n3A_1766 = arith.select %gt3A_1762, %get3A_1765, %select_n3A_1755 : vector<16xi1>, vector<16xi32>
      %add3A_1767 = arith.constant 176 : i32
      %add3A_1768 = vector.broadcast %add3A_1767 : i32 to vector<16xi32>
      %add3A_1769 = arith.addi %add3A_1768, %iota3A : vector<16xi32>
      %select_n3A_1770 = arith.select %gt3A_1762, %add3A_1769, %select_n3A_1759 : vector<16xi1>, vector<16xi32>
      %get3A_1771 = arith.constant 192 : index
      %get3A_1772 = tpu.vector_load %arg10[%get3A_1771] {strides = array<i32>} : memref<256xf32, #tpu.memory_space<vmem>>, vector<16xf32>,
      %gt3A_1773 = arith.cmpf ogt, %get3A_1772, %select_n3A_1763 : vector<16xf32>
      %select_n3A_1774 = arith.select %gt3A_1773, %get3A_1772, %select_n3A_1763 : vector<16xi1>, vector<16xf32>
      %get3A_1775 = arith.constant 192 : index
      %get3A_1776 = tpu.vector_load %arg11[%get3A_1775] {strides = array<i32>} : memref<256xi32, #tpu.memory_space<vmem>>, vector<16xi32>,
      %select_n3A_1777 = arith.select %gt3A_1773, %get3A_1776, %select_n3A_1766 : vector<16xi1>, vector<16xi32>
      %add3A_1778 = arith.constant 192 : i32
      %add3A_1779 = vector.broadcast %add3A_1778 : i32 to vector<16xi32>
      %add3A_1780 = arith.addi %add3A_1779, %iota3A : vector<16xi32>
      %select_n3A_1781 = arith.select %gt3A_1773, %add3A_1780, %select_n3A_1770 : vector<16xi1>, vector<16xi32>
      %get3A_1782 = arith.constant 208 : index
      %get3A_1783 = tpu.vector_load %arg10[%get3A_1782] {strides = array<i32>} : memref<256xf32, #tpu.memory_space<vmem>>, vector<16xf32>,
      %gt3A_1784 = arith.cmpf ogt, %get3A_1783, %select_n3A_1774 : vector<16xf32>
      %select_n3A_1785 = arith.select %gt3A_1784, %get3A_1783, %select_n3A_1774 : vector<16xi1>, vector<16xf32>
      %get3A_1786 = arith.constant 208 : index
      %get3A_1787 = tpu.vector_load %arg11[%get3A_1786] {strides = array<i32>} : memref<256xi32, #tpu.memory_space<vmem>>, vector<16xi32>,
      %select_n3A_1788 = arith.select %gt3A_1784, %get3A_1787, %select_n3A_1777 : vector<16xi1>, vector<16xi32>
      %add3A_1789 = arith.constant 208 : i32
      %add3A_1790 = vector.broadcast %add3A_1789 : i32 to vector<16xi32>
      %add3A_1791 = arith.addi %add3A_1790, %iota3A : vector<16xi32>
      %select_n3A_1792 = arith.select %gt3A_1784, %add3A_1791, %select_n3A_1781 : vector<16xi1>, vector<16xi32>
      %get3A_1793 = arith.constant 224 : index
      %get3A_1794 = tpu.vector_load %arg10[%get3A_1793] {strides = array<i32>} : memref<256xf32, #tpu.memory_space<vmem>>, vector<16xf32>,
      %gt3A_1795 = arith.cmpf ogt, %get3A_1794, %select_n3A_1785 : vector<16xf32>
      %select_n3A_1796 = arith.select %gt3A_1795, %get3A_1794, %select_n3A_1785 : vector<16xi1>, vector<16xf32>
      %get3A_1797 = arith.constant 224 : index
      %get3A_1798 = tpu.vector_load %arg11[%get3A_1797] {strides = array<i32>} : memref<256xi32, #tpu.memory_space<vmem>>, vector<16xi32>,
      %select_n3A_1799 = arith.select %gt3A_1795, %get3A_1798, %select_n3A_1788 : vector<16xi1>, vector<16xi32>
      %add3A_1800 = arith.constant 224 : i32
      %add3A_1801 = vector.broadcast %add3A_1800 : i32 to vector<16xi32>
      %add3A_1802 = arith.addi %add3A_1801, %iota3A : vector<16xi32>
      %select_n3A_1803 = arith.select %gt3A_1795, %add3A_1802, %select_n3A_1792 : vector<16xi1>, vector<16xi32>
      %get3A_1804 = arith.constant 240 : index
      %get3A_1805 = tpu.vector_load %arg10[%get3A_1804] {strides = array<i32>} : memref<256xf32, #tpu.memory_space<vmem>>, vector<16xf32>,
      %gt3A_1806 = arith.cmpf ogt, %get3A_1805, %select_n3A_1796 : vector<16xf32>
      %select_n3A_1807 = arith.select %gt3A_1806, %get3A_1805, %select_n3A_1796 : vector<16xi1>, vector<16xf32>
      %get3A_1808 = arith.constant 240 : index
      %get3A_1809 = tpu.vector_load %arg11[%get3A_1808] {strides = array<i32>} : memref<256xi32, #tpu.memory_space<vmem>>, vector<16xi32>,
      %select_n3A_1810 = arith.select %gt3A_1806, %get3A_1809, %select_n3A_1799 : vector<16xi1>, vector<16xi32>
      %add3A_1811 = arith.constant 240 : i32
      %add3A_1812 = vector.broadcast %add3A_1811 : i32 to vector<16xi32>
      %add3A_1813 = arith.addi %add3A_1812, %iota3A : vector<16xi32>
      %select_n3A_1814 = arith.select %gt3A_1806, %add3A_1813, %select_n3A_1803 : vector<16xi1>, vector<16xi32>
      %reduce_max3A_1815 = arith.constant true
      %reduce_max3A_1816 = vector.broadcast %reduce_max3A_1815 : i1 to vector<16xi1>
      %reduce_max3A_1817 = tpu.scan <max>, %select_n3A_1807 masked %reduce_max3A_1816 : vector<16xf32>, vector<16xi1> -> vector<16xf32>
      %reduce_max3A_1818 = vector.extract %reduce_max3A_1817[15] : f32 from vector<16xf32>
      %eq3A_1819 = vector.broadcast %reduce_max3A_1818 : f32 to vector<16xf32>
      %eq3A_1820 = arith.cmpf oeq, %select_n3A_1807, %eq3A_1819 : vector<16xf32>
      %jit3A_1821 = arith.constant 2147483647 : i32
      %broadcast_in_dim3A_1822 = vector.broadcast %jit3A_1821 : i32 to vector<16xi32>
      %select_n3A_1823 = arith.select %eq3A_1820, %select_n3A_1810, %broadcast_in_dim3A_1822 : vector<16xi1>, vector<16xi32>
      %reduce_min3A_1824 = arith.constant true
      %reduce_min3A_1825 = vector.broadcast %reduce_min3A_1824 : i1 to vector<16xi1>
      %reduce_min3A_1826 = arith.constant -2147483648 : i32
      %reduce_min3A_1827 = vector.broadcast %reduce_min3A_1826 : i32 to vector<16xi32>
      %reduce_min3A_1828 = arith.xori %select_n3A_1823, %reduce_min3A_1827 : vector<16xi32>
      %reduce_min3A_1829 = tpu.scan <min>, %reduce_min3A_1828 masked %reduce_min3A_1825 : vector<16xi32>, vector<16xi1> -> vector<16xi32>
      %reduce_min3A_1830 = arith.xori %reduce_min3A_1829, %reduce_min3A_1827 : vector<16xi32>
      %reduce_min3A_1831 = vector.extract %reduce_min3A_1830[15] : i32 from vector<16xi32>
      %eq3A_1832 = vector.broadcast %reduce_max3A_1818 : f32 to vector<16xf32>
      %eq3A_1833 = arith.cmpf oeq, %select_n3A_1807, %eq3A_1832 : vector<16xf32>
      %eq3A_1834 = vector.broadcast %reduce_min3A_1831 : i32 to vector<16xi32>
      %eq3A_1835 = arith.cmpi eq, %select_n3A_1810, %eq3A_1834 : vector<16xi32>
      %and3A_1836 = arith.andi %eq3A_1833, %eq3A_1835 : vector<16xi1>
      %jit3A_1837 = arith.constant 2147483647 : i32
      %broadcast_in_dim3A_1838 = vector.broadcast %jit3A_1837 : i32 to vector<16xi32>
      %select_n3A_1839 = arith.select %and3A_1836, %select_n3A_1814, %broadcast_in_dim3A_1838 : vector<16xi1>, vector<16xi32>
      %reduce_min3A_1840 = arith.constant true
      %reduce_min3A_1841 = vector.broadcast %reduce_min3A_1840 : i1 to vector<16xi1>
      %reduce_min3A_1842 = arith.constant -2147483648 : i32
      %reduce_min3A_1843 = vector.broadcast %reduce_min3A_1842 : i32 to vector<16xi32>
      %reduce_min3A_1844 = arith.xori %select_n3A_1839, %reduce_min3A_1843 : vector<16xi32>
      %reduce_min3A_1845 = tpu.scan <min>, %reduce_min3A_1844 masked %reduce_min3A_1841 : vector<16xi32>, vector<16xi1> -> vector<16xi32>
      %reduce_min3A_1846 = arith.xori %reduce_min3A_1845, %reduce_min3A_1843 : vector<16xi32>
      %reduce_min3A_1847 = vector.extract %reduce_min3A_1846[15] : i32 from vector<16xi32>
      %eq3A_1848 = arith.constant 3 : i32
      %eq3A_1849 = vector.broadcast %eq3A_1848 : i32 to vector<16xi32>
      %eq3A_1850 = arith.cmpi eq, %iota3A, %eq3A_1849 : vector<16xi32>
      %broadcast_in_dim3A_1851 = vector.broadcast %reduce_max3A_1818 : f32 to vector<16xf32>
      %select_n3A_1852 = arith.select %eq3A_1850, %broadcast_in_dim3A_1851, %select_n3A_1614 : vector<16xi1>, vector<16xf32>
      %eq3A_1853 = arith.constant 3 : i32
      %eq3A_1854 = vector.broadcast %eq3A_1853 : i32 to vector<16xi32>
      %eq3A_1855 = arith.cmpi eq, %iota3A, %eq3A_1854 : vector<16xi32>
      %broadcast_in_dim3A_1856 = vector.broadcast %reduce_min3A_1831 : i32 to vector<16xi32>
      %select_n3A_1857 = arith.select %eq3A_1855, %broadcast_in_dim3A_1856, %select_n3A_1619 : vector<16xi1>, vector<16xi32>
      %and3A_1858 = arith.constant -16 : i32
      %and3A_1859 = arith.andi %reduce_min3A_1847, %and3A_1858 : i32
      %get3A_1860 = arith.index_cast %and3A_1859 : i32 to index
      %get3A_1861 = tpu.vector_load %arg10[%get3A_1860] {strides = array<i32>} : memref<256xf32, #tpu.memory_space<vmem>>, vector<16xf32>,
      %and3A_1862 = arith.constant 15 : i32
      %and3A_1863 = arith.andi %reduce_min3A_1847, %and3A_1862 : i32
      %eq3A_1864 = vector.broadcast %and3A_1863 : i32 to vector<16xi32>
      %eq3A_1865 = arith.cmpi eq, %iota3A, %eq3A_1864 : vector<16xi32>
      %jit3A_1866 = arith.constant -1.000000e+30 : f32
      %broadcast_in_dim3A_1867 = vector.broadcast %jit3A_1866 : f32 to vector<16xf32>
      %select_n3A_1868 = arith.select %eq3A_1865, %broadcast_in_dim3A_1867, %get3A_1861 : vector<16xi1>, vector<16xf32>
      %swap3A_1869 = arith.index_cast %and3A_1859 : i32 to index
      %swap3A_1870 = tpu.vector_load %arg10[%swap3A_1869] {strides = array<i32>} : memref<256xf32, #tpu.memory_space<vmem>>, vector<16xf32>,
      tpu.vector_store %arg10[%swap3A_1869], %select_n3A_1868 {strides = array<i32>} : memref<256xf32, #tpu.memory_space<vmem>>, vector<16xf32>,
      %broadcast_in_dim3A_1871 = arith.constant -1.000000e+30 : f32
      %broadcast_in_dim3A_1872 = vector.broadcast %broadcast_in_dim3A_1871 : f32 to vector<16xf32>
      %broadcast_in_dim3A_1873 = arith.constant 0 : i32
      %broadcast_in_dim3A_1874 = vector.broadcast %broadcast_in_dim3A_1873 : i32 to vector<16xi32>
      %broadcast_in_dim3A_1875 = arith.constant 0 : i32
      %broadcast_in_dim3A_1876 = vector.broadcast %broadcast_in_dim3A_1875 : i32 to vector<16xi32>
      %get3A_1877 = arith.constant 0 : index
      %get3A_1878 = tpu.vector_load %arg10[%get3A_1877] {strides = array<i32>} : memref<256xf32, #tpu.memory_space<vmem>>, vector<16xf32>,
      %gt3A_1879 = arith.cmpf ogt, %get3A_1878, %broadcast_in_dim3A_1872 : vector<16xf32>
      %select_n3A_1880 = arith.select %gt3A_1879, %get3A_1878, %broadcast_in_dim3A_1872 : vector<16xi1>, vector<16xf32>
      %get3A_1881 = arith.constant 0 : index
      %get3A_1882 = tpu.vector_load %arg11[%get3A_1881] {strides = array<i32>} : memref<256xi32, #tpu.memory_space<vmem>>, vector<16xi32>,
      %select_n3A_1883 = arith.select %gt3A_1879, %get3A_1882, %broadcast_in_dim3A_1874 : vector<16xi1>, vector<16xi32>
      %add3A_1884 = arith.constant 0 : i32
      %add3A_1885 = vector.broadcast %add3A_1884 : i32 to vector<16xi32>
      %add3A_1886 = arith.addi %add3A_1885, %iota3A : vector<16xi32>
      %select_n3A_1887 = arith.select %gt3A_1879, %add3A_1886, %broadcast_in_dim3A_1876 : vector<16xi1>, vector<16xi32>
      %get3A_1888 = arith.constant 16 : index
      %get3A_1889 = tpu.vector_load %arg10[%get3A_1888] {strides = array<i32>} : memref<256xf32, #tpu.memory_space<vmem>>, vector<16xf32>,
      %gt3A_1890 = arith.cmpf ogt, %get3A_1889, %select_n3A_1880 : vector<16xf32>
      %select_n3A_1891 = arith.select %gt3A_1890, %get3A_1889, %select_n3A_1880 : vector<16xi1>, vector<16xf32>
      %get3A_1892 = arith.constant 16 : index
      %get3A_1893 = tpu.vector_load %arg11[%get3A_1892] {strides = array<i32>} : memref<256xi32, #tpu.memory_space<vmem>>, vector<16xi32>,
      %select_n3A_1894 = arith.select %gt3A_1890, %get3A_1893, %select_n3A_1883 : vector<16xi1>, vector<16xi32>
      %add3A_1895 = arith.constant 16 : i32
      %add3A_1896 = vector.broadcast %add3A_1895 : i32 to vector<16xi32>
      %add3A_1897 = arith.addi %add3A_1896, %iota3A : vector<16xi32>
      %select_n3A_1898 = arith.select %gt3A_1890, %add3A_1897, %select_n3A_1887 : vector<16xi1>, vector<16xi32>
      %get3A_1899 = arith.constant 32 : index
      %get3A_1900 = tpu.vector_load %arg10[%get3A_1899] {strides = array<i32>} : memref<256xf32, #tpu.memory_space<vmem>>, vector<16xf32>,
      %gt3A_1901 = arith.cmpf ogt, %get3A_1900, %select_n3A_1891 : vector<16xf32>
      %select_n3A_1902 = arith.select %gt3A_1901, %get3A_1900, %select_n3A_1891 : vector<16xi1>, vector<16xf32>
      %get3A_1903 = arith.constant 32 : index
      %get3A_1904 = tpu.vector_load %arg11[%get3A_1903] {strides = array<i32>} : memref<256xi32, #tpu.memory_space<vmem>>, vector<16xi32>,
      %select_n3A_1905 = arith.select %gt3A_1901, %get3A_1904, %select_n3A_1894 : vector<16xi1>, vector<16xi32>
      %add3A_1906 = arith.constant 32 : i32
      %add3A_1907 = vector.broadcast %add3A_1906 : i32 to vector<16xi32>
      %add3A_1908 = arith.addi %add3A_1907, %iota3A : vector<16xi32>
      %select_n3A_1909 = arith.select %gt3A_1901, %add3A_1908, %select_n3A_1898 : vector<16xi1>, vector<16xi32>
      %get3A_1910 = arith.constant 48 : index
      %get3A_1911 = tpu.vector_load %arg10[%get3A_1910] {strides = array<i32>} : memref<256xf32, #tpu.memory_space<vmem>>, vector<16xf32>,
      %gt3A_1912 = arith.cmpf ogt, %get3A_1911, %select_n3A_1902 : vector<16xf32>
      %select_n3A_1913 = arith.select %gt3A_1912, %get3A_1911, %select_n3A_1902 : vector<16xi1>, vector<16xf32>
      %get3A_1914 = arith.constant 48 : index
      %get3A_1915 = tpu.vector_load %arg11[%get3A_1914] {strides = array<i32>} : memref<256xi32, #tpu.memory_space<vmem>>, vector<16xi32>,
      %select_n3A_1916 = arith.select %gt3A_1912, %get3A_1915, %select_n3A_1905 : vector<16xi1>, vector<16xi32>
      %add3A_1917 = arith.constant 48 : i32
      %add3A_1918 = vector.broadcast %add3A_1917 : i32 to vector<16xi32>
      %add3A_1919 = arith.addi %add3A_1918, %iota3A : vector<16xi32>
      %select_n3A_1920 = arith.select %gt3A_1912, %add3A_1919, %select_n3A_1909 : vector<16xi1>, vector<16xi32>
      %get3A_1921 = arith.constant 64 : index
      %get3A_1922 = tpu.vector_load %arg10[%get3A_1921] {strides = array<i32>} : memref<256xf32, #tpu.memory_space<vmem>>, vector<16xf32>,
      %gt3A_1923 = arith.cmpf ogt, %get3A_1922, %select_n3A_1913 : vector<16xf32>
      %select_n3A_1924 = arith.select %gt3A_1923, %get3A_1922, %select_n3A_1913 : vector<16xi1>, vector<16xf32>
      %get3A_1925 = arith.constant 64 : index
      %get3A_1926 = tpu.vector_load %arg11[%get3A_1925] {strides = array<i32>} : memref<256xi32, #tpu.memory_space<vmem>>, vector<16xi32>,
      %select_n3A_1927 = arith.select %gt3A_1923, %get3A_1926, %select_n3A_1916 : vector<16xi1>, vector<16xi32>
      %add3A_1928 = arith.constant 64 : i32
      %add3A_1929 = vector.broadcast %add3A_1928 : i32 to vector<16xi32>
      %add3A_1930 = arith.addi %add3A_1929, %iota3A : vector<16xi32>
      %select_n3A_1931 = arith.select %gt3A_1923, %add3A_1930, %select_n3A_1920 : vector<16xi1>, vector<16xi32>
      %get3A_1932 = arith.constant 80 : index
      %get3A_1933 = tpu.vector_load %arg10[%get3A_1932] {strides = array<i32>} : memref<256xf32, #tpu.memory_space<vmem>>, vector<16xf32>,
      %gt3A_1934 = arith.cmpf ogt, %get3A_1933, %select_n3A_1924 : vector<16xf32>
      %select_n3A_1935 = arith.select %gt3A_1934, %get3A_1933, %select_n3A_1924 : vector<16xi1>, vector<16xf32>
      %get3A_1936 = arith.constant 80 : index
      %get3A_1937 = tpu.vector_load %arg11[%get3A_1936] {strides = array<i32>} : memref<256xi32, #tpu.memory_space<vmem>>, vector<16xi32>,
      %select_n3A_1938 = arith.select %gt3A_1934, %get3A_1937, %select_n3A_1927 : vector<16xi1>, vector<16xi32>
      %add3A_1939 = arith.constant 80 : i32
      %add3A_1940 = vector.broadcast %add3A_1939 : i32 to vector<16xi32>
      %add3A_1941 = arith.addi %add3A_1940, %iota3A : vector<16xi32>
      %select_n3A_1942 = arith.select %gt3A_1934, %add3A_1941, %select_n3A_1931 : vector<16xi1>, vector<16xi32>
      %get3A_1943 = arith.constant 96 : index
      %get3A_1944 = tpu.vector_load %arg10[%get3A_1943] {strides = array<i32>} : memref<256xf32, #tpu.memory_space<vmem>>, vector<16xf32>,
      %gt3A_1945 = arith.cmpf ogt, %get3A_1944, %select_n3A_1935 : vector<16xf32>
      %select_n3A_1946 = arith.select %gt3A_1945, %get3A_1944, %select_n3A_1935 : vector<16xi1>, vector<16xf32>
      %get3A_1947 = arith.constant 96 : index
      %get3A_1948 = tpu.vector_load %arg11[%get3A_1947] {strides = array<i32>} : memref<256xi32, #tpu.memory_space<vmem>>, vector<16xi32>,
      %select_n3A_1949 = arith.select %gt3A_1945, %get3A_1948, %select_n3A_1938 : vector<16xi1>, vector<16xi32>
      %add3A_1950 = arith.constant 96 : i32
      %add3A_1951 = vector.broadcast %add3A_1950 : i32 to vector<16xi32>
      %add3A_1952 = arith.addi %add3A_1951, %iota3A : vector<16xi32>
      %select_n3A_1953 = arith.select %gt3A_1945, %add3A_1952, %select_n3A_1942 : vector<16xi1>, vector<16xi32>
      %get3A_1954 = arith.constant 112 : index
      %get3A_1955 = tpu.vector_load %arg10[%get3A_1954] {strides = array<i32>} : memref<256xf32, #tpu.memory_space<vmem>>, vector<16xf32>,
      %gt3A_1956 = arith.cmpf ogt, %get3A_1955, %select_n3A_1946 : vector<16xf32>
      %select_n3A_1957 = arith.select %gt3A_1956, %get3A_1955, %select_n3A_1946 : vector<16xi1>, vector<16xf32>
      %get3A_1958 = arith.constant 112 : index
      %get3A_1959 = tpu.vector_load %arg11[%get3A_1958] {strides = array<i32>} : memref<256xi32, #tpu.memory_space<vmem>>, vector<16xi32>,
      %select_n3A_1960 = arith.select %gt3A_1956, %get3A_1959, %select_n3A_1949 : vector<16xi1>, vector<16xi32>
      %add3A_1961 = arith.constant 112 : i32
      %add3A_1962 = vector.broadcast %add3A_1961 : i32 to vector<16xi32>
      %add3A_1963 = arith.addi %add3A_1962, %iota3A : vector<16xi32>
      %select_n3A_1964 = arith.select %gt3A_1956, %add3A_1963, %select_n3A_1953 : vector<16xi1>, vector<16xi32>
      %get3A_1965 = arith.constant 128 : index
      %get3A_1966 = tpu.vector_load %arg10[%get3A_1965] {strides = array<i32>} : memref<256xf32, #tpu.memory_space<vmem>>, vector<16xf32>,
      %gt3A_1967 = arith.cmpf ogt, %get3A_1966, %select_n3A_1957 : vector<16xf32>
      %select_n3A_1968 = arith.select %gt3A_1967, %get3A_1966, %select_n3A_1957 : vector<16xi1>, vector<16xf32>
      %get3A_1969 = arith.constant 128 : index
      %get3A_1970 = tpu.vector_load %arg11[%get3A_1969] {strides = array<i32>} : memref<256xi32, #tpu.memory_space<vmem>>, vector<16xi32>,
      %select_n3A_1971 = arith.select %gt3A_1967, %get3A_1970, %select_n3A_1960 : vector<16xi1>, vector<16xi32>
      %add3A_1972 = arith.constant 128 : i32
      %add3A_1973 = vector.broadcast %add3A_1972 : i32 to vector<16xi32>
      %add3A_1974 = arith.addi %add3A_1973, %iota3A : vector<16xi32>
      %select_n3A_1975 = arith.select %gt3A_1967, %add3A_1974, %select_n3A_1964 : vector<16xi1>, vector<16xi32>
      %get3A_1976 = arith.constant 144 : index
      %get3A_1977 = tpu.vector_load %arg10[%get3A_1976] {strides = array<i32>} : memref<256xf32, #tpu.memory_space<vmem>>, vector<16xf32>,
      %gt3A_1978 = arith.cmpf ogt, %get3A_1977, %select_n3A_1968 : vector<16xf32>
      %select_n3A_1979 = arith.select %gt3A_1978, %get3A_1977, %select_n3A_1968 : vector<16xi1>, vector<16xf32>
      %get3A_1980 = arith.constant 144 : index
      %get3A_1981 = tpu.vector_load %arg11[%get3A_1980] {strides = array<i32>} : memref<256xi32, #tpu.memory_space<vmem>>, vector<16xi32>,
      %select_n3A_1982 = arith.select %gt3A_1978, %get3A_1981, %select_n3A_1971 : vector<16xi1>, vector<16xi32>
      %add3A_1983 = arith.constant 144 : i32
      %add3A_1984 = vector.broadcast %add3A_1983 : i32 to vector<16xi32>
      %add3A_1985 = arith.addi %add3A_1984, %iota3A : vector<16xi32>
      %select_n3A_1986 = arith.select %gt3A_1978, %add3A_1985, %select_n3A_1975 : vector<16xi1>, vector<16xi32>
      %get3A_1987 = arith.constant 160 : index
      %get3A_1988 = tpu.vector_load %arg10[%get3A_1987] {strides = array<i32>} : memref<256xf32, #tpu.memory_space<vmem>>, vector<16xf32>,
      %gt3A_1989 = arith.cmpf ogt, %get3A_1988, %select_n3A_1979 : vector<16xf32>
      %select_n3A_1990 = arith.select %gt3A_1989, %get3A_1988, %select_n3A_1979 : vector<16xi1>, vector<16xf32>
      %get3A_1991 = arith.constant 160 : index
      %get3A_1992 = tpu.vector_load %arg11[%get3A_1991] {strides = array<i32>} : memref<256xi32, #tpu.memory_space<vmem>>, vector<16xi32>,
      %select_n3A_1993 = arith.select %gt3A_1989, %get3A_1992, %select_n3A_1982 : vector<16xi1>, vector<16xi32>
      %add3A_1994 = arith.constant 160 : i32
      %add3A_1995 = vector.broadcast %add3A_1994 : i32 to vector<16xi32>
      %add3A_1996 = arith.addi %add3A_1995, %iota3A : vector<16xi32>
      %select_n3A_1997 = arith.select %gt3A_1989, %add3A_1996, %select_n3A_1986 : vector<16xi1>, vector<16xi32>
      %get3A_1998 = arith.constant 176 : index
      %get3A_1999 = tpu.vector_load %arg10[%get3A_1998] {strides = array<i32>} : memref<256xf32, #tpu.memory_space<vmem>>, vector<16xf32>,
      %gt3A_2000 = arith.cmpf ogt, %get3A_1999, %select_n3A_1990 : vector<16xf32>
      %select_n3A_2001 = arith.select %gt3A_2000, %get3A_1999, %select_n3A_1990 : vector<16xi1>, vector<16xf32>
      %get3A_2002 = arith.constant 176 : index
      %get3A_2003 = tpu.vector_load %arg11[%get3A_2002] {strides = array<i32>} : memref<256xi32, #tpu.memory_space<vmem>>, vector<16xi32>,
      %select_n3A_2004 = arith.select %gt3A_2000, %get3A_2003, %select_n3A_1993 : vector<16xi1>, vector<16xi32>
      %add3A_2005 = arith.constant 176 : i32
      %add3A_2006 = vector.broadcast %add3A_2005 : i32 to vector<16xi32>
      %add3A_2007 = arith.addi %add3A_2006, %iota3A : vector<16xi32>
      %select_n3A_2008 = arith.select %gt3A_2000, %add3A_2007, %select_n3A_1997 : vector<16xi1>, vector<16xi32>
      %get3A_2009 = arith.constant 192 : index
      %get3A_2010 = tpu.vector_load %arg10[%get3A_2009] {strides = array<i32>} : memref<256xf32, #tpu.memory_space<vmem>>, vector<16xf32>,
      %gt3A_2011 = arith.cmpf ogt, %get3A_2010, %select_n3A_2001 : vector<16xf32>
      %select_n3A_2012 = arith.select %gt3A_2011, %get3A_2010, %select_n3A_2001 : vector<16xi1>, vector<16xf32>
      %get3A_2013 = arith.constant 192 : index
      %get3A_2014 = tpu.vector_load %arg11[%get3A_2013] {strides = array<i32>} : memref<256xi32, #tpu.memory_space<vmem>>, vector<16xi32>,
      %select_n3A_2015 = arith.select %gt3A_2011, %get3A_2014, %select_n3A_2004 : vector<16xi1>, vector<16xi32>
      %add3A_2016 = arith.constant 192 : i32
      %add3A_2017 = vector.broadcast %add3A_2016 : i32 to vector<16xi32>
      %add3A_2018 = arith.addi %add3A_2017, %iota3A : vector<16xi32>
      %select_n3A_2019 = arith.select %gt3A_2011, %add3A_2018, %select_n3A_2008 : vector<16xi1>, vector<16xi32>
      %get3A_2020 = arith.constant 208 : index
      %get3A_2021 = tpu.vector_load %arg10[%get3A_2020] {strides = array<i32>} : memref<256xf32, #tpu.memory_space<vmem>>, vector<16xf32>,
      %gt3A_2022 = arith.cmpf ogt, %get3A_2021, %select_n3A_2012 : vector<16xf32>
      %select_n3A_2023 = arith.select %gt3A_2022, %get3A_2021, %select_n3A_2012 : vector<16xi1>, vector<16xf32>
      %get3A_2024 = arith.constant 208 : index
      %get3A_2025 = tpu.vector_load %arg11[%get3A_2024] {strides = array<i32>} : memref<256xi32, #tpu.memory_space<vmem>>, vector<16xi32>,
      %select_n3A_2026 = arith.select %gt3A_2022, %get3A_2025, %select_n3A_2015 : vector<16xi1>, vector<16xi32>
      %add3A_2027 = arith.constant 208 : i32
      %add3A_2028 = vector.broadcast %add3A_2027 : i32 to vector<16xi32>
      %add3A_2029 = arith.addi %add3A_2028, %iota3A : vector<16xi32>
      %select_n3A_2030 = arith.select %gt3A_2022, %add3A_2029, %select_n3A_2019 : vector<16xi1>, vector<16xi32>
      %get3A_2031 = arith.constant 224 : index
      %get3A_2032 = tpu.vector_load %arg10[%get3A_2031] {strides = array<i32>} : memref<256xf32, #tpu.memory_space<vmem>>, vector<16xf32>,
      %gt3A_2033 = arith.cmpf ogt, %get3A_2032, %select_n3A_2023 : vector<16xf32>
      %select_n3A_2034 = arith.select %gt3A_2033, %get3A_2032, %select_n3A_2023 : vector<16xi1>, vector<16xf32>
      %get3A_2035 = arith.constant 224 : index
      %get3A_2036 = tpu.vector_load %arg11[%get3A_2035] {strides = array<i32>} : memref<256xi32, #tpu.memory_space<vmem>>, vector<16xi32>,
      %select_n3A_2037 = arith.select %gt3A_2033, %get3A_2036, %select_n3A_2026 : vector<16xi1>, vector<16xi32>
      %add3A_2038 = arith.constant 224 : i32
      %add3A_2039 = vector.broadcast %add3A_2038 : i32 to vector<16xi32>
      %add3A_2040 = arith.addi %add3A_2039, %iota3A : vector<16xi32>
      %select_n3A_2041 = arith.select %gt3A_2033, %add3A_2040, %select_n3A_2030 : vector<16xi1>, vector<16xi32>
      %get3A_2042 = arith.constant 240 : index
      %get3A_2043 = tpu.vector_load %arg10[%get3A_2042] {strides = array<i32>} : memref<256xf32, #tpu.memory_space<vmem>>, vector<16xf32>,
      %gt3A_2044 = arith.cmpf ogt, %get3A_2043, %select_n3A_2034 : vector<16xf32>
      %select_n3A_2045 = arith.select %gt3A_2044, %get3A_2043, %select_n3A_2034 : vector<16xi1>, vector<16xf32>
      %get3A_2046 = arith.constant 240 : index
      %get3A_2047 = tpu.vector_load %arg11[%get3A_2046] {strides = array<i32>} : memref<256xi32, #tpu.memory_space<vmem>>, vector<16xi32>,
      %select_n3A_2048 = arith.select %gt3A_2044, %get3A_2047, %select_n3A_2037 : vector<16xi1>, vector<16xi32>
      %add3A_2049 = arith.constant 240 : i32
      %add3A_2050 = vector.broadcast %add3A_2049 : i32 to vector<16xi32>
      %add3A_2051 = arith.addi %add3A_2050, %iota3A : vector<16xi32>
      %select_n3A_2052 = arith.select %gt3A_2044, %add3A_2051, %select_n3A_2041 : vector<16xi1>, vector<16xi32>
      %reduce_max3A_2053 = arith.constant true
      %reduce_max3A_2054 = vector.broadcast %reduce_max3A_2053 : i1 to vector<16xi1>
      %reduce_max3A_2055 = tpu.scan <max>, %select_n3A_2045 masked %reduce_max3A_2054 : vector<16xf32>, vector<16xi1> -> vector<16xf32>
      %reduce_max3A_2056 = vector.extract %reduce_max3A_2055[15] : f32 from vector<16xf32>
      %eq3A_2057 = vector.broadcast %reduce_max3A_2056 : f32 to vector<16xf32>
      %eq3A_2058 = arith.cmpf oeq, %select_n3A_2045, %eq3A_2057 : vector<16xf32>
      %jit3A_2059 = arith.constant 2147483647 : i32
      %broadcast_in_dim3A_2060 = vector.broadcast %jit3A_2059 : i32 to vector<16xi32>
      %select_n3A_2061 = arith.select %eq3A_2058, %select_n3A_2048, %broadcast_in_dim3A_2060 : vector<16xi1>, vector<16xi32>
      %reduce_min3A_2062 = arith.constant true
      %reduce_min3A_2063 = vector.broadcast %reduce_min3A_2062 : i1 to vector<16xi1>
      %reduce_min3A_2064 = arith.constant -2147483648 : i32
      %reduce_min3A_2065 = vector.broadcast %reduce_min3A_2064 : i32 to vector<16xi32>
      %reduce_min3A_2066 = arith.xori %select_n3A_2061, %reduce_min3A_2065 : vector<16xi32>
      %reduce_min3A_2067 = tpu.scan <min>, %reduce_min3A_2066 masked %reduce_min3A_2063 : vector<16xi32>, vector<16xi1> -> vector<16xi32>
      %reduce_min3A_2068 = arith.xori %reduce_min3A_2067, %reduce_min3A_2065 : vector<16xi32>
      %reduce_min3A_2069 = vector.extract %reduce_min3A_2068[15] : i32 from vector<16xi32>
      %eq3A_2070 = vector.broadcast %reduce_max3A_2056 : f32 to vector<16xf32>
      %eq3A_2071 = arith.cmpf oeq, %select_n3A_2045, %eq3A_2070 : vector<16xf32>
      %eq3A_2072 = vector.broadcast %reduce_min3A_2069 : i32 to vector<16xi32>
      %eq3A_2073 = arith.cmpi eq, %select_n3A_2048, %eq3A_2072 : vector<16xi32>
      %and3A_2074 = arith.andi %eq3A_2071, %eq3A_2073 : vector<16xi1>
      %jit3A_2075 = arith.constant 2147483647 : i32
      %broadcast_in_dim3A_2076 = vector.broadcast %jit3A_2075 : i32 to vector<16xi32>
      %select_n3A_2077 = arith.select %and3A_2074, %select_n3A_2052, %broadcast_in_dim3A_2076 : vector<16xi1>, vector<16xi32>
      %reduce_min3A_2078 = arith.constant true
      %reduce_min3A_2079 = vector.broadcast %reduce_min3A_2078 : i1 to vector<16xi1>
      %reduce_min3A_2080 = arith.constant -2147483648 : i32
      %reduce_min3A_2081 = vector.broadcast %reduce_min3A_2080 : i32 to vector<16xi32>
      %reduce_min3A_2082 = arith.xori %select_n3A_2077, %reduce_min3A_2081 : vector<16xi32>
      %reduce_min3A_2083 = tpu.scan <min>, %reduce_min3A_2082 masked %reduce_min3A_2079 : vector<16xi32>, vector<16xi1> -> vector<16xi32>
      %reduce_min3A_2084 = arith.xori %reduce_min3A_2083, %reduce_min3A_2081 : vector<16xi32>
      %reduce_min3A_2085 = vector.extract %reduce_min3A_2084[15] : i32 from vector<16xi32>
      %eq3A_2086 = arith.constant 4 : i32
      %eq3A_2087 = vector.broadcast %eq3A_2086 : i32 to vector<16xi32>
      %eq3A_2088 = arith.cmpi eq, %iota3A, %eq3A_2087 : vector<16xi32>
      %broadcast_in_dim3A_2089 = vector.broadcast %reduce_max3A_2056 : f32 to vector<16xf32>
      %select_n3A_2090 = arith.select %eq3A_2088, %broadcast_in_dim3A_2089, %select_n3A_1852 : vector<16xi1>, vector<16xf32>
      %eq3A_2091 = arith.constant 4 : i32
      %eq3A_2092 = vector.broadcast %eq3A_2091 : i32 to vector<16xi32>
      %eq3A_2093 = arith.cmpi eq, %iota3A, %eq3A_2092 : vector<16xi32>
      %broadcast_in_dim3A_2094 = vector.broadcast %reduce_min3A_2069 : i32 to vector<16xi32>
      %select_n3A_2095 = arith.select %eq3A_2093, %broadcast_in_dim3A_2094, %select_n3A_1857 : vector<16xi1>, vector<16xi32>
      %and3A_2096 = arith.constant -16 : i32
      %and3A_2097 = arith.andi %reduce_min3A_2085, %and3A_2096 : i32
      %get3A_2098 = arith.index_cast %and3A_2097 : i32 to index
      %get3A_2099 = tpu.vector_load %arg10[%get3A_2098] {strides = array<i32>} : memref<256xf32, #tpu.memory_space<vmem>>, vector<16xf32>,
      %and3A_2100 = arith.constant 15 : i32
      %and3A_2101 = arith.andi %reduce_min3A_2085, %and3A_2100 : i32
      %eq3A_2102 = vector.broadcast %and3A_2101 : i32 to vector<16xi32>
      %eq3A_2103 = arith.cmpi eq, %iota3A, %eq3A_2102 : vector<16xi32>
      %jit3A_2104 = arith.constant -1.000000e+30 : f32
      %broadcast_in_dim3A_2105 = vector.broadcast %jit3A_2104 : f32 to vector<16xf32>
      %select_n3A_2106 = arith.select %eq3A_2103, %broadcast_in_dim3A_2105, %get3A_2099 : vector<16xi1>, vector<16xf32>
      %swap3A_2107 = arith.index_cast %and3A_2097 : i32 to index
      %swap3A_2108 = tpu.vector_load %arg10[%swap3A_2107] {strides = array<i32>} : memref<256xf32, #tpu.memory_space<vmem>>, vector<16xf32>,
      tpu.vector_store %arg10[%swap3A_2107], %select_n3A_2106 {strides = array<i32>} : memref<256xf32, #tpu.memory_space<vmem>>, vector<16xf32>,
      %broadcast_in_dim3A_2109 = arith.constant -1.000000e+30 : f32
      %broadcast_in_dim3A_2110 = vector.broadcast %broadcast_in_dim3A_2109 : f32 to vector<16xf32>
      %broadcast_in_dim3A_2111 = arith.constant 0 : i32
      %broadcast_in_dim3A_2112 = vector.broadcast %broadcast_in_dim3A_2111 : i32 to vector<16xi32>
      %broadcast_in_dim3A_2113 = arith.constant 0 : i32
      %broadcast_in_dim3A_2114 = vector.broadcast %broadcast_in_dim3A_2113 : i32 to vector<16xi32>
      %get3A_2115 = arith.constant 0 : index
      %get3A_2116 = tpu.vector_load %arg10[%get3A_2115] {strides = array<i32>} : memref<256xf32, #tpu.memory_space<vmem>>, vector<16xf32>,
      %gt3A_2117 = arith.cmpf ogt, %get3A_2116, %broadcast_in_dim3A_2110 : vector<16xf32>
      %select_n3A_2118 = arith.select %gt3A_2117, %get3A_2116, %broadcast_in_dim3A_2110 : vector<16xi1>, vector<16xf32>
      %get3A_2119 = arith.constant 0 : index
      %get3A_2120 = tpu.vector_load %arg11[%get3A_2119] {strides = array<i32>} : memref<256xi32, #tpu.memory_space<vmem>>, vector<16xi32>,
      %select_n3A_2121 = arith.select %gt3A_2117, %get3A_2120, %broadcast_in_dim3A_2112 : vector<16xi1>, vector<16xi32>
      %add3A_2122 = arith.constant 0 : i32
      %add3A_2123 = vector.broadcast %add3A_2122 : i32 to vector<16xi32>
      %add3A_2124 = arith.addi %add3A_2123, %iota3A : vector<16xi32>
      %select_n3A_2125 = arith.select %gt3A_2117, %add3A_2124, %broadcast_in_dim3A_2114 : vector<16xi1>, vector<16xi32>
      %get3A_2126 = arith.constant 16 : index
      %get3A_2127 = tpu.vector_load %arg10[%get3A_2126] {strides = array<i32>} : memref<256xf32, #tpu.memory_space<vmem>>, vector<16xf32>,
      %gt3A_2128 = arith.cmpf ogt, %get3A_2127, %select_n3A_2118 : vector<16xf32>
      %select_n3A_2129 = arith.select %gt3A_2128, %get3A_2127, %select_n3A_2118 : vector<16xi1>, vector<16xf32>
      %get3A_2130 = arith.constant 16 : index
      %get3A_2131 = tpu.vector_load %arg11[%get3A_2130] {strides = array<i32>} : memref<256xi32, #tpu.memory_space<vmem>>, vector<16xi32>,
      %select_n3A_2132 = arith.select %gt3A_2128, %get3A_2131, %select_n3A_2121 : vector<16xi1>, vector<16xi32>
      %add3A_2133 = arith.constant 16 : i32
      %add3A_2134 = vector.broadcast %add3A_2133 : i32 to vector<16xi32>
      %add3A_2135 = arith.addi %add3A_2134, %iota3A : vector<16xi32>
      %select_n3A_2136 = arith.select %gt3A_2128, %add3A_2135, %select_n3A_2125 : vector<16xi1>, vector<16xi32>
      %get3A_2137 = arith.constant 32 : index
      %get3A_2138 = tpu.vector_load %arg10[%get3A_2137] {strides = array<i32>} : memref<256xf32, #tpu.memory_space<vmem>>, vector<16xf32>,
      %gt3A_2139 = arith.cmpf ogt, %get3A_2138, %select_n3A_2129 : vector<16xf32>
      %select_n3A_2140 = arith.select %gt3A_2139, %get3A_2138, %select_n3A_2129 : vector<16xi1>, vector<16xf32>
      %get3A_2141 = arith.constant 32 : index
      %get3A_2142 = tpu.vector_load %arg11[%get3A_2141] {strides = array<i32>} : memref<256xi32, #tpu.memory_space<vmem>>, vector<16xi32>,
      %select_n3A_2143 = arith.select %gt3A_2139, %get3A_2142, %select_n3A_2132 : vector<16xi1>, vector<16xi32>
      %add3A_2144 = arith.constant 32 : i32
      %add3A_2145 = vector.broadcast %add3A_2144 : i32 to vector<16xi32>
      %add3A_2146 = arith.addi %add3A_2145, %iota3A : vector<16xi32>
      %select_n3A_2147 = arith.select %gt3A_2139, %add3A_2146, %select_n3A_2136 : vector<16xi1>, vector<16xi32>
      %get3A_2148 = arith.constant 48 : index
      %get3A_2149 = tpu.vector_load %arg10[%get3A_2148] {strides = array<i32>} : memref<256xf32, #tpu.memory_space<vmem>>, vector<16xf32>,
      %gt3A_2150 = arith.cmpf ogt, %get3A_2149, %select_n3A_2140 : vector<16xf32>
      %select_n3A_2151 = arith.select %gt3A_2150, %get3A_2149, %select_n3A_2140 : vector<16xi1>, vector<16xf32>
      %get3A_2152 = arith.constant 48 : index
      %get3A_2153 = tpu.vector_load %arg11[%get3A_2152] {strides = array<i32>} : memref<256xi32, #tpu.memory_space<vmem>>, vector<16xi32>,
      %select_n3A_2154 = arith.select %gt3A_2150, %get3A_2153, %select_n3A_2143 : vector<16xi1>, vector<16xi32>
      %add3A_2155 = arith.constant 48 : i32
      %add3A_2156 = vector.broadcast %add3A_2155 : i32 to vector<16xi32>
      %add3A_2157 = arith.addi %add3A_2156, %iota3A : vector<16xi32>
      %select_n3A_2158 = arith.select %gt3A_2150, %add3A_2157, %select_n3A_2147 : vector<16xi1>, vector<16xi32>
      %get3A_2159 = arith.constant 64 : index
      %get3A_2160 = tpu.vector_load %arg10[%get3A_2159] {strides = array<i32>} : memref<256xf32, #tpu.memory_space<vmem>>, vector<16xf32>,
      %gt3A_2161 = arith.cmpf ogt, %get3A_2160, %select_n3A_2151 : vector<16xf32>
      %select_n3A_2162 = arith.select %gt3A_2161, %get3A_2160, %select_n3A_2151 : vector<16xi1>, vector<16xf32>
      %get3A_2163 = arith.constant 64 : index
      %get3A_2164 = tpu.vector_load %arg11[%get3A_2163] {strides = array<i32>} : memref<256xi32, #tpu.memory_space<vmem>>, vector<16xi32>,
      %select_n3A_2165 = arith.select %gt3A_2161, %get3A_2164, %select_n3A_2154 : vector<16xi1>, vector<16xi32>
      %add3A_2166 = arith.constant 64 : i32
      %add3A_2167 = vector.broadcast %add3A_2166 : i32 to vector<16xi32>
      %add3A_2168 = arith.addi %add3A_2167, %iota3A : vector<16xi32>
      %select_n3A_2169 = arith.select %gt3A_2161, %add3A_2168, %select_n3A_2158 : vector<16xi1>, vector<16xi32>
      %get3A_2170 = arith.constant 80 : index
      %get3A_2171 = tpu.vector_load %arg10[%get3A_2170] {strides = array<i32>} : memref<256xf32, #tpu.memory_space<vmem>>, vector<16xf32>,
      %gt3A_2172 = arith.cmpf ogt, %get3A_2171, %select_n3A_2162 : vector<16xf32>
      %select_n3A_2173 = arith.select %gt3A_2172, %get3A_2171, %select_n3A_2162 : vector<16xi1>, vector<16xf32>
      %get3A_2174 = arith.constant 80 : index
      %get3A_2175 = tpu.vector_load %arg11[%get3A_2174] {strides = array<i32>} : memref<256xi32, #tpu.memory_space<vmem>>, vector<16xi32>,
      %select_n3A_2176 = arith.select %gt3A_2172, %get3A_2175, %select_n3A_2165 : vector<16xi1>, vector<16xi32>
      %add3A_2177 = arith.constant 80 : i32
      %add3A_2178 = vector.broadcast %add3A_2177 : i32 to vector<16xi32>
      %add3A_2179 = arith.addi %add3A_2178, %iota3A : vector<16xi32>
      %select_n3A_2180 = arith.select %gt3A_2172, %add3A_2179, %select_n3A_2169 : vector<16xi1>, vector<16xi32>
      %get3A_2181 = arith.constant 96 : index
      %get3A_2182 = tpu.vector_load %arg10[%get3A_2181] {strides = array<i32>} : memref<256xf32, #tpu.memory_space<vmem>>, vector<16xf32>,
      %gt3A_2183 = arith.cmpf ogt, %get3A_2182, %select_n3A_2173 : vector<16xf32>
      %select_n3A_2184 = arith.select %gt3A_2183, %get3A_2182, %select_n3A_2173 : vector<16xi1>, vector<16xf32>
      %get3A_2185 = arith.constant 96 : index
      %get3A_2186 = tpu.vector_load %arg11[%get3A_2185] {strides = array<i32>} : memref<256xi32, #tpu.memory_space<vmem>>, vector<16xi32>,
      %select_n3A_2187 = arith.select %gt3A_2183, %get3A_2186, %select_n3A_2176 : vector<16xi1>, vector<16xi32>
      %add3A_2188 = arith.constant 96 : i32
      %add3A_2189 = vector.broadcast %add3A_2188 : i32 to vector<16xi32>
      %add3A_2190 = arith.addi %add3A_2189, %iota3A : vector<16xi32>
      %select_n3A_2191 = arith.select %gt3A_2183, %add3A_2190, %select_n3A_2180 : vector<16xi1>, vector<16xi32>
      %get3A_2192 = arith.constant 112 : index
      %get3A_2193 = tpu.vector_load %arg10[%get3A_2192] {strides = array<i32>} : memref<256xf32, #tpu.memory_space<vmem>>, vector<16xf32>,
      %gt3A_2194 = arith.cmpf ogt, %get3A_2193, %select_n3A_2184 : vector<16xf32>
      %select_n3A_2195 = arith.select %gt3A_2194, %get3A_2193, %select_n3A_2184 : vector<16xi1>, vector<16xf32>
      %get3A_2196 = arith.constant 112 : index
      %get3A_2197 = tpu.vector_load %arg11[%get3A_2196] {strides = array<i32>} : memref<256xi32, #tpu.memory_space<vmem>>, vector<16xi32>,
      %select_n3A_2198 = arith.select %gt3A_2194, %get3A_2197, %select_n3A_2187 : vector<16xi1>, vector<16xi32>
      %add3A_2199 = arith.constant 112 : i32
      %add3A_2200 = vector.broadcast %add3A_2199 : i32 to vector<16xi32>
      %add3A_2201 = arith.addi %add3A_2200, %iota3A : vector<16xi32>
      %select_n3A_2202 = arith.select %gt3A_2194, %add3A_2201, %select_n3A_2191 : vector<16xi1>, vector<16xi32>
      %get3A_2203 = arith.constant 128 : index
      %get3A_2204 = tpu.vector_load %arg10[%get3A_2203] {strides = array<i32>} : memref<256xf32, #tpu.memory_space<vmem>>, vector<16xf32>,
      %gt3A_2205 = arith.cmpf ogt, %get3A_2204, %select_n3A_2195 : vector<16xf32>
      %select_n3A_2206 = arith.select %gt3A_2205, %get3A_2204, %select_n3A_2195 : vector<16xi1>, vector<16xf32>
      %get3A_2207 = arith.constant 128 : index
      %get3A_2208 = tpu.vector_load %arg11[%get3A_2207] {strides = array<i32>} : memref<256xi32, #tpu.memory_space<vmem>>, vector<16xi32>,
      %select_n3A_2209 = arith.select %gt3A_2205, %get3A_2208, %select_n3A_2198 : vector<16xi1>, vector<16xi32>
      %add3A_2210 = arith.constant 128 : i32
      %add3A_2211 = vector.broadcast %add3A_2210 : i32 to vector<16xi32>
      %add3A_2212 = arith.addi %add3A_2211, %iota3A : vector<16xi32>
      %select_n3A_2213 = arith.select %gt3A_2205, %add3A_2212, %select_n3A_2202 : vector<16xi1>, vector<16xi32>
      %get3A_2214 = arith.constant 144 : index
      %get3A_2215 = tpu.vector_load %arg10[%get3A_2214] {strides = array<i32>} : memref<256xf32, #tpu.memory_space<vmem>>, vector<16xf32>,
      %gt3A_2216 = arith.cmpf ogt, %get3A_2215, %select_n3A_2206 : vector<16xf32>
      %select_n3A_2217 = arith.select %gt3A_2216, %get3A_2215, %select_n3A_2206 : vector<16xi1>, vector<16xf32>
      %get3A_2218 = arith.constant 144 : index
      %get3A_2219 = tpu.vector_load %arg11[%get3A_2218] {strides = array<i32>} : memref<256xi32, #tpu.memory_space<vmem>>, vector<16xi32>,
      %select_n3A_2220 = arith.select %gt3A_2216, %get3A_2219, %select_n3A_2209 : vector<16xi1>, vector<16xi32>
      %add3A_2221 = arith.constant 144 : i32
      %add3A_2222 = vector.broadcast %add3A_2221 : i32 to vector<16xi32>
      %add3A_2223 = arith.addi %add3A_2222, %iota3A : vector<16xi32>
      %select_n3A_2224 = arith.select %gt3A_2216, %add3A_2223, %select_n3A_2213 : vector<16xi1>, vector<16xi32>
      %get3A_2225 = arith.constant 160 : index
      %get3A_2226 = tpu.vector_load %arg10[%get3A_2225] {strides = array<i32>} : memref<256xf32, #tpu.memory_space<vmem>>, vector<16xf32>,
      %gt3A_2227 = arith.cmpf ogt, %get3A_2226, %select_n3A_2217 : vector<16xf32>
      %select_n3A_2228 = arith.select %gt3A_2227, %get3A_2226, %select_n3A_2217 : vector<16xi1>, vector<16xf32>
      %get3A_2229 = arith.constant 160 : index
      %get3A_2230 = tpu.vector_load %arg11[%get3A_2229] {strides = array<i32>} : memref<256xi32, #tpu.memory_space<vmem>>, vector<16xi32>,
      %select_n3A_2231 = arith.select %gt3A_2227, %get3A_2230, %select_n3A_2220 : vector<16xi1>, vector<16xi32>
      %add3A_2232 = arith.constant 160 : i32
      %add3A_2233 = vector.broadcast %add3A_2232 : i32 to vector<16xi32>
      %add3A_2234 = arith.addi %add3A_2233, %iota3A : vector<16xi32>
      %select_n3A_2235 = arith.select %gt3A_2227, %add3A_2234, %select_n3A_2224 : vector<16xi1>, vector<16xi32>
      %get3A_2236 = arith.constant 176 : index
      %get3A_2237 = tpu.vector_load %arg10[%get3A_2236] {strides = array<i32>} : memref<256xf32, #tpu.memory_space<vmem>>, vector<16xf32>,
      %gt3A_2238 = arith.cmpf ogt, %get3A_2237, %select_n3A_2228 : vector<16xf32>
      %select_n3A_2239 = arith.select %gt3A_2238, %get3A_2237, %select_n3A_2228 : vector<16xi1>, vector<16xf32>
      %get3A_2240 = arith.constant 176 : index
      %get3A_2241 = tpu.vector_load %arg11[%get3A_2240] {strides = array<i32>} : memref<256xi32, #tpu.memory_space<vmem>>, vector<16xi32>,
      %select_n3A_2242 = arith.select %gt3A_2238, %get3A_2241, %select_n3A_2231 : vector<16xi1>, vector<16xi32>
      %add3A_2243 = arith.constant 176 : i32
      %add3A_2244 = vector.broadcast %add3A_2243 : i32 to vector<16xi32>
      %add3A_2245 = arith.addi %add3A_2244, %iota3A : vector<16xi32>
      %select_n3A_2246 = arith.select %gt3A_2238, %add3A_2245, %select_n3A_2235 : vector<16xi1>, vector<16xi32>
      %get3A_2247 = arith.constant 192 : index
      %get3A_2248 = tpu.vector_load %arg10[%get3A_2247] {strides = array<i32>} : memref<256xf32, #tpu.memory_space<vmem>>, vector<16xf32>,
      %gt3A_2249 = arith.cmpf ogt, %get3A_2248, %select_n3A_2239 : vector<16xf32>
      %select_n3A_2250 = arith.select %gt3A_2249, %get3A_2248, %select_n3A_2239 : vector<16xi1>, vector<16xf32>
      %get3A_2251 = arith.constant 192 : index
      %get3A_2252 = tpu.vector_load %arg11[%get3A_2251] {strides = array<i32>} : memref<256xi32, #tpu.memory_space<vmem>>, vector<16xi32>,
      %select_n3A_2253 = arith.select %gt3A_2249, %get3A_2252, %select_n3A_2242 : vector<16xi1>, vector<16xi32>
      %add3A_2254 = arith.constant 192 : i32
      %add3A_2255 = vector.broadcast %add3A_2254 : i32 to vector<16xi32>
      %add3A_2256 = arith.addi %add3A_2255, %iota3A : vector<16xi32>
      %select_n3A_2257 = arith.select %gt3A_2249, %add3A_2256, %select_n3A_2246 : vector<16xi1>, vector<16xi32>
      %get3A_2258 = arith.constant 208 : index
      %get3A_2259 = tpu.vector_load %arg10[%get3A_2258] {strides = array<i32>} : memref<256xf32, #tpu.memory_space<vmem>>, vector<16xf32>,
      %gt3A_2260 = arith.cmpf ogt, %get3A_2259, %select_n3A_2250 : vector<16xf32>
      %select_n3A_2261 = arith.select %gt3A_2260, %get3A_2259, %select_n3A_2250 : vector<16xi1>, vector<16xf32>
      %get3A_2262 = arith.constant 208 : index
      %get3A_2263 = tpu.vector_load %arg11[%get3A_2262] {strides = array<i32>} : memref<256xi32, #tpu.memory_space<vmem>>, vector<16xi32>,
      %select_n3A_2264 = arith.select %gt3A_2260, %get3A_2263, %select_n3A_2253 : vector<16xi1>, vector<16xi32>
      %add3A_2265 = arith.constant 208 : i32
      %add3A_2266 = vector.broadcast %add3A_2265 : i32 to vector<16xi32>
      %add3A_2267 = arith.addi %add3A_2266, %iota3A : vector<16xi32>
      %select_n3A_2268 = arith.select %gt3A_2260, %add3A_2267, %select_n3A_2257 : vector<16xi1>, vector<16xi32>
      %get3A_2269 = arith.constant 224 : index
      %get3A_2270 = tpu.vector_load %arg10[%get3A_2269] {strides = array<i32>} : memref<256xf32, #tpu.memory_space<vmem>>, vector<16xf32>,
      %gt3A_2271 = arith.cmpf ogt, %get3A_2270, %select_n3A_2261 : vector<16xf32>
      %select_n3A_2272 = arith.select %gt3A_2271, %get3A_2270, %select_n3A_2261 : vector<16xi1>, vector<16xf32>
      %get3A_2273 = arith.constant 224 : index
      %get3A_2274 = tpu.vector_load %arg11[%get3A_2273] {strides = array<i32>} : memref<256xi32, #tpu.memory_space<vmem>>, vector<16xi32>,
      %select_n3A_2275 = arith.select %gt3A_2271, %get3A_2274, %select_n3A_2264 : vector<16xi1>, vector<16xi32>
      %add3A_2276 = arith.constant 224 : i32
      %add3A_2277 = vector.broadcast %add3A_2276 : i32 to vector<16xi32>
      %add3A_2278 = arith.addi %add3A_2277, %iota3A : vector<16xi32>
      %select_n3A_2279 = arith.select %gt3A_2271, %add3A_2278, %select_n3A_2268 : vector<16xi1>, vector<16xi32>
      %get3A_2280 = arith.constant 240 : index
      %get3A_2281 = tpu.vector_load %arg10[%get3A_2280] {strides = array<i32>} : memref<256xf32, #tpu.memory_space<vmem>>, vector<16xf32>,
      %gt3A_2282 = arith.cmpf ogt, %get3A_2281, %select_n3A_2272 : vector<16xf32>
      %select_n3A_2283 = arith.select %gt3A_2282, %get3A_2281, %select_n3A_2272 : vector<16xi1>, vector<16xf32>
      %get3A_2284 = arith.constant 240 : index
      %get3A_2285 = tpu.vector_load %arg11[%get3A_2284] {strides = array<i32>} : memref<256xi32, #tpu.memory_space<vmem>>, vector<16xi32>,
      %select_n3A_2286 = arith.select %gt3A_2282, %get3A_2285, %select_n3A_2275 : vector<16xi1>, vector<16xi32>
      %add3A_2287 = arith.constant 240 : i32
      %add3A_2288 = vector.broadcast %add3A_2287 : i32 to vector<16xi32>
      %add3A_2289 = arith.addi %add3A_2288, %iota3A : vector<16xi32>
      %select_n3A_2290 = arith.select %gt3A_2282, %add3A_2289, %select_n3A_2279 : vector<16xi1>, vector<16xi32>
      %reduce_max3A_2291 = arith.constant true
      %reduce_max3A_2292 = vector.broadcast %reduce_max3A_2291 : i1 to vector<16xi1>
      %reduce_max3A_2293 = tpu.scan <max>, %select_n3A_2283 masked %reduce_max3A_2292 : vector<16xf32>, vector<16xi1> -> vector<16xf32>
      %reduce_max3A_2294 = vector.extract %reduce_max3A_2293[15] : f32 from vector<16xf32>
      %eq3A_2295 = vector.broadcast %reduce_max3A_2294 : f32 to vector<16xf32>
      %eq3A_2296 = arith.cmpf oeq, %select_n3A_2283, %eq3A_2295 : vector<16xf32>
      %jit3A_2297 = arith.constant 2147483647 : i32
      %broadcast_in_dim3A_2298 = vector.broadcast %jit3A_2297 : i32 to vector<16xi32>
      %select_n3A_2299 = arith.select %eq3A_2296, %select_n3A_2286, %broadcast_in_dim3A_2298 : vector<16xi1>, vector<16xi32>
      %reduce_min3A_2300 = arith.constant true
      %reduce_min3A_2301 = vector.broadcast %reduce_min3A_2300 : i1 to vector<16xi1>
      %reduce_min3A_2302 = arith.constant -2147483648 : i32
      %reduce_min3A_2303 = vector.broadcast %reduce_min3A_2302 : i32 to vector<16xi32>
      %reduce_min3A_2304 = arith.xori %select_n3A_2299, %reduce_min3A_2303 : vector<16xi32>
      %reduce_min3A_2305 = tpu.scan <min>, %reduce_min3A_2304 masked %reduce_min3A_2301 : vector<16xi32>, vector<16xi1> -> vector<16xi32>
      %reduce_min3A_2306 = arith.xori %reduce_min3A_2305, %reduce_min3A_2303 : vector<16xi32>
      %reduce_min3A_2307 = vector.extract %reduce_min3A_2306[15] : i32 from vector<16xi32>
      %eq3A_2308 = vector.broadcast %reduce_max3A_2294 : f32 to vector<16xf32>
      %eq3A_2309 = arith.cmpf oeq, %select_n3A_2283, %eq3A_2308 : vector<16xf32>
      %eq3A_2310 = vector.broadcast %reduce_min3A_2307 : i32 to vector<16xi32>
      %eq3A_2311 = arith.cmpi eq, %select_n3A_2286, %eq3A_2310 : vector<16xi32>
      %and3A_2312 = arith.andi %eq3A_2309, %eq3A_2311 : vector<16xi1>
      %jit3A_2313 = arith.constant 2147483647 : i32
      %broadcast_in_dim3A_2314 = vector.broadcast %jit3A_2313 : i32 to vector<16xi32>
      %select_n3A_2315 = arith.select %and3A_2312, %select_n3A_2290, %broadcast_in_dim3A_2314 : vector<16xi1>, vector<16xi32>
      %reduce_min3A_2316 = arith.constant true
      %reduce_min3A_2317 = vector.broadcast %reduce_min3A_2316 : i1 to vector<16xi1>
      %reduce_min3A_2318 = arith.constant -2147483648 : i32
      %reduce_min3A_2319 = vector.broadcast %reduce_min3A_2318 : i32 to vector<16xi32>
      %reduce_min3A_2320 = arith.xori %select_n3A_2315, %reduce_min3A_2319 : vector<16xi32>
      %reduce_min3A_2321 = tpu.scan <min>, %reduce_min3A_2320 masked %reduce_min3A_2317 : vector<16xi32>, vector<16xi1> -> vector<16xi32>
      %reduce_min3A_2322 = arith.xori %reduce_min3A_2321, %reduce_min3A_2319 : vector<16xi32>
      %reduce_min3A_2323 = vector.extract %reduce_min3A_2322[15] : i32 from vector<16xi32>
      %eq3A_2324 = arith.constant 5 : i32
      %eq3A_2325 = vector.broadcast %eq3A_2324 : i32 to vector<16xi32>
      %eq3A_2326 = arith.cmpi eq, %iota3A, %eq3A_2325 : vector<16xi32>
      %broadcast_in_dim3A_2327 = vector.broadcast %reduce_max3A_2294 : f32 to vector<16xf32>
      %select_n3A_2328 = arith.select %eq3A_2326, %broadcast_in_dim3A_2327, %select_n3A_2090 : vector<16xi1>, vector<16xf32>
      %eq3A_2329 = arith.constant 5 : i32
      %eq3A_2330 = vector.broadcast %eq3A_2329 : i32 to vector<16xi32>
      %eq3A_2331 = arith.cmpi eq, %iota3A, %eq3A_2330 : vector<16xi32>
      %broadcast_in_dim3A_2332 = vector.broadcast %reduce_min3A_2307 : i32 to vector<16xi32>
      %select_n3A_2333 = arith.select %eq3A_2331, %broadcast_in_dim3A_2332, %select_n3A_2095 : vector<16xi1>, vector<16xi32>
      %and3A_2334 = arith.constant -16 : i32
      %and3A_2335 = arith.andi %reduce_min3A_2323, %and3A_2334 : i32
      %get3A_2336 = arith.index_cast %and3A_2335 : i32 to index
      %get3A_2337 = tpu.vector_load %arg10[%get3A_2336] {strides = array<i32>} : memref<256xf32, #tpu.memory_space<vmem>>, vector<16xf32>,
      %and3A_2338 = arith.constant 15 : i32
      %and3A_2339 = arith.andi %reduce_min3A_2323, %and3A_2338 : i32
      %eq3A_2340 = vector.broadcast %and3A_2339 : i32 to vector<16xi32>
      %eq3A_2341 = arith.cmpi eq, %iota3A, %eq3A_2340 : vector<16xi32>
      %jit3A_2342 = arith.constant -1.000000e+30 : f32
      %broadcast_in_dim3A_2343 = vector.broadcast %jit3A_2342 : f32 to vector<16xf32>
      %select_n3A_2344 = arith.select %eq3A_2341, %broadcast_in_dim3A_2343, %get3A_2337 : vector<16xi1>, vector<16xf32>
      %swap3A_2345 = arith.index_cast %and3A_2335 : i32 to index
      %swap3A_2346 = tpu.vector_load %arg10[%swap3A_2345] {strides = array<i32>} : memref<256xf32, #tpu.memory_space<vmem>>, vector<16xf32>,
      tpu.vector_store %arg10[%swap3A_2345], %select_n3A_2344 {strides = array<i32>} : memref<256xf32, #tpu.memory_space<vmem>>, vector<16xf32>,
      %broadcast_in_dim3A_2347 = arith.constant -1.000000e+30 : f32
      %broadcast_in_dim3A_2348 = vector.broadcast %broadcast_in_dim3A_2347 : f32 to vector<16xf32>
      %broadcast_in_dim3A_2349 = arith.constant 0 : i32
      %broadcast_in_dim3A_2350 = vector.broadcast %broadcast_in_dim3A_2349 : i32 to vector<16xi32>
      %broadcast_in_dim3A_2351 = arith.constant 0 : i32
      %broadcast_in_dim3A_2352 = vector.broadcast %broadcast_in_dim3A_2351 : i32 to vector<16xi32>
      %get3A_2353 = arith.constant 0 : index
      %get3A_2354 = tpu.vector_load %arg10[%get3A_2353] {strides = array<i32>} : memref<256xf32, #tpu.memory_space<vmem>>, vector<16xf32>,
      %gt3A_2355 = arith.cmpf ogt, %get3A_2354, %broadcast_in_dim3A_2348 : vector<16xf32>
      %select_n3A_2356 = arith.select %gt3A_2355, %get3A_2354, %broadcast_in_dim3A_2348 : vector<16xi1>, vector<16xf32>
      %get3A_2357 = arith.constant 0 : index
      %get3A_2358 = tpu.vector_load %arg11[%get3A_2357] {strides = array<i32>} : memref<256xi32, #tpu.memory_space<vmem>>, vector<16xi32>,
      %select_n3A_2359 = arith.select %gt3A_2355, %get3A_2358, %broadcast_in_dim3A_2350 : vector<16xi1>, vector<16xi32>
      %add3A_2360 = arith.constant 0 : i32
      %add3A_2361 = vector.broadcast %add3A_2360 : i32 to vector<16xi32>
      %add3A_2362 = arith.addi %add3A_2361, %iota3A : vector<16xi32>
      %select_n3A_2363 = arith.select %gt3A_2355, %add3A_2362, %broadcast_in_dim3A_2352 : vector<16xi1>, vector<16xi32>
      %get3A_2364 = arith.constant 16 : index
      %get3A_2365 = tpu.vector_load %arg10[%get3A_2364] {strides = array<i32>} : memref<256xf32, #tpu.memory_space<vmem>>, vector<16xf32>,
      %gt3A_2366 = arith.cmpf ogt, %get3A_2365, %select_n3A_2356 : vector<16xf32>
      %select_n3A_2367 = arith.select %gt3A_2366, %get3A_2365, %select_n3A_2356 : vector<16xi1>, vector<16xf32>
      %get3A_2368 = arith.constant 16 : index
      %get3A_2369 = tpu.vector_load %arg11[%get3A_2368] {strides = array<i32>} : memref<256xi32, #tpu.memory_space<vmem>>, vector<16xi32>,
      %select_n3A_2370 = arith.select %gt3A_2366, %get3A_2369, %select_n3A_2359 : vector<16xi1>, vector<16xi32>
      %add3A_2371 = arith.constant 16 : i32
      %add3A_2372 = vector.broadcast %add3A_2371 : i32 to vector<16xi32>
      %add3A_2373 = arith.addi %add3A_2372, %iota3A : vector<16xi32>
      %select_n3A_2374 = arith.select %gt3A_2366, %add3A_2373, %select_n3A_2363 : vector<16xi1>, vector<16xi32>
      %get3A_2375 = arith.constant 32 : index
      %get3A_2376 = tpu.vector_load %arg10[%get3A_2375] {strides = array<i32>} : memref<256xf32, #tpu.memory_space<vmem>>, vector<16xf32>,
      %gt3A_2377 = arith.cmpf ogt, %get3A_2376, %select_n3A_2367 : vector<16xf32>
      %select_n3A_2378 = arith.select %gt3A_2377, %get3A_2376, %select_n3A_2367 : vector<16xi1>, vector<16xf32>
      %get3A_2379 = arith.constant 32 : index
      %get3A_2380 = tpu.vector_load %arg11[%get3A_2379] {strides = array<i32>} : memref<256xi32, #tpu.memory_space<vmem>>, vector<16xi32>,
      %select_n3A_2381 = arith.select %gt3A_2377, %get3A_2380, %select_n3A_2370 : vector<16xi1>, vector<16xi32>
      %add3A_2382 = arith.constant 32 : i32
      %add3A_2383 = vector.broadcast %add3A_2382 : i32 to vector<16xi32>
      %add3A_2384 = arith.addi %add3A_2383, %iota3A : vector<16xi32>
      %select_n3A_2385 = arith.select %gt3A_2377, %add3A_2384, %select_n3A_2374 : vector<16xi1>, vector<16xi32>
      %get3A_2386 = arith.constant 48 : index
      %get3A_2387 = tpu.vector_load %arg10[%get3A_2386] {strides = array<i32>} : memref<256xf32, #tpu.memory_space<vmem>>, vector<16xf32>,
      %gt3A_2388 = arith.cmpf ogt, %get3A_2387, %select_n3A_2378 : vector<16xf32>
      %select_n3A_2389 = arith.select %gt3A_2388, %get3A_2387, %select_n3A_2378 : vector<16xi1>, vector<16xf32>
      %get3A_2390 = arith.constant 48 : index
      %get3A_2391 = tpu.vector_load %arg11[%get3A_2390] {strides = array<i32>} : memref<256xi32, #tpu.memory_space<vmem>>, vector<16xi32>,
      %select_n3A_2392 = arith.select %gt3A_2388, %get3A_2391, %select_n3A_2381 : vector<16xi1>, vector<16xi32>
      %add3A_2393 = arith.constant 48 : i32
      %add3A_2394 = vector.broadcast %add3A_2393 : i32 to vector<16xi32>
      %add3A_2395 = arith.addi %add3A_2394, %iota3A : vector<16xi32>
      %select_n3A_2396 = arith.select %gt3A_2388, %add3A_2395, %select_n3A_2385 : vector<16xi1>, vector<16xi32>
      %get3A_2397 = arith.constant 64 : index
      %get3A_2398 = tpu.vector_load %arg10[%get3A_2397] {strides = array<i32>} : memref<256xf32, #tpu.memory_space<vmem>>, vector<16xf32>,
      %gt3A_2399 = arith.cmpf ogt, %get3A_2398, %select_n3A_2389 : vector<16xf32>
      %select_n3A_2400 = arith.select %gt3A_2399, %get3A_2398, %select_n3A_2389 : vector<16xi1>, vector<16xf32>
      %get3A_2401 = arith.constant 64 : index
      %get3A_2402 = tpu.vector_load %arg11[%get3A_2401] {strides = array<i32>} : memref<256xi32, #tpu.memory_space<vmem>>, vector<16xi32>,
      %select_n3A_2403 = arith.select %gt3A_2399, %get3A_2402, %select_n3A_2392 : vector<16xi1>, vector<16xi32>
      %add3A_2404 = arith.constant 64 : i32
      %add3A_2405 = vector.broadcast %add3A_2404 : i32 to vector<16xi32>
      %add3A_2406 = arith.addi %add3A_2405, %iota3A : vector<16xi32>
      %select_n3A_2407 = arith.select %gt3A_2399, %add3A_2406, %select_n3A_2396 : vector<16xi1>, vector<16xi32>
      %get3A_2408 = arith.constant 80 : index
      %get3A_2409 = tpu.vector_load %arg10[%get3A_2408] {strides = array<i32>} : memref<256xf32, #tpu.memory_space<vmem>>, vector<16xf32>,
      %gt3A_2410 = arith.cmpf ogt, %get3A_2409, %select_n3A_2400 : vector<16xf32>
      %select_n3A_2411 = arith.select %gt3A_2410, %get3A_2409, %select_n3A_2400 : vector<16xi1>, vector<16xf32>
      %get3A_2412 = arith.constant 80 : index
      %get3A_2413 = tpu.vector_load %arg11[%get3A_2412] {strides = array<i32>} : memref<256xi32, #tpu.memory_space<vmem>>, vector<16xi32>,
      %select_n3A_2414 = arith.select %gt3A_2410, %get3A_2413, %select_n3A_2403 : vector<16xi1>, vector<16xi32>
      %add3A_2415 = arith.constant 80 : i32
      %add3A_2416 = vector.broadcast %add3A_2415 : i32 to vector<16xi32>
      %add3A_2417 = arith.addi %add3A_2416, %iota3A : vector<16xi32>
      %select_n3A_2418 = arith.select %gt3A_2410, %add3A_2417, %select_n3A_2407 : vector<16xi1>, vector<16xi32>
      %get3A_2419 = arith.constant 96 : index
      %get3A_2420 = tpu.vector_load %arg10[%get3A_2419] {strides = array<i32>} : memref<256xf32, #tpu.memory_space<vmem>>, vector<16xf32>,
      %gt3A_2421 = arith.cmpf ogt, %get3A_2420, %select_n3A_2411 : vector<16xf32>
      %select_n3A_2422 = arith.select %gt3A_2421, %get3A_2420, %select_n3A_2411 : vector<16xi1>, vector<16xf32>
      %get3A_2423 = arith.constant 96 : index
      %get3A_2424 = tpu.vector_load %arg11[%get3A_2423] {strides = array<i32>} : memref<256xi32, #tpu.memory_space<vmem>>, vector<16xi32>,
      %select_n3A_2425 = arith.select %gt3A_2421, %get3A_2424, %select_n3A_2414 : vector<16xi1>, vector<16xi32>
      %add3A_2426 = arith.constant 96 : i32
      %add3A_2427 = vector.broadcast %add3A_2426 : i32 to vector<16xi32>
      %add3A_2428 = arith.addi %add3A_2427, %iota3A : vector<16xi32>
      %select_n3A_2429 = arith.select %gt3A_2421, %add3A_2428, %select_n3A_2418 : vector<16xi1>, vector<16xi32>
      %get3A_2430 = arith.constant 112 : index
      %get3A_2431 = tpu.vector_load %arg10[%get3A_2430] {strides = array<i32>} : memref<256xf32, #tpu.memory_space<vmem>>, vector<16xf32>,
      %gt3A_2432 = arith.cmpf ogt, %get3A_2431, %select_n3A_2422 : vector<16xf32>
      %select_n3A_2433 = arith.select %gt3A_2432, %get3A_2431, %select_n3A_2422 : vector<16xi1>, vector<16xf32>
      %get3A_2434 = arith.constant 112 : index
      %get3A_2435 = tpu.vector_load %arg11[%get3A_2434] {strides = array<i32>} : memref<256xi32, #tpu.memory_space<vmem>>, vector<16xi32>,
      %select_n3A_2436 = arith.select %gt3A_2432, %get3A_2435, %select_n3A_2425 : vector<16xi1>, vector<16xi32>
      %add3A_2437 = arith.constant 112 : i32
      %add3A_2438 = vector.broadcast %add3A_2437 : i32 to vector<16xi32>
      %add3A_2439 = arith.addi %add3A_2438, %iota3A : vector<16xi32>
      %select_n3A_2440 = arith.select %gt3A_2432, %add3A_2439, %select_n3A_2429 : vector<16xi1>, vector<16xi32>
      %get3A_2441 = arith.constant 128 : index
      %get3A_2442 = tpu.vector_load %arg10[%get3A_2441] {strides = array<i32>} : memref<256xf32, #tpu.memory_space<vmem>>, vector<16xf32>,
      %gt3A_2443 = arith.cmpf ogt, %get3A_2442, %select_n3A_2433 : vector<16xf32>
      %select_n3A_2444 = arith.select %gt3A_2443, %get3A_2442, %select_n3A_2433 : vector<16xi1>, vector<16xf32>
      %get3A_2445 = arith.constant 128 : index
      %get3A_2446 = tpu.vector_load %arg11[%get3A_2445] {strides = array<i32>} : memref<256xi32, #tpu.memory_space<vmem>>, vector<16xi32>,
      %select_n3A_2447 = arith.select %gt3A_2443, %get3A_2446, %select_n3A_2436 : vector<16xi1>, vector<16xi32>
      %add3A_2448 = arith.constant 128 : i32
      %add3A_2449 = vector.broadcast %add3A_2448 : i32 to vector<16xi32>
      %add3A_2450 = arith.addi %add3A_2449, %iota3A : vector<16xi32>
      %select_n3A_2451 = arith.select %gt3A_2443, %add3A_2450, %select_n3A_2440 : vector<16xi1>, vector<16xi32>
      %get3A_2452 = arith.constant 144 : index
      %get3A_2453 = tpu.vector_load %arg10[%get3A_2452] {strides = array<i32>} : memref<256xf32, #tpu.memory_space<vmem>>, vector<16xf32>,
      %gt3A_2454 = arith.cmpf ogt, %get3A_2453, %select_n3A_2444 : vector<16xf32>
      %select_n3A_2455 = arith.select %gt3A_2454, %get3A_2453, %select_n3A_2444 : vector<16xi1>, vector<16xf32>
      %get3A_2456 = arith.constant 144 : index
      %get3A_2457 = tpu.vector_load %arg11[%get3A_2456] {strides = array<i32>} : memref<256xi32, #tpu.memory_space<vmem>>, vector<16xi32>,
      %select_n3A_2458 = arith.select %gt3A_2454, %get3A_2457, %select_n3A_2447 : vector<16xi1>, vector<16xi32>
      %add3A_2459 = arith.constant 144 : i32
      %add3A_2460 = vector.broadcast %add3A_2459 : i32 to vector<16xi32>
      %add3A_2461 = arith.addi %add3A_2460, %iota3A : vector<16xi32>
      %select_n3A_2462 = arith.select %gt3A_2454, %add3A_2461, %select_n3A_2451 : vector<16xi1>, vector<16xi32>
      %get3A_2463 = arith.constant 160 : index
      %get3A_2464 = tpu.vector_load %arg10[%get3A_2463] {strides = array<i32>} : memref<256xf32, #tpu.memory_space<vmem>>, vector<16xf32>,
      %gt3A_2465 = arith.cmpf ogt, %get3A_2464, %select_n3A_2455 : vector<16xf32>
      %select_n3A_2466 = arith.select %gt3A_2465, %get3A_2464, %select_n3A_2455 : vector<16xi1>, vector<16xf32>
      %get3A_2467 = arith.constant 160 : index
      %get3A_2468 = tpu.vector_load %arg11[%get3A_2467] {strides = array<i32>} : memref<256xi32, #tpu.memory_space<vmem>>, vector<16xi32>,
      %select_n3A_2469 = arith.select %gt3A_2465, %get3A_2468, %select_n3A_2458 : vector<16xi1>, vector<16xi32>
      %add3A_2470 = arith.constant 160 : i32
      %add3A_2471 = vector.broadcast %add3A_2470 : i32 to vector<16xi32>
      %add3A_2472 = arith.addi %add3A_2471, %iota3A : vector<16xi32>
      %select_n3A_2473 = arith.select %gt3A_2465, %add3A_2472, %select_n3A_2462 : vector<16xi1>, vector<16xi32>
      %get3A_2474 = arith.constant 176 : index
      %get3A_2475 = tpu.vector_load %arg10[%get3A_2474] {strides = array<i32>} : memref<256xf32, #tpu.memory_space<vmem>>, vector<16xf32>,
      %gt3A_2476 = arith.cmpf ogt, %get3A_2475, %select_n3A_2466 : vector<16xf32>
      %select_n3A_2477 = arith.select %gt3A_2476, %get3A_2475, %select_n3A_2466 : vector<16xi1>, vector<16xf32>
      %get3A_2478 = arith.constant 176 : index
      %get3A_2479 = tpu.vector_load %arg11[%get3A_2478] {strides = array<i32>} : memref<256xi32, #tpu.memory_space<vmem>>, vector<16xi32>,
      %select_n3A_2480 = arith.select %gt3A_2476, %get3A_2479, %select_n3A_2469 : vector<16xi1>, vector<16xi32>
      %add3A_2481 = arith.constant 176 : i32
      %add3A_2482 = vector.broadcast %add3A_2481 : i32 to vector<16xi32>
      %add3A_2483 = arith.addi %add3A_2482, %iota3A : vector<16xi32>
      %select_n3A_2484 = arith.select %gt3A_2476, %add3A_2483, %select_n3A_2473 : vector<16xi1>, vector<16xi32>
      %get3A_2485 = arith.constant 192 : index
      %get3A_2486 = tpu.vector_load %arg10[%get3A_2485] {strides = array<i32>} : memref<256xf32, #tpu.memory_space<vmem>>, vector<16xf32>,
      %gt3A_2487 = arith.cmpf ogt, %get3A_2486, %select_n3A_2477 : vector<16xf32>
      %select_n3A_2488 = arith.select %gt3A_2487, %get3A_2486, %select_n3A_2477 : vector<16xi1>, vector<16xf32>
      %get3A_2489 = arith.constant 192 : index
      %get3A_2490 = tpu.vector_load %arg11[%get3A_2489] {strides = array<i32>} : memref<256xi32, #tpu.memory_space<vmem>>, vector<16xi32>,
      %select_n3A_2491 = arith.select %gt3A_2487, %get3A_2490, %select_n3A_2480 : vector<16xi1>, vector<16xi32>
      %add3A_2492 = arith.constant 192 : i32
      %add3A_2493 = vector.broadcast %add3A_2492 : i32 to vector<16xi32>
      %add3A_2494 = arith.addi %add3A_2493, %iota3A : vector<16xi32>
      %select_n3A_2495 = arith.select %gt3A_2487, %add3A_2494, %select_n3A_2484 : vector<16xi1>, vector<16xi32>
      %get3A_2496 = arith.constant 208 : index
      %get3A_2497 = tpu.vector_load %arg10[%get3A_2496] {strides = array<i32>} : memref<256xf32, #tpu.memory_space<vmem>>, vector<16xf32>,
      %gt3A_2498 = arith.cmpf ogt, %get3A_2497, %select_n3A_2488 : vector<16xf32>
      %select_n3A_2499 = arith.select %gt3A_2498, %get3A_2497, %select_n3A_2488 : vector<16xi1>, vector<16xf32>
      %get3A_2500 = arith.constant 208 : index
      %get3A_2501 = tpu.vector_load %arg11[%get3A_2500] {strides = array<i32>} : memref<256xi32, #tpu.memory_space<vmem>>, vector<16xi32>,
      %select_n3A_2502 = arith.select %gt3A_2498, %get3A_2501, %select_n3A_2491 : vector<16xi1>, vector<16xi32>
      %add3A_2503 = arith.constant 208 : i32
      %add3A_2504 = vector.broadcast %add3A_2503 : i32 to vector<16xi32>
      %add3A_2505 = arith.addi %add3A_2504, %iota3A : vector<16xi32>
      %select_n3A_2506 = arith.select %gt3A_2498, %add3A_2505, %select_n3A_2495 : vector<16xi1>, vector<16xi32>
      %get3A_2507 = arith.constant 224 : index
      %get3A_2508 = tpu.vector_load %arg10[%get3A_2507] {strides = array<i32>} : memref<256xf32, #tpu.memory_space<vmem>>, vector<16xf32>,
      %gt3A_2509 = arith.cmpf ogt, %get3A_2508, %select_n3A_2499 : vector<16xf32>
      %select_n3A_2510 = arith.select %gt3A_2509, %get3A_2508, %select_n3A_2499 : vector<16xi1>, vector<16xf32>
      %get3A_2511 = arith.constant 224 : index
      %get3A_2512 = tpu.vector_load %arg11[%get3A_2511] {strides = array<i32>} : memref<256xi32, #tpu.memory_space<vmem>>, vector<16xi32>,
      %select_n3A_2513 = arith.select %gt3A_2509, %get3A_2512, %select_n3A_2502 : vector<16xi1>, vector<16xi32>
      %add3A_2514 = arith.constant 224 : i32
      %add3A_2515 = vector.broadcast %add3A_2514 : i32 to vector<16xi32>
      %add3A_2516 = arith.addi %add3A_2515, %iota3A : vector<16xi32>
      %select_n3A_2517 = arith.select %gt3A_2509, %add3A_2516, %select_n3A_2506 : vector<16xi1>, vector<16xi32>
      %get3A_2518 = arith.constant 240 : index
      %get3A_2519 = tpu.vector_load %arg10[%get3A_2518] {strides = array<i32>} : memref<256xf32, #tpu.memory_space<vmem>>, vector<16xf32>,
      %gt3A_2520 = arith.cmpf ogt, %get3A_2519, %select_n3A_2510 : vector<16xf32>
      %select_n3A_2521 = arith.select %gt3A_2520, %get3A_2519, %select_n3A_2510 : vector<16xi1>, vector<16xf32>
      %get3A_2522 = arith.constant 240 : index
      %get3A_2523 = tpu.vector_load %arg11[%get3A_2522] {strides = array<i32>} : memref<256xi32, #tpu.memory_space<vmem>>, vector<16xi32>,
      %select_n3A_2524 = arith.select %gt3A_2520, %get3A_2523, %select_n3A_2513 : vector<16xi1>, vector<16xi32>
      %add3A_2525 = arith.constant 240 : i32
      %add3A_2526 = vector.broadcast %add3A_2525 : i32 to vector<16xi32>
      %add3A_2527 = arith.addi %add3A_2526, %iota3A : vector<16xi32>
      %select_n3A_2528 = arith.select %gt3A_2520, %add3A_2527, %select_n3A_2517 : vector<16xi1>, vector<16xi32>
      %reduce_max3A_2529 = arith.constant true
      %reduce_max3A_2530 = vector.broadcast %reduce_max3A_2529 : i1 to vector<16xi1>
      %reduce_max3A_2531 = tpu.scan <max>, %select_n3A_2521 masked %reduce_max3A_2530 : vector<16xf32>, vector<16xi1> -> vector<16xf32>
      %reduce_max3A_2532 = vector.extract %reduce_max3A_2531[15] : f32 from vector<16xf32>
      %eq3A_2533 = vector.broadcast %reduce_max3A_2532 : f32 to vector<16xf32>
      %eq3A_2534 = arith.cmpf oeq, %select_n3A_2521, %eq3A_2533 : vector<16xf32>
      %jit3A_2535 = arith.constant 2147483647 : i32
      %broadcast_in_dim3A_2536 = vector.broadcast %jit3A_2535 : i32 to vector<16xi32>
      %select_n3A_2537 = arith.select %eq3A_2534, %select_n3A_2524, %broadcast_in_dim3A_2536 : vector<16xi1>, vector<16xi32>
      %reduce_min3A_2538 = arith.constant true
      %reduce_min3A_2539 = vector.broadcast %reduce_min3A_2538 : i1 to vector<16xi1>
      %reduce_min3A_2540 = arith.constant -2147483648 : i32
      %reduce_min3A_2541 = vector.broadcast %reduce_min3A_2540 : i32 to vector<16xi32>
      %reduce_min3A_2542 = arith.xori %select_n3A_2537, %reduce_min3A_2541 : vector<16xi32>
      %reduce_min3A_2543 = tpu.scan <min>, %reduce_min3A_2542 masked %reduce_min3A_2539 : vector<16xi32>, vector<16xi1> -> vector<16xi32>
      %reduce_min3A_2544 = arith.xori %reduce_min3A_2543, %reduce_min3A_2541 : vector<16xi32>
      %reduce_min3A_2545 = vector.extract %reduce_min3A_2544[15] : i32 from vector<16xi32>
      %eq3A_2546 = vector.broadcast %reduce_max3A_2532 : f32 to vector<16xf32>
      %eq3A_2547 = arith.cmpf oeq, %select_n3A_2521, %eq3A_2546 : vector<16xf32>
      %eq3A_2548 = vector.broadcast %reduce_min3A_2545 : i32 to vector<16xi32>
      %eq3A_2549 = arith.cmpi eq, %select_n3A_2524, %eq3A_2548 : vector<16xi32>
      %and3A_2550 = arith.andi %eq3A_2547, %eq3A_2549 : vector<16xi1>
      %jit3A_2551 = arith.constant 2147483647 : i32
      %broadcast_in_dim3A_2552 = vector.broadcast %jit3A_2551 : i32 to vector<16xi32>
      %select_n3A_2553 = arith.select %and3A_2550, %select_n3A_2528, %broadcast_in_dim3A_2552 : vector<16xi1>, vector<16xi32>
      %reduce_min3A_2554 = arith.constant true
      %reduce_min3A_2555 = vector.broadcast %reduce_min3A_2554 : i1 to vector<16xi1>
      %reduce_min3A_2556 = arith.constant -2147483648 : i32
      %reduce_min3A_2557 = vector.broadcast %reduce_min3A_2556 : i32 to vector<16xi32>
      %reduce_min3A_2558 = arith.xori %select_n3A_2553, %reduce_min3A_2557 : vector<16xi32>
      %reduce_min3A_2559 = tpu.scan <min>, %reduce_min3A_2558 masked %reduce_min3A_2555 : vector<16xi32>, vector<16xi1> -> vector<16xi32>
      %reduce_min3A_2560 = arith.xori %reduce_min3A_2559, %reduce_min3A_2557 : vector<16xi32>
      %reduce_min3A_2561 = vector.extract %reduce_min3A_2560[15] : i32 from vector<16xi32>
      %eq3A_2562 = arith.constant 6 : i32
      %eq3A_2563 = vector.broadcast %eq3A_2562 : i32 to vector<16xi32>
      %eq3A_2564 = arith.cmpi eq, %iota3A, %eq3A_2563 : vector<16xi32>
      %broadcast_in_dim3A_2565 = vector.broadcast %reduce_max3A_2532 : f32 to vector<16xf32>
      %select_n3A_2566 = arith.select %eq3A_2564, %broadcast_in_dim3A_2565, %select_n3A_2328 : vector<16xi1>, vector<16xf32>
      %eq3A_2567 = arith.constant 6 : i32
      %eq3A_2568 = vector.broadcast %eq3A_2567 : i32 to vector<16xi32>
      %eq3A_2569 = arith.cmpi eq, %iota3A, %eq3A_2568 : vector<16xi32>
      %broadcast_in_dim3A_2570 = vector.broadcast %reduce_min3A_2545 : i32 to vector<16xi32>
      %select_n3A_2571 = arith.select %eq3A_2569, %broadcast_in_dim3A_2570, %select_n3A_2333 : vector<16xi1>, vector<16xi32>
      %and3A_2572 = arith.constant -16 : i32
      %and3A_2573 = arith.andi %reduce_min3A_2561, %and3A_2572 : i32
      %get3A_2574 = arith.index_cast %and3A_2573 : i32 to index
      %get3A_2575 = tpu.vector_load %arg10[%get3A_2574] {strides = array<i32>} : memref<256xf32, #tpu.memory_space<vmem>>, vector<16xf32>,
      %and3A_2576 = arith.constant 15 : i32
      %and3A_2577 = arith.andi %reduce_min3A_2561, %and3A_2576 : i32
      %eq3A_2578 = vector.broadcast %and3A_2577 : i32 to vector<16xi32>
      %eq3A_2579 = arith.cmpi eq, %iota3A, %eq3A_2578 : vector<16xi32>
      %jit3A_2580 = arith.constant -1.000000e+30 : f32
      %broadcast_in_dim3A_2581 = vector.broadcast %jit3A_2580 : f32 to vector<16xf32>
      %select_n3A_2582 = arith.select %eq3A_2579, %broadcast_in_dim3A_2581, %get3A_2575 : vector<16xi1>, vector<16xf32>
      %swap3A_2583 = arith.index_cast %and3A_2573 : i32 to index
      %swap3A_2584 = tpu.vector_load %arg10[%swap3A_2583] {strides = array<i32>} : memref<256xf32, #tpu.memory_space<vmem>>, vector<16xf32>,
      tpu.vector_store %arg10[%swap3A_2583], %select_n3A_2582 {strides = array<i32>} : memref<256xf32, #tpu.memory_space<vmem>>, vector<16xf32>,
      %broadcast_in_dim3A_2585 = arith.constant -1.000000e+30 : f32
      %broadcast_in_dim3A_2586 = vector.broadcast %broadcast_in_dim3A_2585 : f32 to vector<16xf32>
      %broadcast_in_dim3A_2587 = arith.constant 0 : i32
      %broadcast_in_dim3A_2588 = vector.broadcast %broadcast_in_dim3A_2587 : i32 to vector<16xi32>
      %broadcast_in_dim3A_2589 = arith.constant 0 : i32
      %broadcast_in_dim3A_2590 = vector.broadcast %broadcast_in_dim3A_2589 : i32 to vector<16xi32>
      %get3A_2591 = arith.constant 0 : index
      %get3A_2592 = tpu.vector_load %arg10[%get3A_2591] {strides = array<i32>} : memref<256xf32, #tpu.memory_space<vmem>>, vector<16xf32>,
      %gt3A_2593 = arith.cmpf ogt, %get3A_2592, %broadcast_in_dim3A_2586 : vector<16xf32>
      %select_n3A_2594 = arith.select %gt3A_2593, %get3A_2592, %broadcast_in_dim3A_2586 : vector<16xi1>, vector<16xf32>
      %get3A_2595 = arith.constant 0 : index
      %get3A_2596 = tpu.vector_load %arg11[%get3A_2595] {strides = array<i32>} : memref<256xi32, #tpu.memory_space<vmem>>, vector<16xi32>,
      %select_n3A_2597 = arith.select %gt3A_2593, %get3A_2596, %broadcast_in_dim3A_2588 : vector<16xi1>, vector<16xi32>
      %add3A_2598 = arith.constant 0 : i32
      %add3A_2599 = vector.broadcast %add3A_2598 : i32 to vector<16xi32>
      %add3A_2600 = arith.addi %add3A_2599, %iota3A : vector<16xi32>
      %select_n3A_2601 = arith.select %gt3A_2593, %add3A_2600, %broadcast_in_dim3A_2590 : vector<16xi1>, vector<16xi32>
      %get3A_2602 = arith.constant 16 : index
      %get3A_2603 = tpu.vector_load %arg10[%get3A_2602] {strides = array<i32>} : memref<256xf32, #tpu.memory_space<vmem>>, vector<16xf32>,
      %gt3A_2604 = arith.cmpf ogt, %get3A_2603, %select_n3A_2594 : vector<16xf32>
      %select_n3A_2605 = arith.select %gt3A_2604, %get3A_2603, %select_n3A_2594 : vector<16xi1>, vector<16xf32>
      %get3A_2606 = arith.constant 16 : index
      %get3A_2607 = tpu.vector_load %arg11[%get3A_2606] {strides = array<i32>} : memref<256xi32, #tpu.memory_space<vmem>>, vector<16xi32>,
      %select_n3A_2608 = arith.select %gt3A_2604, %get3A_2607, %select_n3A_2597 : vector<16xi1>, vector<16xi32>
      %add3A_2609 = arith.constant 16 : i32
      %add3A_2610 = vector.broadcast %add3A_2609 : i32 to vector<16xi32>
      %add3A_2611 = arith.addi %add3A_2610, %iota3A : vector<16xi32>
      %select_n3A_2612 = arith.select %gt3A_2604, %add3A_2611, %select_n3A_2601 : vector<16xi1>, vector<16xi32>
      %get3A_2613 = arith.constant 32 : index
      %get3A_2614 = tpu.vector_load %arg10[%get3A_2613] {strides = array<i32>} : memref<256xf32, #tpu.memory_space<vmem>>, vector<16xf32>,
      %gt3A_2615 = arith.cmpf ogt, %get3A_2614, %select_n3A_2605 : vector<16xf32>
      %select_n3A_2616 = arith.select %gt3A_2615, %get3A_2614, %select_n3A_2605 : vector<16xi1>, vector<16xf32>
      %get3A_2617 = arith.constant 32 : index
      %get3A_2618 = tpu.vector_load %arg11[%get3A_2617] {strides = array<i32>} : memref<256xi32, #tpu.memory_space<vmem>>, vector<16xi32>,
      %select_n3A_2619 = arith.select %gt3A_2615, %get3A_2618, %select_n3A_2608 : vector<16xi1>, vector<16xi32>
      %add3A_2620 = arith.constant 32 : i32
      %add3A_2621 = vector.broadcast %add3A_2620 : i32 to vector<16xi32>
      %add3A_2622 = arith.addi %add3A_2621, %iota3A : vector<16xi32>
      %select_n3A_2623 = arith.select %gt3A_2615, %add3A_2622, %select_n3A_2612 : vector<16xi1>, vector<16xi32>
      %get3A_2624 = arith.constant 48 : index
      %get3A_2625 = tpu.vector_load %arg10[%get3A_2624] {strides = array<i32>} : memref<256xf32, #tpu.memory_space<vmem>>, vector<16xf32>,
      %gt3A_2626 = arith.cmpf ogt, %get3A_2625, %select_n3A_2616 : vector<16xf32>
      %select_n3A_2627 = arith.select %gt3A_2626, %get3A_2625, %select_n3A_2616 : vector<16xi1>, vector<16xf32>
      %get3A_2628 = arith.constant 48 : index
      %get3A_2629 = tpu.vector_load %arg11[%get3A_2628] {strides = array<i32>} : memref<256xi32, #tpu.memory_space<vmem>>, vector<16xi32>,
      %select_n3A_2630 = arith.select %gt3A_2626, %get3A_2629, %select_n3A_2619 : vector<16xi1>, vector<16xi32>
      %add3A_2631 = arith.constant 48 : i32
      %add3A_2632 = vector.broadcast %add3A_2631 : i32 to vector<16xi32>
      %add3A_2633 = arith.addi %add3A_2632, %iota3A : vector<16xi32>
      %select_n3A_2634 = arith.select %gt3A_2626, %add3A_2633, %select_n3A_2623 : vector<16xi1>, vector<16xi32>
      %get3A_2635 = arith.constant 64 : index
      %get3A_2636 = tpu.vector_load %arg10[%get3A_2635] {strides = array<i32>} : memref<256xf32, #tpu.memory_space<vmem>>, vector<16xf32>,
      %gt3A_2637 = arith.cmpf ogt, %get3A_2636, %select_n3A_2627 : vector<16xf32>
      %select_n3A_2638 = arith.select %gt3A_2637, %get3A_2636, %select_n3A_2627 : vector<16xi1>, vector<16xf32>
      %get3A_2639 = arith.constant 64 : index
      %get3A_2640 = tpu.vector_load %arg11[%get3A_2639] {strides = array<i32>} : memref<256xi32, #tpu.memory_space<vmem>>, vector<16xi32>,
      %select_n3A_2641 = arith.select %gt3A_2637, %get3A_2640, %select_n3A_2630 : vector<16xi1>, vector<16xi32>
      %add3A_2642 = arith.constant 64 : i32
      %add3A_2643 = vector.broadcast %add3A_2642 : i32 to vector<16xi32>
      %add3A_2644 = arith.addi %add3A_2643, %iota3A : vector<16xi32>
      %select_n3A_2645 = arith.select %gt3A_2637, %add3A_2644, %select_n3A_2634 : vector<16xi1>, vector<16xi32>
      %get3A_2646 = arith.constant 80 : index
      %get3A_2647 = tpu.vector_load %arg10[%get3A_2646] {strides = array<i32>} : memref<256xf32, #tpu.memory_space<vmem>>, vector<16xf32>,
      %gt3A_2648 = arith.cmpf ogt, %get3A_2647, %select_n3A_2638 : vector<16xf32>
      %select_n3A_2649 = arith.select %gt3A_2648, %get3A_2647, %select_n3A_2638 : vector<16xi1>, vector<16xf32>
      %get3A_2650 = arith.constant 80 : index
      %get3A_2651 = tpu.vector_load %arg11[%get3A_2650] {strides = array<i32>} : memref<256xi32, #tpu.memory_space<vmem>>, vector<16xi32>,
      %select_n3A_2652 = arith.select %gt3A_2648, %get3A_2651, %select_n3A_2641 : vector<16xi1>, vector<16xi32>
      %add3A_2653 = arith.constant 80 : i32
      %add3A_2654 = vector.broadcast %add3A_2653 : i32 to vector<16xi32>
      %add3A_2655 = arith.addi %add3A_2654, %iota3A : vector<16xi32>
      %select_n3A_2656 = arith.select %gt3A_2648, %add3A_2655, %select_n3A_2645 : vector<16xi1>, vector<16xi32>
      %get3A_2657 = arith.constant 96 : index
      %get3A_2658 = tpu.vector_load %arg10[%get3A_2657] {strides = array<i32>} : memref<256xf32, #tpu.memory_space<vmem>>, vector<16xf32>,
      %gt3A_2659 = arith.cmpf ogt, %get3A_2658, %select_n3A_2649 : vector<16xf32>
      %select_n3A_2660 = arith.select %gt3A_2659, %get3A_2658, %select_n3A_2649 : vector<16xi1>, vector<16xf32>
      %get3A_2661 = arith.constant 96 : index
      %get3A_2662 = tpu.vector_load %arg11[%get3A_2661] {strides = array<i32>} : memref<256xi32, #tpu.memory_space<vmem>>, vector<16xi32>,
      %select_n3A_2663 = arith.select %gt3A_2659, %get3A_2662, %select_n3A_2652 : vector<16xi1>, vector<16xi32>
      %add3A_2664 = arith.constant 96 : i32
      %add3A_2665 = vector.broadcast %add3A_2664 : i32 to vector<16xi32>
      %add3A_2666 = arith.addi %add3A_2665, %iota3A : vector<16xi32>
      %select_n3A_2667 = arith.select %gt3A_2659, %add3A_2666, %select_n3A_2656 : vector<16xi1>, vector<16xi32>
      %get3A_2668 = arith.constant 112 : index
      %get3A_2669 = tpu.vector_load %arg10[%get3A_2668] {strides = array<i32>} : memref<256xf32, #tpu.memory_space<vmem>>, vector<16xf32>,
      %gt3A_2670 = arith.cmpf ogt, %get3A_2669, %select_n3A_2660 : vector<16xf32>
      %select_n3A_2671 = arith.select %gt3A_2670, %get3A_2669, %select_n3A_2660 : vector<16xi1>, vector<16xf32>
      %get3A_2672 = arith.constant 112 : index
      %get3A_2673 = tpu.vector_load %arg11[%get3A_2672] {strides = array<i32>} : memref<256xi32, #tpu.memory_space<vmem>>, vector<16xi32>,
      %select_n3A_2674 = arith.select %gt3A_2670, %get3A_2673, %select_n3A_2663 : vector<16xi1>, vector<16xi32>
      %add3A_2675 = arith.constant 112 : i32
      %add3A_2676 = vector.broadcast %add3A_2675 : i32 to vector<16xi32>
      %add3A_2677 = arith.addi %add3A_2676, %iota3A : vector<16xi32>
      %select_n3A_2678 = arith.select %gt3A_2670, %add3A_2677, %select_n3A_2667 : vector<16xi1>, vector<16xi32>
      %get3A_2679 = arith.constant 128 : index
      %get3A_2680 = tpu.vector_load %arg10[%get3A_2679] {strides = array<i32>} : memref<256xf32, #tpu.memory_space<vmem>>, vector<16xf32>,
      %gt3A_2681 = arith.cmpf ogt, %get3A_2680, %select_n3A_2671 : vector<16xf32>
      %select_n3A_2682 = arith.select %gt3A_2681, %get3A_2680, %select_n3A_2671 : vector<16xi1>, vector<16xf32>
      %get3A_2683 = arith.constant 128 : index
      %get3A_2684 = tpu.vector_load %arg11[%get3A_2683] {strides = array<i32>} : memref<256xi32, #tpu.memory_space<vmem>>, vector<16xi32>,
      %select_n3A_2685 = arith.select %gt3A_2681, %get3A_2684, %select_n3A_2674 : vector<16xi1>, vector<16xi32>
      %add3A_2686 = arith.constant 128 : i32
      %add3A_2687 = vector.broadcast %add3A_2686 : i32 to vector<16xi32>
      %add3A_2688 = arith.addi %add3A_2687, %iota3A : vector<16xi32>
      %select_n3A_2689 = arith.select %gt3A_2681, %add3A_2688, %select_n3A_2678 : vector<16xi1>, vector<16xi32>
      %get3A_2690 = arith.constant 144 : index
      %get3A_2691 = tpu.vector_load %arg10[%get3A_2690] {strides = array<i32>} : memref<256xf32, #tpu.memory_space<vmem>>, vector<16xf32>,
      %gt3A_2692 = arith.cmpf ogt, %get3A_2691, %select_n3A_2682 : vector<16xf32>
      %select_n3A_2693 = arith.select %gt3A_2692, %get3A_2691, %select_n3A_2682 : vector<16xi1>, vector<16xf32>
      %get3A_2694 = arith.constant 144 : index
      %get3A_2695 = tpu.vector_load %arg11[%get3A_2694] {strides = array<i32>} : memref<256xi32, #tpu.memory_space<vmem>>, vector<16xi32>,
      %select_n3A_2696 = arith.select %gt3A_2692, %get3A_2695, %select_n3A_2685 : vector<16xi1>, vector<16xi32>
      %add3A_2697 = arith.constant 144 : i32
      %add3A_2698 = vector.broadcast %add3A_2697 : i32 to vector<16xi32>
      %add3A_2699 = arith.addi %add3A_2698, %iota3A : vector<16xi32>
      %select_n3A_2700 = arith.select %gt3A_2692, %add3A_2699, %select_n3A_2689 : vector<16xi1>, vector<16xi32>
      %get3A_2701 = arith.constant 160 : index
      %get3A_2702 = tpu.vector_load %arg10[%get3A_2701] {strides = array<i32>} : memref<256xf32, #tpu.memory_space<vmem>>, vector<16xf32>,
      %gt3A_2703 = arith.cmpf ogt, %get3A_2702, %select_n3A_2693 : vector<16xf32>
      %select_n3A_2704 = arith.select %gt3A_2703, %get3A_2702, %select_n3A_2693 : vector<16xi1>, vector<16xf32>
      %get3A_2705 = arith.constant 160 : index
      %get3A_2706 = tpu.vector_load %arg11[%get3A_2705] {strides = array<i32>} : memref<256xi32, #tpu.memory_space<vmem>>, vector<16xi32>,
      %select_n3A_2707 = arith.select %gt3A_2703, %get3A_2706, %select_n3A_2696 : vector<16xi1>, vector<16xi32>
      %add3A_2708 = arith.constant 160 : i32
      %add3A_2709 = vector.broadcast %add3A_2708 : i32 to vector<16xi32>
      %add3A_2710 = arith.addi %add3A_2709, %iota3A : vector<16xi32>
      %select_n3A_2711 = arith.select %gt3A_2703, %add3A_2710, %select_n3A_2700 : vector<16xi1>, vector<16xi32>
      %get3A_2712 = arith.constant 176 : index
      %get3A_2713 = tpu.vector_load %arg10[%get3A_2712] {strides = array<i32>} : memref<256xf32, #tpu.memory_space<vmem>>, vector<16xf32>,
      %gt3A_2714 = arith.cmpf ogt, %get3A_2713, %select_n3A_2704 : vector<16xf32>
      %select_n3A_2715 = arith.select %gt3A_2714, %get3A_2713, %select_n3A_2704 : vector<16xi1>, vector<16xf32>
      %get3A_2716 = arith.constant 176 : index
      %get3A_2717 = tpu.vector_load %arg11[%get3A_2716] {strides = array<i32>} : memref<256xi32, #tpu.memory_space<vmem>>, vector<16xi32>,
      %select_n3A_2718 = arith.select %gt3A_2714, %get3A_2717, %select_n3A_2707 : vector<16xi1>, vector<16xi32>
      %add3A_2719 = arith.constant 176 : i32
      %add3A_2720 = vector.broadcast %add3A_2719 : i32 to vector<16xi32>
      %add3A_2721 = arith.addi %add3A_2720, %iota3A : vector<16xi32>
      %select_n3A_2722 = arith.select %gt3A_2714, %add3A_2721, %select_n3A_2711 : vector<16xi1>, vector<16xi32>
      %get3A_2723 = arith.constant 192 : index
      %get3A_2724 = tpu.vector_load %arg10[%get3A_2723] {strides = array<i32>} : memref<256xf32, #tpu.memory_space<vmem>>, vector<16xf32>,
      %gt3A_2725 = arith.cmpf ogt, %get3A_2724, %select_n3A_2715 : vector<16xf32>
      %select_n3A_2726 = arith.select %gt3A_2725, %get3A_2724, %select_n3A_2715 : vector<16xi1>, vector<16xf32>
      %get3A_2727 = arith.constant 192 : index
      %get3A_2728 = tpu.vector_load %arg11[%get3A_2727] {strides = array<i32>} : memref<256xi32, #tpu.memory_space<vmem>>, vector<16xi32>,
      %select_n3A_2729 = arith.select %gt3A_2725, %get3A_2728, %select_n3A_2718 : vector<16xi1>, vector<16xi32>
      %add3A_2730 = arith.constant 192 : i32
      %add3A_2731 = vector.broadcast %add3A_2730 : i32 to vector<16xi32>
      %add3A_2732 = arith.addi %add3A_2731, %iota3A : vector<16xi32>
      %select_n3A_2733 = arith.select %gt3A_2725, %add3A_2732, %select_n3A_2722 : vector<16xi1>, vector<16xi32>
      %get3A_2734 = arith.constant 208 : index
      %get3A_2735 = tpu.vector_load %arg10[%get3A_2734] {strides = array<i32>} : memref<256xf32, #tpu.memory_space<vmem>>, vector<16xf32>,
      %gt3A_2736 = arith.cmpf ogt, %get3A_2735, %select_n3A_2726 : vector<16xf32>
      %select_n3A_2737 = arith.select %gt3A_2736, %get3A_2735, %select_n3A_2726 : vector<16xi1>, vector<16xf32>
      %get3A_2738 = arith.constant 208 : index
      %get3A_2739 = tpu.vector_load %arg11[%get3A_2738] {strides = array<i32>} : memref<256xi32, #tpu.memory_space<vmem>>, vector<16xi32>,
      %select_n3A_2740 = arith.select %gt3A_2736, %get3A_2739, %select_n3A_2729 : vector<16xi1>, vector<16xi32>
      %add3A_2741 = arith.constant 208 : i32
      %add3A_2742 = vector.broadcast %add3A_2741 : i32 to vector<16xi32>
      %add3A_2743 = arith.addi %add3A_2742, %iota3A : vector<16xi32>
      %select_n3A_2744 = arith.select %gt3A_2736, %add3A_2743, %select_n3A_2733 : vector<16xi1>, vector<16xi32>
      %get3A_2745 = arith.constant 224 : index
      %get3A_2746 = tpu.vector_load %arg10[%get3A_2745] {strides = array<i32>} : memref<256xf32, #tpu.memory_space<vmem>>, vector<16xf32>,
      %gt3A_2747 = arith.cmpf ogt, %get3A_2746, %select_n3A_2737 : vector<16xf32>
      %select_n3A_2748 = arith.select %gt3A_2747, %get3A_2746, %select_n3A_2737 : vector<16xi1>, vector<16xf32>
      %get3A_2749 = arith.constant 224 : index
      %get3A_2750 = tpu.vector_load %arg11[%get3A_2749] {strides = array<i32>} : memref<256xi32, #tpu.memory_space<vmem>>, vector<16xi32>,
      %select_n3A_2751 = arith.select %gt3A_2747, %get3A_2750, %select_n3A_2740 : vector<16xi1>, vector<16xi32>
      %add3A_2752 = arith.constant 224 : i32
      %add3A_2753 = vector.broadcast %add3A_2752 : i32 to vector<16xi32>
      %add3A_2754 = arith.addi %add3A_2753, %iota3A : vector<16xi32>
      %select_n3A_2755 = arith.select %gt3A_2747, %add3A_2754, %select_n3A_2744 : vector<16xi1>, vector<16xi32>
      %get3A_2756 = arith.constant 240 : index
      %get3A_2757 = tpu.vector_load %arg10[%get3A_2756] {strides = array<i32>} : memref<256xf32, #tpu.memory_space<vmem>>, vector<16xf32>,
      %gt3A_2758 = arith.cmpf ogt, %get3A_2757, %select_n3A_2748 : vector<16xf32>
      %select_n3A_2759 = arith.select %gt3A_2758, %get3A_2757, %select_n3A_2748 : vector<16xi1>, vector<16xf32>
      %get3A_2760 = arith.constant 240 : index
      %get3A_2761 = tpu.vector_load %arg11[%get3A_2760] {strides = array<i32>} : memref<256xi32, #tpu.memory_space<vmem>>, vector<16xi32>,
      %select_n3A_2762 = arith.select %gt3A_2758, %get3A_2761, %select_n3A_2751 : vector<16xi1>, vector<16xi32>
      %add3A_2763 = arith.constant 240 : i32
      %add3A_2764 = vector.broadcast %add3A_2763 : i32 to vector<16xi32>
      %add3A_2765 = arith.addi %add3A_2764, %iota3A : vector<16xi32>
      %select_n3A_2766 = arith.select %gt3A_2758, %add3A_2765, %select_n3A_2755 : vector<16xi1>, vector<16xi32>
      %reduce_max3A_2767 = arith.constant true
      %reduce_max3A_2768 = vector.broadcast %reduce_max3A_2767 : i1 to vector<16xi1>
      %reduce_max3A_2769 = tpu.scan <max>, %select_n3A_2759 masked %reduce_max3A_2768 : vector<16xf32>, vector<16xi1> -> vector<16xf32>
      %reduce_max3A_2770 = vector.extract %reduce_max3A_2769[15] : f32 from vector<16xf32>
      %eq3A_2771 = vector.broadcast %reduce_max3A_2770 : f32 to vector<16xf32>
      %eq3A_2772 = arith.cmpf oeq, %select_n3A_2759, %eq3A_2771 : vector<16xf32>
      %jit3A_2773 = arith.constant 2147483647 : i32
      %broadcast_in_dim3A_2774 = vector.broadcast %jit3A_2773 : i32 to vector<16xi32>
      %select_n3A_2775 = arith.select %eq3A_2772, %select_n3A_2762, %broadcast_in_dim3A_2774 : vector<16xi1>, vector<16xi32>
      %reduce_min3A_2776 = arith.constant true
      %reduce_min3A_2777 = vector.broadcast %reduce_min3A_2776 : i1 to vector<16xi1>
      %reduce_min3A_2778 = arith.constant -2147483648 : i32
      %reduce_min3A_2779 = vector.broadcast %reduce_min3A_2778 : i32 to vector<16xi32>
      %reduce_min3A_2780 = arith.xori %select_n3A_2775, %reduce_min3A_2779 : vector<16xi32>
      %reduce_min3A_2781 = tpu.scan <min>, %reduce_min3A_2780 masked %reduce_min3A_2777 : vector<16xi32>, vector<16xi1> -> vector<16xi32>
      %reduce_min3A_2782 = arith.xori %reduce_min3A_2781, %reduce_min3A_2779 : vector<16xi32>
      %reduce_min3A_2783 = vector.extract %reduce_min3A_2782[15] : i32 from vector<16xi32>
      %eq3A_2784 = vector.broadcast %reduce_max3A_2770 : f32 to vector<16xf32>
      %eq3A_2785 = arith.cmpf oeq, %select_n3A_2759, %eq3A_2784 : vector<16xf32>
      %eq3A_2786 = vector.broadcast %reduce_min3A_2783 : i32 to vector<16xi32>
      %eq3A_2787 = arith.cmpi eq, %select_n3A_2762, %eq3A_2786 : vector<16xi32>
      %and3A_2788 = arith.andi %eq3A_2785, %eq3A_2787 : vector<16xi1>
      %jit3A_2789 = arith.constant 2147483647 : i32
      %broadcast_in_dim3A_2790 = vector.broadcast %jit3A_2789 : i32 to vector<16xi32>
      %select_n3A_2791 = arith.select %and3A_2788, %select_n3A_2766, %broadcast_in_dim3A_2790 : vector<16xi1>, vector<16xi32>
      %reduce_min3A_2792 = arith.constant true
      %reduce_min3A_2793 = vector.broadcast %reduce_min3A_2792 : i1 to vector<16xi1>
      %reduce_min3A_2794 = arith.constant -2147483648 : i32
      %reduce_min3A_2795 = vector.broadcast %reduce_min3A_2794 : i32 to vector<16xi32>
      %reduce_min3A_2796 = arith.xori %select_n3A_2791, %reduce_min3A_2795 : vector<16xi32>
      %reduce_min3A_2797 = tpu.scan <min>, %reduce_min3A_2796 masked %reduce_min3A_2793 : vector<16xi32>, vector<16xi1> -> vector<16xi32>
      %reduce_min3A_2798 = arith.xori %reduce_min3A_2797, %reduce_min3A_2795 : vector<16xi32>
      %reduce_min3A_2799 = vector.extract %reduce_min3A_2798[15] : i32 from vector<16xi32>
      %eq3A_2800 = arith.constant 7 : i32
      %eq3A_2801 = vector.broadcast %eq3A_2800 : i32 to vector<16xi32>
      %eq3A_2802 = arith.cmpi eq, %iota3A, %eq3A_2801 : vector<16xi32>
      %broadcast_in_dim3A_2803 = vector.broadcast %reduce_max3A_2770 : f32 to vector<16xf32>
      %select_n3A_2804 = arith.select %eq3A_2802, %broadcast_in_dim3A_2803, %select_n3A_2566 : vector<16xi1>, vector<16xf32>
      %eq3A_2805 = arith.constant 7 : i32
      %eq3A_2806 = vector.broadcast %eq3A_2805 : i32 to vector<16xi32>
      %eq3A_2807 = arith.cmpi eq, %iota3A, %eq3A_2806 : vector<16xi32>
      %broadcast_in_dim3A_2808 = vector.broadcast %reduce_min3A_2783 : i32 to vector<16xi32>
      %select_n3A_2809 = arith.select %eq3A_2807, %broadcast_in_dim3A_2808, %select_n3A_2571 : vector<16xi1>, vector<16xi32>
      %and3A_2810 = arith.constant -16 : i32
      %and3A_2811 = arith.andi %reduce_min3A_2799, %and3A_2810 : i32
      %get3A_2812 = arith.index_cast %and3A_2811 : i32 to index
      %get3A_2813 = tpu.vector_load %arg10[%get3A_2812] {strides = array<i32>} : memref<256xf32, #tpu.memory_space<vmem>>, vector<16xf32>,
      %and3A_2814 = arith.constant 15 : i32
      %and3A_2815 = arith.andi %reduce_min3A_2799, %and3A_2814 : i32
      %eq3A_2816 = vector.broadcast %and3A_2815 : i32 to vector<16xi32>
      %eq3A_2817 = arith.cmpi eq, %iota3A, %eq3A_2816 : vector<16xi32>
      %jit3A_2818 = arith.constant -1.000000e+30 : f32
      %broadcast_in_dim3A_2819 = vector.broadcast %jit3A_2818 : f32 to vector<16xf32>
      %select_n3A_2820 = arith.select %eq3A_2817, %broadcast_in_dim3A_2819, %get3A_2813 : vector<16xi1>, vector<16xf32>
      %swap3A_2821 = arith.index_cast %and3A_2811 : i32 to index
      %swap3A_2822 = tpu.vector_load %arg10[%swap3A_2821] {strides = array<i32>} : memref<256xf32, #tpu.memory_space<vmem>>, vector<16xf32>,
      tpu.vector_store %arg10[%swap3A_2821], %select_n3A_2820 {strides = array<i32>} : memref<256xf32, #tpu.memory_space<vmem>>, vector<16xf32>,
      %broadcast_in_dim3A_2823 = arith.constant -1.000000e+30 : f32
      %broadcast_in_dim3A_2824 = vector.broadcast %broadcast_in_dim3A_2823 : f32 to vector<16xf32>
      %broadcast_in_dim3A_2825 = arith.constant 0 : i32
      %broadcast_in_dim3A_2826 = vector.broadcast %broadcast_in_dim3A_2825 : i32 to vector<16xi32>
      %broadcast_in_dim3A_2827 = arith.constant 0 : i32
      %broadcast_in_dim3A_2828 = vector.broadcast %broadcast_in_dim3A_2827 : i32 to vector<16xi32>
      %get3A_2829 = arith.constant 0 : index
      %get3A_2830 = tpu.vector_load %arg10[%get3A_2829] {strides = array<i32>} : memref<256xf32, #tpu.memory_space<vmem>>, vector<16xf32>,
      %gt3A_2831 = arith.cmpf ogt, %get3A_2830, %broadcast_in_dim3A_2824 : vector<16xf32>
      %select_n3A_2832 = arith.select %gt3A_2831, %get3A_2830, %broadcast_in_dim3A_2824 : vector<16xi1>, vector<16xf32>
      %get3A_2833 = arith.constant 0 : index
      %get3A_2834 = tpu.vector_load %arg11[%get3A_2833] {strides = array<i32>} : memref<256xi32, #tpu.memory_space<vmem>>, vector<16xi32>,
      %select_n3A_2835 = arith.select %gt3A_2831, %get3A_2834, %broadcast_in_dim3A_2826 : vector<16xi1>, vector<16xi32>
      %add3A_2836 = arith.constant 0 : i32
      %add3A_2837 = vector.broadcast %add3A_2836 : i32 to vector<16xi32>
      %add3A_2838 = arith.addi %add3A_2837, %iota3A : vector<16xi32>
      %select_n3A_2839 = arith.select %gt3A_2831, %add3A_2838, %broadcast_in_dim3A_2828 : vector<16xi1>, vector<16xi32>
      %get3A_2840 = arith.constant 16 : index
      %get3A_2841 = tpu.vector_load %arg10[%get3A_2840] {strides = array<i32>} : memref<256xf32, #tpu.memory_space<vmem>>, vector<16xf32>,
      %gt3A_2842 = arith.cmpf ogt, %get3A_2841, %select_n3A_2832 : vector<16xf32>
      %select_n3A_2843 = arith.select %gt3A_2842, %get3A_2841, %select_n3A_2832 : vector<16xi1>, vector<16xf32>
      %get3A_2844 = arith.constant 16 : index
      %get3A_2845 = tpu.vector_load %arg11[%get3A_2844] {strides = array<i32>} : memref<256xi32, #tpu.memory_space<vmem>>, vector<16xi32>,
      %select_n3A_2846 = arith.select %gt3A_2842, %get3A_2845, %select_n3A_2835 : vector<16xi1>, vector<16xi32>
      %add3A_2847 = arith.constant 16 : i32
      %add3A_2848 = vector.broadcast %add3A_2847 : i32 to vector<16xi32>
      %add3A_2849 = arith.addi %add3A_2848, %iota3A : vector<16xi32>
      %select_n3A_2850 = arith.select %gt3A_2842, %add3A_2849, %select_n3A_2839 : vector<16xi1>, vector<16xi32>
      %get3A_2851 = arith.constant 32 : index
      %get3A_2852 = tpu.vector_load %arg10[%get3A_2851] {strides = array<i32>} : memref<256xf32, #tpu.memory_space<vmem>>, vector<16xf32>,
      %gt3A_2853 = arith.cmpf ogt, %get3A_2852, %select_n3A_2843 : vector<16xf32>
      %select_n3A_2854 = arith.select %gt3A_2853, %get3A_2852, %select_n3A_2843 : vector<16xi1>, vector<16xf32>
      %get3A_2855 = arith.constant 32 : index
      %get3A_2856 = tpu.vector_load %arg11[%get3A_2855] {strides = array<i32>} : memref<256xi32, #tpu.memory_space<vmem>>, vector<16xi32>,
      %select_n3A_2857 = arith.select %gt3A_2853, %get3A_2856, %select_n3A_2846 : vector<16xi1>, vector<16xi32>
      %add3A_2858 = arith.constant 32 : i32
      %add3A_2859 = vector.broadcast %add3A_2858 : i32 to vector<16xi32>
      %add3A_2860 = arith.addi %add3A_2859, %iota3A : vector<16xi32>
      %select_n3A_2861 = arith.select %gt3A_2853, %add3A_2860, %select_n3A_2850 : vector<16xi1>, vector<16xi32>
      %get3A_2862 = arith.constant 48 : index
      %get3A_2863 = tpu.vector_load %arg10[%get3A_2862] {strides = array<i32>} : memref<256xf32, #tpu.memory_space<vmem>>, vector<16xf32>,
      %gt3A_2864 = arith.cmpf ogt, %get3A_2863, %select_n3A_2854 : vector<16xf32>
      %select_n3A_2865 = arith.select %gt3A_2864, %get3A_2863, %select_n3A_2854 : vector<16xi1>, vector<16xf32>
      %get3A_2866 = arith.constant 48 : index
      %get3A_2867 = tpu.vector_load %arg11[%get3A_2866] {strides = array<i32>} : memref<256xi32, #tpu.memory_space<vmem>>, vector<16xi32>,
      %select_n3A_2868 = arith.select %gt3A_2864, %get3A_2867, %select_n3A_2857 : vector<16xi1>, vector<16xi32>
      %add3A_2869 = arith.constant 48 : i32
      %add3A_2870 = vector.broadcast %add3A_2869 : i32 to vector<16xi32>
      %add3A_2871 = arith.addi %add3A_2870, %iota3A : vector<16xi32>
      %select_n3A_2872 = arith.select %gt3A_2864, %add3A_2871, %select_n3A_2861 : vector<16xi1>, vector<16xi32>
      %get3A_2873 = arith.constant 64 : index
      %get3A_2874 = tpu.vector_load %arg10[%get3A_2873] {strides = array<i32>} : memref<256xf32, #tpu.memory_space<vmem>>, vector<16xf32>,
      %gt3A_2875 = arith.cmpf ogt, %get3A_2874, %select_n3A_2865 : vector<16xf32>
      %select_n3A_2876 = arith.select %gt3A_2875, %get3A_2874, %select_n3A_2865 : vector<16xi1>, vector<16xf32>
      %get3A_2877 = arith.constant 64 : index
      %get3A_2878 = tpu.vector_load %arg11[%get3A_2877] {strides = array<i32>} : memref<256xi32, #tpu.memory_space<vmem>>, vector<16xi32>,
      %select_n3A_2879 = arith.select %gt3A_2875, %get3A_2878, %select_n3A_2868 : vector<16xi1>, vector<16xi32>
      %add3A_2880 = arith.constant 64 : i32
      %add3A_2881 = vector.broadcast %add3A_2880 : i32 to vector<16xi32>
      %add3A_2882 = arith.addi %add3A_2881, %iota3A : vector<16xi32>
      %select_n3A_2883 = arith.select %gt3A_2875, %add3A_2882, %select_n3A_2872 : vector<16xi1>, vector<16xi32>
      %get3A_2884 = arith.constant 80 : index
      %get3A_2885 = tpu.vector_load %arg10[%get3A_2884] {strides = array<i32>} : memref<256xf32, #tpu.memory_space<vmem>>, vector<16xf32>,
      %gt3A_2886 = arith.cmpf ogt, %get3A_2885, %select_n3A_2876 : vector<16xf32>
      %select_n3A_2887 = arith.select %gt3A_2886, %get3A_2885, %select_n3A_2876 : vector<16xi1>, vector<16xf32>
      %get3A_2888 = arith.constant 80 : index
      %get3A_2889 = tpu.vector_load %arg11[%get3A_2888] {strides = array<i32>} : memref<256xi32, #tpu.memory_space<vmem>>, vector<16xi32>,
      %select_n3A_2890 = arith.select %gt3A_2886, %get3A_2889, %select_n3A_2879 : vector<16xi1>, vector<16xi32>
      %add3A_2891 = arith.constant 80 : i32
      %add3A_2892 = vector.broadcast %add3A_2891 : i32 to vector<16xi32>
      %add3A_2893 = arith.addi %add3A_2892, %iota3A : vector<16xi32>
      %select_n3A_2894 = arith.select %gt3A_2886, %add3A_2893, %select_n3A_2883 : vector<16xi1>, vector<16xi32>
      %get3A_2895 = arith.constant 96 : index
      %get3A_2896 = tpu.vector_load %arg10[%get3A_2895] {strides = array<i32>} : memref<256xf32, #tpu.memory_space<vmem>>, vector<16xf32>,
      %gt3A_2897 = arith.cmpf ogt, %get3A_2896, %select_n3A_2887 : vector<16xf32>
      %select_n3A_2898 = arith.select %gt3A_2897, %get3A_2896, %select_n3A_2887 : vector<16xi1>, vector<16xf32>
      %get3A_2899 = arith.constant 96 : index
      %get3A_2900 = tpu.vector_load %arg11[%get3A_2899] {strides = array<i32>} : memref<256xi32, #tpu.memory_space<vmem>>, vector<16xi32>,
      %select_n3A_2901 = arith.select %gt3A_2897, %get3A_2900, %select_n3A_2890 : vector<16xi1>, vector<16xi32>
      %add3A_2902 = arith.constant 96 : i32
      %add3A_2903 = vector.broadcast %add3A_2902 : i32 to vector<16xi32>
      %add3A_2904 = arith.addi %add3A_2903, %iota3A : vector<16xi32>
      %select_n3A_2905 = arith.select %gt3A_2897, %add3A_2904, %select_n3A_2894 : vector<16xi1>, vector<16xi32>
      %get3A_2906 = arith.constant 112 : index
      %get3A_2907 = tpu.vector_load %arg10[%get3A_2906] {strides = array<i32>} : memref<256xf32, #tpu.memory_space<vmem>>, vector<16xf32>,
      %gt3A_2908 = arith.cmpf ogt, %get3A_2907, %select_n3A_2898 : vector<16xf32>
      %select_n3A_2909 = arith.select %gt3A_2908, %get3A_2907, %select_n3A_2898 : vector<16xi1>, vector<16xf32>
      %get3A_2910 = arith.constant 112 : index
      %get3A_2911 = tpu.vector_load %arg11[%get3A_2910] {strides = array<i32>} : memref<256xi32, #tpu.memory_space<vmem>>, vector<16xi32>,
      %select_n3A_2912 = arith.select %gt3A_2908, %get3A_2911, %select_n3A_2901 : vector<16xi1>, vector<16xi32>
      %add3A_2913 = arith.constant 112 : i32
      %add3A_2914 = vector.broadcast %add3A_2913 : i32 to vector<16xi32>
      %add3A_2915 = arith.addi %add3A_2914, %iota3A : vector<16xi32>
      %select_n3A_2916 = arith.select %gt3A_2908, %add3A_2915, %select_n3A_2905 : vector<16xi1>, vector<16xi32>
      %get3A_2917 = arith.constant 128 : index
      %get3A_2918 = tpu.vector_load %arg10[%get3A_2917] {strides = array<i32>} : memref<256xf32, #tpu.memory_space<vmem>>, vector<16xf32>,
      %gt3A_2919 = arith.cmpf ogt, %get3A_2918, %select_n3A_2909 : vector<16xf32>
      %select_n3A_2920 = arith.select %gt3A_2919, %get3A_2918, %select_n3A_2909 : vector<16xi1>, vector<16xf32>
      %get3A_2921 = arith.constant 128 : index
      %get3A_2922 = tpu.vector_load %arg11[%get3A_2921] {strides = array<i32>} : memref<256xi32, #tpu.memory_space<vmem>>, vector<16xi32>,
      %select_n3A_2923 = arith.select %gt3A_2919, %get3A_2922, %select_n3A_2912 : vector<16xi1>, vector<16xi32>
      %add3A_2924 = arith.constant 128 : i32
      %add3A_2925 = vector.broadcast %add3A_2924 : i32 to vector<16xi32>
      %add3A_2926 = arith.addi %add3A_2925, %iota3A : vector<16xi32>
      %select_n3A_2927 = arith.select %gt3A_2919, %add3A_2926, %select_n3A_2916 : vector<16xi1>, vector<16xi32>
      %get3A_2928 = arith.constant 144 : index
      %get3A_2929 = tpu.vector_load %arg10[%get3A_2928] {strides = array<i32>} : memref<256xf32, #tpu.memory_space<vmem>>, vector<16xf32>,
      %gt3A_2930 = arith.cmpf ogt, %get3A_2929, %select_n3A_2920 : vector<16xf32>
      %select_n3A_2931 = arith.select %gt3A_2930, %get3A_2929, %select_n3A_2920 : vector<16xi1>, vector<16xf32>
      %get3A_2932 = arith.constant 144 : index
      %get3A_2933 = tpu.vector_load %arg11[%get3A_2932] {strides = array<i32>} : memref<256xi32, #tpu.memory_space<vmem>>, vector<16xi32>,
      %select_n3A_2934 = arith.select %gt3A_2930, %get3A_2933, %select_n3A_2923 : vector<16xi1>, vector<16xi32>
      %add3A_2935 = arith.constant 144 : i32
      %add3A_2936 = vector.broadcast %add3A_2935 : i32 to vector<16xi32>
      %add3A_2937 = arith.addi %add3A_2936, %iota3A : vector<16xi32>
      %select_n3A_2938 = arith.select %gt3A_2930, %add3A_2937, %select_n3A_2927 : vector<16xi1>, vector<16xi32>
      %get3A_2939 = arith.constant 160 : index
      %get3A_2940 = tpu.vector_load %arg10[%get3A_2939] {strides = array<i32>} : memref<256xf32, #tpu.memory_space<vmem>>, vector<16xf32>,
      %gt3A_2941 = arith.cmpf ogt, %get3A_2940, %select_n3A_2931 : vector<16xf32>
      %select_n3A_2942 = arith.select %gt3A_2941, %get3A_2940, %select_n3A_2931 : vector<16xi1>, vector<16xf32>
      %get3A_2943 = arith.constant 160 : index
      %get3A_2944 = tpu.vector_load %arg11[%get3A_2943] {strides = array<i32>} : memref<256xi32, #tpu.memory_space<vmem>>, vector<16xi32>,
      %select_n3A_2945 = arith.select %gt3A_2941, %get3A_2944, %select_n3A_2934 : vector<16xi1>, vector<16xi32>
      %add3A_2946 = arith.constant 160 : i32
      %add3A_2947 = vector.broadcast %add3A_2946 : i32 to vector<16xi32>
      %add3A_2948 = arith.addi %add3A_2947, %iota3A : vector<16xi32>
      %select_n3A_2949 = arith.select %gt3A_2941, %add3A_2948, %select_n3A_2938 : vector<16xi1>, vector<16xi32>
      %get3A_2950 = arith.constant 176 : index
      %get3A_2951 = tpu.vector_load %arg10[%get3A_2950] {strides = array<i32>} : memref<256xf32, #tpu.memory_space<vmem>>, vector<16xf32>,
      %gt3A_2952 = arith.cmpf ogt, %get3A_2951, %select_n3A_2942 : vector<16xf32>
      %select_n3A_2953 = arith.select %gt3A_2952, %get3A_2951, %select_n3A_2942 : vector<16xi1>, vector<16xf32>
      %get3A_2954 = arith.constant 176 : index
      %get3A_2955 = tpu.vector_load %arg11[%get3A_2954] {strides = array<i32>} : memref<256xi32, #tpu.memory_space<vmem>>, vector<16xi32>,
      %select_n3A_2956 = arith.select %gt3A_2952, %get3A_2955, %select_n3A_2945 : vector<16xi1>, vector<16xi32>
      %add3A_2957 = arith.constant 176 : i32
      %add3A_2958 = vector.broadcast %add3A_2957 : i32 to vector<16xi32>
      %add3A_2959 = arith.addi %add3A_2958, %iota3A : vector<16xi32>
      %select_n3A_2960 = arith.select %gt3A_2952, %add3A_2959, %select_n3A_2949 : vector<16xi1>, vector<16xi32>
      %get3A_2961 = arith.constant 192 : index
      %get3A_2962 = tpu.vector_load %arg10[%get3A_2961] {strides = array<i32>} : memref<256xf32, #tpu.memory_space<vmem>>, vector<16xf32>,
      %gt3A_2963 = arith.cmpf ogt, %get3A_2962, %select_n3A_2953 : vector<16xf32>
      %select_n3A_2964 = arith.select %gt3A_2963, %get3A_2962, %select_n3A_2953 : vector<16xi1>, vector<16xf32>
      %get3A_2965 = arith.constant 192 : index
      %get3A_2966 = tpu.vector_load %arg11[%get3A_2965] {strides = array<i32>} : memref<256xi32, #tpu.memory_space<vmem>>, vector<16xi32>,
      %select_n3A_2967 = arith.select %gt3A_2963, %get3A_2966, %select_n3A_2956 : vector<16xi1>, vector<16xi32>
      %add3A_2968 = arith.constant 192 : i32
      %add3A_2969 = vector.broadcast %add3A_2968 : i32 to vector<16xi32>
      %add3A_2970 = arith.addi %add3A_2969, %iota3A : vector<16xi32>
      %select_n3A_2971 = arith.select %gt3A_2963, %add3A_2970, %select_n3A_2960 : vector<16xi1>, vector<16xi32>
      %get3A_2972 = arith.constant 208 : index
      %get3A_2973 = tpu.vector_load %arg10[%get3A_2972] {strides = array<i32>} : memref<256xf32, #tpu.memory_space<vmem>>, vector<16xf32>,
      %gt3A_2974 = arith.cmpf ogt, %get3A_2973, %select_n3A_2964 : vector<16xf32>
      %select_n3A_2975 = arith.select %gt3A_2974, %get3A_2973, %select_n3A_2964 : vector<16xi1>, vector<16xf32>
      %get3A_2976 = arith.constant 208 : index
      %get3A_2977 = tpu.vector_load %arg11[%get3A_2976] {strides = array<i32>} : memref<256xi32, #tpu.memory_space<vmem>>, vector<16xi32>,
      %select_n3A_2978 = arith.select %gt3A_2974, %get3A_2977, %select_n3A_2967 : vector<16xi1>, vector<16xi32>
      %add3A_2979 = arith.constant 208 : i32
      %add3A_2980 = vector.broadcast %add3A_2979 : i32 to vector<16xi32>
      %add3A_2981 = arith.addi %add3A_2980, %iota3A : vector<16xi32>
      %select_n3A_2982 = arith.select %gt3A_2974, %add3A_2981, %select_n3A_2971 : vector<16xi1>, vector<16xi32>
      %get3A_2983 = arith.constant 224 : index
      %get3A_2984 = tpu.vector_load %arg10[%get3A_2983] {strides = array<i32>} : memref<256xf32, #tpu.memory_space<vmem>>, vector<16xf32>,
      %gt3A_2985 = arith.cmpf ogt, %get3A_2984, %select_n3A_2975 : vector<16xf32>
      %select_n3A_2986 = arith.select %gt3A_2985, %get3A_2984, %select_n3A_2975 : vector<16xi1>, vector<16xf32>
      %get3A_2987 = arith.constant 224 : index
      %get3A_2988 = tpu.vector_load %arg11[%get3A_2987] {strides = array<i32>} : memref<256xi32, #tpu.memory_space<vmem>>, vector<16xi32>,
      %select_n3A_2989 = arith.select %gt3A_2985, %get3A_2988, %select_n3A_2978 : vector<16xi1>, vector<16xi32>
      %add3A_2990 = arith.constant 224 : i32
      %add3A_2991 = vector.broadcast %add3A_2990 : i32 to vector<16xi32>
      %add3A_2992 = arith.addi %add3A_2991, %iota3A : vector<16xi32>
      %select_n3A_2993 = arith.select %gt3A_2985, %add3A_2992, %select_n3A_2982 : vector<16xi1>, vector<16xi32>
      %get3A_2994 = arith.constant 240 : index
      %get3A_2995 = tpu.vector_load %arg10[%get3A_2994] {strides = array<i32>} : memref<256xf32, #tpu.memory_space<vmem>>, vector<16xf32>,
      %gt3A_2996 = arith.cmpf ogt, %get3A_2995, %select_n3A_2986 : vector<16xf32>
      %select_n3A_2997 = arith.select %gt3A_2996, %get3A_2995, %select_n3A_2986 : vector<16xi1>, vector<16xf32>
      %get3A_2998 = arith.constant 240 : index
      %get3A_2999 = tpu.vector_load %arg11[%get3A_2998] {strides = array<i32>} : memref<256xi32, #tpu.memory_space<vmem>>, vector<16xi32>,
      %select_n3A_3000 = arith.select %gt3A_2996, %get3A_2999, %select_n3A_2989 : vector<16xi1>, vector<16xi32>
      %add3A_3001 = arith.constant 240 : i32
      %add3A_3002 = vector.broadcast %add3A_3001 : i32 to vector<16xi32>
      %add3A_3003 = arith.addi %add3A_3002, %iota3A : vector<16xi32>
      %select_n3A_3004 = arith.select %gt3A_2996, %add3A_3003, %select_n3A_2993 : vector<16xi1>, vector<16xi32>
      %reduce_max3A_3005 = arith.constant true
      %reduce_max3A_3006 = vector.broadcast %reduce_max3A_3005 : i1 to vector<16xi1>
      %reduce_max3A_3007 = tpu.scan <max>, %select_n3A_2997 masked %reduce_max3A_3006 : vector<16xf32>, vector<16xi1> -> vector<16xf32>
      %reduce_max3A_3008 = vector.extract %reduce_max3A_3007[15] : f32 from vector<16xf32>
      %eq3A_3009 = vector.broadcast %reduce_max3A_3008 : f32 to vector<16xf32>
      %eq3A_3010 = arith.cmpf oeq, %select_n3A_2997, %eq3A_3009 : vector<16xf32>
      %jit3A_3011 = arith.constant 2147483647 : i32
      %broadcast_in_dim3A_3012 = vector.broadcast %jit3A_3011 : i32 to vector<16xi32>
      %select_n3A_3013 = arith.select %eq3A_3010, %select_n3A_3000, %broadcast_in_dim3A_3012 : vector<16xi1>, vector<16xi32>
      %reduce_min3A_3014 = arith.constant true
      %reduce_min3A_3015 = vector.broadcast %reduce_min3A_3014 : i1 to vector<16xi1>
      %reduce_min3A_3016 = arith.constant -2147483648 : i32
      %reduce_min3A_3017 = vector.broadcast %reduce_min3A_3016 : i32 to vector<16xi32>
      %reduce_min3A_3018 = arith.xori %select_n3A_3013, %reduce_min3A_3017 : vector<16xi32>
      %reduce_min3A_3019 = tpu.scan <min>, %reduce_min3A_3018 masked %reduce_min3A_3015 : vector<16xi32>, vector<16xi1> -> vector<16xi32>
      %reduce_min3A_3020 = arith.xori %reduce_min3A_3019, %reduce_min3A_3017 : vector<16xi32>
      %reduce_min3A_3021 = vector.extract %reduce_min3A_3020[15] : i32 from vector<16xi32>
      %eq3A_3022 = vector.broadcast %reduce_max3A_3008 : f32 to vector<16xf32>
      %eq3A_3023 = arith.cmpf oeq, %select_n3A_2997, %eq3A_3022 : vector<16xf32>
      %eq3A_3024 = vector.broadcast %reduce_min3A_3021 : i32 to vector<16xi32>
      %eq3A_3025 = arith.cmpi eq, %select_n3A_3000, %eq3A_3024 : vector<16xi32>
      %and3A_3026 = arith.andi %eq3A_3023, %eq3A_3025 : vector<16xi1>
      %jit3A_3027 = arith.constant 2147483647 : i32
      %broadcast_in_dim3A_3028 = vector.broadcast %jit3A_3027 : i32 to vector<16xi32>
      %select_n3A_3029 = arith.select %and3A_3026, %select_n3A_3004, %broadcast_in_dim3A_3028 : vector<16xi1>, vector<16xi32>
      %reduce_min3A_3030 = arith.constant true
      %reduce_min3A_3031 = vector.broadcast %reduce_min3A_3030 : i1 to vector<16xi1>
      %reduce_min3A_3032 = arith.constant -2147483648 : i32
      %reduce_min3A_3033 = vector.broadcast %reduce_min3A_3032 : i32 to vector<16xi32>
      %reduce_min3A_3034 = arith.xori %select_n3A_3029, %reduce_min3A_3033 : vector<16xi32>
      %reduce_min3A_3035 = tpu.scan <min>, %reduce_min3A_3034 masked %reduce_min3A_3031 : vector<16xi32>, vector<16xi1> -> vector<16xi32>
      %reduce_min3A_3036 = arith.xori %reduce_min3A_3035, %reduce_min3A_3033 : vector<16xi32>
      %reduce_min3A_3037 = vector.extract %reduce_min3A_3036[15] : i32 from vector<16xi32>
      %eq3A_3038 = arith.constant 8 : i32
      %eq3A_3039 = vector.broadcast %eq3A_3038 : i32 to vector<16xi32>
      %eq3A_3040 = arith.cmpi eq, %iota3A, %eq3A_3039 : vector<16xi32>
      %broadcast_in_dim3A_3041 = vector.broadcast %reduce_max3A_3008 : f32 to vector<16xf32>
      %select_n3A_3042 = arith.select %eq3A_3040, %broadcast_in_dim3A_3041, %select_n3A_2804 : vector<16xi1>, vector<16xf32>
      %eq3A_3043 = arith.constant 8 : i32
      %eq3A_3044 = vector.broadcast %eq3A_3043 : i32 to vector<16xi32>
      %eq3A_3045 = arith.cmpi eq, %iota3A, %eq3A_3044 : vector<16xi32>
      %broadcast_in_dim3A_3046 = vector.broadcast %reduce_min3A_3021 : i32 to vector<16xi32>
      %select_n3A_3047 = arith.select %eq3A_3045, %broadcast_in_dim3A_3046, %select_n3A_2809 : vector<16xi1>, vector<16xi32>
      %and3A_3048 = arith.constant -16 : i32
      %and3A_3049 = arith.andi %reduce_min3A_3037, %and3A_3048 : i32
      %get3A_3050 = arith.index_cast %and3A_3049 : i32 to index
      %get3A_3051 = tpu.vector_load %arg10[%get3A_3050] {strides = array<i32>} : memref<256xf32, #tpu.memory_space<vmem>>, vector<16xf32>,
      %and3A_3052 = arith.constant 15 : i32
      %and3A_3053 = arith.andi %reduce_min3A_3037, %and3A_3052 : i32
      %eq3A_3054 = vector.broadcast %and3A_3053 : i32 to vector<16xi32>
      %eq3A_3055 = arith.cmpi eq, %iota3A, %eq3A_3054 : vector<16xi32>
      %jit3A_3056 = arith.constant -1.000000e+30 : f32
      %broadcast_in_dim3A_3057 = vector.broadcast %jit3A_3056 : f32 to vector<16xf32>
      %select_n3A_3058 = arith.select %eq3A_3055, %broadcast_in_dim3A_3057, %get3A_3051 : vector<16xi1>, vector<16xf32>
      %swap3A_3059 = arith.index_cast %and3A_3049 : i32 to index
      %swap3A_3060 = tpu.vector_load %arg10[%swap3A_3059] {strides = array<i32>} : memref<256xf32, #tpu.memory_space<vmem>>, vector<16xf32>,
      tpu.vector_store %arg10[%swap3A_3059], %select_n3A_3058 {strides = array<i32>} : memref<256xf32, #tpu.memory_space<vmem>>, vector<16xf32>,
      %broadcast_in_dim3A_3061 = arith.constant -1.000000e+30 : f32
      %broadcast_in_dim3A_3062 = vector.broadcast %broadcast_in_dim3A_3061 : f32 to vector<16xf32>
      %broadcast_in_dim3A_3063 = arith.constant 0 : i32
      %broadcast_in_dim3A_3064 = vector.broadcast %broadcast_in_dim3A_3063 : i32 to vector<16xi32>
      %broadcast_in_dim3A_3065 = arith.constant 0 : i32
      %broadcast_in_dim3A_3066 = vector.broadcast %broadcast_in_dim3A_3065 : i32 to vector<16xi32>
      %get3A_3067 = arith.constant 0 : index
      %get3A_3068 = tpu.vector_load %arg10[%get3A_3067] {strides = array<i32>} : memref<256xf32, #tpu.memory_space<vmem>>, vector<16xf32>,
      %gt3A_3069 = arith.cmpf ogt, %get3A_3068, %broadcast_in_dim3A_3062 : vector<16xf32>
      %select_n3A_3070 = arith.select %gt3A_3069, %get3A_3068, %broadcast_in_dim3A_3062 : vector<16xi1>, vector<16xf32>
      %get3A_3071 = arith.constant 0 : index
      %get3A_3072 = tpu.vector_load %arg11[%get3A_3071] {strides = array<i32>} : memref<256xi32, #tpu.memory_space<vmem>>, vector<16xi32>,
      %select_n3A_3073 = arith.select %gt3A_3069, %get3A_3072, %broadcast_in_dim3A_3064 : vector<16xi1>, vector<16xi32>
      %add3A_3074 = arith.constant 0 : i32
      %add3A_3075 = vector.broadcast %add3A_3074 : i32 to vector<16xi32>
      %add3A_3076 = arith.addi %add3A_3075, %iota3A : vector<16xi32>
      %select_n3A_3077 = arith.select %gt3A_3069, %add3A_3076, %broadcast_in_dim3A_3066 : vector<16xi1>, vector<16xi32>
      %get3A_3078 = arith.constant 16 : index
      %get3A_3079 = tpu.vector_load %arg10[%get3A_3078] {strides = array<i32>} : memref<256xf32, #tpu.memory_space<vmem>>, vector<16xf32>,
      %gt3A_3080 = arith.cmpf ogt, %get3A_3079, %select_n3A_3070 : vector<16xf32>
      %select_n3A_3081 = arith.select %gt3A_3080, %get3A_3079, %select_n3A_3070 : vector<16xi1>, vector<16xf32>
      %get3A_3082 = arith.constant 16 : index
      %get3A_3083 = tpu.vector_load %arg11[%get3A_3082] {strides = array<i32>} : memref<256xi32, #tpu.memory_space<vmem>>, vector<16xi32>,
      %select_n3A_3084 = arith.select %gt3A_3080, %get3A_3083, %select_n3A_3073 : vector<16xi1>, vector<16xi32>
      %add3A_3085 = arith.constant 16 : i32
      %add3A_3086 = vector.broadcast %add3A_3085 : i32 to vector<16xi32>
      %add3A_3087 = arith.addi %add3A_3086, %iota3A : vector<16xi32>
      %select_n3A_3088 = arith.select %gt3A_3080, %add3A_3087, %select_n3A_3077 : vector<16xi1>, vector<16xi32>
      %get3A_3089 = arith.constant 32 : index
      %get3A_3090 = tpu.vector_load %arg10[%get3A_3089] {strides = array<i32>} : memref<256xf32, #tpu.memory_space<vmem>>, vector<16xf32>,
      %gt3A_3091 = arith.cmpf ogt, %get3A_3090, %select_n3A_3081 : vector<16xf32>
      %select_n3A_3092 = arith.select %gt3A_3091, %get3A_3090, %select_n3A_3081 : vector<16xi1>, vector<16xf32>
      %get3A_3093 = arith.constant 32 : index
      %get3A_3094 = tpu.vector_load %arg11[%get3A_3093] {strides = array<i32>} : memref<256xi32, #tpu.memory_space<vmem>>, vector<16xi32>,
      %select_n3A_3095 = arith.select %gt3A_3091, %get3A_3094, %select_n3A_3084 : vector<16xi1>, vector<16xi32>
      %add3A_3096 = arith.constant 32 : i32
      %add3A_3097 = vector.broadcast %add3A_3096 : i32 to vector<16xi32>
      %add3A_3098 = arith.addi %add3A_3097, %iota3A : vector<16xi32>
      %select_n3A_3099 = arith.select %gt3A_3091, %add3A_3098, %select_n3A_3088 : vector<16xi1>, vector<16xi32>
      %get3A_3100 = arith.constant 48 : index
      %get3A_3101 = tpu.vector_load %arg10[%get3A_3100] {strides = array<i32>} : memref<256xf32, #tpu.memory_space<vmem>>, vector<16xf32>,
      %gt3A_3102 = arith.cmpf ogt, %get3A_3101, %select_n3A_3092 : vector<16xf32>
      %select_n3A_3103 = arith.select %gt3A_3102, %get3A_3101, %select_n3A_3092 : vector<16xi1>, vector<16xf32>
      %get3A_3104 = arith.constant 48 : index
      %get3A_3105 = tpu.vector_load %arg11[%get3A_3104] {strides = array<i32>} : memref<256xi32, #tpu.memory_space<vmem>>, vector<16xi32>,
      %select_n3A_3106 = arith.select %gt3A_3102, %get3A_3105, %select_n3A_3095 : vector<16xi1>, vector<16xi32>
      %add3A_3107 = arith.constant 48 : i32
      %add3A_3108 = vector.broadcast %add3A_3107 : i32 to vector<16xi32>
      %add3A_3109 = arith.addi %add3A_3108, %iota3A : vector<16xi32>
      %select_n3A_3110 = arith.select %gt3A_3102, %add3A_3109, %select_n3A_3099 : vector<16xi1>, vector<16xi32>
      %get3A_3111 = arith.constant 64 : index
      %get3A_3112 = tpu.vector_load %arg10[%get3A_3111] {strides = array<i32>} : memref<256xf32, #tpu.memory_space<vmem>>, vector<16xf32>,
      %gt3A_3113 = arith.cmpf ogt, %get3A_3112, %select_n3A_3103 : vector<16xf32>
      %select_n3A_3114 = arith.select %gt3A_3113, %get3A_3112, %select_n3A_3103 : vector<16xi1>, vector<16xf32>
      %get3A_3115 = arith.constant 64 : index
      %get3A_3116 = tpu.vector_load %arg11[%get3A_3115] {strides = array<i32>} : memref<256xi32, #tpu.memory_space<vmem>>, vector<16xi32>,
      %select_n3A_3117 = arith.select %gt3A_3113, %get3A_3116, %select_n3A_3106 : vector<16xi1>, vector<16xi32>
      %add3A_3118 = arith.constant 64 : i32
      %add3A_3119 = vector.broadcast %add3A_3118 : i32 to vector<16xi32>
      %add3A_3120 = arith.addi %add3A_3119, %iota3A : vector<16xi32>
      %select_n3A_3121 = arith.select %gt3A_3113, %add3A_3120, %select_n3A_3110 : vector<16xi1>, vector<16xi32>
      %get3A_3122 = arith.constant 80 : index
      %get3A_3123 = tpu.vector_load %arg10[%get3A_3122] {strides = array<i32>} : memref<256xf32, #tpu.memory_space<vmem>>, vector<16xf32>,
      %gt3A_3124 = arith.cmpf ogt, %get3A_3123, %select_n3A_3114 : vector<16xf32>
      %select_n3A_3125 = arith.select %gt3A_3124, %get3A_3123, %select_n3A_3114 : vector<16xi1>, vector<16xf32>
      %get3A_3126 = arith.constant 80 : index
      %get3A_3127 = tpu.vector_load %arg11[%get3A_3126] {strides = array<i32>} : memref<256xi32, #tpu.memory_space<vmem>>, vector<16xi32>,
      %select_n3A_3128 = arith.select %gt3A_3124, %get3A_3127, %select_n3A_3117 : vector<16xi1>, vector<16xi32>
      %add3A_3129 = arith.constant 80 : i32
      %add3A_3130 = vector.broadcast %add3A_3129 : i32 to vector<16xi32>
      %add3A_3131 = arith.addi %add3A_3130, %iota3A : vector<16xi32>
      %select_n3A_3132 = arith.select %gt3A_3124, %add3A_3131, %select_n3A_3121 : vector<16xi1>, vector<16xi32>
      %get3A_3133 = arith.constant 96 : index
      %get3A_3134 = tpu.vector_load %arg10[%get3A_3133] {strides = array<i32>} : memref<256xf32, #tpu.memory_space<vmem>>, vector<16xf32>,
      %gt3A_3135 = arith.cmpf ogt, %get3A_3134, %select_n3A_3125 : vector<16xf32>
      %select_n3A_3136 = arith.select %gt3A_3135, %get3A_3134, %select_n3A_3125 : vector<16xi1>, vector<16xf32>
      %get3A_3137 = arith.constant 96 : index
      %get3A_3138 = tpu.vector_load %arg11[%get3A_3137] {strides = array<i32>} : memref<256xi32, #tpu.memory_space<vmem>>, vector<16xi32>,
      %select_n3A_3139 = arith.select %gt3A_3135, %get3A_3138, %select_n3A_3128 : vector<16xi1>, vector<16xi32>
      %add3A_3140 = arith.constant 96 : i32
      %add3A_3141 = vector.broadcast %add3A_3140 : i32 to vector<16xi32>
      %add3A_3142 = arith.addi %add3A_3141, %iota3A : vector<16xi32>
      %select_n3A_3143 = arith.select %gt3A_3135, %add3A_3142, %select_n3A_3132 : vector<16xi1>, vector<16xi32>
      %get3A_3144 = arith.constant 112 : index
      %get3A_3145 = tpu.vector_load %arg10[%get3A_3144] {strides = array<i32>} : memref<256xf32, #tpu.memory_space<vmem>>, vector<16xf32>,
      %gt3A_3146 = arith.cmpf ogt, %get3A_3145, %select_n3A_3136 : vector<16xf32>
      %select_n3A_3147 = arith.select %gt3A_3146, %get3A_3145, %select_n3A_3136 : vector<16xi1>, vector<16xf32>
      %get3A_3148 = arith.constant 112 : index
      %get3A_3149 = tpu.vector_load %arg11[%get3A_3148] {strides = array<i32>} : memref<256xi32, #tpu.memory_space<vmem>>, vector<16xi32>,
      %select_n3A_3150 = arith.select %gt3A_3146, %get3A_3149, %select_n3A_3139 : vector<16xi1>, vector<16xi32>
      %add3A_3151 = arith.constant 112 : i32
      %add3A_3152 = vector.broadcast %add3A_3151 : i32 to vector<16xi32>
      %add3A_3153 = arith.addi %add3A_3152, %iota3A : vector<16xi32>
      %select_n3A_3154 = arith.select %gt3A_3146, %add3A_3153, %select_n3A_3143 : vector<16xi1>, vector<16xi32>
      %get3A_3155 = arith.constant 128 : index
      %get3A_3156 = tpu.vector_load %arg10[%get3A_3155] {strides = array<i32>} : memref<256xf32, #tpu.memory_space<vmem>>, vector<16xf32>,
      %gt3A_3157 = arith.cmpf ogt, %get3A_3156, %select_n3A_3147 : vector<16xf32>
      %select_n3A_3158 = arith.select %gt3A_3157, %get3A_3156, %select_n3A_3147 : vector<16xi1>, vector<16xf32>
      %get3A_3159 = arith.constant 128 : index
      %get3A_3160 = tpu.vector_load %arg11[%get3A_3159] {strides = array<i32>} : memref<256xi32, #tpu.memory_space<vmem>>, vector<16xi32>,
      %select_n3A_3161 = arith.select %gt3A_3157, %get3A_3160, %select_n3A_3150 : vector<16xi1>, vector<16xi32>
      %add3A_3162 = arith.constant 128 : i32
      %add3A_3163 = vector.broadcast %add3A_3162 : i32 to vector<16xi32>
      %add3A_3164 = arith.addi %add3A_3163, %iota3A : vector<16xi32>
      %select_n3A_3165 = arith.select %gt3A_3157, %add3A_3164, %select_n3A_3154 : vector<16xi1>, vector<16xi32>
      %get3A_3166 = arith.constant 144 : index
      %get3A_3167 = tpu.vector_load %arg10[%get3A_3166] {strides = array<i32>} : memref<256xf32, #tpu.memory_space<vmem>>, vector<16xf32>,
      %gt3A_3168 = arith.cmpf ogt, %get3A_3167, %select_n3A_3158 : vector<16xf32>
      %select_n3A_3169 = arith.select %gt3A_3168, %get3A_3167, %select_n3A_3158 : vector<16xi1>, vector<16xf32>
      %get3A_3170 = arith.constant 144 : index
      %get3A_3171 = tpu.vector_load %arg11[%get3A_3170] {strides = array<i32>} : memref<256xi32, #tpu.memory_space<vmem>>, vector<16xi32>,
      %select_n3A_3172 = arith.select %gt3A_3168, %get3A_3171, %select_n3A_3161 : vector<16xi1>, vector<16xi32>
      %add3A_3173 = arith.constant 144 : i32
      %add3A_3174 = vector.broadcast %add3A_3173 : i32 to vector<16xi32>
      %add3A_3175 = arith.addi %add3A_3174, %iota3A : vector<16xi32>
      %select_n3A_3176 = arith.select %gt3A_3168, %add3A_3175, %select_n3A_3165 : vector<16xi1>, vector<16xi32>
      %get3A_3177 = arith.constant 160 : index
      %get3A_3178 = tpu.vector_load %arg10[%get3A_3177] {strides = array<i32>} : memref<256xf32, #tpu.memory_space<vmem>>, vector<16xf32>,
      %gt3A_3179 = arith.cmpf ogt, %get3A_3178, %select_n3A_3169 : vector<16xf32>
      %select_n3A_3180 = arith.select %gt3A_3179, %get3A_3178, %select_n3A_3169 : vector<16xi1>, vector<16xf32>
      %get3A_3181 = arith.constant 160 : index
      %get3A_3182 = tpu.vector_load %arg11[%get3A_3181] {strides = array<i32>} : memref<256xi32, #tpu.memory_space<vmem>>, vector<16xi32>,
      %select_n3A_3183 = arith.select %gt3A_3179, %get3A_3182, %select_n3A_3172 : vector<16xi1>, vector<16xi32>
      %add3A_3184 = arith.constant 160 : i32
      %add3A_3185 = vector.broadcast %add3A_3184 : i32 to vector<16xi32>
      %add3A_3186 = arith.addi %add3A_3185, %iota3A : vector<16xi32>
      %select_n3A_3187 = arith.select %gt3A_3179, %add3A_3186, %select_n3A_3176 : vector<16xi1>, vector<16xi32>
      %get3A_3188 = arith.constant 176 : index
      %get3A_3189 = tpu.vector_load %arg10[%get3A_3188] {strides = array<i32>} : memref<256xf32, #tpu.memory_space<vmem>>, vector<16xf32>,
      %gt3A_3190 = arith.cmpf ogt, %get3A_3189, %select_n3A_3180 : vector<16xf32>
      %select_n3A_3191 = arith.select %gt3A_3190, %get3A_3189, %select_n3A_3180 : vector<16xi1>, vector<16xf32>
      %get3A_3192 = arith.constant 176 : index
      %get3A_3193 = tpu.vector_load %arg11[%get3A_3192] {strides = array<i32>} : memref<256xi32, #tpu.memory_space<vmem>>, vector<16xi32>,
      %select_n3A_3194 = arith.select %gt3A_3190, %get3A_3193, %select_n3A_3183 : vector<16xi1>, vector<16xi32>
      %add3A_3195 = arith.constant 176 : i32
      %add3A_3196 = vector.broadcast %add3A_3195 : i32 to vector<16xi32>
      %add3A_3197 = arith.addi %add3A_3196, %iota3A : vector<16xi32>
      %select_n3A_3198 = arith.select %gt3A_3190, %add3A_3197, %select_n3A_3187 : vector<16xi1>, vector<16xi32>
      %get3A_3199 = arith.constant 192 : index
      %get3A_3200 = tpu.vector_load %arg10[%get3A_3199] {strides = array<i32>} : memref<256xf32, #tpu.memory_space<vmem>>, vector<16xf32>,
      %gt3A_3201 = arith.cmpf ogt, %get3A_3200, %select_n3A_3191 : vector<16xf32>
      %select_n3A_3202 = arith.select %gt3A_3201, %get3A_3200, %select_n3A_3191 : vector<16xi1>, vector<16xf32>
      %get3A_3203 = arith.constant 192 : index
      %get3A_3204 = tpu.vector_load %arg11[%get3A_3203] {strides = array<i32>} : memref<256xi32, #tpu.memory_space<vmem>>, vector<16xi32>,
      %select_n3A_3205 = arith.select %gt3A_3201, %get3A_3204, %select_n3A_3194 : vector<16xi1>, vector<16xi32>
      %add3A_3206 = arith.constant 192 : i32
      %add3A_3207 = vector.broadcast %add3A_3206 : i32 to vector<16xi32>
      %add3A_3208 = arith.addi %add3A_3207, %iota3A : vector<16xi32>
      %select_n3A_3209 = arith.select %gt3A_3201, %add3A_3208, %select_n3A_3198 : vector<16xi1>, vector<16xi32>
      %get3A_3210 = arith.constant 208 : index
      %get3A_3211 = tpu.vector_load %arg10[%get3A_3210] {strides = array<i32>} : memref<256xf32, #tpu.memory_space<vmem>>, vector<16xf32>,
      %gt3A_3212 = arith.cmpf ogt, %get3A_3211, %select_n3A_3202 : vector<16xf32>
      %select_n3A_3213 = arith.select %gt3A_3212, %get3A_3211, %select_n3A_3202 : vector<16xi1>, vector<16xf32>
      %get3A_3214 = arith.constant 208 : index
      %get3A_3215 = tpu.vector_load %arg11[%get3A_3214] {strides = array<i32>} : memref<256xi32, #tpu.memory_space<vmem>>, vector<16xi32>,
      %select_n3A_3216 = arith.select %gt3A_3212, %get3A_3215, %select_n3A_3205 : vector<16xi1>, vector<16xi32>
      %add3A_3217 = arith.constant 208 : i32
      %add3A_3218 = vector.broadcast %add3A_3217 : i32 to vector<16xi32>
      %add3A_3219 = arith.addi %add3A_3218, %iota3A : vector<16xi32>
      %select_n3A_3220 = arith.select %gt3A_3212, %add3A_3219, %select_n3A_3209 : vector<16xi1>, vector<16xi32>
      %get3A_3221 = arith.constant 224 : index
      %get3A_3222 = tpu.vector_load %arg10[%get3A_3221] {strides = array<i32>} : memref<256xf32, #tpu.memory_space<vmem>>, vector<16xf32>,
      %gt3A_3223 = arith.cmpf ogt, %get3A_3222, %select_n3A_3213 : vector<16xf32>
      %select_n3A_3224 = arith.select %gt3A_3223, %get3A_3222, %select_n3A_3213 : vector<16xi1>, vector<16xf32>
      %get3A_3225 = arith.constant 224 : index
      %get3A_3226 = tpu.vector_load %arg11[%get3A_3225] {strides = array<i32>} : memref<256xi32, #tpu.memory_space<vmem>>, vector<16xi32>,
      %select_n3A_3227 = arith.select %gt3A_3223, %get3A_3226, %select_n3A_3216 : vector<16xi1>, vector<16xi32>
      %add3A_3228 = arith.constant 224 : i32
      %add3A_3229 = vector.broadcast %add3A_3228 : i32 to vector<16xi32>
      %add3A_3230 = arith.addi %add3A_3229, %iota3A : vector<16xi32>
      %select_n3A_3231 = arith.select %gt3A_3223, %add3A_3230, %select_n3A_3220 : vector<16xi1>, vector<16xi32>
      %get3A_3232 = arith.constant 240 : index
      %get3A_3233 = tpu.vector_load %arg10[%get3A_3232] {strides = array<i32>} : memref<256xf32, #tpu.memory_space<vmem>>, vector<16xf32>,
      %gt3A_3234 = arith.cmpf ogt, %get3A_3233, %select_n3A_3224 : vector<16xf32>
      %select_n3A_3235 = arith.select %gt3A_3234, %get3A_3233, %select_n3A_3224 : vector<16xi1>, vector<16xf32>
      %get3A_3236 = arith.constant 240 : index
      %get3A_3237 = tpu.vector_load %arg11[%get3A_3236] {strides = array<i32>} : memref<256xi32, #tpu.memory_space<vmem>>, vector<16xi32>,
      %select_n3A_3238 = arith.select %gt3A_3234, %get3A_3237, %select_n3A_3227 : vector<16xi1>, vector<16xi32>
      %add3A_3239 = arith.constant 240 : i32
      %add3A_3240 = vector.broadcast %add3A_3239 : i32 to vector<16xi32>
      %add3A_3241 = arith.addi %add3A_3240, %iota3A : vector<16xi32>
      %select_n3A_3242 = arith.select %gt3A_3234, %add3A_3241, %select_n3A_3231 : vector<16xi1>, vector<16xi32>
      %reduce_max3A_3243 = arith.constant true
      %reduce_max3A_3244 = vector.broadcast %reduce_max3A_3243 : i1 to vector<16xi1>
      %reduce_max3A_3245 = tpu.scan <max>, %select_n3A_3235 masked %reduce_max3A_3244 : vector<16xf32>, vector<16xi1> -> vector<16xf32>
      %reduce_max3A_3246 = vector.extract %reduce_max3A_3245[15] : f32 from vector<16xf32>
      %eq3A_3247 = vector.broadcast %reduce_max3A_3246 : f32 to vector<16xf32>
      %eq3A_3248 = arith.cmpf oeq, %select_n3A_3235, %eq3A_3247 : vector<16xf32>
      %jit3A_3249 = arith.constant 2147483647 : i32
      %broadcast_in_dim3A_3250 = vector.broadcast %jit3A_3249 : i32 to vector<16xi32>
      %select_n3A_3251 = arith.select %eq3A_3248, %select_n3A_3238, %broadcast_in_dim3A_3250 : vector<16xi1>, vector<16xi32>
      %reduce_min3A_3252 = arith.constant true
      %reduce_min3A_3253 = vector.broadcast %reduce_min3A_3252 : i1 to vector<16xi1>
      %reduce_min3A_3254 = arith.constant -2147483648 : i32
      %reduce_min3A_3255 = vector.broadcast %reduce_min3A_3254 : i32 to vector<16xi32>
      %reduce_min3A_3256 = arith.xori %select_n3A_3251, %reduce_min3A_3255 : vector<16xi32>
      %reduce_min3A_3257 = tpu.scan <min>, %reduce_min3A_3256 masked %reduce_min3A_3253 : vector<16xi32>, vector<16xi1> -> vector<16xi32>
      %reduce_min3A_3258 = arith.xori %reduce_min3A_3257, %reduce_min3A_3255 : vector<16xi32>
      %reduce_min3A_3259 = vector.extract %reduce_min3A_3258[15] : i32 from vector<16xi32>
      %eq3A_3260 = vector.broadcast %reduce_max3A_3246 : f32 to vector<16xf32>
      %eq3A_3261 = arith.cmpf oeq, %select_n3A_3235, %eq3A_3260 : vector<16xf32>
      %eq3A_3262 = vector.broadcast %reduce_min3A_3259 : i32 to vector<16xi32>
      %eq3A_3263 = arith.cmpi eq, %select_n3A_3238, %eq3A_3262 : vector<16xi32>
      %and3A_3264 = arith.andi %eq3A_3261, %eq3A_3263 : vector<16xi1>
      %jit3A_3265 = arith.constant 2147483647 : i32
      %broadcast_in_dim3A_3266 = vector.broadcast %jit3A_3265 : i32 to vector<16xi32>
      %select_n3A_3267 = arith.select %and3A_3264, %select_n3A_3242, %broadcast_in_dim3A_3266 : vector<16xi1>, vector<16xi32>
      %reduce_min3A_3268 = arith.constant true
      %reduce_min3A_3269 = vector.broadcast %reduce_min3A_3268 : i1 to vector<16xi1>
      %reduce_min3A_3270 = arith.constant -2147483648 : i32
      %reduce_min3A_3271 = vector.broadcast %reduce_min3A_3270 : i32 to vector<16xi32>
      %reduce_min3A_3272 = arith.xori %select_n3A_3267, %reduce_min3A_3271 : vector<16xi32>
      %reduce_min3A_3273 = tpu.scan <min>, %reduce_min3A_3272 masked %reduce_min3A_3269 : vector<16xi32>, vector<16xi1> -> vector<16xi32>
      %reduce_min3A_3274 = arith.xori %reduce_min3A_3273, %reduce_min3A_3271 : vector<16xi32>
      %reduce_min3A_3275 = vector.extract %reduce_min3A_3274[15] : i32 from vector<16xi32>
      %eq3A_3276 = arith.constant 9 : i32
      %eq3A_3277 = vector.broadcast %eq3A_3276 : i32 to vector<16xi32>
      %eq3A_3278 = arith.cmpi eq, %iota3A, %eq3A_3277 : vector<16xi32>
      %broadcast_in_dim3A_3279 = vector.broadcast %reduce_max3A_3246 : f32 to vector<16xf32>
      %select_n3A_3280 = arith.select %eq3A_3278, %broadcast_in_dim3A_3279, %select_n3A_3042 : vector<16xi1>, vector<16xf32>
      %eq3A_3281 = arith.constant 9 : i32
      %eq3A_3282 = vector.broadcast %eq3A_3281 : i32 to vector<16xi32>
      %eq3A_3283 = arith.cmpi eq, %iota3A, %eq3A_3282 : vector<16xi32>
      %broadcast_in_dim3A_3284 = vector.broadcast %reduce_min3A_3259 : i32 to vector<16xi32>
      %select_n3A_3285 = arith.select %eq3A_3283, %broadcast_in_dim3A_3284, %select_n3A_3047 : vector<16xi1>, vector<16xi32>
      %and3A_3286 = arith.constant -16 : i32
      %and3A_3287 = arith.andi %reduce_min3A_3275, %and3A_3286 : i32
      %get3A_3288 = arith.index_cast %and3A_3287 : i32 to index
      %get3A_3289 = tpu.vector_load %arg10[%get3A_3288] {strides = array<i32>} : memref<256xf32, #tpu.memory_space<vmem>>, vector<16xf32>,
      %and3A_3290 = arith.constant 15 : i32
      %and3A_3291 = arith.andi %reduce_min3A_3275, %and3A_3290 : i32
      %eq3A_3292 = vector.broadcast %and3A_3291 : i32 to vector<16xi32>
      %eq3A_3293 = arith.cmpi eq, %iota3A, %eq3A_3292 : vector<16xi32>
      %jit3A_3294 = arith.constant -1.000000e+30 : f32
      %broadcast_in_dim3A_3295 = vector.broadcast %jit3A_3294 : f32 to vector<16xf32>
      %select_n3A_3296 = arith.select %eq3A_3293, %broadcast_in_dim3A_3295, %get3A_3289 : vector<16xi1>, vector<16xf32>
      %swap3A_3297 = arith.index_cast %and3A_3287 : i32 to index
      %swap3A_3298 = tpu.vector_load %arg10[%swap3A_3297] {strides = array<i32>} : memref<256xf32, #tpu.memory_space<vmem>>, vector<16xf32>,
      tpu.vector_store %arg10[%swap3A_3297], %select_n3A_3296 {strides = array<i32>} : memref<256xf32, #tpu.memory_space<vmem>>, vector<16xf32>,
      %sub3A_3299 = arith.subf %select_n3A_3280, %max3A_656 : vector<16xf32>
      %exp3A_3300 = math.exp %sub3A_3299 : vector<16xf32>
      %div3A = vector.broadcast %reduce_sum3A_915 : f32 to vector<16xf32>
      %div3A_3301 = arith.divf %exp3A_3300, %div3A : vector<16xf32>
      %swap3A_3302 = arith.constant 0 : index
      %swap3A_3303 = tpu.vector_load %arg13[%swap3A_3302] {strides = array<i32>} : memref<16xf32, #tpu.memory_space<vmem>>, vector<16xf32>,
      tpu.vector_store %arg13[%swap3A_3302], %div3A_3301 {strides = array<i32>} : memref<16xf32, #tpu.memory_space<vmem>>, vector<16xf32>,
      "tpu.region"() ({
        %run_scoped3A = tpu.sem_alloc : memref<!tpu.dma_semaphore, #tpu.memory_space<semaphore_mem>>
        tpu.enqueue_dma source(%arg13 : memref<16xf32, #tpu.memory_space<vmem>>) target(%arg5 : memref<16xf32, #tpu.memory_space<hbm>>) target_semaphore(%run_scoped3A : memref<!tpu.dma_semaphore, #tpu.memory_space<semaphore_mem>>)
        tpu.wait_dma2 semaphore(%run_scoped3A : memref<!tpu.dma_semaphore, #tpu.memory_space<semaphore_mem>>) src(%arg13 : memref<16xf32, #tpu.memory_space<vmem>>) dst(%arg5 : memref<16xf32, #tpu.memory_space<hbm>>)
        tpu.yield
      }) : () -> ()
      %swap3A_3304 = arith.constant 0 : index
      %swap3A_3305 = tpu.vector_load %arg8[%swap3A_3304] {strides = array<i32>} : memref<16xi32, #tpu.memory_space<vmem>>, vector<16xi32>,
      tpu.vector_store %arg8[%swap3A_3304], %select_n3A_3285 {strides = array<i32>} : memref<16xi32, #tpu.memory_space<vmem>>, vector<16xi32>,
      %dma_start3A = arith.constant 0 : i32
      %dma_start3A_3306 = arith.constant 0 : i32
      %dma_start3A_3307 = tpu.memref_slice %arg3[%dma_start3A, %dma_start3A_3306] : memref<100000x16xf32, #tpu.memory_space<hbm>> -> memref<100000x16xf32, #tpu.memory_space<hbm>>
      tpu.enqueue_indirect_dma source(%dma_start3A_3307 : memref<100000x16xf32, #tpu.memory_space<hbm>>) target(%arg14 : memref<16x16xf32, #tpu.memory_space<vmem>>) offsets(%arg8 : memref<16xi32, #tpu.memory_space<vmem>>) semaphore(%arg18 : memref<!tpu.dma_semaphore, #tpu.memory_space<semaphore_mem>>)
      %dma_wait3A = arith.constant 0 : i32
      %dma_wait3A_3308 = arith.constant 0 : i32
      %dma_wait3A_3309 = tpu.memref_slice %arg3[%dma_wait3A, %dma_wait3A_3308] : memref<100000x16xf32, #tpu.memory_space<hbm>> -> memref<100000x16xf32, #tpu.memory_space<hbm>>
      tpu.wait_indirect_dma semaphore(%arg18 : memref<!tpu.dma_semaphore, #tpu.memory_space<semaphore_mem>>) src(%dma_wait3A_3309 : memref<100000x16xf32, #tpu.memory_space<hbm>>) dst(%arg14 : memref<16x16xf32, #tpu.memory_space<vmem>>)
      "tpu.region"() ({
        %run_scoped3A = tpu.sem_alloc : memref<!tpu.dma_semaphore, #tpu.memory_space<semaphore_mem>>
        tpu.enqueue_dma source(%arg14 : memref<16x16xf32, #tpu.memory_space<vmem>>) target(%arg4 : memref<16x16xf32, #tpu.memory_space<hbm>>) target_semaphore(%run_scoped3A : memref<!tpu.dma_semaphore, #tpu.memory_space<semaphore_mem>>)
        tpu.wait_dma2 semaphore(%run_scoped3A : memref<!tpu.dma_semaphore, #tpu.memory_space<semaphore_mem>>) src(%arg14 : memref<16x16xf32, #tpu.memory_space<vmem>>) dst(%arg4 : memref<16x16xf32, #tpu.memory_space<hbm>>)
        tpu.yield
      }) : () -> ()
    } else {
    }
    return
  }
}

module attributes {stable_mosaic.version = 14 : i64} {
  func.func @_tc_mv_body(%arg0: i32, %arg1: memref<1x512xf32, #tpu.memory_space<vmem>>, %arg2: memref<1x1xf32, #tpu.memory_space<vmem>>, %arg3: memref<4096x512xf32, #tpu.memory_space<vmem>>, %arg4: memref<1x4096xf32, #tpu.memory_space<vmem>>) attributes {dimension_semantics = [#tpu.dimension_semantics<arbitrary>], iteration_bounds = array<i64: 25>, scalar_prefetch = 0 : i64, scratch_operands = 0 : i64, tpu.core_type = #tpu.core_type<tc>, window_params = [{pipeline_mode = #tpu.pipeline_mode<synchronous>, transform_indices = @transform_0, window_bounds = array<i64: 1, 512>}, {pipeline_mode = #tpu.pipeline_mode<synchronous>, transform_indices = @transform_1, window_bounds = array<i64: 1, 1>}, {transform_indices = @transform_2, window_bounds = array<i64: 4096, 512>}, {transform_indices = @transform_3, window_bounds = array<i64: 1, 4096>}]} {
    %get3A = arith.constant 0 : index
    %get3A_0 = arith.constant 0 : index
    %get3A_1 = vector.load %arg1[%get3A, %get3A_0] : memref<1x512xf32, #tpu.memory_space<vmem>>, vector<1x512xf32>
    %get3A_2 = arith.constant 0 : index
    %get3A_3 = arith.constant 0 : index
    %get3A_4 = vector.load %arg3[%get3A_2, %get3A_3] : memref<4096x512xf32, #tpu.memory_space<vmem>>, vector<4096x512xf32>
    %dot_general3A = arith.constant dense<0.000000e+00> : vector<1x4096xf32>
    %dot_general3A_5 = tpu.matmul %get3A_1, %get3A_4, %dot_general3A {dimension_numbers = #tpu.dot_dimension_numbers<[1], [1], [0], [0], [0, 0, 1, 0], [], []>, transpose_lhs_hint = false} : vector<1x512xf32>, vector<4096x512xf32>, vector<1x4096xf32> -> vector<1x4096xf32>
    %get3A_6 = arith.constant 0 : index
    %get3A_7 = arith.constant 0 : index
    %get3A_8 = vector.load %arg2[%get3A_6, %get3A_7] : memref<1x1xf32, #tpu.memory_space<vmem>>, vector<1x1xf32>
    %get3A_9 = vector.extract %get3A_8[0, 0] : f32 from vector<1x1xf32>
    %exp3A = math.exp %get3A_9 : f32
    %mul3A = vector.broadcast %exp3A : f32 to vector<1x4096xf32>
    %mul3A_10 = arith.mulf %mul3A, %dot_general3A_5 : vector<1x4096xf32>
    %swap3A = arith.constant 0 : index
    %swap3A_11 = arith.constant 0 : index
    %swap3A_12 = vector.load %arg4[%swap3A, %swap3A_11] : memref<1x4096xf32, #tpu.memory_space<vmem>>, vector<1x4096xf32>
    tpu.vector_store %arg4[%swap3A, %swap3A_11], %mul3A_10 {strides = array<i32>} : memref<1x4096xf32, #tpu.memory_space<vmem>>, vector<1x4096xf32>,
    return
  }
  func.func @transform_0(%arg0: i32) -> (i32, i32) {
    %c0_i32 = arith.constant 0 : i32
    %c0_i32_0 = arith.constant 0 : i32
    %c0_i32_1 = arith.constant 0 : i32
    return %c0_i32, %c0_i32_0 : i32, i32
  }
  func.func @transform_1(%arg0: i32) -> (i32, i32) {
    %c0_i32 = arith.constant 0 : i32
    %c0_i32_0 = arith.constant 0 : i32
    %c0_i32_1 = arith.constant 0 : i32
    return %c0_i32, %c0_i32_0 : i32, i32
  }
  func.func @transform_2(%arg0: i32) -> (i32, i32) {
    %c0_i32 = arith.constant 0 : i32
    %c0_i32_0 = arith.constant 0 : i32
    return %arg0, %c0_i32 : i32, i32
  }
  func.func @transform_3(%arg0: i32) -> (i32, i32) {
    %c0_i32 = arith.constant 0 : i32
    %c0_i32_0 = arith.constant 0 : i32
    return %c0_i32, %arg0 : i32, i32
  }
}

</mosaic_0001>

<sc_bundles>
// kernel: kernel.4.cloned.1.call-start
scs
__scs_entry_jumppad:
0x0: {  	(pc) =	sbr.rel $0x88, $3  }
0x1: {  	(tag) =	ssettag $0x0;
	lr =	simm.s32 $0x1  }
0x2: {  	[smem:$0x3F99] =	sst lr;
	_ =	strace $0xD0000000  }
0x3: {  	_ = 	snop  }
0x4: {  	_ = 	snop  }
0x5: {  	_ = 	snop  }
0x6: {  	_ = 	snop  }
0x7: {  	_ = 	snop  }
__scs_overlays_trampoline_lowered:
0x8: {  	[smem:$0x3FA8] =	sst s0  }
0x9: {  	[smem:$0x3FA9] =	sst s1  }
0xa: {  	[smem:$0x3FAA] =	sst s2  }
0xb: {  	[smem:$0x3FAB] =	sst s3  }
0xc: {  	[smem:$0x3FAC] =	sst s4  }
0xd: {  	[smem:$0x3FAD] =	sst s5  }
0xe: {  	[smem:$0x3FAE] =	sst s6  }
0xf: {  	[smem:$0x3FAF] =	sst s7  }
0x10: {  	[smem:$0x3FB0] =	sst s8  }
0x11: {  	[smem:$0x3FB1] =	sst s9;
	s0 =	simm.s32 @!p0 $0x0  }
0x12: {  	s1 =	sld [smem:$0x3F97];
	s0 =	simm.s32 @p0 $0x1  }
0x13: {  	[smem:$0x3FB2] =	sst s0;
	s0 =	simm.s32 @!p1 $0x0  }
0x14: {  	s2 =	sld [smem:$0x3F96];
	s0 =	simm.s32 @p1 $0x1  }
0x15: {  	[smem:$0x3FB3] =	sst s0;
	s0 =	simm.s32 @!p2 $0x0  }
0x16: {  	s3 =	sld [smem:$0x3FDB];
	s0 =	simm.s32 @p2 $0x1  }
0x17: {  	s4 =	simm.s32 $0x1BF5;
	[smem:$0x3FB5] =	sst s0  }
0x18: {  	s0 =	sld [smem:$0x3F98];
	_ =	swait.ge [sflag:s4], $0x0  }
0x19: {  	s7 =	sld [smem:$0x3F99]  }
0x1a: {  	s8 =	sadd.s32 $0xFFFFE003, lr  }
0x1b: {  	s9 =	sadd.s32 $0xFFFFFEF7, lr;
	s5 =	simm.s32 $0xFFFFFFFF;
	p2 =	slt.u32 s8, $0xFFFFF086  }
0x1c: {  	p1 =	slt.u32 s9, $0xF7A;
	s5 =	simm.s32 @!p2 $0x0  }
0x1d: {  	s5 =	simm.s32 @p1 $0x1;
	p0 =	seq.s32 s7, s2  }
0x1e: {  	s7 =	smul.u32 @!p0 $0xF7A, s2;
	p2 =	seq.s32 @!p0 s5, $0x0  }
0x1f: {  	s9 =	smul.u32 $0xF7A, s1;
	s8 =	simm.s32 @!p0 $0x1BF5;
	p2 =	por !p2, p0  }
0x20: {  	[sflag:s8] =	ssyncset.s32 @!p0 $0xFFFFF086;
	s6 =	sadd.s32 @!p0 s3, s7;
	s7 =	simm.s32 @!p0 $0x108  }
0x21: {  	s3 =	sadd.s32 s3, s9;
	s6 =	sadd.s32 @!p0 $0x88, s6;
	s7 =	simm.s32 @p2 $0x1082  }
0x22: {  	[simem:s7], [sflag:s8] =	dma.local @!p0 [hbm:s6], $0xF7A  }
0x23: {  	s9 =	sor.u32 $0xD0000000, s2;
	s6 =	simm.s32 $0x108;
	_ =	swait.ge @!p0 [sflag:s8], $0x0  }
0x24: {  	s3 =	sadd.s32 $0x88, s3;
	s6 =	simm.s32 @!p1 $0x1082;
	[sflag:s4] =	ssyncset.s32 $0xFFFFF086  }
0x25: {  	[simem:s6], [sflag:s4] =	dma.local [hbm:s3], $0xF7A  }
0x26: {  	[smem:$0x3F99] =	sst s1;
	(tag) =	ssettag s2;
	_ =	strace s9  }
0x27: {  	s1 =	sld [smem:$0x3FA9]  }
0x28: {  	s2 =	sld [smem:$0x3FAA]  }
0x29: {  	s4 =	sld [smem:$0x3FAC]  }
0x2a: {  	p0 =	seq.s32 s5, $0x0;
	s5 =	sld [smem:$0x3FAD]  }
0x2b: {  	s6 =	sld [smem:$0x3FAE]  }
0x2c: {  	s7 =	sld [smem:$0x3FAF]  }
0x2d: {  	s3 =	simm.s32 $0x108;
	s8 =	sld [smem:$0x3FB0]  }
0x2e: {  	s3 =	simm.s32 @!p0 $0x1082;
	s9 =	sld [smem:$0x3FB1]  }
0x2f: {  	lr =	sadd.s32 s0, s3;
	s0 =	sld [smem:$0x3FA8]  }
0x30: {  	s3 =	sld [smem:$0x3FAB]  }
0x31: {  	[smem:$0x3FB4] =	sst s10  }
0x32: {  	s10 =	sld [smem:$0x3FB2];
	_ =	sdelay $0x3  }
0x33: {  	p0 =	seq.s32 s10, $0x1;
	s10 =	sld [smem:$0x3FB4];
	_ =	sdelay $0x3  }
0x34: {  	[smem:$0x3FB4] =	sst s10  }
0x35: {  	s10 =	sld [smem:$0x3FB3];
	_ =	sdelay $0x3  }
0x36: {  	p1 =	seq.s32 s10, $0x1;
	s10 =	sld [smem:$0x3FB4];
	_ =	sdelay $0x3  }
0x37: {  	[smem:$0x3FB4] =	sst s10  }
0x38: {  	s10 =	sld [smem:$0x3FB5]  }
0x39: {  	_ = 	snop;
	(pc) =	sbr.ind lr, $3  }
0x3a: {  	_ = 	snop  }
0x3b: {  	_ = 	snop  }
0x3c: {  	p2 =	seq.s32 s10, $0x1;
	s10 =	sld [smem:$0x3FB4]  }
0x3d: {  	_ =	shalt  }
0x3e: {  	_ =	shalt  }
0x3f: {  	_ =	shalt  }
0x40: {  	_ =	shalt  }
0x41: {  	_ =	shalt  }
0x42: {  	_ =	shalt  }
0x43: {  	_ =	shalt  }
0x44: {  	_ =	shalt  }
0x45: {  	_ =	shalt  }
0x46: {  	_ =	shalt  }
0x47: {  	_ =	shalt  }
0x48: {  	_ =	shalt  }
0x49: {  	_ =	shalt  }
0x4a: {  	_ =	shalt  }
0x4b: {  	_ =	shalt  }
0x4c: {  	_ =	shalt  }
0x4d: {  	_ =	shalt  }
0x4e: {  	_ =	shalt  }
0x4f: {  	_ =	shalt  }
0x50: {  	_ =	shalt  }
0x51: {  	_ =	shalt  }
0x52: {  	_ =	shalt  }
0x53: {  	_ =	shalt  }
0x54: {  	_ =	shalt  }
0x55: {  	_ =	shalt  }
0x56: {  	_ =	shalt  }
0x57: {  	_ =	shalt  }
0x58: {  	_ =	shalt  }
0x59: {  	_ =	shalt  }
0x5a: {  	_ =	shalt  }
0x5b: {  	_ =	shalt  }
0x5c: {  	_ =	shalt  }
0x5d: {  	_ =	shalt  }
0x5e: {  	_ =	shalt  }
0x5f: {  	_ =	shalt  }
0x60: {  	_ =	shalt  }
0x61: {  	_ =	shalt  }
0x62: {  	_ =	shalt  }
0x63: {  	_ =	shalt  }
0x64: {  	_ =	shalt  }
0x65: {  	_ =	shalt  }
0x66: {  	_ =	shalt  }
0x67: {  	_ =	shalt  }
0x68: {  	_ =	shalt  }
0x69: {  	_ =	shalt  }
0x6a: {  	_ =	shalt  }
0x6b: {  	_ =	shalt  }
0x6c: {  	_ =	shalt  }
0x6d: {  	_ =	shalt  }
0x6e: {  	_ =	shalt  }
0x6f: {  	_ =	shalt  }
0x70: {  	_ =	shalt  }
0x71: {  	_ =	shalt  }
0x72: {  	_ =	shalt  }
0x73: {  	_ =	shalt  }
0x74: {  	_ =	shalt  }
0x75: {  	_ =	shalt  }
0x76: {  	_ =	shalt  }
0x77: {  	_ =	shalt  }
0x78: {  	_ =	shalt  }
0x79: {  	_ =	shalt  }
0x7a: {  	_ =	shalt  }
0x7b: {  	_ =	shalt  }
0x7c: {  	_ =	shalt  }
0x7d: {  	_ =	shalt  }
0x7e: {  	_ =	shalt  }
0x7f: {  	_ =	shalt  }
0x80: {  	_ =	shalt  }
0x81: {  	_ =	shalt  }
0x82: {  	_ =	shalt  }
0x83: {  	_ =	shalt  }
0x84: {  	_ =	shalt  }
0x85: {  	_ =	shalt  }
0x86: {  	_ =	shalt  }
0x87: {  	_ =	shalt  }
.Lfunc_end0:
.L_simem_size_0:
called_computation_lowered:
.L_overlay_start_0:
0x88: {  	s0 =	sld [smem:$0x3FD9]  }
0x89: {  	s1 =	sld [smem:$0x3FFE];
	_ =	sdelay $0x3  }
0x8a: {  	s0 =	sadd.s32 s1, s0  }
0x8b: {  	[smem:$0x3FC0] =	sst s0  }
0x8c: {  	_ = 	snop  }
0x8d: {  	s0 =	sld [smem:$0x3FD0];
	_ =	sdelay $0x2  }
0x8e: {  	s13 =	simm.s32 $0xA;
	s2 =	simm.s32 $0x10  }
0x8f: {  	[smem:s2], [sflag:s13] =	dma.local [hbm:s0], $0x1  }
0x90: {  	_ =	swait.eq [sflag:s13], $0x1  }
0x91: {  	[sflag:s13] =	ssyncset.done $0x0  }
0x92: {  	s14 =	sld [smem:$0x10];
	[sflag:s13] =	ssyncadd.s32 $0xFFFFFFFF  }
0x93: {  	s15 =	sld [smem:$0x11];
	(tm) =	ssettm $0x1  }
0x94: {  	s16 =	sld [smem:$0x3FFB];
	_ =	sdelay $0x3  }
0x95: {  	_ =	strace s16  }
0x96: {  	s2 =	sld [smem:$0x3FFC];
	_ =	sdelay $0x3  }
0x97: {  	_ =	strace s2  }
0x98: {  	s2 =	sld [smem:$0x3FFD];
	_ =	sdelay $0x3  }
0x99: {  	_ =	strace s2  }
0x9a: {  	_ =	strace $0x8FFFFFFF  }
0x9b: {  	s17 =	sld [smem:$0x3FDB];
	_ =	sdelay $0x1  }
0x9c: {  	s3 =	simm.s32 $_scs_section_size  }
0x9d: {  	s4 =	simm.s32 $_size__tile_overlayer_lowered;
	s5 =	simm.s32 $_tile_overlayer_lowered  }
0x9e: {  	s20 =	simm.s32 $0x1BFF;
	s19 =	sshll.u32 s5, $0x1;
	s2 =	sadd.s32 s3, s17  }
0x9f: {  	s6 =	simm.s32 $0x0;
	s18 =	sshll.u32 s4, $0x1;
	s4 =	sadd.s32 s19, s2  }
0xa0: {  	[timem:s6], [sflag:s20] =	dma.local [hbm:s4], s18  }
0xa1: {  	_ =	swait.ge [sflag:s20], s18  }
0xa2: {  	s3 =	ssub.s32 $0x0, s18;
	[sflag:s20] =	ssyncset.done $0x0  }
0xa3: {  	[sflag:s20] =	ssyncadd.s32 s3;
	_ =	sdelay $0x1  }
0xa4: {  	s21 =	simm.s32 $0x1B8B  }
0xa5: {  	_ =	swait.ge [sflag:s21], $0x1  }
0xa6: {  	[sflag:s21] =	ssyncset.done $0x0  }
0xa7: {  	s23 =	simm.s32 $0x1B8E;
	s22 =	sld [smem:$0x3FFE];
	[sflag:s21] =	ssyncadd.s32 $0xFFFFFFFF  }
0xa8: {  	s24 =	simm.s32 $execute0_lowered;
	[smem:$0x3FD2] =	sst s23  }
0xa9: {  	s4 =	sshll.u32 s24, $0x1;
	_ =	strace $0x80000046;
	[dreg:$0x1] =	wrdreg $0xFFFFFFFF  }
0xaa: {  	s25 =	simm.s32 $_size_execute0_lowered;
	s2 =	sadd.s32 s2, s4;
	[dreg:$0x0] =	wrdreg $0x0  }
0xab: {  	s4 =	sshll.u32 s25, $0x1;
	[dreg:$0x2] =	wrdreg s2  }
0xac: {  	[dreg:$0x3] =	wrdreg s4  }
0xad: {  	[dreg:$0x4] =	wrdreg $0xC0  }
0xae: {  	_ =	task [dreg:s6], $0x5FFFF  }
0xaf: {  	[dreg:$0x1] =	wrdreg $0xFFFFFFFF  }
0xb0: {  	[dreg:$0x0] =	wrdreg $0x60  }
0xb1: {  	[dreg:$0x2] =	wrdreg s22  }
0xb2: {  	[dreg:$0x3] =	wrdreg s14  }
0xb3: {  	[dreg:$0x4] =	wrdreg s15  }
0xb4: {  	[dreg:$0x5] =	wrdreg $0x1E500  }
0xb5: {  	[dreg:$0x6] =	wrdreg $0x1E600  }
0xb6: {  	[dreg:$0x7] =	wrdreg $0x1E700  }
0xb7: {  	[dreg:$0x8] =	wrdreg $0x9  }
0xb8: {  	_ =	task.clear_ibuf [dreg:s6], $0x9FFFF;
	_ =	strace $0x90000046  }
0xb9: {  	s26 =	simm.s32 $0x9;
	_ =	strace $0x80000048  }
0xba: {  	_ =	swait.ge [sflag:s26], $0x1  }
0xbb: {  	[sflag:s26] =	ssyncadd.s32 $0xFFFFFFFF  }
0xbc: {  	_ =	strace $0x90000048  }
0xbd: {  	_ =	sfence  }
0xbe: {  	s28 =	sld [smem:$0x0];
	_ =	sdelay $0x1  }
0xbf: {  	s29 =	srdreg.scid  }
0xc0: {  	s30 =	sshll.u32 s29, $0xD;
	s31 =	sshrl.u32 s29, $0x2  }
0xc1: {  	s1 =	sand.u32 $0x1, s29;
	s2 =	sand.u32 $0x4000, s30;
	s0 =	sadd.s32 s31, s28  }
0xc2: {  	s1 =	sor.u32 s2, s1;
	s0 =	sshll.u32 s0, $0x11  }
0xc3: {  	s0 =	sor.u32 s0, s1  }
0xc4: {  	s0 =	sadd.s32 $0x8F2B, s0  }
0xc5: {  	[sflag:s0] =	ssyncadd.remote.s32 $0x1  }
0xc6: {  	_ =	sfence.sel $0xFFFF  }
0xc7: {  	[dreg:$0x0] =	wrdreg $0xFFFFFFFF;
	(pc) =	sbr.abs _section_cstart, $3  }
0xc8: {  	[dreg:$0x1] =	wrdreg $0xFFFFFFFF  }
0xc9: {  	_ =	task.clear_ibuf [dreg:s6], $0x2FFFF;
	_ =	strace $0x9FFFFFFF  }
0xca: {  	(tm) =	ssettm $0x7FFFFFFF  }
0xcb: {  	_ =	shalt  }
tec
execute0_lowered:
.L_overlay_start_1:
0x0: {  	(tag) =	ssettag $0x1  }
0x1: {  	s3 =	rddreg [dreg:$0x0]  }
0x2: {  	s1 =	rddreg [dreg:$0x1]  }
0x3: {  	s2 =	rddreg [dreg:$0x2]  }
0x4: {  	s8 =	rddreg [dreg:$0x3];
	s9 =	stileid.u32  }
0x5: {  	s7 =	rddreg [dreg:$0x4];
	s4 =	smul.u32 $0x1900, s9  }
0x6: {  	s6 =	rddreg [dreg:$0x5]  }
0x7: {  	s0 =	rddreg [dreg:$0x6];
	s5 =	simm.s32 $0x0;
	s10 =	sshrl.u32 s4, $0x3  }
0x8: {  	[smem:$0x7FF] =	sst s5;
	s10 =	sadd.s32 s10, s3  }
0x9: {  	s31 =	simm.s32 $0x2;
	_ =	strace $0x80000047;
	s10 =	sadd.s32 $0x31C00, s10  }
0xa: {  	[tilespmem:s5], [sflag:$0x2] =	stream.linear.gather [hbm4b:s10+s5], $0x1900, $0x38;
	[tilespmem:$0x1E90] =	vst v63  }
0xb: {  	_ =	swait.ge [sflag:s31], $0x1900  }
0xc: {  	[sflag:s31] =	ssyncset.done $0x0  }
0xd: {  	s11 =	simm.s32 $0x0;
	[sflag:s31] =	ssyncadd.s32 $0xFFFFE700  }
0xe: {  	v0 =	vld [tilespmem:s11+$0x0];
	_ =	sdelay $0x3  }
0xf: {  	p0 =	slt.u32 s4, $0x186A0  }
0x10: {  	v1 =	vimm.f32 $-1.000000020e+30;
	s3 =	sadd.s32 $0xE00, s3;
	v0 =	vpsel !p0, $0xF149F2CA, v0  }
0x11: {  	s5 =	simm.s32 $0x10;
	s10 =	simm.s32 $0x80;
	[tilespmem:s11+$0x0] =	vst v0;
	v0 =	vmax.f32 v1, v0;
	s11 =	smov.u32 s4  }
.LBB2_1:
0x12: {  	p0 =	sne.s32 s10, $0x63C0;
	v1 =	vld [tilespmem:s5+$0x0];
	_ =	sdelay $0x1  }
.Ltmp0:
0x13: {  	(pc) =	sbr.rel @p0 .LBB2_1-.Ltmp0, $4  }
0x14: {  	s11 =	sadd.s32 $0x10, s11  }
0x15: {  	p1 =	slt.u32 s11, $0x186A0  }
0x16: {  	v1 =	vpsel !p1, $0xF149F2CA, v1  }
0x17: {  	[tilespmem:s5+$0x0] =	vst v1;
	s5 =	sshra.s32 s10, $0x2;
	s10 =	sadd.s32 $0x40, s10;
	v0 =	vmax.f32 v0, v1  }
0x18: {  	v1 =	vld [tilespmem:s5+$0x0];
	_ =	sdelay $0x2  }
0x19: {  	s10 =	sadd.s32 $0x10, s11  }
0x1a: {  	p0 =	slt.u32 s10, $0x186A0  }
0x1b: {  	v1 =	vpsel !p0, $0xF149F2CA, v1  }
0x1c: {  	v0 =	vmax.f32 v0, v1  }
0x1d: {  	(xrf0) =	vmax.scan.msk.f32 $0xffff, v0;
	_ =	sdelay $0x2  }
0x1e: {  	s10 =	simm.s32 $0x0;
	[tilespmem:s5+$0x0] =	vst v1  }
0x1f: {  	v0 =	vld [tilespmem:s10+$0x0];
	_ =	sdelay $0x1  }
0x20: {  	s31 =	simm.s32 $0x10;
	v1, _, _ =	vpop (xrf0)  }
0x21: {  	v2 =	vld [tilespmem:s31+$0x0];
	v1 =	vbroadcast v1, $0xF;
	_ =	sdelay $0x1  }
0x22: {  	v0 =	vsub.f32 v0, v1;
	_ =	sdelay $0x1  }
0x23: {  	v0 =	vmul.f32 $1.442695020e+00, v0  }
0x24: {  	v2 =	vsub.f32 v2, v1  }
0x25: {  	(erf) = vpow2.f32 v0  }
0x26: {  	v3 =	vmul.f32 $1.442695020e+00, v2  }
0x27: {  	s12 =	simm.s32 $0x20  }
0x28: {  	v2 =	vld [tilespmem:s12+$0x0];
	(erf) = vpow2.f32 v3;
	_ =	sdelay $0x2  }
0x29: {  	s11 =	simm.s32 $0xC0;
	s5 =	simm.s32 $0x40;
	v0 =	vimm.f32 $0.0e+00  }
.LBB2_3:
0x2a: {  	p0 =	sne.s32 s11, $0x63C0  }
.Ltmp1:
0x2b: {  	s12 =	sshra.s32 s11, $0x2;
	s11 =	sadd.s32 $0x40, s11;
	v3 =	vsub.f32 v2, v1;
	(pc) =	sbr.rel @p0 .LBB2_3-.Ltmp1, $3  }
0x2c: {  	v2 =	vld [tilespmem:s12+$0x0];
	v4 =	vpop (erf)  }
0x2d: {  	v3 =	vmul.f32 $1.442695020e+00, v3;
	v0 =	vadd.f32 v4, v0;
	_ =	sdelay $0x1  }
0x2e: {  	(erf) = vpow2.f32 v3  }
0x2f: {  	_ = 	snop  }
0x30: {  	v2 =	vsub.f32 v2, v1;
	_ =	sdelay $0x1  }
0x31: {  	v2 =	vmul.f32 $1.442695020e+00, v2;
	_ =	sdelay $0x1  }
0x32: {  	(erf) = vpow2.f32 v2;
	_ =	sdelay $0x4  }
0x33: {  	v2 =	vpop (erf)  }
0x34: {  	v5 =	vld [tilespmem:s10+$0x0];
	v0 =	vadd.f32 v2, v0  }
0x35: {  	v2 =	vpop (erf)  }
0x36: {  	v0 =	vadd.f32 v2, v0  }
0x37: {  	v4 =	vimm.f32 $-1.000000020e+30;
	v2 =	vpop (erf)  }
0x38: {  	v3 =	vimm.s32 $0x0;
	s10 =	smov.u32 s4;
	v2 =	vadd.f32 v2, v0;
	v0 =	vlaneseq.u32  }
.LBB2_5:
0x39: {  	s11 =	sshra.s32 s5, $0x2;
	p0 =	sne.s32 s5, $0x63C0;
	s5 =	sadd.s32 $0x40, s5;
	v6 =	vor.u32 s10, v0;
	vm0 =	vgt.f32 v5, v4  }
.Ltmp2:
0x3a: {  	v4 =	vsel vm0, v5, v4;
	v5 =	vld [tilespmem:s11+$0x0];
	v3 =	vsel vm0, v6, v3;
	(pc) =	sbr.rel @p0 .LBB2_5-.Ltmp2, $2  }
0x3b: {  	_ =	sdelay $0x2  }
0x3c: {  	s10 =	sadd.s32 $0x10, s10  }
0x3d: {  	vm0 =	vgt.f32 v5, v4  }
0x3e: {  	v4 =	vsel vm0, v5, v4  }
0x3f: {  	(xrf0) =	vmax.scan.msk.f32 $0xffff, v4;
	_ =	sdelay $0x5  }
0x40: {  	v5, _, _ =	vpop (xrf0)  }
0x41: {  	v6 =	vor.u32 s10, v0;
	v0 =	vbroadcast v5, $0xF  }
0x42: {  	v3 =	vsel vm0, v6, v3  }
0x43: {  	v3 =	vxor.u32 $0x80000000, v3;
	vm14 =	veq.f32 v4, v0  }
0x44: {  	v3 =	vnsel vm14, $0xFFFFFFFF, v3  }
0x45: {  	(xrf0) =	vmin.scan.msk.u32 $0xffff, v3;
	_ =	sdelay $0x5  }
0x46: {  	v3, _, _ =	vpop (xrf0)  }
0x47: {  	(v2sf) =	vpush v3, $0xF;
	_ =	sdelay $0xe  }
0x48: {  	s30 =	spop (v2sf)  }
0x49: {  	s5 =	sxor.u32 $0x80000000, s30  }
0x4a: {  	s11 =	ssub.s32 s5, s4  }
0x4b: {  	s11 =	sand.u32 $0xFFFFFFF0, s11  }
0x4c: {  	v4 =	vld [tilespmem:s11+$0x0];
	_ =	sdelay $0x1  }
0x4d: {  	s10 =	sand.u32 $0xF, s30  }
0x4e: {  	v3 =	vlaneseq.u32;
	v5 =	vmov s10  }
0x4f: {  	vm15 =	veq.s32 v5, v3  }
0x50: {  	v4 =	vsel vm15, $0xF149F2CA, v4  }
0x51: {  	s31 =	simm.s32 $0x0;
	[tilespmem:s11+$0x0] =	vst v4  }
0x52: {  	v6 =	vld [tilespmem:s31+$0x0];
	_ =	sdelay $0x3  }
0x53: {  	s10 =	smov.u32 s4;
	v5 =	vimm.f32 $-1.000000020e+30;
	v4 =	vimm.s32 $0x0;
	s11 =	simm.s32 $0x40  }
.LBB2_7:
0x54: {  	s12 =	sshra.s32 s11, $0x2;
	p0 =	sne.s32 s11, $0x63C0;
	s11 =	sadd.s32 $0x40, s11;
	v7 =	vor.u32 s10, v3;
	vm0 =	vgt.f32 v6, v5  }
.Ltmp3:
0x55: {  	v5 =	vsel vm0, v6, v5;
	v6 =	vld [tilespmem:s12+$0x0];
	v4 =	vsel vm0, v7, v4;
	(pc) =	sbr.rel @p0 .LBB2_7-.Ltmp3, $2  }
0x56: {  	_ =	sdelay $0x2  }
0x57: {  	s10 =	sadd.s32 $0x10, s10  }
0x58: {  	vm0 =	vgt.f32 v6, v5  }
0x59: {  	v5 =	vsel vm0, v6, v5  }
0x5a: {  	(xrf0) =	vmax.scan.msk.f32 $0xffff, v5;
	_ =	sdelay $0x5  }
0x5b: {  	v6, _, _ =	vpop (xrf0)  }
0x5c: {  	v7 =	vor.u32 s10, v3;
	v3 =	vbroadcast v6, $0xF  }
0x5d: {  	v4 =	vsel vm0, v7, v4  }
0x5e: {  	v4 =	vxor.u32 $0x80000000, v4;
	vm14 =	veq.f32 v5, v3  }
0x5f: {  	v4 =	vnsel vm14, $0xFFFFFFFF, v4  }
0x60: {  	(xrf0) =	vmin.scan.msk.u32 $0xffff, v4;
	_ =	sdelay $0x5  }
0x61: {  	v4, _, _ =	vpop (xrf0)  }
0x62: {  	(v2sf) =	vpush v4, $0xF;
	_ =	sdelay $0xe  }
0x63: {  	s11 =	spop (v2sf)  }
0x64: {  	s10 =	sxor.u32 $0x80000000, s11  }
0x65: {  	s12 =	ssub.s32 s10, s4  }
0x66: {  	s12 =	sand.u32 $0xFFFFFFF0, s12  }
0x67: {  	v5 =	vld [tilespmem:s12+$0x0];
	_ =	sdelay $0x1  }
0x68: {  	s11 =	sand.u32 $0xF, s11  }
0x69: {  	v4 =	vlaneseq.u32;
	v6 =	vmov s11  }
0x6a: {  	vm15 =	veq.s32 v6, v4  }
0x6b: {  	v5 =	vsel vm15, $0xF149F2CA, v5  }
0x6c: {  	s31 =	simm.s32 $0x0;
	[tilespmem:s12+$0x0] =	vst v5  }
0x6d: {  	v7 =	vld [tilespmem:s31+$0x0];
	_ =	sdelay $0x3  }
0x6e: {  	s11 =	smov.u32 s4;
	v6 =	vimm.f32 $-1.000000020e+30;
	v5 =	vimm.s32 $0x0;
	s12 =	simm.s32 $0x40  }
.LBB2_9:
0x6f: {  	s13 =	sshra.s32 s12, $0x2;
	p0 =	sne.s32 s12, $0x63C0;
	s12 =	sadd.s32 $0x40, s12;
	v8 =	vor.u32 s11, v4;
	vm0 =	vgt.f32 v7, v6  }
.Ltmp4:
0x70: {  	v6 =	vsel vm0, v7, v6;
	v7 =	vld [tilespmem:s13+$0x0];
	v5 =	vsel vm0, v8, v5;
	(pc) =	sbr.rel @p0 .LBB2_9-.Ltmp4, $2  }
0x71: {  	_ =	sdelay $0x2  }
0x72: {  	s11 =	sadd.s32 $0x10, s11  }
0x73: {  	vm0 =	vgt.f32 v7, v6  }
0x74: {  	v6 =	vsel vm0, v7, v6  }
0x75: {  	(xrf0) =	vmax.scan.msk.f32 $0xffff, v6;
	_ =	sdelay $0x5  }
0x76: {  	v7, _, _ =	vpop (xrf0)  }
0x77: {  	v8 =	vor.u32 s11, v4;
	v4 =	vbroadcast v7, $0xF  }
0x78: {  	v5 =	vsel vm0, v8, v5  }
0x79: {  	v5 =	vxor.u32 $0x80000000, v5;
	vm14 =	veq.f32 v6, v4  }
0x7a: {  	v5 =	vnsel vm14, $0xFFFFFFFF, v5  }
0x7b: {  	(xrf0) =	vmin.scan.msk.u32 $0xffff, v5;
	_ =	sdelay $0x5  }
0x7c: {  	v5, _, _ =	vpop (xrf0)  }
0x7d: {  	(v2sf) =	vpush v5, $0xF;
	_ =	sdelay $0xe  }
0x7e: {  	s12 =	spop (v2sf)  }
0x7f: {  	s11 =	sxor.u32 $0x80000000, s12  }
0x80: {  	s13 =	ssub.s32 s11, s4  }
0x81: {  	s13 =	sand.u32 $0xFFFFFFF0, s13  }
0x82: {  	v6 =	vld [tilespmem:s13+$0x0];
	_ =	sdelay $0x1  }
0x83: {  	s12 =	sand.u32 $0xF, s12  }
0x84: {  	v5 =	vlaneseq.u32;
	v7 =	vmov s12  }
0x85: {  	vm15 =	veq.s32 v7, v5  }
0x86: {  	v6 =	vsel vm15, $0xF149F2CA, v6  }
0x87: {  	s31 =	simm.s32 $0x0;
	[tilespmem:s13+$0x0] =	vst v6  }
0x88: {  	v8 =	vld [tilespmem:s31+$0x0];
	_ =	sdelay $0x3  }
0x89: {  	s12 =	smov.u32 s4;
	v7 =	vimm.f32 $-1.000000020e+30;
	v6 =	vimm.s32 $0x0;
	s13 =	simm.s32 $0x40  }
.LBB2_11:
0x8a: {  	s14 =	sshra.s32 s13, $0x2;
	p0 =	sne.s32 s13, $0x63C0;
	s13 =	sadd.s32 $0x40, s13;
	v9 =	vor.u32 s12, v5;
	vm0 =	vgt.f32 v8, v7  }
.Ltmp5:
0x8b: {  	v7 =	vsel vm0, v8, v7;
	v8 =	vld [tilespmem:s14+$0x0];
	v6 =	vsel vm0, v9, v6;
	(pc) =	sbr.rel @p0 .LBB2_11-.Ltmp5, $2  }
0x8c: {  	_ =	sdelay $0x2  }
0x8d: {  	s12 =	sadd.s32 $0x10, s12  }
0x8e: {  	vm0 =	vgt.f32 v8, v7  }
0x8f: {  	v7 =	vsel vm0, v8, v7  }
0x90: {  	(xrf0) =	vmax.scan.msk.f32 $0xffff, v7;
	_ =	sdelay $0x5  }
0x91: {  	v8, _, _ =	vpop (xrf0)  }
0x92: {  	v9 =	vor.u32 s12, v5;
	v5 =	vbroadcast v8, $0xF  }
0x93: {  	v6 =	vsel vm0, v9, v6  }
0x94: {  	v6 =	vxor.u32 $0x80000000, v6;
	vm14 =	veq.f32 v7, v5  }
0x95: {  	v6 =	vnsel vm14, $0xFFFFFFFF, v6  }
0x96: {  	(xrf0) =	vmin.scan.msk.u32 $0xffff, v6;
	_ =	sdelay $0x5  }
0x97: {  	v6, _, _ =	vpop (xrf0)  }
0x98: {  	(v2sf) =	vpush v6, $0xF;
	_ =	sdelay $0xe  }
0x99: {  	s13 =	spop (v2sf)  }
0x9a: {  	s12 =	sxor.u32 $0x80000000, s13  }
0x9b: {  	s14 =	ssub.s32 s12, s4  }
0x9c: {  	s14 =	sand.u32 $0xFFFFFFF0, s14  }
0x9d: {  	v7 =	vld [tilespmem:s14+$0x0];
	_ =	sdelay $0x1  }
0x9e: {  	s13 =	sand.u32 $0xF, s13  }
0x9f: {  	v6 =	vlaneseq.u32;
	v8 =	vmov s13  }
0xa0: {  	vm15 =	veq.s32 v8, v6  }
0xa1: {  	v7 =	vsel vm15, $0xF149F2CA, v7  }
0xa2: {  	s31 =	simm.s32 $0x0;
	[tilespmem:s14+$0x0] =	vst v7  }
0xa3: {  	v9 =	vld [tilespmem:s31+$0x0];
	_ =	sdelay $0x3  }
0xa4: {  	s13 =	smov.u32 s4;
	v8 =	vimm.f32 $-1.000000020e+30;
	v7 =	vimm.s32 $0x0;
	s14 =	simm.s32 $0x40  }
.LBB2_13:
0xa5: {  	s15 =	sshra.s32 s14, $0x2;
	p0 =	sne.s32 s14, $0x63C0;
	s14 =	sadd.s32 $0x40, s14;
	v10 =	vor.u32 s13, v6;
	vm0 =	vgt.f32 v9, v8  }
.Ltmp6:
0xa6: {  	v8 =	vsel vm0, v9, v8;
	v9 =	vld [tilespmem:s15+$0x0];
	v7 =	vsel vm0, v10, v7;
	(pc) =	sbr.rel @p0 .LBB2_13-.Ltmp6, $2  }
0xa7: {  	_ =	sdelay $0x2  }
0xa8: {  	s13 =	sadd.s32 $0x10, s13  }
0xa9: {  	vm0 =	vgt.f32 v9, v8  }
0xaa: {  	v8 =	vsel vm0, v9, v8  }
0xab: {  	(xrf0) =	vmax.scan.msk.f32 $0xffff, v8;
	_ =	sdelay $0x5  }
0xac: {  	v9, _, _ =	vpop (xrf0)  }
0xad: {  	v10 =	vor.u32 s13, v6;
	v6 =	vbroadcast v9, $0xF  }
0xae: {  	v7 =	vsel vm0, v10, v7  }
0xaf: {  	v7 =	vxor.u32 $0x80000000, v7;
	vm14 =	veq.f32 v8, v6  }
0xb0: {  	v7 =	vnsel vm14, $0xFFFFFFFF, v7  }
0xb1: {  	(xrf0) =	vmin.scan.msk.u32 $0xffff, v7;
	_ =	sdelay $0x5  }
0xb2: {  	v7, _, _ =	vpop (xrf0)  }
0xb3: {  	(v2sf) =	vpush v7, $0xF;
	_ =	sdelay $0xe  }
0xb4: {  	s14 =	spop (v2sf)  }
0xb5: {  	s13 =	sxor.u32 $0x80000000, s14  }
0xb6: {  	s15 =	ssub.s32 s13, s4  }
0xb7: {  	s15 =	sand.u32 $0xFFFFFFF0, s15  }
0xb8: {  	v8 =	vld [tilespmem:s15+$0x0];
	_ =	sdelay $0x1  }
0xb9: {  	s14 =	sand.u32 $0xF, s14  }
0xba: {  	v7 =	vlaneseq.u32;
	v9 =	vmov s14  }
0xbb: {  	vm15 =	veq.s32 v9, v7  }
0xbc: {  	v8 =	vsel vm15, $0xF149F2CA, v8  }
0xbd: {  	s31 =	simm.s32 $0x0;
	[tilespmem:s15+$0x0] =	vst v8  }
0xbe: {  	v10 =	vld [tilespmem:s31+$0x0];
	_ =	sdelay $0x3  }
0xbf: {  	s14 =	smov.u32 s4;
	v9 =	vimm.f32 $-1.000000020e+30;
	v8 =	vimm.s32 $0x0;
	s15 =	simm.s32 $0x40  }
.LBB2_15:
0xc0: {  	s16 =	sshra.s32 s15, $0x2;
	p0 =	sne.s32 s15, $0x63C0;
	s15 =	sadd.s32 $0x40, s15;
	v11 =	vor.u32 s14, v7;
	vm0 =	vgt.f32 v10, v9  }
.Ltmp7:
0xc1: {  	v9 =	vsel vm0, v10, v9;
	v10 =	vld [tilespmem:s16+$0x0];
	v8 =	vsel vm0, v11, v8;
	(pc) =	sbr.rel @p0 .LBB2_15-.Ltmp7, $2  }
0xc2: {  	_ =	sdelay $0x2  }
0xc3: {  	s14 =	sadd.s32 $0x10, s14  }
0xc4: {  	vm0 =	vgt.f32 v10, v9  }
0xc5: {  	v9 =	vsel vm0, v10, v9  }
0xc6: {  	(xrf0) =	vmax.scan.msk.f32 $0xffff, v9;
	_ =	sdelay $0x5  }
0xc7: {  	v10, _, _ =	vpop (xrf0)  }
0xc8: {  	v11 =	vor.u32 s14, v7;
	v7 =	vbroadcast v10, $0xF  }
0xc9: {  	v8 =	vsel vm0, v11, v8  }
0xca: {  	v8 =	vxor.u32 $0x80000000, v8;
	vm14 =	veq.f32 v9, v7  }
0xcb: {  	v8 =	vnsel vm14, $0xFFFFFFFF, v8  }
0xcc: {  	(xrf0) =	vmin.scan.msk.u32 $0xffff, v8;
	_ =	sdelay $0x5  }
0xcd: {  	v8, _, _ =	vpop (xrf0)  }
0xce: {  	(v2sf) =	vpush v8, $0xF;
	_ =	sdelay $0xe  }
0xcf: {  	s15 =	spop (v2sf)  }
0xd0: {  	s14 =	sxor.u32 $0x80000000, s15  }
0xd1: {  	s16 =	ssub.s32 s14, s4  }
0xd2: {  	s16 =	sand.u32 $0xFFFFFFF0, s16  }
0xd3: {  	v9 =	vld [tilespmem:s16+$0x0];
	_ =	sdelay $0x1  }
0xd4: {  	s15 =	sand.u32 $0xF, s15  }
0xd5: {  	v8 =	vlaneseq.u32;
	v10 =	vmov s15  }
0xd6: {  	vm15 =	veq.s32 v10, v8  }
0xd7: {  	v9 =	vsel vm15, $0xF149F2CA, v9  }
0xd8: {  	s31 =	simm.s32 $0x0;
	[tilespmem:s16+$0x0] =	vst v9  }
0xd9: {  	v11 =	vld [tilespmem:s31+$0x0];
	_ =	sdelay $0x3  }
0xda: {  	s15 =	smov.u32 s4;
	v10 =	vimm.f32 $-1.000000020e+30;
	v9 =	vimm.s32 $0x0;
	s16 =	simm.s32 $0x40  }
.LBB2_17:
0xdb: {  	s17 =	sshra.s32 s16, $0x2;
	p0 =	sne.s32 s16, $0x63C0;
	s16 =	sadd.s32 $0x40, s16;
	v12 =	vor.u32 s15, v8;
	vm0 =	vgt.f32 v11, v10  }
.Ltmp8:
0xdc: {  	v10 =	vsel vm0, v11, v10;
	v11 =	vld [tilespmem:s17+$0x0];
	v9 =	vsel vm0, v12, v9;
	(pc) =	sbr.rel @p0 .LBB2_17-.Ltmp8, $2  }
0xdd: {  	_ =	sdelay $0x2  }
0xde: {  	s15 =	sadd.s32 $0x10, s15  }
0xdf: {  	vm0 =	vgt.f32 v11, v10  }
0xe0: {  	v10 =	vsel vm0, v11, v10  }
0xe1: {  	(xrf0) =	vmax.scan.msk.f32 $0xffff, v10;
	_ =	sdelay $0x5  }
0xe2: {  	v11, _, _ =	vpop (xrf0)  }
0xe3: {  	v12 =	vor.u32 s15, v8;
	v8 =	vbroadcast v11, $0xF  }
0xe4: {  	v9 =	vsel vm0, v12, v9  }
0xe5: {  	v9 =	vxor.u32 $0x80000000, v9;
	vm14 =	veq.f32 v10, v8  }
0xe6: {  	v9 =	vnsel vm14, $0xFFFFFFFF, v9  }
0xe7: {  	(xrf0) =	vmin.scan.msk.u32 $0xffff, v9;
	_ =	sdelay $0x5  }
0xe8: {  	v9, _, _ =	vpop (xrf0)  }
0xe9: {  	(v2sf) =	vpush v9, $0xF;
	_ =	sdelay $0xe  }
0xea: {  	s16 =	spop (v2sf)  }
0xeb: {  	s15 =	sxor.u32 $0x80000000, s16  }
0xec: {  	s17 =	ssub.s32 s15, s4  }
0xed: {  	s17 =	sand.u32 $0xFFFFFFF0, s17  }
0xee: {  	v10 =	vld [tilespmem:s17+$0x0];
	_ =	sdelay $0x1  }
0xef: {  	s16 =	sand.u32 $0xF, s16  }
0xf0: {  	v9 =	vlaneseq.u32;
	v11 =	vmov s16  }
0xf1: {  	vm15 =	veq.s32 v11, v9  }
0xf2: {  	v10 =	vsel vm15, $0xF149F2CA, v10  }
0xf3: {  	s31 =	simm.s32 $0x0;
	[tilespmem:s17+$0x0] =	vst v10  }
0xf4: {  	v12 =	vld [tilespmem:s31+$0x0];
	_ =	sdelay $0x3  }
0xf5: {  	s16 =	smov.u32 s4;
	v11 =	vimm.f32 $-1.000000020e+30;
	v10 =	vimm.s32 $0x0;
	s17 =	simm.s32 $0x40  }
.LBB2_19:
0xf6: {  	s18 =	sshra.s32 s17, $0x2;
	p0 =	sne.s32 s17, $0x63C0;
	s17 =	sadd.s32 $0x40, s17;
	v13 =	vor.u32 s16, v9;
	vm0 =	vgt.f32 v12, v11  }
.Ltmp9:
0xf7: {  	v11 =	vsel vm0, v12, v11;
	v12 =	vld [tilespmem:s18+$0x0];
	v10 =	vsel vm0, v13, v10;
	(pc) =	sbr.rel @p0 .LBB2_19-.Ltmp9, $2  }
0xf8: {  	_ =	sdelay $0x2  }
0xf9: {  	s16 =	sadd.s32 $0x10, s16  }
0xfa: {  	vm0 =	vgt.f32 v12, v11  }
0xfb: {  	v11 =	vsel vm0, v12, v11  }
0xfc: {  	(xrf0) =	vmax.scan.msk.f32 $0xffff, v11;
	_ =	sdelay $0x5  }
0xfd: {  	v12, _, _ =	vpop (xrf0)  }
0xfe: {  	v13 =	vor.u32 s16, v9;
	v9 =	vbroadcast v12, $0xF  }
0xff: {  	v10 =	vsel vm0, v13, v10  }
0x100: {  	v10 =	vxor.u32 $0x80000000, v10;
	vm14 =	veq.f32 v11, v9  }
0x101: {  	v10 =	vnsel vm14, $0xFFFFFFFF, v10  }
0x102: {  	(xrf0) =	vmin.scan.msk.u32 $0xffff, v10;
	_ =	sdelay $0x5  }
0x103: {  	v10, _, _ =	vpop (xrf0)  }
0x104: {  	(v2sf) =	vpush v10, $0xF;
	_ =	sdelay $0xe  }
0x105: {  	s17 =	spop (v2sf)  }
0x106: {  	s16 =	sxor.u32 $0x80000000, s17  }
0x107: {  	s18 =	ssub.s32 s16, s4  }
0x108: {  	s18 =	sand.u32 $0xFFFFFFF0, s18  }
0x109: {  	v11 =	vld [tilespmem:s18+$0x0];
	_ =	sdelay $0x1  }
0x10a: {  	s17 =	sand.u32 $0xF, s17  }
0x10b: {  	v10 =	vlaneseq.u32;
	v12 =	vmov s17  }
0x10c: {  	vm15 =	veq.s32 v12, v10  }
0x10d: {  	v11 =	vsel vm15, $0xF149F2CA, v11  }
0x10e: {  	s31 =	simm.s32 $0x0;
	[tilespmem:s18+$0x0] =	vst v11  }
0x10f: {  	v13 =	vld [tilespmem:s31+$0x0];
	_ =	sdelay $0x3  }
0x110: {  	s17 =	smov.u32 s4;
	v12 =	vimm.f32 $-1.000000020e+30;
	v11 =	vimm.s32 $0x0;
	s18 =	simm.s32 $0x40  }
.LBB2_21:
0x111: {  	s19 =	sshra.s32 s18, $0x2;
	p0 =	sne.s32 s18, $0x63C0;
	s18 =	sadd.s32 $0x40, s18;
	v14 =	vor.u32 s17, v10;
	vm0 =	vgt.f32 v13, v12  }
.Ltmp10:
0x112: {  	v12 =	vsel vm0, v13, v12;
	v13 =	vld [tilespmem:s19+$0x0];
	v11 =	vsel vm0, v14, v11;
	(pc) =	sbr.rel @p0 .LBB2_21-.Ltmp10, $2  }
0x113: {  	_ =	sdelay $0x2  }
0x114: {  	s17 =	sadd.s32 $0x10, s17  }
0x115: {  	vm0 =	vgt.f32 v13, v12  }
0x116: {  	v12 =	vsel vm0, v13, v12  }
0x117: {  	(xrf0) =	vmax.scan.msk.f32 $0xffff, v12;
	_ =	sdelay $0x5  }
0x118: {  	v13, _, _ =	vpop (xrf0)  }
0x119: {  	v14 =	vor.u32 s17, v10;
	v10 =	vbroadcast v13, $0xF  }
0x11a: {  	v11 =	vsel vm0, v14, v11  }
0x11b: {  	v11 =	vxor.u32 $0x80000000, v11;
	vm14 =	veq.f32 v12, v10  }
0x11c: {  	v11 =	vnsel vm14, $0xFFFFFFFF, v11  }
0x11d: {  	(xrf0) =	vmin.scan.msk.u32 $0xffff, v11;
	_ =	sdelay $0x5  }
0x11e: {  	v11, _, _ =	vpop (xrf0)  }
0x11f: {  	(v2sf) =	vpush v11, $0xF;
	_ =	sdelay $0xe  }
0x120: {  	s18 =	spop (v2sf)  }
0x121: {  	s17 =	sxor.u32 $0x80000000, s18  }
0x122: {  	s19 =	ssub.s32 s17, s4  }
0x123: {  	s19 =	sand.u32 $0xFFFFFFF0, s19  }
0x124: {  	v12 =	vld [tilespmem:s19+$0x0];
	_ =	sdelay $0x1  }
0x125: {  	s18 =	sand.u32 $0xF, s18  }
0x126: {  	v11 =	vlaneseq.u32;
	v13 =	vmov s18  }
0x127: {  	vm15 =	veq.s32 v13, v11  }
0x128: {  	v12 =	vsel vm15, $0xF149F2CA, v12  }
0x129: {  	s31 =	simm.s32 $0x0;
	[tilespmem:s19+$0x0] =	vst v12  }
0x12a: {  	v14 =	vld [tilespmem:s31+$0x0];
	_ =	sdelay $0x3  }
0x12b: {  	s18 =	smov.u32 s4;
	v13 =	vimm.f32 $-1.000000020e+30;
	v12 =	vimm.s32 $0x0;
	s19 =	simm.s32 $0x40  }
.LBB2_23:
0x12c: {  	s20 =	sshra.s32 s19, $0x2;
	p0 =	sne.s32 s19, $0x63C0;
	s19 =	sadd.s32 $0x40, s19;
	v15 =	vor.u32 s18, v11;
	vm0 =	vgt.f32 v14, v13  }
.Ltmp11:
0x12d: {  	v13 =	vsel vm0, v14, v13;
	v14 =	vld [tilespmem:s20+$0x0];
	v12 =	vsel vm0, v15, v12;
	(pc) =	sbr.rel @p0 .LBB2_23-.Ltmp11, $2  }
0x12e: {  	_ =	sdelay $0x2  }
0x12f: {  	s18 =	sadd.s32 $0x10, s18  }
0x130: {  	vm0 =	vgt.f32 v14, v13  }
0x131: {  	v13 =	vsel vm0, v14, v13  }
0x132: {  	(xrf0) =	vmax.scan.msk.f32 $0xffff, v13;
	_ =	sdelay $0x5  }
0x133: {  	v59, _, _ =	vpop (xrf0)  }
0x134: {  	v11 =	vor.u32 s18, v11;
	v14 =	vbroadcast v59, $0xF  }
0x135: {  	v11 =	vsel vm0, v11, v12  }
0x136: {  	v11 =	vxor.u32 $0x80000000, v11;
	vm12 =	veq.f32 v13, v14  }
0x137: {  	v11 =	vnsel vm12, $0xFFFFFFFF, v11  }
0x138: {  	(xrf0) =	vmin.scan.msk.u32 $0xffff, v11;
	_ =	sdelay $0x5  }
0x139: {  	v11, _, _ =	vpop (xrf0)  }
0x13a: {  	(v2sf) =	vpush v11, $0xF;
	_ =	sdelay $0xa  }
0x13b: {  	vm11 =	vmmov $0x1;
	vm13 =	vcmask $0x328  }
0x13c: {  	vm14 =	vcmask $0x728;
	vm15 =	vcmask $0xB28;
	vm1 =	vcmask $0xF28  }
0x13d: {  	v60 =	vmov s5;
	vm4 =	vcmask $0x300;
	vm5 =	vcmask $0x704  }
0x13e: {  	vm6 =	vcmask $0x1328;
	vm7 =	vcmask $0xB08;
	v0 =	vnsel vm11, $0xF149F2CA, v0  }
0x13f: {  	v33 =	vlaneseq.u32;
	v0 =	vsel vm13, v0, v3;
	v3 =	vnsel vm4, $0x0, v60;
	s23 =	spop (v2sf)  }
0x140: {  	vm13 =	vcmask $0x1728;
	vm4 =	vcmask $0x1B28;
	v0 =	vsel vm14, v0, v4;
	s24 =	sxor.u32 $0x80000000, s23  }
0x141: {  	v3 =	vsel vm5, s10, v3;
	vm14 =	vcmask $0x1310;
	vm5 =	vcmask $0x1B18;
	s4 =	ssub.s32 s24, s4  }
0x142: {  	v0 =	vsel vm15, v0, v5;
	v3 =	vsel vm7, s11, v3;
	vm15 =	vcmask $0x1714;
	s4 =	sand.u32 $0xFFFFFFF0, s4  }
0x143: {  	vm7 =	vcmask $0x1F1C;
	v0 =	vsel vm1, v0, v6;
	vm12 =	vcmask $0xF0C;
	v61 =	vld [tilespmem:s4+$0x0]  }
0x144: {  	v0 =	vsel vm6, v0, v7;
	vm6 =	vcmask $0x1F28;
	v3 =	vsel vm12, s12, v3  }
0x145: {  	v0 =	vsel vm13, v0, v8;
	vm13 =	vcmask $0x2328;
	v3 =	vsel vm14, s13, v3;
	s5 =	sand.u32 $0xF, s23  }
0x146: {  	v62 =	vsel vm4, v0, v9;
	v3 =	vsel vm15, s14, v3;
	v63 =	vmov s5  }
0x147: {  	v5 =	vsel vm6, v62, v10;
	v3 =	vsel vm5, s15, v3;
	vm12 =	veq.s32 v63, v33  }
0x148: {  	vm14 =	vcmask $0x2320;
	v3 =	vsel vm7, s16, v3;
	v4 =	vsel vm12, $0xF149F2CA, v61  }
0x149: {  	v5 =	vsel vm13, v5, v14;
	vm15 =	vcmask $0x2724;
	v3 =	vsel vm14, s17, v3;
	[tilespmem:s4+$0x0] =	vst v4  }
0x14a: {  	v3 =	vsel vm15, s24, v3;
	[tilespmem:$0x1900] =	vst v5  }
0x14b: {  	[tilespmem:$0x1910] =	vst v3  }
0x14c: {  	s25 =	sshll.u32 s9, $0x4;
	[tilespmem:$0x1920] =	vst v1  }
0x14d: {  	s28 =	simm.s32 $0x1900;
	s26 =	sadd.s32 s25, s8;
	s4 =	simm.s32 $0x2;
	[tilespmem:$0x1930] =	vst v2  }
0x14e: {  	[spmem:s26] =	stream.linear.scatter [tilespmem:s28], [sflag:$0x2], $0x10, $0x38;
	[tilespmem:$0x1E90] =	vst v63  }
0x14f: {  	_ =	swait.ge [sflag:s4], $0x10  }
0x150: {  	[sflag:s4] =	ssyncset.done $0x0  }
0x151: {  	s29 =	sadd.s32 s25, s7;
	s5 =	simm.s32 $0x1910;
	[sflag:s4] =	ssyncadd.s32 $0xFFFFFFF0  }
0x152: {  	[spmem:s29] =	stream.linear.scatter [tilespmem:s5], [sflag:$0x2], $0x10, $0x38;
	[tilespmem:$0x1E90] =	vst v63  }
0x153: {  	_ =	swait.ge [sflag:s4], $0x10  }
0x154: {  	s30 =	sshll.u32 s9, $0x5;
	[sflag:s4] =	ssyncset.done $0x0  }
0x155: {  	s31 =	simm.s32 $0x1920;
	s10 =	sadd.s32 s30, s6;
	[sflag:s4] =	ssyncadd.s32 $0xFFFFFFF0  }
0x156: {  	[spmem:s10] =	stream.linear.scatter [tilespmem:s31], [sflag:$0x2], $0x20, $0x38;
	[tilespmem:$0x1E90] =	vst v63  }
0x157: {  	_ =	swait.ge [sflag:s4], $0x20  }
0x158: {  	[sflag:s4] =	ssyncset.done $0x0  }
0x159: {  	[sflag:s4] =	ssyncadd.s32 $0xFFFFFFE0  }
0x15a: {  	p0 =	sne.s32 s9, $0x0;
	[bflag:$0x0] =	sbarrier.arrive $0xFFFF  }
0x15b: {  	_ =	sfence.sel @p0 $0x180000  }
0x15c: {  	[bflag:$0x0] =	sbarrier.arrive @p0 $0xFFFF  }
0x15d: {  	_ =	strace @p0 $0x90000047  }
0x15e: {  	[bflag:$0x2] =	sbarrier.arrive @p0 $0xFFFF  }
0x15f: {  	_ =	shalt @p0  }
.LBB2_25:
0x160: {  	s9 =	simm.s32 $0x1940  }
0x161: {  	[tilespmem:s9], [sflag:$0x2] =	stream.linear.gather [spmem:s8], $0x100, $0x38;
	[tilespmem:$0x1E90] =	vst v63  }
0x162: {  	_ =	swait.ge [sflag:s4], $0x100  }
0x163: {  	[sflag:s4] =	ssyncset.done $0x0  }
0x164: {  	s21 =	simm.s32 $0x1A40;
	[sflag:s4] =	ssyncadd.s32 $0xFFFFFF00  }
0x165: {  	[tilespmem:s21], [sflag:$0x2] =	stream.linear.gather [spmem:s7], $0x100, $0x38;
	[tilespmem:$0x1E90] =	vst v63  }
0x166: {  	_ =	swait.ge [sflag:s4], $0x100  }
0x167: {  	[sflag:s4] =	ssyncset.done $0x0  }
0x168: {  	s22 =	simm.s32 $0x1B40;
	[sflag:s4] =	ssyncadd.s32 $0xFFFFFF00  }
0x169: {  	[tilespmem:s22], [sflag:$0x2] =	stream.linear.gather [spmem:s6], $0x200, $0x38;
	[tilespmem:$0x1E90] =	vst v63  }
0x16a: {  	_ =	swait.ge [sflag:s4], $0x200  }
0x16b: {  	[sflag:s4] =	ssyncset.done $0x0  }
0x16c: {  	[sflag:s4] =	ssyncadd.s32 $0xFFFFFE00  }
0x16d: {  	v13 =	vld [tilespmem:$0x1B40]  }
0x16e: {  	v16 =	vld [tilespmem:$0x1B60]  }
0x16f: {  	v17 =	vld [tilespmem:$0x1B80]  }
0x170: {  	v15 =	vld [tilespmem:$0x1BA0]  }
0x171: {  	v14 =	vld [tilespmem:$0x1BC0]  }
0x172: {  	v12 =	vld [tilespmem:$0x1BE0];
	v1 =	vmax.f32 v13, $-1.000000020e+30  }
0x173: {  	v11 =	vld [tilespmem:$0x1C00];
	v1 =	vmax.f32 v1, v16  }
0x174: {  	v10 =	vld [tilespmem:$0x1C20];
	v1 =	vmax.f32 v1, v17  }
0x175: {  	v9 =	vld [tilespmem:$0x1C40];
	v1 =	vmax.f32 v1, v15  }
0x176: {  	v8 =	vld [tilespmem:$0x1C60];
	v1 =	vmax.f32 v1, v14  }
0x177: {  	v7 =	vld [tilespmem:$0x1C80];
	v1 =	vmax.f32 v1, v12  }
0x178: {  	v6 =	vld [tilespmem:$0x1CA0];
	v1 =	vmax.f32 v1, v11  }
0x179: {  	v5 =	vld [tilespmem:$0x1CC0];
	v1 =	vmax.f32 v1, v10  }
0x17a: {  	v4 =	vld [tilespmem:$0x1CE0];
	v1 =	vmax.f32 v1, v9  }
0x17b: {  	v3 =	vld [tilespmem:$0x1D00];
	v1 =	vmax.f32 v1, v8  }
0x17c: {  	v2 =	vld [tilespmem:$0x1D20];
	v1 =	vmax.f32 v1, v7  }
0x17d: {  	v1 =	vmax.f32 v1, v6  }
0x17e: {  	v1 =	vmax.f32 v1, v5  }
0x17f: {  	v1 =	vmax.f32 v1, v4  }
0x180: {  	v58 =	vld [tilespmem:$0x1940];
	v1 =	vmax.f32 v1, v3  }
0x181: {  	v1 =	vmax.f32 v1, v2  }
0x182: {  	v22 =	vld [tilespmem:$0x1950];
	v13 =	vsub.f32 v13, v1;
	_ =	sdelay $0x1  }
0x183: {  	v23 =	vld [tilespmem:$0x1960];
	v13 =	vmul.f32 $1.442695020e+00, v13  }
0x184: {  	vm0 =	vgt.f32 v58, $-1.000000020e+30  }
0x185: {  	v24 =	vld [tilespmem:$0x1970];
	(erf) = vpow2.f32 v13;
	v13 =	vnsel vm0, $0xF149F2CA, v58  }
0x186: {  	v0 =	vld [tilespmem:$0x1B50];
	vm1 =	vgt.f32 v22, v13  }
0x187: {  	v61 =	vld [tilespmem:$0x1980];
	v13 =	vsel vm1, v22, v13  }
0x188: {  	vm2 =	vgt.f32 v23, v13  }
0x189: {  	v62 =	vld [tilespmem:$0x1990];
	v13 =	vsel vm2, v23, v13  }
0x18a: {  	v59 =	vimm.s32 $0x0;
	v60 =	vimm.s32 $0x0;
	vm3 =	vgt.f32 v24, v13  }
0x18b: {  	v63 =	vld [tilespmem:$0x19A0];
	[tilespmem:$0x1FF90] =	vst v0;
	v0 =	vsel vm0, $0xFFFFFFFF, v59;
	v16 =	vsub.f32 v16, v1;
	v13 =	vsel vm3, v24, v13  }
0x18c: {  	[tilespmem:$0x1FE70] =	vst v0;
	v0 =	vsel vm1, $0xFFFFFFFF, v60;
	vm4 =	vgt.f32 v61, v13  }
0x18d: {  	v16 =	vmul.f32 $1.442695020e+00, v16;
	[tilespmem:$0x1FE80] =	vst v0;
	v0 =	vld [tilespmem:$0x19B0];
	v13 =	vsel vm4, v61, v13  }
0x18e: {  	vm5 =	vgt.f32 v62, v13  }
0x18f: {  	(erf) = vpow2.f32 v16;
	v16 =	vld [tilespmem:$0x19C0];
	v13 =	vsel vm5, v62, v13  }
0x190: {  	vm6 =	vgt.f32 v63, v13  }
0x191: {  	v18 =	vld [tilespmem:$0x19D0];
	v13 =	vsel vm6, v63, v13  }
0x192: {  	v25 =	vld [tilespmem:$0x1A40];
	vm7 =	vgt.f32 v0, v13  }
0x193: {  	v19 =	vld [tilespmem:$0x19E0];
	v13 =	vsel vm7, v0, v13  }
0x194: {  	v26 =	vld [tilespmem:$0x1A50];
	vm8 =	vgt.f32 v16, v13  }
0x195: {  	v32 =	vld [tilespmem:$0x19F0];
	v13 =	vsel vm8, v16, v13  }
0x196: {  	v27 =	vld [tilespmem:$0x1A60];
	vm9 =	vgt.f32 v18, v13  }
0x197: {  	v34 =	vld [tilespmem:$0x1A00];
	v13 =	vsel vm9, v18, v13  }
0x198: {  	v28 =	vld [tilespmem:$0x1A70];
	vm10 =	vgt.f32 v19, v13  }
0x199: {  	v36 =	vimm.s32 $0x0;
	v35 =	vld [tilespmem:$0x1A10];
	v13 =	vsel vm10, v19, v13  }
0x19a: {  	v29 =	vld [tilespmem:$0x1A80];
	v0 =	vsel vm11, $0xFFFFFFFF, v36;
	vm11 =	vgt.f32 v32, v13  }
0x19b: {  	v37 =	vld [tilespmem:$0x1A20];
	v13 =	vsel vm11, v32, v13  }
0x19c: {  	v30 =	vld [tilespmem:$0x1A90];
	vm12 =	vgt.f32 v34, v13  }
0x19d: {  	v38 =	vld [tilespmem:$0x1A30];
	v25 =	vnsel vm0, $0x0, v25;
	v13 =	vsel vm12, v34, v13  }
0x19e: {  	v39 =	vld [tilespmem:$0x1AA0];
	v25 =	vsel vm1, v26, v25;
	vm13 =	vgt.f32 v35, v13  }
0x19f: {  	v40 =	vld [tilespmem:$0x1AB0];
	v25 =	vsel vm2, v27, v25;
	v13 =	vsel vm13, v35, v13  }
0x1a0: {  	v42 =	vld [tilespmem:$0x1AC0];
	v41 =	vsel vm3, v28, v25;
	vm14 =	vgt.f32 v37, v13  }
0x1a1: {  	v43 =	vld [tilespmem:$0x1AD0];
	v22 =	vsel vm4, v29, v41;
	v13 =	vsel vm14, v37, v13  }
0x1a2: {  	v44 =	vld [tilespmem:$0x1AE0];
	v22 =	vsel vm5, v30, v22;
	vm15 =	vgt.f32 v38, v13  }
0x1a3: {  	v45 =	vld [tilespmem:$0x1AF0];
	v22 =	vsel vm6, v39, v22;
	v24 =	vsel vm15, v38, v13  }
0x1a4: {  	v47 =	vld [tilespmem:$0x1B00];
	v46 =	vsel vm7, v40, v22;
	(xrf0) =	vmax.scan.msk.f32 $0xffff, v24  }
0x1a5: {  	v48 =	vld [tilespmem:$0x1B10];
	v13 =	vsel vm8, v42, v46  }
0x1a6: {  	v49 =	vld [tilespmem:$0x1B20];
	v13 =	vsel vm9, v43, v13  }
0x1a7: {  	v50 =	vld [tilespmem:$0x1B30];
	v13 =	vsel vm10, v44, v13  }
0x1a8: {  	v13 =	vsel vm11, v45, v13  }
0x1a9: {  	v13 =	vsel vm12, v47, v13  }
0x1aa: {  	v13 =	vsel vm13, v48, v13;
	v51, _, _ =	vpop (xrf0)  }
0x1ab: {  	v25 =	vsel vm14, v49, v13;
	v13 =	vbroadcast v51, $0xF  }
0x1ac: {  	v23 =	vsel vm15, v50, v25  }
0x1ad: {  	v52 =	vxor.u32 $0x80000000, v23;
	vm0 =	veq.f32 v24, v13  }
0x1ae: {  	v22 =	vnsel vm0, $0xFFFFFFFF, v52  }
0x1af: {  	v55 =	vld [tilespmem:$0x1B70];
	(xrf0) =	vmin.scan.msk.u32 $0xffff, v22;
	_ =	sdelay $0x3  }
0x1b0: {  	v53 =	vld [tilespmem:$0x1FE70]  }
0x1b1: {  	[tilespmem:$0x1FFB0] =	vst v55;
	v55 =	vld [tilespmem:$0x1FE80]  }
0x1b2: {  	v22, _, _ =	vpop (xrf0)  }
0x1b3: {  	(v2sf) =	vpush v22, $0xF;
	_ =	sdelay $0x1  }
0x1b4: {  	vm1 =	vnez.u8 v53;
	v54 =	vpop (erf);
	v44 =	vor.u32 $0x80000000, v33  }
0x1b5: {  	[tilespmem:$0x1FFA0] =	vst v54;
	v42 =	vor.u32 $0x80000010, v33;
	v54 =	vnsel vm1, $0x80000000, v44;
	vm1 =	vnez.u8 v55  }
0x1b6: {  	v39 =	vor.u32 $0x80000020, v33;
	v22 =	vsel vm1, v42, v54  }
0x1b7: {  	v37 =	vor.u32 $0x80000030, v33;
	v22 =	vsel vm2, v39, v22  }
0x1b8: {  	v36 =	vor.u32 $0x80000040, v33;
	v22 =	vsel vm3, v37, v22  }
0x1b9: {  	v34 =	vor.u32 $0x80000050, v33;
	v22 =	vsel vm4, v36, v22  }
0x1ba: {  	v31 =	vor.u32 $0x80000060, v33;
	v22 =	vsel vm5, v34, v22  }
0x1bb: {  	v30 =	vor.u32 $0x80000070, v33;
	v22 =	vsel vm6, v31, v22  }
0x1bc: {  	v29 =	vor.u32 $0x80000080, v33;
	v22 =	vsel vm7, v30, v22  }
0x1bd: {  	v28 =	vor.u32 $0x80000090, v33;
	v22 =	vsel vm8, v29, v22  }
0x1be: {  	v27 =	vor.u32 $0x800000A0, v33;
	v22 =	vsel vm9, v28, v22  }
0x1bf: {  	v25 =	vor.u32 $0x800000B0, v33;
	v22 =	vsel vm10, v27, v22  }
0x1c0: {  	v24 =	vor.u32 $0x800000C0, v33;
	v22 =	vsel vm11, v25, v22  }
0x1c1: {  	v26 =	vor.u32 $0x800000D0, v33;
	v22 =	vsel vm12, v24, v22;
	s23 =	spop (v2sf)  }
0x1c2: {  	v32 =	vsel vm13, v26, v22;
	v22 =	vor.u32 $0x800000E0, v33;
	s6 =	sxor.u32 $0x80000000, s23  }
0x1c3: {  	v32 =	vsel vm14, v22, v32;
	vm13 =	veq.s32 v23, s6;
	v23 =	vor.u32 $0x800000F0, v33  }
0x1c4: {  	v57 =	vld [tilespmem:$0x1B90];
	vm0 =	vmand vm0, vm13;
	v32 =	vsel vm15, v23, v32  }
0x1c5: {  	v32 =	vnsel vm0, $0xFFFFFFFF, v32  }
0x1c6: {  	(xrf0) =	vmin.scan.msk.u32 $0xffff, v32;
	_ =	sdelay $0x2  }
0x1c7: {  	[tilespmem:$0x1FFD0] =	vst v57;
	v56 =	vpop (erf)  }
0x1c8: {  	[tilespmem:$0x1FFC0] =	vst v56  }
0x1c9: {  	[tilespmem:$0x1FFF0] =	vst v0  }
0x1ca: {  	v32, _, _ =	vpop (xrf0)  }
0x1cb: {  	(v2sf) =	vpush v32, $0xF;
	_ =	sdelay $0xa  }
0x1cc: {  	v50 =	vld [tilespmem:$0x1BB0]  }
0x1cd: {  	v49 =	vld [tilespmem:$0x1BD0]  }
0x1ce: {  	v48 =	vld [tilespmem:$0x1BF0]  }
0x1cf: {  	v47 =	vld [tilespmem:$0x1C10]  }
0x1d0: {  	v46 =	vld [tilespmem:$0x1C30];
	s24 =	spop (v2sf)  }
0x1d1: {  	v45 =	vld [tilespmem:$0x1C50];
	s25 =	sand.u32 $0xFFFFFFF0, s24  }
0x1d2: {  	v43 =	vld [tilespmem:$0x1C70];
	s8 =	sadd.s32 $0x80001940, s25  }
0x1d3: {  	v51 =	vld [tilespmem:s8+$0x0]  }
0x1d4: {  	v41 =	vld [tilespmem:$0x1C90]  }
0x1d5: {  	v40 =	vld [tilespmem:$0x1CB0];
	s7 =	sand.u32 $0xF, s24  }
0x1d6: {  	v38 =	vld [tilespmem:$0x1CD0];
	v56 =	vmov s7  }
0x1d7: {  	v35 =	vld [tilespmem:$0x1CF0];
	vm4 =	veq.s32 v56, v33  }
0x1d8: {  	v16 =	vld [tilespmem:$0x1D10];
	v51 =	vsel vm4, $0xF149F2CA, v51  }
0x1d9: {  	v32 =	vld [tilespmem:$0x1D30];
	[tilespmem:s8+$0x0] =	vst v51  }
0x1da: {  	v51 =	vld [tilespmem:$0x1940];
	_ =	sdelay $0x1  }
0x1db: {  	v52 =	vld [tilespmem:$0x1950];
	_ =	sdelay $0x1  }
0x1dc: {  	v53 =	vld [tilespmem:$0x1960]  }
0x1dd: {  	vm0 =	vgt.f32 v51, $-1.000000020e+30  }
0x1de: {  	v54 =	vld [tilespmem:$0x1970];
	v51 =	vnsel vm0, $0xF149F2CA, v51  }
0x1df: {  	vm1 =	vgt.f32 v52, v51  }
0x1e0: {  	v59 =	vld [tilespmem:$0x1980];
	v51 =	vsel vm1, v52, v51  }
0x1e1: {  	vm2 =	vgt.f32 v53, v51  }
0x1e2: {  	v60 =	vld [tilespmem:$0x1990];
	v51 =	vsel vm2, v53, v51  }
0x1e3: {  	vm3 =	vgt.f32 v54, v51  }
0x1e4: {  	v61 =	vld [tilespmem:$0x19A0];
	v51 =	vsel vm3, v54, v51  }
0x1e5: {  	vm4 =	vgt.f32 v59, v51  }
0x1e6: {  	v62 =	vld [tilespmem:$0x19B0];
	v51 =	vsel vm4, v59, v51  }
0x1e7: {  	v57 =	vimm.s32 $0x0;
	vm5 =	vgt.f32 v60, v51  }
0x1e8: {  	v58 =	vimm.s32 $0x0;
	v63 =	vld [tilespmem:$0x19C0];
	v0 =	vsel vm0, $0xFFFFFFFF, v57;
	v51 =	vsel vm5, v60, v51  }
0x1e9: {  	[tilespmem:$0x1FE90] =	vst v0;
	v0 =	vsel vm1, $0xFFFFFFFF, v58;
	vm6 =	vgt.f32 v61, v51  }
0x1ea: {  	[tilespmem:$0x1FEA0] =	vst v0;
	v0 =	vld [tilespmem:$0x19D0];
	v51 =	vsel vm6, v61, v51  }
0x1eb: {  	v55 =	vld [tilespmem:$0x1A40];
	vm7 =	vgt.f32 v62, v51  }
0x1ec: {  	v18 =	vld [tilespmem:$0x19E0];
	v51 =	vsel vm7, v62, v51  }
0x1ed: {  	v56 =	vld [tilespmem:$0x1A50];
	vm8 =	vgt.f32 v63, v51  }
0x1ee: {  	v19 =	vld [tilespmem:$0x19F0];
	v51 =	vsel vm8, v63, v51  }
0x1ef: {  	v20 =	vld [tilespmem:$0x1A00];
	vm9 =	vgt.f32 v0, v51  }
0x1f0: {  	v21 =	vld [tilespmem:$0x1A10];
	v51 =	vsel vm9, v0, v51  }
0x1f1: {  	v57 =	vld [tilespmem:$0x1A60];
	vm10 =	vgt.f32 v18, v51  }
0x1f2: {  	v58 =	vld [tilespmem:$0x1A70];
	v51 =	vsel vm10, v18, v51  }
0x1f3: {  	v53 =	vld [tilespmem:$0x1A20];
	vm11 =	vgt.f32 v19, v51  }
0x1f4: {  	v59 =	vld [tilespmem:$0x1A80];
	v51 =	vsel vm11, v19, v51  }
0x1f5: {  	v60 =	vld [tilespmem:$0x1A90];
	vm12 =	vgt.f32 v20, v51  }
0x1f6: {  	v55 =	vnsel vm0, $0x0, v55;
	v63 =	vld [tilespmem:$0x1A30];
	v51 =	vsel vm12, v20, v51  }
0x1f7: {  	v55 =	vsel vm1, v56, v55;
	v0 =	vld [tilespmem:$0x1AA0];
	vm13 =	vgt.f32 v21, v51  }
0x1f8: {  	v55 =	vsel vm2, v57, v55;
	v18 =	vld [tilespmem:$0x1AB0];
	v51 =	vsel vm13, v21, v51  }
0x1f9: {  	v19 =	vsel vm3, v58, v55;
	v20 =	vld [tilespmem:$0x1AC0];
	vm14 =	vgt.f32 v53, v51  }
0x1fa: {  	v52 =	vsel vm4, v59, v19;
	v21 =	vld [tilespmem:$0x1AD0];
	v51 =	vsel vm14, v53, v51  }
0x1fb: {  	v61 =	vld [tilespmem:$0x1AE0];
	v52 =	vsel vm5, v60, v52;
	vm15 =	vgt.f32 v63, v51  }
0x1fc: {  	v62 =	vld [tilespmem:$0x1AF0];
	v52 =	vsel vm6, v0, v52;
	v54 =	vsel vm15, v63, v51  }
0x1fd: {  	v0 =	vld [tilespmem:$0x1B00];
	v63 =	vsel vm7, v18, v52;
	(xrf0) =	vmax.scan.msk.f32 $0xffff, v54  }
0x1fe: {  	v18 =	vld [tilespmem:$0x1B10];
	v51 =	vsel vm8, v20, v63  }
0x1ff: {  	v19 =	vld [tilespmem:$0x1B20];
	v51 =	vsel vm9, v21, v51  }
0x200: {  	v20 =	vld [tilespmem:$0x1B30];
	v51 =	vsel vm10, v61, v51  }
0x201: {  	v51 =	vsel vm11, v62, v51  }
0x202: {  	v51 =	vsel vm12, v0, v51  }
0x203: {  	v51 =	vsel vm13, v18, v51;
	v21, _, _ =	vpop (xrf0)  }
0x204: {  	v55 =	vsel vm14, v19, v51;
	v51 =	vbroadcast v21, $0xF  }
0x205: {  	v58 =	vsel vm15, v20, v55  }
0x206: {  	v53 =	vxor.u32 $0x80000000, v58;
	vm0 =	veq.f32 v54, v51  }
0x207: {  	v53 =	vnsel vm0, $0xFFFFFFFF, v53  }
0x208: {  	(xrf0) =	vmin.scan.msk.u32 $0xffff, v53;
	_ =	sdelay $0x3  }
0x209: {  	v59 =	vld [tilespmem:$0x1FE90]  }
0x20a: {  	v61 =	vld [tilespmem:$0x1FEA0]  }
0x20b: {  	v53, _, _ =	vpop (xrf0)  }
0x20c: {  	(v2sf) =	vpush v53, $0xF;
	_ =	sdelay $0x1  }
0x20d: {  	vm1 =	vnez.u8 v59  }
0x20e: {  	v60 =	vnsel vm1, $0x80000000, v44;
	vm1 =	vnez.u8 v61  }
0x20f: {  	v53 =	vsel vm1, v42, v60  }
0x210: {  	v53 =	vsel vm2, v39, v53  }
0x211: {  	v53 =	vsel vm3, v37, v53  }
0x212: {  	v53 =	vsel vm4, v36, v53  }
0x213: {  	v53 =	vsel vm5, v34, v53  }
0x214: {  	v53 =	vsel vm6, v31, v53  }
0x215: {  	v53 =	vsel vm7, v30, v53  }
0x216: {  	v53 =	vsel vm8, v29, v53  }
0x217: {  	v53 =	vsel vm9, v28, v53  }
0x218: {  	v53 =	vsel vm10, v27, v53  }
0x219: {  	v53 =	vsel vm11, v25, v53  }
0x21a: {  	v53 =	vsel vm12, v24, v53;
	s26 =	spop (v2sf)  }
0x21b: {  	v53 =	vsel vm13, v26, v53;
	s7 =	sxor.u32 $0x80000000, s26  }
0x21c: {  	v62 =	vsel vm14, v22, v53;
	vm5 =	veq.s32 v58, s7  }
0x21d: {  	v52 =	vsel vm15, v23, v62;
	vm0 =	vmand vm0, vm5  }
0x21e: {  	v52 =	vnsel vm0, $0xFFFFFFFF, v52  }
0x21f: {  	(xrf0) =	vmin.scan.msk.u32 $0xffff, v52;
	_ =	sdelay $0x5  }
0x220: {  	v52, _, _ =	vpop (xrf0)  }
0x221: {  	(v2sf) =	vpush v52, $0xF;
	_ =	sdelay $0xe  }
0x222: {  	s28 =	spop (v2sf)  }
0x223: {  	s29 =	sand.u32 $0xFFFFFFF0, s28  }
0x224: {  	s9 =	sadd.s32 $0x80001940, s29  }
0x225: {  	v63 =	vld [tilespmem:s9+$0x0];
	_ =	sdelay $0x1  }
0x226: {  	s8 =	sand.u32 $0xF, s28  }
0x227: {  	v0 =	vmov s8  }
0x228: {  	vm6 =	veq.s32 v0, v33  }
0x229: {  	v52 =	vsel vm6, $0xF149F2CA, v63  }
0x22a: {  	[tilespmem:s9+$0x0] =	vst v52  }
0x22b: {  	v52 =	vld [tilespmem:$0x1940];
	_ =	sdelay $0x1  }
0x22c: {  	v18 =	vld [tilespmem:$0x1950];
	_ =	sdelay $0x1  }
0x22d: {  	v19 =	vld [tilespmem:$0x1960]  }
0x22e: {  	vm0 =	vgt.f32 v52, $-1.000000020e+30  }
0x22f: {  	v21 =	vld [tilespmem:$0x1970];
	v52 =	vnsel vm0, $0xF149F2CA, v52  }
0x230: {  	vm1 =	vgt.f32 v18, v52  }
0x231: {  	v58 =	vld [tilespmem:$0x1980];
	v52 =	vsel vm1, v18, v52  }
0x232: {  	vm2 =	vgt.f32 v19, v52  }
0x233: {  	v59 =	vld [tilespmem:$0x1990];
	v52 =	vsel vm2, v19, v52  }
0x234: {  	vm3 =	vgt.f32 v21, v52  }
0x235: {  	v60 =	vld [tilespmem:$0x19A0];
	v52 =	vsel vm3, v21, v52  }
0x236: {  	vm4 =	vgt.f32 v58, v52  }
0x237: {  	v61 =	vld [tilespmem:$0x19B0];
	v52 =	vsel vm4, v58, v52  }
0x238: {  	vm5 =	vgt.f32 v59, v52  }
0x239: {  	v62 =	vld [tilespmem:$0x19C0];
	v52 =	vsel vm5, v59, v52  }
0x23a: {  	v20 =	vimm.s32 $0x0;
	vm6 =	vgt.f32 v60, v52  }
0x23b: {  	v57 =	vimm.s32 $0x0;
	v63 =	vld [tilespmem:$0x19D0];
	v0 =	vsel vm0, $0xFFFFFFFF, v20;
	v52 =	vsel vm6, v60, v52  }
0x23c: {  	v56 =	vld [tilespmem:$0x1A40];
	[tilespmem:$0x1FEB0] =	vst v0;
	v0 =	vsel vm1, $0xFFFFFFFF, v57;
	vm7 =	vgt.f32 v61, v52  }
0x23d: {  	[tilespmem:$0x1FEC0] =	vst v0;
	v0 =	vld [tilespmem:$0x19E0];
	v52 =	vsel vm7, v61, v52  }
0x23e: {  	v54 =	vld [tilespmem:$0x1A20];
	vm8 =	vgt.f32 v62, v52  }
0x23f: {  	v18 =	vld [tilespmem:$0x19F0];
	v52 =	vsel vm8, v62, v52  }
0x240: {  	v20 =	vld [tilespmem:$0x1A70];
	vm9 =	vgt.f32 v63, v52  }
0x241: {  	v19 =	vld [tilespmem:$0x1A00];
	v52 =	vsel vm9, v63, v52  }
0x242: {  	v57 =	vld [tilespmem:$0x1A50];
	vm10 =	vgt.f32 v0, v52  }
0x243: {  	v21 =	vld [tilespmem:$0x1A10];
	v52 =	vsel vm10, v0, v52  }
0x244: {  	v58 =	vld [tilespmem:$0x1A60];
	vm11 =	vgt.f32 v18, v52  }
0x245: {  	v60 =	vld [tilespmem:$0x1A80];
	v52 =	vsel vm11, v18, v52  }
0x246: {  	v61 =	vld [tilespmem:$0x1A90];
	vm12 =	vgt.f32 v19, v52  }
0x247: {  	v56 =	vnsel vm0, $0x0, v56;
	v0 =	vld [tilespmem:$0x1A30];
	v52 =	vsel vm12, v19, v52  }
0x248: {  	v56 =	vsel vm1, v57, v56;
	v18 =	vld [tilespmem:$0x1AA0];
	vm13 =	vgt.f32 v21, v52  }
0x249: {  	v56 =	vsel vm2, v58, v56;
	v19 =	vld [tilespmem:$0x1AB0];
	v52 =	vsel vm13, v21, v52  }
0x24a: {  	v20 =	vsel vm3, v20, v56;
	v21 =	vld [tilespmem:$0x1AC0];
	vm14 =	vgt.f32 v54, v52  }
0x24b: {  	v53 =	vsel vm4, v60, v20;
	v60 =	vld [tilespmem:$0x1AD0];
	v52 =	vsel vm14, v54, v52  }
0x24c: {  	v53 =	vsel vm5, v61, v53;
	v61 =	vld [tilespmem:$0x1AE0];
	vm15 =	vgt.f32 v0, v52  }
0x24d: {  	v62 =	vld [tilespmem:$0x1AF0];
	v53 =	vsel vm6, v18, v53;
	v55 =	vsel vm15, v0, v52  }
0x24e: {  	v63 =	vsel vm7, v19, v53;
	v0 =	vld [tilespmem:$0x1B00];
	(xrf0) =	vmax.scan.msk.f32 $0xffff, v55  }
0x24f: {  	v18 =	vld [tilespmem:$0x1B10];
	v52 =	vsel vm8, v21, v63  }
0x250: {  	v19 =	vld [tilespmem:$0x1B20];
	v52 =	vsel vm9, v60, v52  }
0x251: {  	v20 =	vld [tilespmem:$0x1B30];
	v52 =	vsel vm10, v61, v52  }
0x252: {  	v52 =	vsel vm11, v62, v52  }
0x253: {  	v52 =	vsel vm12, v0, v52  }
0x254: {  	v52 =	vsel vm13, v18, v52;
	v21, _, _ =	vpop (xrf0)  }
0x255: {  	v56 =	vsel vm14, v19, v52;
	v52 =	vbroadcast v21, $0xF  }
0x256: {  	v60 =	vsel vm15, v20, v56  }
0x257: {  	v54 =	vxor.u32 $0x80000000, v60;
	vm0 =	veq.f32 v55, v52  }
0x258: {  	v54 =	vnsel vm0, $0xFFFFFFFF, v54  }
0x259: {  	(xrf0) =	vmin.scan.msk.u32 $0xffff, v54;
	_ =	sdelay $0x3  }
0x25a: {  	v61 =	vld [tilespmem:$0x1FEB0]  }
0x25b: {  	v63 =	vld [tilespmem:$0x1FEC0]  }
0x25c: {  	v54, _, _ =	vpop (xrf0)  }
0x25d: {  	(v2sf) =	vpush v54, $0xF;
	_ =	sdelay $0x1  }
0x25e: {  	vm1 =	vnez.u8 v61  }
0x25f: {  	v62 =	vnsel vm1, $0x80000000, v44;
	vm1 =	vnez.u8 v63  }
0x260: {  	v54 =	vsel vm1, v42, v62  }
0x261: {  	v54 =	vsel vm2, v39, v54  }
0x262: {  	v54 =	vsel vm3, v37, v54  }
0x263: {  	v54 =	vsel vm4, v36, v54  }
0x264: {  	v54 =	vsel vm5, v34, v54  }
0x265: {  	v54 =	vsel vm6, v31, v54  }
0x266: {  	v54 =	vsel vm7, v30, v54  }
0x267: {  	v54 =	vsel vm8, v29, v54  }
0x268: {  	v54 =	vsel vm9, v28, v54  }
0x269: {  	v54 =	vsel vm10, v27, v54  }
0x26a: {  	v54 =	vsel vm11, v25, v54  }
0x26b: {  	v54 =	vsel vm12, v24, v54;
	s30 =	spop (v2sf)  }
0x26c: {  	v54 =	vsel vm13, v26, v54;
	s8 =	sxor.u32 $0x80000000, s30  }
0x26d: {  	v0 =	vsel vm14, v22, v54;
	vm7 =	veq.s32 v60, s8  }
0x26e: {  	v53 =	vsel vm15, v23, v0;
	vm0 =	vmand vm0, vm7  }
0x26f: {  	v53 =	vnsel vm0, $0xFFFFFFFF, v53  }
0x270: {  	(xrf0) =	vmin.scan.msk.u32 $0xffff, v53;
	_ =	sdelay $0x5  }
0x271: {  	v53, _, _ =	vpop (xrf0)  }
0x272: {  	(v2sf) =	vpush v53, $0xF;
	_ =	sdelay $0xe  }
0x273: {  	s31 =	spop (v2sf)  }
0x274: {  	s10 =	sand.u32 $0xFFFFFFF0, s31  }
0x275: {  	s10 =	sadd.s32 $0x80001940, s10  }
0x276: {  	v18 =	vld [tilespmem:s10+$0x0];
	_ =	sdelay $0x1  }
0x277: {  	s9 =	sand.u32 $0xF, s31  }
0x278: {  	v19 =	vmov s9  }
0x279: {  	vm8 =	veq.s32 v19, v33  }
0x27a: {  	v53 =	vsel vm8, $0xF149F2CA, v18  }
0x27b: {  	[tilespmem:s10+$0x0] =	vst v53  }
0x27c: {  	v53 =	vld [tilespmem:$0x1940];
	_ =	sdelay $0x1  }
0x27d: {  	v20 =	vld [tilespmem:$0x1950];
	_ =	sdelay $0x1  }
0x27e: {  	v21 =	vld [tilespmem:$0x1960]  }
0x27f: {  	vm0 =	vgt.f32 v53, $-1.000000020e+30  }
0x280: {  	v60 =	vld [tilespmem:$0x1970];
	v53 =	vnsel vm0, $0xF149F2CA, v53  }
0x281: {  	vm1 =	vgt.f32 v20, v53  }
0x282: {  	v62 =	vld [tilespmem:$0x1980];
	v53 =	vsel vm1, v20, v53  }
0x283: {  	v59 =	vimm.s32 $0x0;
	vm2 =	vgt.f32 v21, v53  }
0x284: {  	v61 =	vimm.s32 $0x0;
	v63 =	vld [tilespmem:$0x1990];
	v0 =	vsel vm0, $0xFFFFFFFF, v59;
	v53 =	vsel vm2, v21, v53  }
0x285: {  	[tilespmem:$0x1FED0] =	vst v0;
	v0 =	vsel vm1, $0xFFFFFFFF, v61;
	vm3 =	vgt.f32 v60, v53  }
0x286: {  	[tilespmem:$0x1FEE0] =	vst v0;
	v0 =	vld [tilespmem:$0x19A0];
	v53 =	vsel vm3, v60, v53  }
0x287: {  	vm4 =	vgt.f32 v62, v53  }
0x288: {  	v18 =	vld [tilespmem:$0x19B0];
	v53 =	vsel vm4, v62, v53  }
0x289: {  	vm5 =	vgt.f32 v63, v53  }
0x28a: {  	v19 =	vld [tilespmem:$0x19C0];
	v53 =	vsel vm5, v63, v53  }
0x28b: {  	vm6 =	vgt.f32 v0, v53  }
0x28c: {  	v20 =	vld [tilespmem:$0x19D0];
	v53 =	vsel vm6, v0, v53  }
0x28d: {  	v57 =	vld [tilespmem:$0x1A40];
	vm7 =	vgt.f32 v18, v53  }
0x28e: {  	v21 =	vld [tilespmem:$0x19E0];
	v53 =	vsel vm7, v18, v53  }
0x28f: {  	v58 =	vld [tilespmem:$0x1A50];
	vm8 =	vgt.f32 v19, v53  }
0x290: {  	v0 =	vld [tilespmem:$0x19F0];
	v53 =	vsel vm8, v19, v53  }
0x291: {  	v55 =	vld [tilespmem:$0x1A20];
	vm9 =	vgt.f32 v20, v53  }
0x292: {  	v18 =	vld [tilespmem:$0x1A00];
	v53 =	vsel vm9, v20, v53  }
0x293: {  	v56 =	vld [tilespmem:$0x1A30];
	vm10 =	vgt.f32 v21, v53  }
0x294: {  	v20 =	vld [tilespmem:$0x1A10];
	v53 =	vsel vm10, v21, v53  }
0x295: {  	v59 =	vld [tilespmem:$0x1A60];
	vm11 =	vgt.f32 v0, v53  }
0x296: {  	v19 =	vld [tilespmem:$0x1A70];
	v53 =	vsel vm11, v0, v53  }
0x297: {  	v21 =	vld [tilespmem:$0x1A80];
	vm12 =	vgt.f32 v18, v53  }
0x298: {  	v57 =	vnsel vm0, $0x0, v57;
	v62 =	vld [tilespmem:$0x1A90];
	v53 =	vsel vm12, v18, v53  }
0x299: {  	v57 =	vsel vm1, v58, v57;
	v0 =	vld [tilespmem:$0x1AA0];
	vm13 =	vgt.f32 v20, v53  }
0x29a: {  	v57 =	vsel vm2, v59, v57;
	v18 =	vld [tilespmem:$0x1AB0];
	v53 =	vsel vm13, v20, v53  }
0x29b: {  	v19 =	vsel vm3, v19, v57;
	v20 =	vld [tilespmem:$0x1AC0];
	vm14 =	vgt.f32 v55, v53  }
0x29c: {  	v54 =	vsel vm4, v21, v19;
	v21 =	vld [tilespmem:$0x1AD0];
	v53 =	vsel vm14, v55, v53  }
0x29d: {  	v61 =	vld [tilespmem:$0x1AE0];
	v54 =	vsel vm5, v62, v54;
	vm15 =	vgt.f32 v56, v53  }
0x29e: {  	v62 =	vld [tilespmem:$0x1AF0];
	v54 =	vsel vm6, v0, v54;
	v56 =	vsel vm15, v56, v53  }
0x29f: {  	v0 =	vld [tilespmem:$0x1B00];
	v63 =	vsel vm7, v18, v54;
	(xrf0) =	vmax.scan.msk.f32 $0xffff, v56  }
0x2a0: {  	v18 =	vld [tilespmem:$0x1B10];
	v53 =	vsel vm8, v20, v63  }
0x2a1: {  	v19 =	vld [tilespmem:$0x1B20];
	v53 =	vsel vm9, v21, v53  }
0x2a2: {  	v20 =	vld [tilespmem:$0x1B30];
	v53 =	vsel vm10, v61, v53  }
0x2a3: {  	v53 =	vsel vm11, v62, v53  }
0x2a4: {  	v53 =	vsel vm12, v0, v53  }
0x2a5: {  	v53 =	vsel vm13, v18, v53;
	v21, _, _ =	vpop (xrf0)  }
0x2a6: {  	v57 =	vsel vm14, v19, v53;
	v53 =	vbroadcast v21, $0xF  }
0x2a7: {  	v58 =	vsel vm15, v20, v57  }
0x2a8: {  	v55 =	vxor.u32 $0x80000000, v58;
	vm0 =	veq.f32 v56, v53  }
0x2a9: {  	v55 =	vnsel vm0, $0xFFFFFFFF, v55  }
0x2aa: {  	(xrf0) =	vmin.scan.msk.u32 $0xffff, v55;
	_ =	sdelay $0x3  }
0x2ab: {  	v59 =	vld [tilespmem:$0x1FED0]  }
0x2ac: {  	v61 =	vld [tilespmem:$0x1FEE0]  }
0x2ad: {  	v55, _, _ =	vpop (xrf0)  }
0x2ae: {  	(v2sf) =	vpush v55, $0xF;
	_ =	sdelay $0x1  }
0x2af: {  	vm1 =	vnez.u8 v59  }
0x2b0: {  	v60 =	vnsel vm1, $0x80000000, v44;
	vm1 =	vnez.u8 v61  }
0x2b1: {  	v55 =	vsel vm1, v42, v60  }
0x2b2: {  	v55 =	vsel vm2, v39, v55  }
0x2b3: {  	v55 =	vsel vm3, v37, v55  }
0x2b4: {  	v55 =	vsel vm4, v36, v55  }
0x2b5: {  	v55 =	vsel vm5, v34, v55  }
0x2b6: {  	v55 =	vsel vm6, v31, v55  }
0x2b7: {  	v55 =	vsel vm7, v30, v55  }
0x2b8: {  	v55 =	vsel vm8, v29, v55  }
0x2b9: {  	v55 =	vsel vm9, v28, v55  }
0x2ba: {  	v55 =	vsel vm10, v27, v55  }
0x2bb: {  	v55 =	vsel vm11, v25, v55  }
0x2bc: {  	v55 =	vsel vm12, v24, v55;
	s11 =	spop (v2sf)  }
0x2bd: {  	v55 =	vsel vm13, v26, v55;
	s9 =	sxor.u32 $0x80000000, s11  }
0x2be: {  	v62 =	vsel vm14, v22, v55;
	vm9 =	veq.s32 v58, s9  }
0x2bf: {  	v54 =	vsel vm15, v23, v62;
	vm0 =	vmand vm0, vm9  }
0x2c0: {  	v54 =	vnsel vm0, $0xFFFFFFFF, v54  }
0x2c1: {  	(xrf0) =	vmin.scan.msk.u32 $0xffff, v54;
	_ =	sdelay $0x5  }
0x2c2: {  	v54, _, _ =	vpop (xrf0)  }
0x2c3: {  	(v2sf) =	vpush v54, $0xF;
	_ =	sdelay $0xe  }
0x2c4: {  	s12 =	spop (v2sf)  }
0x2c5: {  	s11 =	sand.u32 $0xFFFFFFF0, s12  }
0x2c6: {  	s11 =	sadd.s32 $0x80001940, s11  }
0x2c7: {  	v63 =	vld [tilespmem:s11+$0x0];
	_ =	sdelay $0x1  }
0x2c8: {  	s10 =	sand.u32 $0xF, s12  }
0x2c9: {  	v0 =	vmov s10  }
0x2ca: {  	vm10 =	veq.s32 v0, v33  }
0x2cb: {  	v54 =	vsel vm10, $0xF149F2CA, v63  }
0x2cc: {  	[tilespmem:s11+$0x0] =	vst v54  }
0x2cd: {  	v54 =	vld [tilespmem:$0x1940];
	_ =	sdelay $0x1  }
0x2ce: {  	v18 =	vld [tilespmem:$0x1950];
	_ =	sdelay $0x1  }
0x2cf: {  	v19 =	vld [tilespmem:$0x1960]  }
0x2d0: {  	vm0 =	vgt.f32 v54, $-1.000000020e+30  }
0x2d1: {  	v21 =	vld [tilespmem:$0x1970];
	v54 =	vnsel vm0, $0xF149F2CA, v54  }
0x2d2: {  	vm1 =	vgt.f32 v18, v54  }
0x2d3: {  	v60 =	vld [tilespmem:$0x1980];
	v54 =	vsel vm1, v18, v54  }
0x2d4: {  	vm2 =	vgt.f32 v19, v54  }
0x2d5: {  	v61 =	vld [tilespmem:$0x1990];
	v54 =	vsel vm2, v19, v54  }
0x2d6: {  	vm3 =	vgt.f32 v21, v54  }
0x2d7: {  	v62 =	vld [tilespmem:$0x19A0];
	v54 =	vsel vm3, v21, v54  }
0x2d8: {  	v20 =	vimm.s32 $0x0;
	vm4 =	vgt.f32 v60, v54  }
0x2d9: {  	v59 =	vimm.s32 $0x0;
	v63 =	vld [tilespmem:$0x19B0];
	v0 =	vsel vm0, $0xFFFFFFFF, v20;
	v54 =	vsel vm4, v60, v54  }
0x2da: {  	[tilespmem:$0x1FEF0] =	vst v0;
	v0 =	vsel vm1, $0xFFFFFFFF, v59;
	vm5 =	vgt.f32 v61, v54  }
0x2db: {  	[tilespmem:$0x1FF00] =	vst v0;
	v0 =	vld [tilespmem:$0x19C0];
	v54 =	vsel vm5, v61, v54  }
0x2dc: {  	vm6 =	vgt.f32 v62, v54  }
0x2dd: {  	v18 =	vld [tilespmem:$0x19D0];
	v54 =	vsel vm6, v62, v54  }
0x2de: {  	v58 =	vld [tilespmem:$0x1A40];
	vm7 =	vgt.f32 v63, v54  }
0x2df: {  	v19 =	vld [tilespmem:$0x19E0];
	v54 =	vsel vm7, v63, v54  }
0x2e0: {  	v57 =	vld [tilespmem:$0x1A30];
	vm8 =	vgt.f32 v0, v54  }
0x2e1: {  	v20 =	vld [tilespmem:$0x19F0];
	v54 =	vsel vm8, v0, v54  }
0x2e2: {  	v59 =	vld [tilespmem:$0x1A50];
	vm9 =	vgt.f32 v18, v54  }
0x2e3: {  	v21 =	vld [tilespmem:$0x1A00];
	v54 =	vsel vm9, v18, v54  }
0x2e4: {  	v60 =	vld [tilespmem:$0x1A60];
	vm10 =	vgt.f32 v19, v54  }
0x2e5: {  	v18 =	vld [tilespmem:$0x1A10];
	v54 =	vsel vm10, v19, v54  }
0x2e6: {  	v0 =	vld [tilespmem:$0x1A70];
	vm11 =	vgt.f32 v20, v54  }
0x2e7: {  	v54 =	vsel vm11, v20, v54;
	v20 =	vld [tilespmem:$0x1A20]  }
0x2e8: {  	v19 =	vld [tilespmem:$0x1A80];
	vm12 =	vgt.f32 v21, v54  }
0x2e9: {  	v58 =	vnsel vm0, $0x0, v58;
	v63 =	vld [tilespmem:$0x1A90];
	v54 =	vsel vm12, v21, v54  }
0x2ea: {  	v58 =	vsel vm1, v59, v58;
	v21 =	vld [tilespmem:$0x1AA0];
	vm13 =	vgt.f32 v18, v54  }
0x2eb: {  	v58 =	vsel vm2, v60, v58;
	v60 =	vld [tilespmem:$0x1AB0];
	v54 =	vsel vm13, v18, v54  }
0x2ec: {  	v0 =	vsel vm3, v0, v58;
	v18 =	vld [tilespmem:$0x1AC0];
	vm14 =	vgt.f32 v20, v54  }
0x2ed: {  	v55 =	vsel vm4, v19, v0;
	v19 =	vld [tilespmem:$0x1AD0];
	v54 =	vsel vm14, v20, v54  }
0x2ee: {  	v55 =	vsel vm5, v63, v55;
	v20 =	vld [tilespmem:$0x1AE0];
	vm15 =	vgt.f32 v57, v54  }
0x2ef: {  	v55 =	vsel vm6, v21, v55;
	v21 =	vld [tilespmem:$0x1AF0];
	v57 =	vsel vm15, v57, v54  }
0x2f0: {  	v0 =	vld [tilespmem:$0x1B00];
	v63 =	vsel vm7, v60, v55;
	(xrf0) =	vmax.scan.msk.f32 $0xffff, v57  }
0x2f1: {  	v54 =	vsel vm8, v18, v63;
	v18 =	vld [tilespmem:$0x1B10]  }
0x2f2: {  	v54 =	vsel vm9, v19, v54;
	v19 =	vld [tilespmem:$0x1B20]  }
0x2f3: {  	v54 =	vsel vm10, v20, v54;
	v20 =	vld [tilespmem:$0x1B30]  }
0x2f4: {  	v54 =	vsel vm11, v21, v54  }
0x2f5: {  	v54 =	vsel vm12, v0, v54  }
0x2f6: {  	v54 =	vsel vm13, v18, v54;
	v21, _, _ =	vpop (xrf0)  }
0x2f7: {  	v58 =	vsel vm14, v19, v54;
	v54 =	vbroadcast v21, $0xF  }
0x2f8: {  	v60 =	vsel vm15, v20, v58  }
0x2f9: {  	v56 =	vxor.u32 $0x80000000, v60;
	vm0 =	veq.f32 v57, v54  }
0x2fa: {  	v56 =	vnsel vm0, $0xFFFFFFFF, v56  }
0x2fb: {  	(xrf0) =	vmin.scan.msk.u32 $0xffff, v56;
	_ =	sdelay $0x3  }
0x2fc: {  	v61 =	vld [tilespmem:$0x1FEF0]  }
0x2fd: {  	v63 =	vld [tilespmem:$0x1FF00]  }
0x2fe: {  	v56, _, _ =	vpop (xrf0)  }
0x2ff: {  	(v2sf) =	vpush v56, $0xF;
	_ =	sdelay $0x1  }
0x300: {  	vm1 =	vnez.u8 v61  }
0x301: {  	v62 =	vnsel vm1, $0x80000000, v44;
	vm1 =	vnez.u8 v63  }
0x302: {  	v56 =	vsel vm1, v42, v62  }
0x303: {  	v56 =	vsel vm2, v39, v56  }
0x304: {  	v56 =	vsel vm3, v37, v56  }
0x305: {  	v56 =	vsel vm4, v36, v56  }
0x306: {  	v56 =	vsel vm5, v34, v56  }
0x307: {  	v56 =	vsel vm6, v31, v56  }
0x308: {  	v56 =	vsel vm7, v30, v56  }
0x309: {  	v56 =	vsel vm8, v29, v56  }
0x30a: {  	v56 =	vsel vm9, v28, v56  }
0x30b: {  	v56 =	vsel vm10, v27, v56  }
0x30c: {  	v56 =	vsel vm11, v25, v56  }
0x30d: {  	v56 =	vsel vm12, v24, v56;
	s13 =	spop (v2sf)  }
0x30e: {  	v56 =	vsel vm13, v26, v56;
	s10 =	sxor.u32 $0x80000000, s13  }
0x30f: {  	v0 =	vsel vm14, v22, v56;
	vm11 =	veq.s32 v60, s10  }
0x310: {  	v55 =	vsel vm15, v23, v0;
	vm0 =	vmand vm0, vm11  }
0x311: {  	v55 =	vnsel vm0, $0xFFFFFFFF, v55  }
0x312: {  	(xrf0) =	vmin.scan.msk.u32 $0xffff, v55;
	_ =	sdelay $0x5  }
0x313: {  	v55, _, _ =	vpop (xrf0)  }
0x314: {  	(v2sf) =	vpush v55, $0xF;
	_ =	sdelay $0xe  }
0x315: {  	s14 =	spop (v2sf)  }
0x316: {  	s12 =	sand.u32 $0xFFFFFFF0, s14  }
0x317: {  	s12 =	sadd.s32 $0x80001940, s12  }
0x318: {  	v18 =	vld [tilespmem:s12+$0x0];
	_ =	sdelay $0x1  }
0x319: {  	s11 =	sand.u32 $0xF, s14  }
0x31a: {  	v19 =	vmov s11  }
0x31b: {  	vm12 =	veq.s32 v19, v33  }
0x31c: {  	v55 =	vsel vm12, $0xF149F2CA, v18  }
0x31d: {  	[tilespmem:s12+$0x0] =	vst v55  }
0x31e: {  	v55 =	vld [tilespmem:$0x1940];
	_ =	sdelay $0x1  }
0x31f: {  	v20 =	vld [tilespmem:$0x1950];
	_ =	sdelay $0x1  }
0x320: {  	v21 =	vld [tilespmem:$0x1960]  }
0x321: {  	vm0 =	vgt.f32 v55, $-1.000000020e+30  }
0x322: {  	v61 =	vld [tilespmem:$0x1970];
	v55 =	vnsel vm0, $0xF149F2CA, v55  }
0x323: {  	v60 =	vimm.s32 $0x0;
	vm1 =	vgt.f32 v20, v55  }
0x324: {  	v62 =	vimm.s32 $0x0;
	v63 =	vld [tilespmem:$0x1980];
	v0 =	vsel vm0, $0xFFFFFFFF, v60;
	v55 =	vsel vm1, v20, v55  }
0x325: {  	[tilespmem:$0x1FF10] =	vst v0;
	v0 =	vsel vm1, $0xFFFFFFFF, v62;
	vm2 =	vgt.f32 v21, v55  }
0x326: {  	[tilespmem:$0x1FF20] =	vst v0;
	v0 =	vld [tilespmem:$0x1990];
	v55 =	vsel vm2, v21, v55  }
0x327: {  	vm3 =	vgt.f32 v61, v55  }
0x328: {  	v18 =	vld [tilespmem:$0x19A0];
	v55 =	vsel vm3, v61, v55  }
0x329: {  	vm4 =	vgt.f32 v63, v55  }
0x32a: {  	v19 =	vld [tilespmem:$0x19B0];
	v55 =	vsel vm4, v63, v55  }
0x32b: {  	vm5 =	vgt.f32 v0, v55  }
0x32c: {  	v20 =	vld [tilespmem:$0x19C0];
	v55 =	vsel vm5, v0, v55  }
0x32d: {  	vm6 =	vgt.f32 v18, v55  }
0x32e: {  	v21 =	vld [tilespmem:$0x19D0];
	v55 =	vsel vm6, v18, v55  }
0x32f: {  	v59 =	vld [tilespmem:$0x1A40];
	vm7 =	vgt.f32 v19, v55  }
0x330: {  	v0 =	vld [tilespmem:$0x19E0];
	v55 =	vsel vm7, v19, v55  }
0x331: {  	v57 =	vld [tilespmem:$0x1A20];
	vm8 =	vgt.f32 v20, v55  }
0x332: {  	v18 =	vld [tilespmem:$0x19F0];
	v55 =	vsel vm8, v20, v55  }
0x333: {  	v60 =	vld [tilespmem:$0x1A50];
	vm9 =	vgt.f32 v21, v55  }
0x334: {  	v19 =	vld [tilespmem:$0x1A00];
	v55 =	vsel vm9, v21, v55  }
0x335: {  	v62 =	vld [tilespmem:$0x1A70];
	vm10 =	vgt.f32 v0, v55  }
0x336: {  	v20 =	vld [tilespmem:$0x1A10];
	v55 =	vsel vm10, v0, v55  }
0x337: {  	v61 =	vld [tilespmem:$0x1A60];
	vm11 =	vgt.f32 v18, v55  }
0x338: {  	v21 =	vld [tilespmem:$0x1A80];
	v55 =	vsel vm11, v18, v55  }
0x339: {  	v0 =	vld [tilespmem:$0x1A90];
	vm12 =	vgt.f32 v19, v55  }
0x33a: {  	v18 =	vnsel vm0, $0x0, v59;
	v59 =	vld [tilespmem:$0x1A30];
	v55 =	vsel vm12, v19, v55  }
0x33b: {  	v58 =	vsel vm1, v60, v18;
	v60 =	vld [tilespmem:$0x1AA0];
	vm13 =	vgt.f32 v20, v55  }
0x33c: {  	v58 =	vsel vm2, v61, v58;
	v19 =	vld [tilespmem:$0x1AB0];
	v55 =	vsel vm13, v20, v55  }
0x33d: {  	v58 =	vsel vm3, v62, v58;
	v20 =	vld [tilespmem:$0x1AC0];
	vm14 =	vgt.f32 v57, v55  }
0x33e: {  	v58 =	vsel vm4, v21, v58;
	v21 =	vld [tilespmem:$0x1AD0];
	v55 =	vsel vm14, v57, v55  }
0x33f: {  	v18 =	vld [tilespmem:$0x1AE0];
	v0 =	vsel vm5, v0, v58;
	vm15 =	vgt.f32 v59, v55  }
0x340: {  	v58 =	vld [tilespmem:$0x1AF0];
	v0 =	vsel vm6, v60, v0;
	v59 =	vsel vm15, v59, v55  }
0x341: {  	v0 =	vsel vm7, v19, v0;
	v19 =	vld [tilespmem:$0x1B00];
	(xrf0) =	vmax.scan.msk.f32 $0xffff, v59  }
0x342: {  	v0 =	vsel vm8, v20, v0;
	v20 =	vld [tilespmem:$0x1B10]  }
0x343: {  	v0 =	vsel vm9, v21, v0;
	v21 =	vld [tilespmem:$0x1B20]  }
0x344: {  	v0 =	vsel vm10, v18, v0;
	v18 =	vld [tilespmem:$0x1B30]  }
0x345: {  	v0 =	vsel vm11, v58, v0  }
0x346: {  	v0 =	vsel vm12, v19, v0  }
0x347: {  	v0 =	vsel vm13, v20, v0;
	v19, _, _ =	vpop (xrf0)  }
0x348: {  	v0 =	vsel vm14, v21, v0;
	v55 =	vbroadcast v19, $0xF  }
0x349: {  	v0 =	vsel vm15, v18, v0  }
0x34a: {  	v20 =	vxor.u32 $0x80000000, v0;
	vm0 =	veq.f32 v59, v55  }
0x34b: {  	v56 =	vnsel vm0, $0xFFFFFFFF, v20  }
0x34c: {  	(xrf0) =	vmin.scan.msk.u32 $0xffff, v56;
	_ =	sdelay $0x3  }
0x34d: {  	v18 =	vld [tilespmem:$0x1FF10]  }
0x34e: {  	v59 =	vld [tilespmem:$0x1FF20]  }
0x34f: {  	v56, _, _ =	vpop (xrf0)  }
0x350: {  	(v2sf) =	vpush v56, $0xF;
	_ =	sdelay $0x1  }
0x351: {  	vm1 =	vnez.u8 v18  }
0x352: {  	v21 =	vnsel vm1, $0x80000000, v44;
	vm1 =	vnez.u8 v59  }
0x353: {  	v56 =	vsel vm1, v42, v21  }
0x354: {  	v56 =	vsel vm2, v39, v56  }
0x355: {  	v56 =	vsel vm3, v37, v56  }
0x356: {  	v56 =	vsel vm4, v36, v56  }
0x357: {  	v56 =	vsel vm5, v34, v56  }
0x358: {  	v56 =	vsel vm6, v31, v56  }
0x359: {  	v56 =	vsel vm7, v30, v56  }
0x35a: {  	v56 =	vsel vm8, v29, v56  }
0x35b: {  	v56 =	vsel vm9, v28, v56  }
0x35c: {  	v56 =	vsel vm10, v27, v56  }
0x35d: {  	v56 =	vsel vm11, v25, v56  }
0x35e: {  	v56 =	vsel vm12, v24, v56;
	s15 =	spop (v2sf)  }
0x35f: {  	v56 =	vsel vm13, v26, v56;
	s11 =	sxor.u32 $0x80000000, s15  }
0x360: {  	v60 =	vsel vm14, v22, v56;
	vm13 =	veq.s32 v0, s11  }
0x361: {  	v0 =	vsel vm15, v23, v60;
	vm0 =	vmand vm0, vm13  }
0x362: {  	v0 =	vnsel vm0, $0xFFFFFFFF, v0  }
0x363: {  	(xrf0) =	vmin.scan.msk.u32 $0xffff, v0;
	_ =	sdelay $0x5  }
0x364: {  	v0, _, _ =	vpop (xrf0)  }
0x365: {  	(v2sf) =	vpush v0, $0xF;
	_ =	sdelay $0xe  }
0x366: {  	s16 =	spop (v2sf)  }
0x367: {  	s13 =	sand.u32 $0xFFFFFFF0, s16  }
0x368: {  	s13 =	sadd.s32 $0x80001940, s13  }
0x369: {  	v61 =	vld [tilespmem:s13+$0x0];
	_ =	sdelay $0x1  }
0x36a: {  	s12 =	sand.u32 $0xF, s16  }
0x36b: {  	v62 =	vmov s12  }
0x36c: {  	vm15 =	veq.s32 v62, v33  }
0x36d: {  	v0 =	vsel vm15, $0xF149F2CA, v61  }
0x36e: {  	[tilespmem:s13+$0x0] =	vst v0  }
0x36f: {  	v0 =	vld [tilespmem:$0x1940];
	_ =	sdelay $0x1  }
0x370: {  	v63 =	vld [tilespmem:$0x1950];
	_ =	sdelay $0x1  }
0x371: {  	v21 =	vld [tilespmem:$0x1960]  }
0x372: {  	vm0 =	vgt.f32 v0, $-1.000000020e+30  }
0x373: {  	v61 =	vld [tilespmem:$0x1970];
	v0 =	vnsel vm0, $0xF149F2CA, v0  }
0x374: {  	v60 =	vimm.s32 $0x0;
	vm1 =	vgt.f32 v63, v0  }
0x375: {  	v62 =	vimm.s32 $0x0;
	v18 =	vsel vm0, $0xFFFFFFFF, v60;
	v0 =	vsel vm1, v63, v0;
	v63 =	vld [tilespmem:$0x1980]  }
0x376: {  	[tilespmem:$0x1FF30] =	vst v18;
	v18 =	vsel vm1, $0xFFFFFFFF, v62;
	vm2 =	vgt.f32 v21, v0  }
0x377: {  	[tilespmem:$0x1FF40] =	vst v18;
	v18 =	vld [tilespmem:$0x1990];
	v0 =	vsel vm2, v21, v0  }
0x378: {  	vm3 =	vgt.f32 v61, v0  }
0x379: {  	v19 =	vld [tilespmem:$0x19A0];
	v0 =	vsel vm3, v61, v0  }
0x37a: {  	vm4 =	vgt.f32 v63, v0  }
0x37b: {  	v20 =	vld [tilespmem:$0x19B0];
	v0 =	vsel vm4, v63, v0  }
0x37c: {  	vm5 =	vgt.f32 v18, v0  }
0x37d: {  	v21 =	vld [tilespmem:$0x19C0];
	v0 =	vsel vm5, v18, v0  }
0x37e: {  	vm6 =	vgt.f32 v19, v0  }
0x37f: {  	v18 =	vld [tilespmem:$0x19D0];
	v0 =	vsel vm6, v19, v0  }
0x380: {  	v59 =	vld [tilespmem:$0x1A40];
	vm7 =	vgt.f32 v20, v0  }
0x381: {  	v19 =	vld [tilespmem:$0x19E0];
	v0 =	vsel vm7, v20, v0  }
0x382: {  	v58 =	vld [tilespmem:$0x1A00];
	vm8 =	vgt.f32 v21, v0  }
0x383: {  	v20 =	vld [tilespmem:$0x19F0];
	v0 =	vsel vm8, v21, v0  }
0x384: {  	v57 =	vld [tilespmem:$0x1A20];
	vm9 =	vgt.f32 v18, v0  }
0x385: {  	v60 =	vld [tilespmem:$0x1A50];
	v0 =	vsel vm9, v18, v0  }
0x386: {  	v62 =	vld [tilespmem:$0x1A70];
	vm10 =	vgt.f32 v19, v0  }
0x387: {  	v21 =	vld [tilespmem:$0x1A10];
	v0 =	vsel vm10, v19, v0  }
0x388: {  	v61 =	vld [tilespmem:$0x1A60];
	vm11 =	vgt.f32 v20, v0  }
0x389: {  	v63 =	vld [tilespmem:$0x1A80];
	v0 =	vsel vm11, v20, v0  }
0x38a: {  	v18 =	vld [tilespmem:$0x1A90];
	vm12 =	vgt.f32 v58, v0  }
0x38b: {  	v20 =	vnsel vm0, $0x0, v59;
	v59 =	vld [tilespmem:$0x1A30];
	v0 =	vsel vm12, v58, v0  }
0x38c: {  	v58 =	vsel vm1, v60, v20;
	v60 =	vld [tilespmem:$0x1AA0];
	vm13 =	vgt.f32 v21, v0  }
0x38d: {  	v56 =	vld [tilespmem:$0x1AB0];
	v58 =	vsel vm2, v61, v58;
	v0 =	vsel vm13, v21, v0  }
0x38e: {  	v58 =	vsel vm3, v62, v58;
	v21 =	vld [tilespmem:$0x1AC0];
	vm14 =	vgt.f32 v57, v0  }
0x38f: {  	v58 =	vsel vm4, v63, v58;
	v0 =	vsel vm14, v57, v0;
	v57 =	vld [tilespmem:$0x1AD0]  }
0x390: {  	v18 =	vsel vm5, v18, v58;
	v58 =	vld [tilespmem:$0x1AE0];
	vm15 =	vgt.f32 v59, v0  }
0x391: {  	v18 =	vsel vm6, v60, v18;
	v60 =	vld [tilespmem:$0x1AF0];
	v0 =	vsel vm15, v59, v0  }
0x392: {  	v63 =	vld [tilespmem:$0x1B00];
	v18 =	vsel vm7, v56, v18;
	(xrf0) =	vmax.scan.msk.f32 $0xffff, v0  }
0x393: {  	v18 =	vsel vm8, v21, v18;
	v21 =	vld [tilespmem:$0x1B10]  }
0x394: {  	v61 =	vld [tilespmem:$0x1B20];
	v18 =	vsel vm9, v57, v18  }
0x395: {  	v62 =	vld [tilespmem:$0x1B30];
	v18 =	vsel vm10, v58, v18  }
0x396: {  	v18 =	vsel vm11, v60, v18  }
0x397: {  	v18 =	vsel vm12, v63, v18  }
0x398: {  	v18 =	vsel vm13, v21, v18;
	v63, _, _ =	vpop (xrf0)  }
0x399: {  	v18 =	vsel vm14, v61, v18;
	v56 =	vbroadcast v63, $0xF  }
0x39a: {  	v18 =	vsel vm15, v62, v18  }
0x39b: {  	v21 =	vxor.u32 $0x80000000, v18;
	vm0 =	veq.f32 v0, v56  }
0x39c: {  	v0 =	vnsel vm0, $0xFFFFFFFF, v21  }
0x39d: {  	(xrf0) =	vmin.scan.msk.u32 $0xffff, v0;
	_ =	sdelay $0x3  }
0x39e: {  	v58 =	vld [tilespmem:$0x1FF30]  }
0x39f: {  	v19 =	vld [tilespmem:$0x1FF40]  }
0x3a0: {  	v0, _, _ =	vpop (xrf0)  }
0x3a1: {  	(v2sf) =	vpush v0, $0xF;
	_ =	sdelay $0x1  }
0x3a2: {  	vm1 =	vnez.u8 v58  }
0x3a3: {  	v0 =	vnsel vm1, $0x80000000, v44;
	vm1 =	vnez.u8 v19  }
0x3a4: {  	v0 =	vsel vm1, v42, v0  }
0x3a5: {  	v0 =	vsel vm2, v39, v0  }
0x3a6: {  	v0 =	vsel vm3, v37, v0  }
0x3a7: {  	v0 =	vsel vm4, v36, v0  }
0x3a8: {  	v0 =	vsel vm5, v34, v0  }
0x3a9: {  	v0 =	vsel vm6, v31, v0  }
0x3aa: {  	v0 =	vsel vm7, v30, v0  }
0x3ab: {  	v0 =	vsel vm8, v29, v0  }
0x3ac: {  	v0 =	vsel vm9, v28, v0  }
0x3ad: {  	v0 =	vsel vm10, v27, v0  }
0x3ae: {  	v0 =	vsel vm11, v25, v0  }
0x3af: {  	v0 =	vsel vm12, v24, v0;
	s17 =	spop (v2sf)  }
0x3b0: {  	v0 =	vsel vm13, v26, v0;
	s12 =	sxor.u32 $0x80000000, s17  }
0x3b1: {  	v0 =	vsel vm14, v22, v0;
	vm4 =	veq.s32 v18, s12  }
0x3b2: {  	v0 =	vsel vm15, v23, v0;
	vm0 =	vmand vm0, vm4  }
0x3b3: {  	v0 =	vnsel vm0, $0xFFFFFFFF, v0  }
0x3b4: {  	(xrf0) =	vmin.scan.msk.u32 $0xffff, v0;
	_ =	sdelay $0x5  }
0x3b5: {  	v0, _, _ =	vpop (xrf0)  }
0x3b6: {  	(v2sf) =	vpush v0, $0xF;
	_ =	sdelay $0xe  }
0x3b7: {  	s18 =	spop (v2sf)  }
0x3b8: {  	s14 =	sand.u32 $0xFFFFFFF0, s18  }
0x3b9: {  	s14 =	sadd.s32 $0x80001940, s14  }
0x3ba: {  	v59 =	vld [tilespmem:s14+$0x0];
	_ =	sdelay $0x1  }
0x3bb: {  	s13 =	sand.u32 $0xF, s18  }
0x3bc: {  	v60 =	vmov s13  }
0x3bd: {  	vm5 =	veq.s32 v60, v33  }
0x3be: {  	v0 =	vsel vm5, $0xF149F2CA, v59  }
0x3bf: {  	[tilespmem:s14+$0x0] =	vst v0  }
0x3c0: {  	v0 =	vld [tilespmem:$0x1940];
	_ =	sdelay $0x1  }
0x3c1: {  	v61 =	vld [tilespmem:$0x1950];
	_ =	sdelay $0x1  }
0x3c2: {  	v62 =	vld [tilespmem:$0x1960]  }
0x3c3: {  	vm0 =	vgt.f32 v0, $-1.000000020e+30  }
0x3c4: {  	v21 =	vld [tilespmem:$0x1970];
	v0 =	vnsel vm0, $0xF149F2CA, v0  }
0x3c5: {  	vm1 =	vgt.f32 v61, v0  }
0x3c6: {  	v60 =	vld [tilespmem:$0x1980];
	v0 =	vsel vm1, v61, v0  }
0x3c7: {  	vm2 =	vgt.f32 v62, v0  }
0x3c8: {  	v61 =	vld [tilespmem:$0x1990];
	v0 =	vsel vm2, v62, v0  }
0x3c9: {  	vm3 =	vgt.f32 v21, v0  }
0x3ca: {  	v62 =	vld [tilespmem:$0x19A0];
	v0 =	vsel vm3, v21, v0  }
0x3cb: {  	v63 =	vimm.s32 $0x0;
	vm4 =	vgt.f32 v60, v0  }
0x3cc: {  	v19 =	vsel vm0, $0xFFFFFFFF, v63;
	v63 =	vld [tilespmem:$0x19B0];
	v0 =	vsel vm4, v60, v0  }
0x3cd: {  	vm5 =	vgt.f32 v61, v0  }
0x3ce: {  	v57 =	vld [tilespmem:$0x19C0];
	v0 =	vsel vm5, v61, v0  }
0x3cf: {  	vm6 =	vgt.f32 v62, v0  }
0x3d0: {  	v58 =	vld [tilespmem:$0x19D0];
	v0 =	vsel vm6, v62, v0  }
0x3d1: {  	[tilespmem:$0x1FF50] =	vst v19;
	v19 =	vld [tilespmem:$0x1A90];
	vm7 =	vgt.f32 v63, v0  }
0x3d2: {  	v59 =	vimm.s32 $0x0;
	v21 =	vld [tilespmem:$0x19E0];
	v0 =	vsel vm7, v63, v0  }
0x3d3: {  	v18 =	vsel vm1, $0xFFFFFFFF, v59;
	v59 =	vld [tilespmem:$0x1A40];
	vm8 =	vgt.f32 v57, v0  }
0x3d4: {  	v0 =	vsel vm8, v57, v0;
	v57 =	vld [tilespmem:$0x19F0]  }
0x3d5: {  	v60 =	vld [tilespmem:$0x1A50];
	vm9 =	vgt.f32 v58, v0  }
0x3d6: {  	v0 =	vsel vm9, v58, v0;
	v58 =	vld [tilespmem:$0x1A00]  }
0x3d7: {  	v61 =	vld [tilespmem:$0x1A60];
	vm10 =	vgt.f32 v21, v0  }
0x3d8: {  	v0 =	vsel vm10, v21, v0;
	v21 =	vld [tilespmem:$0x1A10]  }
0x3d9: {  	v62 =	vld [tilespmem:$0x1A70];
	vm11 =	vgt.f32 v57, v0  }
0x3da: {  	v0 =	vsel vm11, v57, v0;
	v57 =	vld [tilespmem:$0x1A20]  }
0x3db: {  	v63 =	vld [tilespmem:$0x1A80];
	vm12 =	vgt.f32 v58, v0  }
0x3dc: {  	v20 =	vnsel vm0, $0x0, v59;
	v59 =	vld [tilespmem:$0x1A30];
	v0 =	vsel vm12, v58, v0  }
0x3dd: {  	v58 =	vsel vm1, v60, v20;
	v60 =	vld [tilespmem:$0x1AA0];
	vm13 =	vgt.f32 v21, v0  }
0x3de: {  	[tilespmem:$0x1FF60] =	vst v18;
	v18 =	vld [tilespmem:$0x1AB0];
	v58 =	vsel vm2, v61, v58;
	v0 =	vsel vm13, v21, v0  }
0x3df: {  	v58 =	vsel vm3, v62, v58;
	v21 =	vld [tilespmem:$0x1AC0];
	vm14 =	vgt.f32 v57, v0  }
0x3e0: {  	v58 =	vsel vm4, v63, v58;
	v0 =	vsel vm14, v57, v0;
	v57 =	vld [tilespmem:$0x1AD0]  }
0x3e1: {  	v19 =	vsel vm5, v19, v58;
	v58 =	vld [tilespmem:$0x1AE0];
	vm15 =	vgt.f32 v59, v0  }
0x3e2: {  	v19 =	vsel vm6, v60, v19;
	v0 =	vsel vm15, v59, v0;
	v59 =	vld [tilespmem:$0x1AF0]  }
0x3e3: {  	v18 =	vsel vm7, v18, v19;
	v19 =	vld [tilespmem:$0x1B00];
	(xrf0) =	vmax.scan.msk.f32 $0xffff, v0  }
0x3e4: {  	v18 =	vsel vm8, v21, v18;
	v21 =	vld [tilespmem:$0x1B10]  }
0x3e5: {  	v61 =	vld [tilespmem:$0x1B20];
	v18 =	vsel vm9, v57, v18  }
0x3e6: {  	v62 =	vld [tilespmem:$0x1B30];
	v18 =	vsel vm10, v58, v18  }
0x3e7: {  	v18 =	vsel vm11, v59, v18  }
0x3e8: {  	v18 =	vsel vm12, v19, v18  }
0x3e9: {  	v18 =	vsel vm13, v21, v18;
	v63, _, _ =	vpop (xrf0)  }
0x3ea: {  	v18 =	vsel vm14, v61, v18;
	v57 =	vbroadcast v63, $0xF  }
0x3eb: {  	v18 =	vsel vm15, v62, v18  }
0x3ec: {  	v21 =	vxor.u32 $0x80000000, v18;
	vm0 =	veq.f32 v0, v57  }
0x3ed: {  	v0 =	vnsel vm0, $0xFFFFFFFF, v21  }
0x3ee: {  	(xrf0) =	vmin.scan.msk.u32 $0xffff, v0;
	_ =	sdelay $0x3  }
0x3ef: {  	v58 =	vld [tilespmem:$0x1FF50]  }
0x3f0: {  	v59 =	vld [tilespmem:$0x1FF60]  }
0x3f1: {  	v0, _, _ =	vpop (xrf0)  }
0x3f2: {  	(v2sf) =	vpush v0, $0xF;
	_ =	sdelay $0x1  }
0x3f3: {  	vm1 =	vnez.u8 v58  }
0x3f4: {  	v0 =	vnsel vm1, $0x80000000, v44;
	vm1 =	vnez.u8 v59  }
0x3f5: {  	v0 =	vsel vm1, v42, v0  }
0x3f6: {  	v0 =	vsel vm2, v39, v0  }
0x3f7: {  	v0 =	vsel vm3, v37, v0  }
0x3f8: {  	v0 =	vsel vm4, v36, v0  }
0x3f9: {  	v0 =	vsel vm5, v34, v0  }
0x3fa: {  	v0 =	vsel vm6, v31, v0  }
0x3fb: {  	v0 =	vsel vm7, v30, v0  }
0x3fc: {  	v0 =	vsel vm8, v29, v0  }
0x3fd: {  	v0 =	vsel vm9, v28, v0  }
0x3fe: {  	v0 =	vsel vm10, v27, v0  }
0x3ff: {  	v0 =	vsel vm11, v25, v0  }
0x400: {  	v0 =	vsel vm12, v24, v0;
	s19 =	spop (v2sf)  }
0x401: {  	v0 =	vsel vm13, v26, v0;
	s13 =	sxor.u32 $0x80000000, s19  }
0x402: {  	v0 =	vsel vm14, v22, v0;
	vm6 =	veq.s32 v18, s13  }
0x403: {  	v0 =	vsel vm15, v23, v0;
	vm0 =	vmand vm0, vm6  }
0x404: {  	v0 =	vnsel vm0, $0xFFFFFFFF, v0  }
0x405: {  	(xrf0) =	vmin.scan.msk.u32 $0xffff, v0;
	_ =	sdelay $0x5  }
0x406: {  	v0, _, _ =	vpop (xrf0)  }
0x407: {  	(v2sf) =	vpush v0, $0xF;
	_ =	sdelay $0xe  }
0x408: {  	s20 =	spop (v2sf)  }
0x409: {  	s15 =	sand.u32 $0xFFFFFFF0, s20  }
0x40a: {  	s15 =	sadd.s32 $0x80001940, s15  }
0x40b: {  	v60 =	vld [tilespmem:s15+$0x0];
	_ =	sdelay $0x1  }
0x40c: {  	s14 =	sand.u32 $0xF, s20  }
0x40d: {  	v61 =	vmov s14  }
0x40e: {  	vm7 =	veq.s32 v61, v33  }
0x40f: {  	v0 =	vsel vm7, $0xF149F2CA, v60  }
0x410: {  	[tilespmem:s15+$0x0] =	vst v0  }
0x411: {  	v0 =	vld [tilespmem:$0x1940];
	_ =	sdelay $0x1  }
0x412: {  	v62 =	vld [tilespmem:$0x1950];
	_ =	sdelay $0x1  }
0x413: {  	v63 =	vld [tilespmem:$0x1960]  }
0x414: {  	vm0 =	vgt.f32 v0, $-1.000000020e+30  }
0x415: {  	v21 =	vld [tilespmem:$0x1970];
	v0 =	vnsel vm0, $0xF149F2CA, v0  }
0x416: {  	vm1 =	vgt.f32 v62, v0  }
0x417: {  	v60 =	vld [tilespmem:$0x1980];
	v0 =	vsel vm1, v62, v0  }
0x418: {  	vm2 =	vgt.f32 v63, v0  }
0x419: {  	v61 =	vld [tilespmem:$0x1990];
	v0 =	vsel vm2, v63, v0  }
0x41a: {  	vm3 =	vgt.f32 v21, v0  }
0x41b: {  	v62 =	vld [tilespmem:$0x19A0];
	v0 =	vsel vm3, v21, v0  }
0x41c: {  	vm4 =	vgt.f32 v60, v0  }
0x41d: {  	v63 =	vld [tilespmem:$0x19B0];
	v0 =	vsel vm4, v60, v0  }
0x41e: {  	vm5 =	vgt.f32 v61, v0  }
0x41f: {  	v21 =	vld [tilespmem:$0x19C0];
	v0 =	vsel vm5, v61, v0  }
0x420: {  	vm6 =	vgt.f32 v62, v0  }
0x421: {  	v59 =	vimm.s32 $0x0;
	v58 =	vld [tilespmem:$0x19D0];
	v0 =	vsel vm6, v62, v0  }
0x422: {  	v20 =	vimm.s32 $0x0;
	v19 =	vld [tilespmem:$0x1A20];
	v18 =	vsel vm1, $0xFFFFFFFF, v59;
	vm7 =	vgt.f32 v63, v0  }
0x423: {  	v20 =	vsel vm0, $0xFFFFFFFF, v20;
	[tilespmem:$0x1FF80] =	vst v18;
	v18 =	vld [tilespmem:$0x19E0];
	v0 =	vsel vm7, v63, v0  }
0x424: {  	[tilespmem:$0x1FF70] =	vst v20;
	v20 =	vld [tilespmem:$0x1A90];
	vm8 =	vgt.f32 v21, v0  }
0x425: {  	v0 =	vsel vm8, v21, v0;
	v21 =	vld [tilespmem:$0x19F0]  }
0x426: {  	v59 =	vld [tilespmem:$0x1A40];
	vm9 =	vgt.f32 v58, v0  }
0x427: {  	v0 =	vsel vm9, v58, v0;
	v58 =	vld [tilespmem:$0x1A00]  }
0x428: {  	v60 =	vld [tilespmem:$0x1A50];
	vm10 =	vgt.f32 v18, v0  }
0x429: {  	v0 =	vsel vm10, v18, v0;
	v18 =	vld [tilespmem:$0x1A10]  }
0x42a: {  	v61 =	vld [tilespmem:$0x1A60];
	vm11 =	vgt.f32 v21, v0  }
0x42b: {  	v62 =	vld [tilespmem:$0x1A70];
	v0 =	vsel vm11, v21, v0  }
0x42c: {  	v63 =	vld [tilespmem:$0x1A80];
	vm12 =	vgt.f32 v58, v0  }
0x42d: {  	v21 =	vnsel vm0, $0x0, v59;
	v59 =	vld [tilespmem:$0x1A30];
	v0 =	vsel vm12, v58, v0  }
0x42e: {  	v58 =	vsel vm1, v60, v21;
	v60 =	vld [tilespmem:$0x1AA0];
	vm13 =	vgt.f32 v18, v0  }
0x42f: {  	v58 =	vsel vm2, v61, v58;
	v0 =	vsel vm13, v18, v0;
	v18 =	vld [tilespmem:$0x1AB0]  }
0x430: {  	v61 =	vld [tilespmem:$0x1AC0];
	v58 =	vsel vm3, v62, v58;
	vm14 =	vgt.f32 v19, v0  }
0x431: {  	v58 =	vsel vm4, v63, v58;
	v0 =	vsel vm14, v19, v0;
	v19 =	vld [tilespmem:$0x1AD0]  }
0x432: {  	v20 =	vsel vm5, v20, v58;
	v58 =	vld [tilespmem:$0x1AE0];
	vm15 =	vgt.f32 v59, v0  }
0x433: {  	v20 =	vsel vm6, v60, v20;
	v0 =	vsel vm15, v59, v0;
	v59 =	vld [tilespmem:$0x1AF0]  }
0x434: {  	v18 =	vsel vm7, v18, v20;
	(xrf0) =	vmax.scan.msk.f32 $0xffff, v0;
	v20 =	vld [tilespmem:$0x1B00]  }
0x435: {  	v21 =	vld [tilespmem:$0x1B10];
	v18 =	vsel vm8, v61, v18  }
0x436: {  	v18 =	vsel vm9, v19, v18;
	v19 =	vld [tilespmem:$0x1B20]  }
0x437: {  	v61 =	vld [tilespmem:$0x1B30];
	v18 =	vsel vm10, v58, v18  }
0x438: {  	v18 =	vsel vm11, v59, v18  }
0x439: {  	v18 =	vsel vm12, v20, v18  }
0x43a: {  	v18 =	vsel vm13, v21, v18;
	v60, _, _ =	vpop (xrf0)  }
0x43b: {  	v18 =	vsel vm14, v19, v18;
	v58 =	vbroadcast v60, $0xF  }
0x43c: {  	v18 =	vsel vm15, v61, v18  }
0x43d: {  	v61 =	vxor.u32 $0x80000000, v18;
	vm0 =	veq.f32 v0, v58  }
0x43e: {  	v0 =	vnsel vm0, $0xFFFFFFFF, v61  }
0x43f: {  	(xrf0) =	vmin.scan.msk.u32 $0xffff, v0;
	_ =	sdelay $0x3  }
0x440: {  	v62 =	vld [tilespmem:$0x1FF70]  }
0x441: {  	v63 =	vld [tilespmem:$0x1FF80]  }
0x442: {  	v0, _, _ =	vpop (xrf0)  }
0x443: {  	(v2sf) =	vpush v0, $0xF;
	_ =	sdelay $0x1  }
0x444: {  	vm1 =	vnez.u8 v62  }
0x445: {  	v0 =	vnsel vm1, $0x80000000, v44;
	vm1 =	vnez.u8 v63  }
0x446: {  	v0 =	vsel vm1, v42, v0  }
0x447: {  	v0 =	vsel vm2, v39, v0  }
0x448: {  	v0 =	vsel vm3, v37, v0  }
0x449: {  	v0 =	vsel vm4, v36, v0  }
0x44a: {  	v0 =	vsel vm5, v34, v0  }
0x44b: {  	v0 =	vsel vm6, v31, v0  }
0x44c: {  	v0 =	vsel vm7, v30, v0  }
0x44d: {  	v0 =	vsel vm8, v29, v0  }
0x44e: {  	v0 =	vsel vm9, v28, v0  }
0x44f: {  	v0 =	vsel vm10, v27, v0  }
0x450: {  	v0 =	vsel vm11, v25, v0  }
0x451: {  	v0 =	vsel vm12, v24, v0;
	s21 =	spop (v2sf)  }
0x452: {  	v0 =	vsel vm13, v26, v0;
	s14 =	sxor.u32 $0x80000000, s21  }
0x453: {  	v0 =	vsel vm14, v22, v0;
	vm8 =	veq.s32 v18, s14  }
0x454: {  	v0 =	vsel vm15, v23, v0;
	vm0 =	vmand vm0, vm8  }
0x455: {  	v0 =	vnsel vm0, $0xFFFFFFFF, v0  }
0x456: {  	(xrf0) =	vmin.scan.msk.u32 $0xffff, v0;
	_ =	sdelay $0x5  }
0x457: {  	v0, _, _ =	vpop (xrf0)  }
0x458: {  	(v2sf) =	vpush v0, $0xF;
	_ =	sdelay $0xe  }
0x459: {  	s22 =	spop (v2sf)  }
0x45a: {  	s16 =	sand.u32 $0xFFFFFFF0, s22  }
0x45b: {  	s16 =	sadd.s32 $0x80001940, s16  }
0x45c: {  	v21 =	vld [tilespmem:s16+$0x0];
	_ =	sdelay $0x1  }
0x45d: {  	s15 =	sand.u32 $0xF, s22  }
0x45e: {  	v59 =	vmov s15  }
0x45f: {  	vm9 =	veq.s32 v59, v33  }
0x460: {  	v0 =	vsel vm9, $0xF149F2CA, v21  }
0x461: {  	[tilespmem:s16+$0x0] =	vst v0  }
0x462: {  	v0 =	vld [tilespmem:$0x1940];
	_ =	sdelay $0x1  }
0x463: {  	v60 =	vld [tilespmem:$0x1950];
	_ =	sdelay $0x1  }
0x464: {  	v61 =	vld [tilespmem:$0x1960]  }
0x465: {  	vm10 =	vgt.f32 v0, $-1.000000020e+30  }
0x466: {  	v62 =	vld [tilespmem:$0x1970];
	v0 =	vnsel vm10, $0xF149F2CA, v0  }
0x467: {  	vm9 =	vgt.f32 v60, v0  }
0x468: {  	v63 =	vld [tilespmem:$0x1980];
	v0 =	vsel vm9, v60, v0  }
0x469: {  	vm8 =	vgt.f32 v61, v0  }
0x46a: {  	v59 =	vld [tilespmem:$0x1990];
	v0 =	vsel vm8, v61, v0  }
0x46b: {  	vm4 =	vgt.f32 v62, v0  }
0x46c: {  	v60 =	vld [tilespmem:$0x19A0];
	v0 =	vsel vm4, v62, v0  }
0x46d: {  	vm1 =	vgt.f32 v63, v0  }
0x46e: {  	v61 =	vld [tilespmem:$0x19B0];
	v0 =	vsel vm1, v63, v0  }
0x46f: {  	vm5 =	vgt.f32 v59, v0  }
0x470: {  	v0 =	vsel vm5, v59, v0  }
0x471: {  	v19 =	vld [tilespmem:$0x19C0];
	vm12 =	vgt.f32 v60, v0  }
0x472: {  	v0 =	vsel vm12, v60, v0  }
0x473: {  	v20 =	vld [tilespmem:$0x19D0];
	v62 =	vimm.s32 $0x0;
	vm0 =	vgt.f32 v61, v0  }
0x474: {  	v21 =	vld [tilespmem:$0x1A90];
	v18 =	vsel vm0, $0xFFFFFFFF, v62  }
0x475: {  	v0 =	vsel vm0, v61, v0;
	[tilespmem:$0x1FFE0] =	vst v18;
	v18 =	vld [tilespmem:$0x19E0]  }
0x476: {  	v59 =	vld [tilespmem:$0x1A40];
	vm13 =	vgt.f32 v19, v0  }
0x477: {  	v0 =	vsel vm13, v19, v0;
	v19 =	vld [tilespmem:$0x19F0]  }
0x478: {  	v60 =	vld [tilespmem:$0x1A50];
	vm14 =	vgt.f32 v20, v0  }
0x479: {  	v0 =	vsel vm14, v20, v0;
	v20 =	vld [tilespmem:$0x1A00]  }
0x47a: {  	v61 =	vld [tilespmem:$0x1A60];
	vm15 =	vgt.f32 v18, v0  }
0x47b: {  	v0 =	vsel vm15, v18, v0;
	v18 =	vld [tilespmem:$0x1A10]  }
0x47c: {  	v62 =	vld [tilespmem:$0x1A70];
	vm7 =	vgt.f32 v19, v0  }
0x47d: {  	v0 =	vsel vm7, v19, v0;
	v19 =	vld [tilespmem:$0x1A20]  }
0x47e: {  	v63 =	vld [tilespmem:$0x1A80];
	vm11 =	vgt.f32 v20, v0  }
0x47f: {  	v0 =	vsel vm11, v20, v0;
	v20 =	vnsel vm10, $0x0, v59;
	v59 =	vld [tilespmem:$0x1A30]  }
0x480: {  	v20 =	vsel vm9, v60, v20;
	v60 =	vld [tilespmem:$0x1AA0];
	vm2 =	vgt.f32 v18, v0  }
0x481: {  	v20 =	vsel vm8, v61, v20;
	v0 =	vsel vm2, v18, v0;
	v18 =	vld [tilespmem:$0x1AB0]  }
0x482: {  	v61 =	vld [tilespmem:$0x1AC0];
	v20 =	vsel vm4, v62, v20;
	vm3 =	vgt.f32 v19, v0  }
0x483: {  	v20 =	vsel vm1, v63, v20;
	v0 =	vsel vm3, v19, v0;
	v19 =	vld [tilespmem:$0x1AD0]  }
0x484: {  	v20 =	vsel vm5, v21, v20;
	v21 =	vld [tilespmem:$0x1AE0];
	vm6 =	vgt.f32 v59, v0  }
0x485: {  	v20 =	vsel vm12, v60, v20;
	v0 =	vsel vm6, v59, v0;
	v59 =	vld [tilespmem:$0x1AF0]  }
0x486: {  	v17 =	vsub.f32 v17, v1;
	v18 =	vsel vm0, v18, v20;
	v20 =	vld [tilespmem:$0x1B00]  }
0x487: {  	v60 =	vld [tilespmem:$0x1B10];
	v18 =	vsel vm13, v61, v18  }
0x488: {  	v15 =	vsub.f32 v15, v1;
	v17 =	vmul.f32 $1.442695020e+00, v17;
	v63 =	vld [tilespmem:$0x1B20];
	v18 =	vsel vm14, v19, v18  }
0x489: {  	v14 =	vsub.f32 v14, v1;
	v21 =	vsel vm15, v21, v18  }
0x48a: {  	v15 =	vmul.f32 $1.442695020e+00, v15;
	(erf) = vpow2.f32 v17;
	(xrf0) =	vmax.scan.msk.f32 $0xffff, v0;
	v17 =	vsel vm7, v59, v21  }
0x48b: {  	v14 =	vmul.f32 $1.442695020e+00, v14;
	v18 =	vld [tilespmem:$0x1B30];
	v59 =	vsel vm11, v20, v17  }
0x48c: {  	(erf) = vpow2.f32 v15;
	v21 =	vld [tilespmem:$0x1FFA0];
	v61 =	vsel vm2, v60, v59  }
0x48d: {  	(erf) = vpow2.f32 v14;
	v14 =	vsel vm3, v63, v61;
	v63 =	vld [tilespmem:$0x1FF90];
	_ =	sdelay $0x2  }
0x48e: {  	v62, _, _ =	vpop (xrf0)  }
0x48f: {  	v12 =	vsub.f32 v12, v1;
	v15 =	vbroadcast v62, $0xF;
	v62 =	vld [tilespmem:$0x1FFB0]  }
0x490: {  	v11 =	vsub.f32 v11, v1;
	v14 =	vsel vm6, v18, v14;
	v17 =	vmul.f32 v21, v63;
	v63 =	vld [tilespmem:$0x1FFC0]  }
0x491: {  	v12 =	vmul.f32 $1.442695020e+00, v12;
	v59 =	vxor.u32 $0x80000000, v14;
	vm0 =	veq.f32 v0, v15  }
0x492: {  	v10 =	vsub.f32 v10, v1;
	v19 =	vld [tilespmem:$0x1FFD0];
	v61 =	vnsel vm0, $0xFFFFFFFF, v59  }
0x493: {  	v9 =	vsub.f32 v9, v1;
	(erf) = vpow2.f32 v12;
	v60 =	vmul.f32 $1.442695020e+00, v11;
	(xrf0) =	vmin.scan.msk.u32 $0xffff, v61  }
0x494: {  	v8 =	vsub.f32 v8, v1;
	v7 =	vsub.f32 v7, v1;
	v10 =	vmul.f32 $1.442695020e+00, v10  }
0x495: {  	(erf) = vpow2.f32 v60;
	v17 =	vadd.f32 $0.0e+00, v17;
	v12 =	vmul.f32 v63, v62  }
0x496: {  	v6 =	vsub.f32 v6, v1;
	v5 =	vsub.f32 v5, v1;
	v9 =	vmul.f32 $1.442695020e+00, v9;
	v18 =	vpop (erf)  }
0x497: {  	v0 =	vmul.f32 v18, v19;
	(erf) = vpow2.f32 v10;
	v11 =	vadd.f32 v17, v12  }
0x498: {  	v4 =	vsub.f32 v4, v1;
	v3 =	vsub.f32 v3, v1;
	v8 =	vmul.f32 $1.442695020e+00, v8;
	v21 =	vpop (erf)  }
0x499: {  	(erf) = vpow2.f32 v9;
	v10 =	vmul.f32 v21, v50;
	v50, _, _ =	vpop (xrf0);
	v0 =	vadd.f32 v11, v0  }
0x49a: {  	v7 =	vmul.f32 $1.442695020e+00, v7;
	v20 =	vnsel vm10, $0x80000000, v44;
	v44 =	vpop (erf);
	(v2sf) =	vpush v50, $0xF  }
0x49b: {  	(erf) = vpow2.f32 v8;
	v9 =	vmul.f32 v49, v44;
	v0 =	vadd.f32 v0, v10  }
0x49c: {  	v2 =	vsub.f32 v2, v1;
	v6 =	vmul.f32 $1.442695020e+00, v6;
	v42 =	vsel vm9, v42, v20;
	v59 =	vpop (erf)  }
0x49d: {  	v21 =	vld [tilespmem:$0x1FFE0];
	(erf) = vpow2.f32 v7;
	v8 =	vmul.f32 v48, v59;
	v0 =	vadd.f32 v0, v9  }
0x49e: {  	v5 =	vmul.f32 $1.442695020e+00, v5;
	v4 =	vmul.f32 $1.442695020e+00, v4;
	v60 =	vsel vm8, v39, v42;
	v62 =	vpop (erf)  }
0x49f: {  	(erf) = vpow2.f32 v6;
	v63 =	vmul.f32 v47, v62;
	v0 =	vadd.f32 v0, v8  }
0x4a0: {  	v3 =	vmul.f32 $1.442695020e+00, v3;
	v61 =	vsel vm4, v37, v60;
	v12 =	vpop (erf);
	(erf) = vpow2.f32 v5  }
0x4a1: {  	v11 =	vsel vm1, v36, v61;
	v7 =	vmul.f32 v46, v12;
	v0 =	vadd.f32 v0, v63  }
0x4a2: {  	vm10 =	vnez.u8 v21;
	v6 =	vsel vm5, v34, v11;
	v17 =	vpop (erf);
	(erf) = vpow2.f32 v4  }
0x4a3: {  	v18 =	vsel vm12, v31, v6;
	v19 =	vmul.f32 v45, v17;
	v0 =	vadd.f32 v0, v7  }
0x4a4: {  	v2 =	vmul.f32 $1.442695020e+00, v2;
	v20 =	vpop (erf);
	(erf) = vpow2.f32 v3;
	v4 =	vsel vm10, v30, v18  }
0x4a5: {  	v30 =	vmul.f32 v43, v20;
	v4 =	vsel vm13, v29, v4;
	v0 =	vadd.f32 v0, v19  }
0x4a6: {  	v31 =	vpop (erf);
	(erf) = vpow2.f32 v2;
	v34 =	vsel vm14, v28, v4  }
0x4a7: {  	v36 =	vmul.f32 v41, v31;
	v3 =	vsel vm15, v27, v34;
	v0 =	vadd.f32 v0, v30  }
0x4a8: {  	v37 =	vpop (erf);
	v39 =	vsel vm7, v25, v3  }
0x4a9: {  	v40 =	vmul.f32 v40, v37;
	v2 =	vsel vm11, v24, v39;
	v41 =	vpop (erf);
	s23 =	spop (v2sf);
	v0 =	vadd.f32 v0, v36  }
0x4aa: {  	v2 =	vsel vm2, v26, v2;
	v42 =	vmul.f32 v38, v41;
	s15 =	sxor.u32 $0x80000000, s23  }
0x4ab: {  	v2 =	vsel vm3, v22, v2;
	vm12 =	veq.s32 v14, s15;
	v0 =	vadd.f32 v0, v40  }
0x4ac: {  	v43 =	vpop (erf);
	v2 =	vsel vm6, v23, v2;
	vm0 =	vmand vm0, vm12  }
0x4ad: {  	v49 =	vld [tilespmem:$0x1FFF0];
	v44 =	vmul.f32 v35, v43;
	v2 =	vnsel vm0, $0xFFFFFFFF, v2;
	v0 =	vadd.f32 v0, v42  }
0x4ae: {  	v45 =	vpop (erf);
	(xrf0) =	vmin.scan.msk.u32 $0xffff, v2  }
0x4af: {  	v46 =	vmul.f32 v16, v45;
	v0 =	vadd.f32 v0, v44  }
0x4b0: {  	v47 =	vpop (erf)  }
0x4b1: {  	v48 =	vmul.f32 v32, v47;
	v0 =	vadd.f32 v0, v46  }
0x4b2: {  	vm13 =	vnez.u8 v49  }
0x4b3: {  	vm14 =	vcmask $0x328;
	v3 =	vnsel vm13, $0xF149F2CA, v13;
	v0 =	vadd.f32 v0, v48  }
0x4b4: {  	vm15 =	vcmask $0x728;
	v50 =	vsel vm14, v3, v51;
	v51, _, _ =	vpop (xrf0)  }
0x4b5: {  	v52 =	vsel vm15, v50, v52;
	vm2 =	vcmask $0xB28;
	(v2sf) =	vpush v51, $0xF;
	(xrf2) =	vadd.scan.msk.f32 $0xffff, v0  }
0x4b6: {  	vm1 =	vcmask $0xF28;
	v0 =	vsel vm2, v52, v53  }
0x4b7: {  	vm4 =	vcmask $0x1328;
	v0 =	vsel vm1, v0, v54  }
0x4b8: {  	vm3 =	vcmask $0x1728;
	v0 =	vsel vm4, v0, v55  }
0x4b9: {  	vm5 =	vcmask $0x1B28;
	v0 =	vsel vm3, v0, v56  }
0x4ba: {  	vm6 =	vcmask $0x1F28;
	v0 =	vsel vm5, v0, v57  }
0x4bb: {  	vm12 =	vcmask $0x2328;
	v0 =	vsel vm6, v0, v58  }
0x4bc: {  	v0 =	vsel vm12, v0, v15  }
0x4bd: {  	v0 =	vsub.f32 v0, v1;
	_ =	sdelay $0x1  }
0x4be: {  	v0 =	vmul.f32 $1.442695020e+00, v0;
	v57, _, _ =	vpop (xrf2)  }
0x4bf: {  	v1 =	vbroadcast v57, $0xF  }
0x4c0: {  	(erf) = vpow2.f32 v0  }
0x4c1: {  	(erf) = vrcp.f32 v1;
	_ =	sdelay $0x1  }
0x4c2: {  	s24 =	spop (v2sf)  }
0x4c3: {  	s17 =	sand.u32 $0xFFFFFFF0, s24  }
0x4c4: {  	s17 =	sadd.s32 $0x80001940, s17  }
0x4c5: {  	v58 =	vld [tilespmem:s17+$0x0]  }
0x4c6: {  	v59 =	vmov s6;
	vm13 =	vcmask $0x300  }
0x4c7: {  	vm14 =	vcmask $0x704;
	s25 =	sand.u32 $0xF, s24;
	v1 =	vnsel vm13, $0x0, v59  }
0x4c8: {  	v60 =	vmov s25;
	v1 =	vsel vm14, s7, v1;
	v61 =	vpop (erf)  }
0x4c9: {  	v1 =	vnsel vm15, s8, v1;
	vm15 =	veq.s32 v60, v33;
	v62 =	vpop (erf)  }
0x4ca: {  	v1 =	vnsel vm2, s9, v1;
	v0 =	vsel vm15, $0xF149F2CA, v58;
	v2 =	vmul.f32 v61, v62  }
0x4cb: {  	v1 =	vnsel vm1, s10, v1;
	[tilespmem:s17+$0x0] =	vst v0  }
0x4cc: {  	s26 =	simm.s32 $0x0;
	s28 =	simm.s32 $0x1D40;
	v63 =	vnsel vm4, s11, v1;
	[tilespmem:$0x1D40] =	vst v2  }
0x4cd: {  	v0 =	vnsel vm3, s12, v63;
	[hbm4b:s2+s26] =	stream.linear.scatter [tilespmem:s28], [sflag:$0x2], $0x10, $0x38;
	[tilespmem:$0x1E90] =	vst v63  }
0x4ce: {  	v0 =	vnsel vm5, s13, v0;
	_ =	swait.ge [sflag:s4], $0x10  }
0x4cf: {  	v0 =	vnsel vm6, s14, v0;
	[sflag:s4] =	ssyncset.done $0x0  }
0x4d0: {  	v0 =	vnsel vm12, s15, v0;
	[sflag:s4] =	ssyncadd.s32 $0xFFFFFFF0  }
0x4d1: {  	s29 =	simm.s32 $0x10;
	s30 =	simm.s32 $0x1D50;
	s31 =	simm.s32 $0x1;
	[tilespmem:$0x1910] =	vst v0  }
0x4d2: {  	[tilespmem:s30], [sflag:$0x1] =	stream.indirect.gather [hbm4b:s3+s29], $0x10, s5, s29, $0xb8;
	[tilespmem:$0x1E90] =	vst v63  }
0x4d3: {  	_ =	swait.ge [sflag:s31], $0x100  }
0x4d4: {  	[sflag:s31] =	ssyncset.done $0x0  }
0x4d5: {  	[sflag:s31] =	ssyncadd.s32 $0xFFFFFF00  }
0x4d6: {  	[hbm4b:s1+s26] =	stream.linear.scatter [tilespmem:s30], [sflag:$0x2], $0x100, $0x38;
	[tilespmem:$0x1E90] =	vst v63  }
0x4d7: {  	_ =	swait.ge [sflag:s4], $0x100  }
0x4d8: {  	[sflag:s4] =	ssyncset.done $0x0  }
0x4d9: {  	[sflag:s4] =	ssyncadd.s32 $0xFFFFFF00  }
0x4da: {  	_ =	sfence.sel $0x180000  }
0x4db: {  	[bflag:$0x0] =	sbarrier.arrive $0xFFFF  }
0x4dc: {  	_ =	strace $0x90000047  }
0x4dd: {  	s0 =	sadd.s32 $0x100000, s0;
	[bflag:$0x2] =	sbarrier.arrive $0xFFFF  }
0x4de: {  	[sflag:s0] =	ssyncadd.tile.s32 $0x1;
	_ =	shalt  }
.Lfunc_end2:
_tile_overlayer_lowered:
.L_overlay_start_2:
0x4df: {  	(tag) =	ssettag $0x2  }
0x4e0: {  	s0 =	rddreg [dreg:$0x0];
	s2 =	stileid.u32  }
0x4e1: {  	s1 =	rddreg [dreg:$0x1];
	p0 =	sne.s32 s2, $0x0  }
0x4e2: {  	s3 =	rddreg [dreg:$0x2];
	[bflag:$0x3] =	sbarrier.arrive $0xFFFF;
	s2 =	simm.s32 @!p0 $0x1C02  }
0x4e3: {  	[timem:s3], [sflag:s2] =	dma.local @!p0 [hbm:s0], s1  }
0x4e4: {  	s0 =	simm.s32 @!p0 $0x2  }
0x4e5: {  	_ =	swait.ge @!p0 [sflag:s0], s1  }
0x4e6: {  	s1 =	ssub.s32 @!p0 $0x0, s1;
	[sflag:s0] =	ssyncset.done @!p0 $0x0  }
0x4e7: {  	[sflag:s0] =	ssyncadd.s32 @!p0 s1  }
0x4e8: {  	[bflag:$0x3] =	sbarrier.arrive $0xFFFF  }
0x4e9: {  	_ =	shalt  }

</sc_bundles>
